<compile_context>
chip_gen: v7x
topology: tpu7x:2x2x1
jax: 0.10.2.dev20260603
libtpu: 0.0.44.dev20260713+nightly
codegen_flags: <defaults>
</compile_context>

<pallas_src>
import functools

import jax
import jax.numpy as jnp
from jax import lax
from jax.experimental import pallas as pl
from jax.experimental.pallas import tpu as pltpu
from jax.experimental.pallas import tpu_sc as plsc

B = 4096
H = 2048
HH = 1024
E = 8
K = 2
O = 1

TOK_BLK = 512
_HALF = H // 2


def _moe_block(x_ref, wg1_ref, wg2_ref, w1_hbm, w2_ref, lgt_ref, eot_ref,
               w1b, stage, sems):
    nchunks = 2 * E
    step0 = pl.program_id(0) == 0

    def cp(c):
        e, h = c // 2, c % 2
        return pltpu.make_async_copy(
            w1_hbm.at[e, pl.ds(h * _HALF, _HALF), :],
            stage.at[c % 2], sems.at[c % 2])

    def consume_chunk(c):
        cp(c).wait()
        e, h = c // 2, c % 2
        w1b[e, pl.ds(h * _HALF, _HALF), :] = stage[c % 2].astype(jnp.bfloat16)
        if c + 2 < nchunks:
            cp(c + 2).start()

    @pl.when(step0)
    def _load_w1():
        cp(0).start()
        cp(1).start()
        for c in range(nchunks):
            consume_chunk(c)

    xb = x_ref[...].astype(jnp.bfloat16)
    gh = jnp.maximum(
        jnp.dot(xb, wg1_ref[...], preferred_element_type=jnp.float32), 0.0)
    logits = jnp.dot(gh.astype(jnp.bfloat16), wg2_ref[...],
                     preferred_element_type=jnp.float32)
    lgt_ref[...] = logits.T

    eos = []
    for e in range(E):
        eh = jnp.maximum(
            jnp.dot(xb, w1b[e], preferred_element_type=jnp.float32), 0.0)
        eos.append(jnp.sum(eh * w2_ref[e][None, :], axis=1, keepdims=True))
    eot_ref[...] = jnp.concatenate(eos, axis=1).T


def _tc_stage(x, Wg1, Wg2, W1, W2):
    grid = (B // TOK_BLK,)
    full = lambda *shape: pl.BlockSpec(shape, lambda i: (0,) * len(shape))
    return pl.pallas_call(
        _moe_block,
        grid=grid,
        in_specs=[
            pl.BlockSpec((TOK_BLK, H), lambda i: (i, 0)),
            full(H, HH),
            full(HH, E),
            pl.BlockSpec(memory_space=pl.ANY),
            full(E, HH),
        ],
        scratch_shapes=[
            pltpu.VMEM((E, H, HH), jnp.bfloat16),
            pltpu.VMEM((2, _HALF, HH), jnp.float32),
            pltpu.SemaphoreType.DMA((2,)),
        ],
        out_specs=[
            pl.BlockSpec((E, TOK_BLK), lambda i: (0, i)),
            pl.BlockSpec((E, TOK_BLK), lambda i: (0, i)),
        ],
        out_shape=[
            jax.ShapeDtypeStruct((E, B), jnp.float32),
            jax.ShapeDtypeStruct((E, B), jnp.float32),
        ],
        compiler_params=pltpu.CompilerParams(
            dimension_semantics=("arbitrary",),
            vmem_limit_bytes=100 * 1024 * 1024,
        ),
    )(x, Wg1, Wg2, W1, W2)


def _make_sc_combine():
    info = plsc.get_sparse_core_info()
    nw = info.num_cores * info.num_subcores
    tpw = B // nw
    nchunks = tpw // 16

    mesh = plsc.VectorSubcoreMesh(core_axis_name="c", subcore_axis_name="s")

    @functools.partial(
        pl.kernel,
        out_type=jax.ShapeDtypeStruct((B,), jnp.float32),
        mesh=mesh,
        scratch_types=[
            pltpu.VMEM((E, tpw), jnp.float32),
            pltpu.VMEM((E, tpw), jnp.float32),
            pltpu.VMEM((tpw,), jnp.float32),
        ],
    )
    def sc_combine(lgt_hbm, eot_hbm, out_hbm, lg_v, eo_v, out_v):
        wid = lax.axis_index("s") * info.num_cores + lax.axis_index("c")
        base = wid * tpw
        pltpu.sync_copy(lgt_hbm.at[:, pl.ds(base, tpw)], lg_v)
        pltpu.sync_copy(eot_hbm.at[:, pl.ds(base, tpw)], eo_v)
        for c in range(nchunks):
            sl = pl.ds(c * 16, 16)
            ls = [lg_v[e, sl] for e in range(E)]
            m1 = ls[0]
            i1 = jnp.zeros((16,), jnp.int32)
            for e in range(1, E):
                gt = ls[e] > m1
                m1 = jnp.where(gt, ls[e], m1)
                i1 = jnp.where(gt, e, i1)
            m2 = jnp.full((16,), -jnp.inf, jnp.float32)
            i2 = jnp.zeros((16,), jnp.int32)
            for e in range(E):
                gt = jnp.logical_and(i1 != e, ls[e] > m2)
                m2 = jnp.where(gt, ls[e], m2)
                i2 = jnp.where(gt, e, i2)
            w1 = 1.0 / (1.0 + jnp.exp(m2 - m1))
            sel1 = jnp.zeros((16,), jnp.float32)
            sel2 = jnp.zeros((16,), jnp.float32)
            for e in range(E):
                ev = eo_v[e, sl]
                sel1 = jnp.where(i1 == e, ev, sel1)
                sel2 = jnp.where(i2 == e, ev, sel2)
            out_v[sl] = w1 * sel1 + (1.0 - w1) * sel2
        pltpu.sync_copy(out_v, out_hbm.at[pl.ds(base, tpw)])

    return sc_combine


_sc_combine = _make_sc_combine()


@jax.jit
def kernel(x, Wg1, bg1, Wg2, bg2, W1, b1, W2, b2):
    del bg1, bg2, b1, b2
    bf = jnp.bfloat16
    lgt, eot = _tc_stage(x, Wg1.astype(bf), Wg2.astype(bf),
                         W1, W2.reshape(E, HH))
    out = _sc_combine(lgt, eot)
    return out.reshape(B, O)

# --- scband reference (transcript-rebuilt; emitter-appended) ---
"""Pipeline reference for scband-mixture-of-experts-head-86320252715284 (READ-ONLY COPY).

The authoritative reference and input builder live on the scoring server;
editing this copy changes nothing except your own understanding.
"""

import jax, jax.numpy as jnp
import numpy as np

B = 4096      # tokens (batch=2 * seq_len=2048)
H = 2048      # hidden_size
HH = H // 2   # 1024
E = 8         # num_experts
K = 2         # top_k
O = 1         # num_objectives


def setup_inputs(seed: int = 0) -> dict:
    key = jax.random.key(seed)
    ks = jax.random.split(key, 10)

    def init(k, shape, fan_in):
        return (jax.random.normal(k, shape, dtype=jnp.float32) / np.sqrt(fan_in)).astype(jnp.float32)

    x = jax.random.normal(ks[0], (B, H), dtype=jnp.float32)
    # gate: Linear(H, H//2) -> ReLU -> Linear(H//2, E)
    Wg1 = init(ks[1], (H, HH), H)
    bg1 = jnp.zeros((HH,), dtype=jnp.float32)
    Wg2 = init(ks[2], (HH, E), HH)
    bg2 = jnp.zeros((E,), dtype=jnp.float32)
    # experts: each MLPRewardHead(num_layers=2): Linear(H, H//2) -> ReLU -> Linear(H//2, O)
    W1 = init(ks[3], (E, H, HH), H)
    b1 = jnp.zeros((E, HH), dtype=jnp.float32)
    W2 = init(ks[4], (E, HH, O), HH)
    b2 = jnp.zeros((E, O), dtype=jnp.float32)
    return {"x": x, "Wg1": Wg1, "bg1": bg1, "Wg2": Wg2, "bg2": bg2,
            "W1": W1, "b1": b1, "W2": W2, "b2": b2}


def reference(x, Wg1, bg1, Wg2, bg2, W1, b1, W2, b2):
    # gate network (dropout is identity at inference)
    gh = jax.nn.relu(x @ Wg1 + bg1)
    gate_logits = gh @ Wg2 + bg2                      # [B, E]
    gate_probs = jax.nn.softmax(gate_logits, axis=-1)
    top_k_probs, top_k_indices = jax.lax.top_k(gate_probs, K)  # [B, K]
    top_k_probs = top_k_probs / jnp.sum(top_k_probs, axis=-1, keepdims=True)
    # all experts run on all tokens (dense MoE as in the torch code)
    eh = jax.nn.relu(jnp.einsum('bd,edh->ebh', x, W1) + b1[:, None, :])  # [E, B, HH]
    eo = jnp.einsum('ebh,eho->ebo', eh, W2) + b2[:, None, :]              # [E, B, O]
    expert_outputs = jnp.transpose(eo, (1, 0, 2))                          # [B, E, O]
    # gather top-k expert outputs per token
    selected = jnp.take_along_axis(expert_outputs, top_k_indices[:, :, None], axis=1)  # [B, K, O]
    weighted_output = jnp.sum(selected * top_k_probs[:, :, None], axis=1)  # [B, O]
    return weighted_output

if __name__ == "__main__":
    import jax
    _d = setup_inputs()
    print(jax.jit(kernel)(*tuple(_d.values())))

</pallas_src>

<mosaic_0001>
#map = affine_map<(d0, d1) -> (0, 0)>
#map1 = affine_map<(d0, d1) -> (0)>
module attributes {stable_mosaic.version = 14 : i64} {
  func.func @sc_combine(%arg0: i32, %arg1: i32, %arg2: memref<8x4096xf32, #tpu.memory_space<hbm>>, %arg3: memref<8x4096xf32, #tpu.memory_space<hbm>>, %arg4: memref<4096xf32, #tpu.memory_space<hbm>>, %arg5: memref<8x128xf32, #tpu.memory_space<vmem>>, %arg6: memref<8x128xf32, #tpu.memory_space<vmem>>, %arg7: memref<128xf32, #tpu.memory_space<vmem>>) attributes {dimension_semantics = [#tpu.dimension_semantics<core_parallel>, #tpu.dimension_semantics<subcore_parallel>], iteration_bounds = array<i64: 2, 16>, scalar_prefetch = 0 : i64, scratch_operands = 3 : i64, tpu.core_type = #tpu.core_type<sc_vector_subcore>, window_params = [{transform_indices = #map}, {transform_indices = #map}, {transform_indices = #map1}]} {
    %mul3A = arith.constant 2 : i32
    %mul3A_0 = arith.muli %arg1, %mul3A : i32
    %add3A = arith.addi %mul3A_0, %arg0 : i32
    %mul3A_1 = arith.constant 128 : i32
    %mul3A_2 = arith.muli %add3A, %mul3A_1 : i32
    "tpu.region"() ({
      %run_scoped3A = tpu.sem_alloc : memref<!tpu.dma_semaphore, #tpu.memory_space<semaphore_mem>>
      %dma_start3A = arith.constant 0 : i32
      %dma_start3A_2223 = tpu.memref_slice %arg2[%dma_start3A, %mul3A_2] : memref<8x4096xf32, #tpu.memory_space<hbm>> -> memref<8x128xf32, #tpu.memory_space<hbm>>
      %dma_start3A_2224 = arith.constant 0 : i32
      %dma_start3A_2225 = tpu.memref_slice %arg2[%dma_start3A_2224, %mul3A_2] : memref<8x4096xf32, #tpu.memory_space<hbm>> -> memref<8x128xf32, #tpu.memory_space<hbm>>
      tpu.enqueue_dma source(%dma_start3A_2225 : memref<8x128xf32, #tpu.memory_space<hbm>>) target(%arg5 : memref<8x128xf32, #tpu.memory_space<vmem>>) target_semaphore(%run_scoped3A : memref<!tpu.dma_semaphore, #tpu.memory_space<semaphore_mem>>)
      %dma_wait3A = arith.constant 0 : i32
      %dma_wait3A_2226 = tpu.memref_slice %arg2[%dma_wait3A, %mul3A_2] : memref<8x4096xf32, #tpu.memory_space<hbm>> -> memref<8x128xf32, #tpu.memory_space<hbm>>
      %dma_wait3A_2227 = arith.constant 0 : i32
      %dma_wait3A_2228 = tpu.memref_slice %arg2[%dma_wait3A_2227, %mul3A_2] : memref<8x4096xf32, #tpu.memory_space<hbm>> -> memref<8x128xf32, #tpu.memory_space<hbm>>
      tpu.wait_dma2 semaphore(%run_scoped3A : memref<!tpu.dma_semaphore, #tpu.memory_space<semaphore_mem>>) src(%dma_wait3A_2228 : memref<8x128xf32, #tpu.memory_space<hbm>>) dst(%arg5 : memref<8x128xf32, #tpu.memory_space<vmem>>)
      tpu.yield
    }) : () -> ()
    "tpu.region"() ({
      %run_scoped3A = tpu.sem_alloc : memref<!tpu.dma_semaphore, #tpu.memory_space<semaphore_mem>>
      %dma_start3A = arith.constant 0 : i32
      %dma_start3A_2223 = tpu.memref_slice %arg3[%dma_start3A, %mul3A_2] : memref<8x4096xf32, #tpu.memory_space<hbm>> -> memref<8x128xf32, #tpu.memory_space<hbm>>
      %dma_start3A_2224 = arith.constant 0 : i32
      %dma_start3A_2225 = tpu.memref_slice %arg3[%dma_start3A_2224, %mul3A_2] : memref<8x4096xf32, #tpu.memory_space<hbm>> -> memref<8x128xf32, #tpu.memory_space<hbm>>
      tpu.enqueue_dma source(%dma_start3A_2225 : memref<8x128xf32, #tpu.memory_space<hbm>>) target(%arg6 : memref<8x128xf32, #tpu.memory_space<vmem>>) target_semaphore(%run_scoped3A : memref<!tpu.dma_semaphore, #tpu.memory_space<semaphore_mem>>)
      %dma_wait3A = arith.constant 0 : i32
      %dma_wait3A_2226 = tpu.memref_slice %arg3[%dma_wait3A, %mul3A_2] : memref<8x4096xf32, #tpu.memory_space<hbm>> -> memref<8x128xf32, #tpu.memory_space<hbm>>
      %dma_wait3A_2227 = arith.constant 0 : i32
      %dma_wait3A_2228 = tpu.memref_slice %arg3[%dma_wait3A_2227, %mul3A_2] : memref<8x4096xf32, #tpu.memory_space<hbm>> -> memref<8x128xf32, #tpu.memory_space<hbm>>
      tpu.wait_dma2 semaphore(%run_scoped3A : memref<!tpu.dma_semaphore, #tpu.memory_space<semaphore_mem>>) src(%dma_wait3A_2228 : memref<8x128xf32, #tpu.memory_space<hbm>>) dst(%arg6 : memref<8x128xf32, #tpu.memory_space<vmem>>)
      tpu.yield
    }) : () -> ()
    %get3A = arith.constant 0 : i32
    %get3A_3 = arith.index_cast %get3A : i32 to index
    %get3A_4 = arith.constant 0 : index
    %get3A_5 = tpu.vector_load %arg5[%get3A_3, %get3A_4] {strides = array<i32>} : memref<8x128xf32, #tpu.memory_space<vmem>>, vector<1x16xf32>,
    %get3A_6 = vector.shape_cast %get3A_5 : vector<1x16xf32> to vector<16xf32>
    %get3A_7 = arith.constant 1 : i32
    %get3A_8 = arith.index_cast %get3A_7 : i32 to index
    %get3A_9 = arith.constant 0 : index
    %get3A_10 = tpu.vector_load %arg5[%get3A_8, %get3A_9] {strides = array<i32>} : memref<8x128xf32, #tpu.memory_space<vmem>>, vector<1x16xf32>,
    %get3A_11 = vector.shape_cast %get3A_10 : vector<1x16xf32> to vector<16xf32>
    %get3A_12 = arith.constant 2 : i32
    %get3A_13 = arith.index_cast %get3A_12 : i32 to index
    %get3A_14 = arith.constant 0 : index
    %get3A_15 = tpu.vector_load %arg5[%get3A_13, %get3A_14] {strides = array<i32>} : memref<8x128xf32, #tpu.memory_space<vmem>>, vector<1x16xf32>,
    %get3A_16 = vector.shape_cast %get3A_15 : vector<1x16xf32> to vector<16xf32>
    %get3A_17 = arith.constant 3 : i32
    %get3A_18 = arith.index_cast %get3A_17 : i32 to index
    %get3A_19 = arith.constant 0 : index
    %get3A_20 = tpu.vector_load %arg5[%get3A_18, %get3A_19] {strides = array<i32>} : memref<8x128xf32, #tpu.memory_space<vmem>>, vector<1x16xf32>,
    %get3A_21 = vector.shape_cast %get3A_20 : vector<1x16xf32> to vector<16xf32>
    %get3A_22 = arith.constant 4 : i32
    %get3A_23 = arith.index_cast %get3A_22 : i32 to index
    %get3A_24 = arith.constant 0 : index
    %get3A_25 = tpu.vector_load %arg5[%get3A_23, %get3A_24] {strides = array<i32>} : memref<8x128xf32, #tpu.memory_space<vmem>>, vector<1x16xf32>,
    %get3A_26 = vector.shape_cast %get3A_25 : vector<1x16xf32> to vector<16xf32>
    %get3A_27 = arith.constant 5 : i32
    %get3A_28 = arith.index_cast %get3A_27 : i32 to index
    %get3A_29 = arith.constant 0 : index
    %get3A_30 = tpu.vector_load %arg5[%get3A_28, %get3A_29] {strides = array<i32>} : memref<8x128xf32, #tpu.memory_space<vmem>>, vector<1x16xf32>,
    %get3A_31 = vector.shape_cast %get3A_30 : vector<1x16xf32> to vector<16xf32>
    %get3A_32 = arith.constant 6 : i32
    %get3A_33 = arith.index_cast %get3A_32 : i32 to index
    %get3A_34 = arith.constant 0 : index
    %get3A_35 = tpu.vector_load %arg5[%get3A_33, %get3A_34] {strides = array<i32>} : memref<8x128xf32, #tpu.memory_space<vmem>>, vector<1x16xf32>,
    %get3A_36 = vector.shape_cast %get3A_35 : vector<1x16xf32> to vector<16xf32>
    %get3A_37 = arith.constant 7 : i32
    %get3A_38 = arith.index_cast %get3A_37 : i32 to index
    %get3A_39 = arith.constant 0 : index
    %get3A_40 = tpu.vector_load %arg5[%get3A_38, %get3A_39] {strides = array<i32>} : memref<8x128xf32, #tpu.memory_space<vmem>>, vector<1x16xf32>,
    %get3A_41 = vector.shape_cast %get3A_40 : vector<1x16xf32> to vector<16xf32>
    %broadcast_in_dim3A = arith.constant 0 : i32
    %broadcast_in_dim3A_42 = vector.broadcast %broadcast_in_dim3A : i32 to vector<16xi32>
    %gt3A = arith.cmpf ogt, %get3A_11, %get3A_6 : vector<16xf32>
    %select_n3A = arith.select %gt3A, %get3A_11, %get3A_6 : vector<16xi1>, vector<16xf32>
    %jit3A = arith.constant 1 : i32
    %broadcast_in_dim3A_43 = vector.broadcast %jit3A : i32 to vector<16xi32>
    %select_n3A_44 = arith.select %gt3A, %broadcast_in_dim3A_43, %broadcast_in_dim3A_42 : vector<16xi1>, vector<16xi32>
    %gt3A_45 = arith.cmpf ogt, %get3A_16, %select_n3A : vector<16xf32>
    %select_n3A_46 = arith.select %gt3A_45, %get3A_16, %select_n3A : vector<16xi1>, vector<16xf32>
    %jit3A_47 = arith.constant 2 : i32
    %broadcast_in_dim3A_48 = vector.broadcast %jit3A_47 : i32 to vector<16xi32>
    %select_n3A_49 = arith.select %gt3A_45, %broadcast_in_dim3A_48, %select_n3A_44 : vector<16xi1>, vector<16xi32>
    %gt3A_50 = arith.cmpf ogt, %get3A_21, %select_n3A_46 : vector<16xf32>
    %select_n3A_51 = arith.select %gt3A_50, %get3A_21, %select_n3A_46 : vector<16xi1>, vector<16xf32>
    %jit3A_52 = arith.constant 3 : i32
    %broadcast_in_dim3A_53 = vector.broadcast %jit3A_52 : i32 to vector<16xi32>
    %select_n3A_54 = arith.select %gt3A_50, %broadcast_in_dim3A_53, %select_n3A_49 : vector<16xi1>, vector<16xi32>
    %gt3A_55 = arith.cmpf ogt, %get3A_26, %select_n3A_51 : vector<16xf32>
    %select_n3A_56 = arith.select %gt3A_55, %get3A_26, %select_n3A_51 : vector<16xi1>, vector<16xf32>
    %jit3A_57 = arith.constant 4 : i32
    %broadcast_in_dim3A_58 = vector.broadcast %jit3A_57 : i32 to vector<16xi32>
    %select_n3A_59 = arith.select %gt3A_55, %broadcast_in_dim3A_58, %select_n3A_54 : vector<16xi1>, vector<16xi32>
    %gt3A_60 = arith.cmpf ogt, %get3A_31, %select_n3A_56 : vector<16xf32>
    %select_n3A_61 = arith.select %gt3A_60, %get3A_31, %select_n3A_56 : vector<16xi1>, vector<16xf32>
    %jit3A_62 = arith.constant 5 : i32
    %broadcast_in_dim3A_63 = vector.broadcast %jit3A_62 : i32 to vector<16xi32>
    %select_n3A_64 = arith.select %gt3A_60, %broadcast_in_dim3A_63, %select_n3A_59 : vector<16xi1>, vector<16xi32>
    %gt3A_65 = arith.cmpf ogt, %get3A_36, %select_n3A_61 : vector<16xf32>
    %select_n3A_66 = arith.select %gt3A_65, %get3A_36, %select_n3A_61 : vector<16xi1>, vector<16xf32>
    %jit3A_67 = arith.constant 6 : i32
    %broadcast_in_dim3A_68 = vector.broadcast %jit3A_67 : i32 to vector<16xi32>
    %select_n3A_69 = arith.select %gt3A_65, %broadcast_in_dim3A_68, %select_n3A_64 : vector<16xi1>, vector<16xi32>
    %gt3A_70 = arith.cmpf ogt, %get3A_41, %select_n3A_66 : vector<16xf32>
    %select_n3A_71 = arith.select %gt3A_70, %get3A_41, %select_n3A_66 : vector<16xi1>, vector<16xf32>
    %jit3A_72 = arith.constant 7 : i32
    %broadcast_in_dim3A_73 = vector.broadcast %jit3A_72 : i32 to vector<16xi32>
    %select_n3A_74 = arith.select %gt3A_70, %broadcast_in_dim3A_73, %select_n3A_69 : vector<16xi1>, vector<16xi32>
    %broadcast_in_dim3A_75 = arith.constant 0xFF800000 : f32
    %broadcast_in_dim3A_76 = vector.broadcast %broadcast_in_dim3A_75 : f32 to vector<16xf32>
    %broadcast_in_dim3A_77 = arith.constant 0 : i32
    %broadcast_in_dim3A_78 = vector.broadcast %broadcast_in_dim3A_77 : i32 to vector<16xi32>
    %ne3A = arith.constant 0 : i32
    %ne3A_79 = vector.broadcast %ne3A : i32 to vector<16xi32>
    %ne3A_80 = arith.cmpi ne, %select_n3A_74, %ne3A_79 : vector<16xi32>
    %gt3A_81 = arith.cmpf ogt, %get3A_6, %broadcast_in_dim3A_76 : vector<16xf32>
    %and3A = arith.andi %ne3A_80, %gt3A_81 : vector<16xi1>
    %select_n3A_82 = arith.select %and3A, %get3A_6, %broadcast_in_dim3A_76 : vector<16xi1>, vector<16xf32>
    %jit3A_83 = arith.constant 0 : i32
    %broadcast_in_dim3A_84 = vector.broadcast %jit3A_83 : i32 to vector<16xi32>
    %select_n3A_85 = arith.select %and3A, %broadcast_in_dim3A_84, %broadcast_in_dim3A_78 : vector<16xi1>, vector<16xi32>
    %ne3A_86 = arith.constant 1 : i32
    %ne3A_87 = vector.broadcast %ne3A_86 : i32 to vector<16xi32>
    %ne3A_88 = arith.cmpi ne, %select_n3A_74, %ne3A_87 : vector<16xi32>
    %gt3A_89 = arith.cmpf ogt, %get3A_11, %select_n3A_82 : vector<16xf32>
    %and3A_90 = arith.andi %ne3A_88, %gt3A_89 : vector<16xi1>
    %select_n3A_91 = arith.select %and3A_90, %get3A_11, %select_n3A_82 : vector<16xi1>, vector<16xf32>
    %jit3A_92 = arith.constant 1 : i32
    %broadcast_in_dim3A_93 = vector.broadcast %jit3A_92 : i32 to vector<16xi32>
    %select_n3A_94 = arith.select %and3A_90, %broadcast_in_dim3A_93, %select_n3A_85 : vector<16xi1>, vector<16xi32>
    %ne3A_95 = arith.constant 2 : i32
    %ne3A_96 = vector.broadcast %ne3A_95 : i32 to vector<16xi32>
    %ne3A_97 = arith.cmpi ne, %select_n3A_74, %ne3A_96 : vector<16xi32>
    %gt3A_98 = arith.cmpf ogt, %get3A_16, %select_n3A_91 : vector<16xf32>
    %and3A_99 = arith.andi %ne3A_97, %gt3A_98 : vector<16xi1>
    %select_n3A_100 = arith.select %and3A_99, %get3A_16, %select_n3A_91 : vector<16xi1>, vector<16xf32>
    %jit3A_101 = arith.constant 2 : i32
    %broadcast_in_dim3A_102 = vector.broadcast %jit3A_101 : i32 to vector<16xi32>
    %select_n3A_103 = arith.select %and3A_99, %broadcast_in_dim3A_102, %select_n3A_94 : vector<16xi1>, vector<16xi32>
    %ne3A_104 = arith.constant 3 : i32
    %ne3A_105 = vector.broadcast %ne3A_104 : i32 to vector<16xi32>
    %ne3A_106 = arith.cmpi ne, %select_n3A_74, %ne3A_105 : vector<16xi32>
    %gt3A_107 = arith.cmpf ogt, %get3A_21, %select_n3A_100 : vector<16xf32>
    %and3A_108 = arith.andi %ne3A_106, %gt3A_107 : vector<16xi1>
    %select_n3A_109 = arith.select %and3A_108, %get3A_21, %select_n3A_100 : vector<16xi1>, vector<16xf32>
    %jit3A_110 = arith.constant 3 : i32
    %broadcast_in_dim3A_111 = vector.broadcast %jit3A_110 : i32 to vector<16xi32>
    %select_n3A_112 = arith.select %and3A_108, %broadcast_in_dim3A_111, %select_n3A_103 : vector<16xi1>, vector<16xi32>
    %ne3A_113 = arith.constant 4 : i32
    %ne3A_114 = vector.broadcast %ne3A_113 : i32 to vector<16xi32>
    %ne3A_115 = arith.cmpi ne, %select_n3A_74, %ne3A_114 : vector<16xi32>
    %gt3A_116 = arith.cmpf ogt, %get3A_26, %select_n3A_109 : vector<16xf32>
    %and3A_117 = arith.andi %ne3A_115, %gt3A_116 : vector<16xi1>
    %select_n3A_118 = arith.select %and3A_117, %get3A_26, %select_n3A_109 : vector<16xi1>, vector<16xf32>
    %jit3A_119 = arith.constant 4 : i32
    %broadcast_in_dim3A_120 = vector.broadcast %jit3A_119 : i32 to vector<16xi32>
    %select_n3A_121 = arith.select %and3A_117, %broadcast_in_dim3A_120, %select_n3A_112 : vector<16xi1>, vector<16xi32>
    %ne3A_122 = arith.constant 5 : i32
    %ne3A_123 = vector.broadcast %ne3A_122 : i32 to vector<16xi32>
    %ne3A_124 = arith.cmpi ne, %select_n3A_74, %ne3A_123 : vector<16xi32>
    %gt3A_125 = arith.cmpf ogt, %get3A_31, %select_n3A_118 : vector<16xf32>
    %and3A_126 = arith.andi %ne3A_124, %gt3A_125 : vector<16xi1>
    %select_n3A_127 = arith.select %and3A_126, %get3A_31, %select_n3A_118 : vector<16xi1>, vector<16xf32>
    %jit3A_128 = arith.constant 5 : i32
    %broadcast_in_dim3A_129 = vector.broadcast %jit3A_128 : i32 to vector<16xi32>
    %select_n3A_130 = arith.select %and3A_126, %broadcast_in_dim3A_129, %select_n3A_121 : vector<16xi1>, vector<16xi32>
    %ne3A_131 = arith.constant 6 : i32
    %ne3A_132 = vector.broadcast %ne3A_131 : i32 to vector<16xi32>
    %ne3A_133 = arith.cmpi ne, %select_n3A_74, %ne3A_132 : vector<16xi32>
    %gt3A_134 = arith.cmpf ogt, %get3A_36, %select_n3A_127 : vector<16xf32>
    %and3A_135 = arith.andi %ne3A_133, %gt3A_134 : vector<16xi1>
    %select_n3A_136 = arith.select %and3A_135, %get3A_36, %select_n3A_127 : vector<16xi1>, vector<16xf32>
    %jit3A_137 = arith.constant 6 : i32
    %broadcast_in_dim3A_138 = vector.broadcast %jit3A_137 : i32 to vector<16xi32>
    %select_n3A_139 = arith.select %and3A_135, %broadcast_in_dim3A_138, %select_n3A_130 : vector<16xi1>, vector<16xi32>
    %ne3A_140 = arith.constant 7 : i32
    %ne3A_141 = vector.broadcast %ne3A_140 : i32 to vector<16xi32>
    %ne3A_142 = arith.cmpi ne, %select_n3A_74, %ne3A_141 : vector<16xi32>
    %gt3A_143 = arith.cmpf ogt, %get3A_41, %select_n3A_136 : vector<16xf32>
    %and3A_144 = arith.andi %ne3A_142, %gt3A_143 : vector<16xi1>
    %select_n3A_145 = arith.select %and3A_144, %get3A_41, %select_n3A_136 : vector<16xi1>, vector<16xf32>
    %jit3A_146 = arith.constant 7 : i32
    %broadcast_in_dim3A_147 = vector.broadcast %jit3A_146 : i32 to vector<16xi32>
    %select_n3A_148 = arith.select %and3A_144, %broadcast_in_dim3A_147, %select_n3A_139 : vector<16xi1>, vector<16xi32>
    %sub3A = arith.subf %select_n3A_145, %select_n3A_71 : vector<16xf32>
    %exp3A = math.exp %sub3A : vector<16xf32>
    %add3A_149 = arith.constant 1.000000e+00 : f32
    %add3A_150 = vector.broadcast %add3A_149 : f32 to vector<16xf32>
    %add3A_151 = arith.addf %add3A_150, %exp3A : vector<16xf32>
    %div3A = arith.constant 1.000000e+00 : f32
    %div3A_152 = vector.broadcast %div3A : f32 to vector<16xf32>
    %div3A_153 = arith.divf %div3A_152, %add3A_151 : vector<16xf32>
    %broadcast_in_dim3A_154 = arith.constant 0.000000e+00 : f32
    %broadcast_in_dim3A_155 = vector.broadcast %broadcast_in_dim3A_154 : f32 to vector<16xf32>
    %broadcast_in_dim3A_156 = arith.constant 0.000000e+00 : f32
    %broadcast_in_dim3A_157 = vector.broadcast %broadcast_in_dim3A_156 : f32 to vector<16xf32>
    %get3A_158 = arith.constant 0 : i32
    %get3A_159 = arith.index_cast %get3A_158 : i32 to index
    %get3A_160 = arith.constant 0 : index
    %get3A_161 = tpu.vector_load %arg6[%get3A_159, %get3A_160] {strides = array<i32>} : memref<8x128xf32, #tpu.memory_space<vmem>>, vector<1x16xf32>,
    %get3A_162 = vector.shape_cast %get3A_161 : vector<1x16xf32> to vector<16xf32>
    %eq3A = arith.constant 0 : i32
    %eq3A_163 = vector.broadcast %eq3A : i32 to vector<16xi32>
    %eq3A_164 = arith.cmpi eq, %select_n3A_74, %eq3A_163 : vector<16xi32>
    %select_n3A_165 = arith.select %eq3A_164, %get3A_162, %broadcast_in_dim3A_155 : vector<16xi1>, vector<16xf32>
    %eq3A_166 = arith.constant 0 : i32
    %eq3A_167 = vector.broadcast %eq3A_166 : i32 to vector<16xi32>
    %eq3A_168 = arith.cmpi eq, %select_n3A_148, %eq3A_167 : vector<16xi32>
    %select_n3A_169 = arith.select %eq3A_168, %get3A_162, %broadcast_in_dim3A_157 : vector<16xi1>, vector<16xf32>
    %get3A_170 = arith.constant 1 : i32
    %get3A_171 = arith.index_cast %get3A_170 : i32 to index
    %get3A_172 = arith.constant 0 : index
    %get3A_173 = tpu.vector_load %arg6[%get3A_171, %get3A_172] {strides = array<i32>} : memref<8x128xf32, #tpu.memory_space<vmem>>, vector<1x16xf32>,
    %get3A_174 = vector.shape_cast %get3A_173 : vector<1x16xf32> to vector<16xf32>
    %eq3A_175 = arith.constant 1 : i32
    %eq3A_176 = vector.broadcast %eq3A_175 : i32 to vector<16xi32>
    %eq3A_177 = arith.cmpi eq, %select_n3A_74, %eq3A_176 : vector<16xi32>
    %select_n3A_178 = arith.select %eq3A_177, %get3A_174, %select_n3A_165 : vector<16xi1>, vector<16xf32>
    %eq3A_179 = arith.constant 1 : i32
    %eq3A_180 = vector.broadcast %eq3A_179 : i32 to vector<16xi32>
    %eq3A_181 = arith.cmpi eq, %select_n3A_148, %eq3A_180 : vector<16xi32>
    %select_n3A_182 = arith.select %eq3A_181, %get3A_174, %select_n3A_169 : vector<16xi1>, vector<16xf32>
    %get3A_183 = arith.constant 2 : i32
    %get3A_184 = arith.index_cast %get3A_183 : i32 to index
    %get3A_185 = arith.constant 0 : index
    %get3A_186 = tpu.vector_load %arg6[%get3A_184, %get3A_185] {strides = array<i32>} : memref<8x128xf32, #tpu.memory_space<vmem>>, vector<1x16xf32>,
    %get3A_187 = vector.shape_cast %get3A_186 : vector<1x16xf32> to vector<16xf32>
    %eq3A_188 = arith.constant 2 : i32
    %eq3A_189 = vector.broadcast %eq3A_188 : i32 to vector<16xi32>
    %eq3A_190 = arith.cmpi eq, %select_n3A_74, %eq3A_189 : vector<16xi32>
    %select_n3A_191 = arith.select %eq3A_190, %get3A_187, %select_n3A_178 : vector<16xi1>, vector<16xf32>
    %eq3A_192 = arith.constant 2 : i32
    %eq3A_193 = vector.broadcast %eq3A_192 : i32 to vector<16xi32>
    %eq3A_194 = arith.cmpi eq, %select_n3A_148, %eq3A_193 : vector<16xi32>
    %select_n3A_195 = arith.select %eq3A_194, %get3A_187, %select_n3A_182 : vector<16xi1>, vector<16xf32>
    %get3A_196 = arith.constant 3 : i32
    %get3A_197 = arith.index_cast %get3A_196 : i32 to index
    %get3A_198 = arith.constant 0 : index
    %get3A_199 = tpu.vector_load %arg6[%get3A_197, %get3A_198] {strides = array<i32>} : memref<8x128xf32, #tpu.memory_space<vmem>>, vector<1x16xf32>,
    %get3A_200 = vector.shape_cast %get3A_199 : vector<1x16xf32> to vector<16xf32>
    %eq3A_201 = arith.constant 3 : i32
    %eq3A_202 = vector.broadcast %eq3A_201 : i32 to vector<16xi32>
    %eq3A_203 = arith.cmpi eq, %select_n3A_74, %eq3A_202 : vector<16xi32>
    %select_n3A_204 = arith.select %eq3A_203, %get3A_200, %select_n3A_191 : vector<16xi1>, vector<16xf32>
    %eq3A_205 = arith.constant 3 : i32
    %eq3A_206 = vector.broadcast %eq3A_205 : i32 to vector<16xi32>
    %eq3A_207 = arith.cmpi eq, %select_n3A_148, %eq3A_206 : vector<16xi32>
    %select_n3A_208 = arith.select %eq3A_207, %get3A_200, %select_n3A_195 : vector<16xi1>, vector<16xf32>
    %get3A_209 = arith.constant 4 : i32
    %get3A_210 = arith.index_cast %get3A_209 : i32 to index
    %get3A_211 = arith.constant 0 : index
    %get3A_212 = tpu.vector_load %arg6[%get3A_210, %get3A_211] {strides = array<i32>} : memref<8x128xf32, #tpu.memory_space<vmem>>, vector<1x16xf32>,
    %get3A_213 = vector.shape_cast %get3A_212 : vector<1x16xf32> to vector<16xf32>
    %eq3A_214 = arith.constant 4 : i32
    %eq3A_215 = vector.broadcast %eq3A_214 : i32 to vector<16xi32>
    %eq3A_216 = arith.cmpi eq, %select_n3A_74, %eq3A_215 : vector<16xi32>
    %select_n3A_217 = arith.select %eq3A_216, %get3A_213, %select_n3A_204 : vector<16xi1>, vector<16xf32>
    %eq3A_218 = arith.constant 4 : i32
    %eq3A_219 = vector.broadcast %eq3A_218 : i32 to vector<16xi32>
    %eq3A_220 = arith.cmpi eq, %select_n3A_148, %eq3A_219 : vector<16xi32>
    %select_n3A_221 = arith.select %eq3A_220, %get3A_213, %select_n3A_208 : vector<16xi1>, vector<16xf32>
    %get3A_222 = arith.constant 5 : i32
    %get3A_223 = arith.index_cast %get3A_222 : i32 to index
    %get3A_224 = arith.constant 0 : index
    %get3A_225 = tpu.vector_load %arg6[%get3A_223, %get3A_224] {strides = array<i32>} : memref<8x128xf32, #tpu.memory_space<vmem>>, vector<1x16xf32>,
    %get3A_226 = vector.shape_cast %get3A_225 : vector<1x16xf32> to vector<16xf32>
    %eq3A_227 = arith.constant 5 : i32
    %eq3A_228 = vector.broadcast %eq3A_227 : i32 to vector<16xi32>
    %eq3A_229 = arith.cmpi eq, %select_n3A_74, %eq3A_228 : vector<16xi32>
    %select_n3A_230 = arith.select %eq3A_229, %get3A_226, %select_n3A_217 : vector<16xi1>, vector<16xf32>
    %eq3A_231 = arith.constant 5 : i32
    %eq3A_232 = vector.broadcast %eq3A_231 : i32 to vector<16xi32>
    %eq3A_233 = arith.cmpi eq, %select_n3A_148, %eq3A_232 : vector<16xi32>
    %select_n3A_234 = arith.select %eq3A_233, %get3A_226, %select_n3A_221 : vector<16xi1>, vector<16xf32>
    %get3A_235 = arith.constant 6 : i32
    %get3A_236 = arith.index_cast %get3A_235 : i32 to index
    %get3A_237 = arith.constant 0 : index
    %get3A_238 = tpu.vector_load %arg6[%get3A_236, %get3A_237] {strides = array<i32>} : memref<8x128xf32, #tpu.memory_space<vmem>>, vector<1x16xf32>,
    %get3A_239 = vector.shape_cast %get3A_238 : vector<1x16xf32> to vector<16xf32>
    %eq3A_240 = arith.constant 6 : i32
    %eq3A_241 = vector.broadcast %eq3A_240 : i32 to vector<16xi32>
    %eq3A_242 = arith.cmpi eq, %select_n3A_74, %eq3A_241 : vector<16xi32>
    %select_n3A_243 = arith.select %eq3A_242, %get3A_239, %select_n3A_230 : vector<16xi1>, vector<16xf32>
    %eq3A_244 = arith.constant 6 : i32
    %eq3A_245 = vector.broadcast %eq3A_244 : i32 to vector<16xi32>
    %eq3A_246 = arith.cmpi eq, %select_n3A_148, %eq3A_245 : vector<16xi32>
    %select_n3A_247 = arith.select %eq3A_246, %get3A_239, %select_n3A_234 : vector<16xi1>, vector<16xf32>
    %get3A_248 = arith.constant 7 : i32
    %get3A_249 = arith.index_cast %get3A_248 : i32 to index
    %get3A_250 = arith.constant 0 : index
    %get3A_251 = tpu.vector_load %arg6[%get3A_249, %get3A_250] {strides = array<i32>} : memref<8x128xf32, #tpu.memory_space<vmem>>, vector<1x16xf32>,
    %get3A_252 = vector.shape_cast %get3A_251 : vector<1x16xf32> to vector<16xf32>
    %eq3A_253 = arith.constant 7 : i32
    %eq3A_254 = vector.broadcast %eq3A_253 : i32 to vector<16xi32>
    %eq3A_255 = arith.cmpi eq, %select_n3A_74, %eq3A_254 : vector<16xi32>
    %select_n3A_256 = arith.select %eq3A_255, %get3A_252, %select_n3A_243 : vector<16xi1>, vector<16xf32>
    %eq3A_257 = arith.constant 7 : i32
    %eq3A_258 = vector.broadcast %eq3A_257 : i32 to vector<16xi32>
    %eq3A_259 = arith.cmpi eq, %select_n3A_148, %eq3A_258 : vector<16xi32>
    %select_n3A_260 = arith.select %eq3A_259, %get3A_252, %select_n3A_247 : vector<16xi1>, vector<16xf32>
    %mul3A_261 = arith.mulf %div3A_153, %select_n3A_256 : vector<16xf32>
    %sub3A_262 = arith.constant 1.000000e+00 : f32
    %sub3A_263 = vector.broadcast %sub3A_262 : f32 to vector<16xf32>
    %sub3A_264 = arith.subf %sub3A_263, %div3A_153 : vector<16xf32>
    %mul3A_265 = arith.mulf %sub3A_264, %select_n3A_260 : vector<16xf32>
    %add3A_266 = arith.addf %mul3A_261, %mul3A_265 : vector<16xf32>
    %swap3A = arith.constant 0 : index
    %swap3A_267 = tpu.vector_load %arg7[%swap3A] {strides = array<i32>} : memref<128xf32, #tpu.memory_space<vmem>>, vector<16xf32>,
    %swap3A_268 = vector.shape_cast %swap3A_267 : vector<16xf32> to vector<16xf32>
    %swap3A_269 = vector.shape_cast %add3A_266 : vector<16xf32> to vector<16xf32>
    tpu.vector_store %arg7[%swap3A], %swap3A_269 {strides = array<i32>} : memref<128xf32, #tpu.memory_space<vmem>>, vector<16xf32>,
    %get3A_270 = arith.constant 0 : i32
    %get3A_271 = arith.index_cast %get3A_270 : i32 to index
    %get3A_272 = arith.constant 16 : index
    %get3A_273 = tpu.vector_load %arg5[%get3A_271, %get3A_272] {strides = array<i32>} : memref<8x128xf32, #tpu.memory_space<vmem>>, vector<1x16xf32>,
    %get3A_274 = vector.shape_cast %get3A_273 : vector<1x16xf32> to vector<16xf32>
    %get3A_275 = arith.constant 1 : i32
    %get3A_276 = arith.index_cast %get3A_275 : i32 to index
    %get3A_277 = arith.constant 16 : index
    %get3A_278 = tpu.vector_load %arg5[%get3A_276, %get3A_277] {strides = array<i32>} : memref<8x128xf32, #tpu.memory_space<vmem>>, vector<1x16xf32>,
    %get3A_279 = vector.shape_cast %get3A_278 : vector<1x16xf32> to vector<16xf32>
    %get3A_280 = arith.constant 2 : i32
    %get3A_281 = arith.index_cast %get3A_280 : i32 to index
    %get3A_282 = arith.constant 16 : index
    %get3A_283 = tpu.vector_load %arg5[%get3A_281, %get3A_282] {strides = array<i32>} : memref<8x128xf32, #tpu.memory_space<vmem>>, vector<1x16xf32>,
    %get3A_284 = vector.shape_cast %get3A_283 : vector<1x16xf32> to vector<16xf32>
    %get3A_285 = arith.constant 3 : i32
    %get3A_286 = arith.index_cast %get3A_285 : i32 to index
    %get3A_287 = arith.constant 16 : index
    %get3A_288 = tpu.vector_load %arg5[%get3A_286, %get3A_287] {strides = array<i32>} : memref<8x128xf32, #tpu.memory_space<vmem>>, vector<1x16xf32>,
    %get3A_289 = vector.shape_cast %get3A_288 : vector<1x16xf32> to vector<16xf32>
    %get3A_290 = arith.constant 4 : i32
    %get3A_291 = arith.index_cast %get3A_290 : i32 to index
    %get3A_292 = arith.constant 16 : index
    %get3A_293 = tpu.vector_load %arg5[%get3A_291, %get3A_292] {strides = array<i32>} : memref<8x128xf32, #tpu.memory_space<vmem>>, vector<1x16xf32>,
    %get3A_294 = vector.shape_cast %get3A_293 : vector<1x16xf32> to vector<16xf32>
    %get3A_295 = arith.constant 5 : i32
    %get3A_296 = arith.index_cast %get3A_295 : i32 to index
    %get3A_297 = arith.constant 16 : index
    %get3A_298 = tpu.vector_load %arg5[%get3A_296, %get3A_297] {strides = array<i32>} : memref<8x128xf32, #tpu.memory_space<vmem>>, vector<1x16xf32>,
    %get3A_299 = vector.shape_cast %get3A_298 : vector<1x16xf32> to vector<16xf32>
    %get3A_300 = arith.constant 6 : i32
    %get3A_301 = arith.index_cast %get3A_300 : i32 to index
    %get3A_302 = arith.constant 16 : index
    %get3A_303 = tpu.vector_load %arg5[%get3A_301, %get3A_302] {strides = array<i32>} : memref<8x128xf32, #tpu.memory_space<vmem>>, vector<1x16xf32>,
    %get3A_304 = vector.shape_cast %get3A_303 : vector<1x16xf32> to vector<16xf32>
    %get3A_305 = arith.constant 7 : i32
    %get3A_306 = arith.index_cast %get3A_305 : i32 to index
    %get3A_307 = arith.constant 16 : index
    %get3A_308 = tpu.vector_load %arg5[%get3A_306, %get3A_307] {strides = array<i32>} : memref<8x128xf32, #tpu.memory_space<vmem>>, vector<1x16xf32>,
    %get3A_309 = vector.shape_cast %get3A_308 : vector<1x16xf32> to vector<16xf32>
    %broadcast_in_dim3A_310 = arith.constant 0 : i32
    %broadcast_in_dim3A_311 = vector.broadcast %broadcast_in_dim3A_310 : i32 to vector<16xi32>
    %gt3A_312 = arith.cmpf ogt, %get3A_279, %get3A_274 : vector<16xf32>
    %select_n3A_313 = arith.select %gt3A_312, %get3A_279, %get3A_274 : vector<16xi1>, vector<16xf32>
    %jit3A_314 = arith.constant 1 : i32
    %broadcast_in_dim3A_315 = vector.broadcast %jit3A_314 : i32 to vector<16xi32>
    %select_n3A_316 = arith.select %gt3A_312, %broadcast_in_dim3A_315, %broadcast_in_dim3A_311 : vector<16xi1>, vector<16xi32>
    %gt3A_317 = arith.cmpf ogt, %get3A_284, %select_n3A_313 : vector<16xf32>
    %select_n3A_318 = arith.select %gt3A_317, %get3A_284, %select_n3A_313 : vector<16xi1>, vector<16xf32>
    %jit3A_319 = arith.constant 2 : i32
    %broadcast_in_dim3A_320 = vector.broadcast %jit3A_319 : i32 to vector<16xi32>
    %select_n3A_321 = arith.select %gt3A_317, %broadcast_in_dim3A_320, %select_n3A_316 : vector<16xi1>, vector<16xi32>
    %gt3A_322 = arith.cmpf ogt, %get3A_289, %select_n3A_318 : vector<16xf32>
    %select_n3A_323 = arith.select %gt3A_322, %get3A_289, %select_n3A_318 : vector<16xi1>, vector<16xf32>
    %jit3A_324 = arith.constant 3 : i32
    %broadcast_in_dim3A_325 = vector.broadcast %jit3A_324 : i32 to vector<16xi32>
    %select_n3A_326 = arith.select %gt3A_322, %broadcast_in_dim3A_325, %select_n3A_321 : vector<16xi1>, vector<16xi32>
    %gt3A_327 = arith.cmpf ogt, %get3A_294, %select_n3A_323 : vector<16xf32>
    %select_n3A_328 = arith.select %gt3A_327, %get3A_294, %select_n3A_323 : vector<16xi1>, vector<16xf32>
    %jit3A_329 = arith.constant 4 : i32
    %broadcast_in_dim3A_330 = vector.broadcast %jit3A_329 : i32 to vector<16xi32>
    %select_n3A_331 = arith.select %gt3A_327, %broadcast_in_dim3A_330, %select_n3A_326 : vector<16xi1>, vector<16xi32>
    %gt3A_332 = arith.cmpf ogt, %get3A_299, %select_n3A_328 : vector<16xf32>
    %select_n3A_333 = arith.select %gt3A_332, %get3A_299, %select_n3A_328 : vector<16xi1>, vector<16xf32>
    %jit3A_334 = arith.constant 5 : i32
    %broadcast_in_dim3A_335 = vector.broadcast %jit3A_334 : i32 to vector<16xi32>
    %select_n3A_336 = arith.select %gt3A_332, %broadcast_in_dim3A_335, %select_n3A_331 : vector<16xi1>, vector<16xi32>
    %gt3A_337 = arith.cmpf ogt, %get3A_304, %select_n3A_333 : vector<16xf32>
    %select_n3A_338 = arith.select %gt3A_337, %get3A_304, %select_n3A_333 : vector<16xi1>, vector<16xf32>
    %jit3A_339 = arith.constant 6 : i32
    %broadcast_in_dim3A_340 = vector.broadcast %jit3A_339 : i32 to vector<16xi32>
    %select_n3A_341 = arith.select %gt3A_337, %broadcast_in_dim3A_340, %select_n3A_336 : vector<16xi1>, vector<16xi32>
    %gt3A_342 = arith.cmpf ogt, %get3A_309, %select_n3A_338 : vector<16xf32>
    %select_n3A_343 = arith.select %gt3A_342, %get3A_309, %select_n3A_338 : vector<16xi1>, vector<16xf32>
    %jit3A_344 = arith.constant 7 : i32
    %broadcast_in_dim3A_345 = vector.broadcast %jit3A_344 : i32 to vector<16xi32>
    %select_n3A_346 = arith.select %gt3A_342, %broadcast_in_dim3A_345, %select_n3A_341 : vector<16xi1>, vector<16xi32>
    %broadcast_in_dim3A_347 = arith.constant 0xFF800000 : f32
    %broadcast_in_dim3A_348 = vector.broadcast %broadcast_in_dim3A_347 : f32 to vector<16xf32>
    %broadcast_in_dim3A_349 = arith.constant 0 : i32
    %broadcast_in_dim3A_350 = vector.broadcast %broadcast_in_dim3A_349 : i32 to vector<16xi32>
    %ne3A_351 = arith.constant 0 : i32
    %ne3A_352 = vector.broadcast %ne3A_351 : i32 to vector<16xi32>
    %ne3A_353 = arith.cmpi ne, %select_n3A_346, %ne3A_352 : vector<16xi32>
    %gt3A_354 = arith.cmpf ogt, %get3A_274, %broadcast_in_dim3A_348 : vector<16xf32>
    %and3A_355 = arith.andi %ne3A_353, %gt3A_354 : vector<16xi1>
    %select_n3A_356 = arith.select %and3A_355, %get3A_274, %broadcast_in_dim3A_348 : vector<16xi1>, vector<16xf32>
    %jit3A_357 = arith.constant 0 : i32
    %broadcast_in_dim3A_358 = vector.broadcast %jit3A_357 : i32 to vector<16xi32>
    %select_n3A_359 = arith.select %and3A_355, %broadcast_in_dim3A_358, %broadcast_in_dim3A_350 : vector<16xi1>, vector<16xi32>
    %ne3A_360 = arith.constant 1 : i32
    %ne3A_361 = vector.broadcast %ne3A_360 : i32 to vector<16xi32>
    %ne3A_362 = arith.cmpi ne, %select_n3A_346, %ne3A_361 : vector<16xi32>
    %gt3A_363 = arith.cmpf ogt, %get3A_279, %select_n3A_356 : vector<16xf32>
    %and3A_364 = arith.andi %ne3A_362, %gt3A_363 : vector<16xi1>
    %select_n3A_365 = arith.select %and3A_364, %get3A_279, %select_n3A_356 : vector<16xi1>, vector<16xf32>
    %jit3A_366 = arith.constant 1 : i32
    %broadcast_in_dim3A_367 = vector.broadcast %jit3A_366 : i32 to vector<16xi32>
    %select_n3A_368 = arith.select %and3A_364, %broadcast_in_dim3A_367, %select_n3A_359 : vector<16xi1>, vector<16xi32>
    %ne3A_369 = arith.constant 2 : i32
    %ne3A_370 = vector.broadcast %ne3A_369 : i32 to vector<16xi32>
    %ne3A_371 = arith.cmpi ne, %select_n3A_346, %ne3A_370 : vector<16xi32>
    %gt3A_372 = arith.cmpf ogt, %get3A_284, %select_n3A_365 : vector<16xf32>
    %and3A_373 = arith.andi %ne3A_371, %gt3A_372 : vector<16xi1>
    %select_n3A_374 = arith.select %and3A_373, %get3A_284, %select_n3A_365 : vector<16xi1>, vector<16xf32>
    %jit3A_375 = arith.constant 2 : i32
    %broadcast_in_dim3A_376 = vector.broadcast %jit3A_375 : i32 to vector<16xi32>
    %select_n3A_377 = arith.select %and3A_373, %broadcast_in_dim3A_376, %select_n3A_368 : vector<16xi1>, vector<16xi32>
    %ne3A_378 = arith.constant 3 : i32
    %ne3A_379 = vector.broadcast %ne3A_378 : i32 to vector<16xi32>
    %ne3A_380 = arith.cmpi ne, %select_n3A_346, %ne3A_379 : vector<16xi32>
    %gt3A_381 = arith.cmpf ogt, %get3A_289, %select_n3A_374 : vector<16xf32>
    %and3A_382 = arith.andi %ne3A_380, %gt3A_381 : vector<16xi1>
    %select_n3A_383 = arith.select %and3A_382, %get3A_289, %select_n3A_374 : vector<16xi1>, vector<16xf32>
    %jit3A_384 = arith.constant 3 : i32
    %broadcast_in_dim3A_385 = vector.broadcast %jit3A_384 : i32 to vector<16xi32>
    %select_n3A_386 = arith.select %and3A_382, %broadcast_in_dim3A_385, %select_n3A_377 : vector<16xi1>, vector<16xi32>
    %ne3A_387 = arith.constant 4 : i32
    %ne3A_388 = vector.broadcast %ne3A_387 : i32 to vector<16xi32>
    %ne3A_389 = arith.cmpi ne, %select_n3A_346, %ne3A_388 : vector<16xi32>
    %gt3A_390 = arith.cmpf ogt, %get3A_294, %select_n3A_383 : vector<16xf32>
    %and3A_391 = arith.andi %ne3A_389, %gt3A_390 : vector<16xi1>
    %select_n3A_392 = arith.select %and3A_391, %get3A_294, %select_n3A_383 : vector<16xi1>, vector<16xf32>
    %jit3A_393 = arith.constant 4 : i32
    %broadcast_in_dim3A_394 = vector.broadcast %jit3A_393 : i32 to vector<16xi32>
    %select_n3A_395 = arith.select %and3A_391, %broadcast_in_dim3A_394, %select_n3A_386 : vector<16xi1>, vector<16xi32>
    %ne3A_396 = arith.constant 5 : i32
    %ne3A_397 = vector.broadcast %ne3A_396 : i32 to vector<16xi32>
    %ne3A_398 = arith.cmpi ne, %select_n3A_346, %ne3A_397 : vector<16xi32>
    %gt3A_399 = arith.cmpf ogt, %get3A_299, %select_n3A_392 : vector<16xf32>
    %and3A_400 = arith.andi %ne3A_398, %gt3A_399 : vector<16xi1>
    %select_n3A_401 = arith.select %and3A_400, %get3A_299, %select_n3A_392 : vector<16xi1>, vector<16xf32>
    %jit3A_402 = arith.constant 5 : i32
    %broadcast_in_dim3A_403 = vector.broadcast %jit3A_402 : i32 to vector<16xi32>
    %select_n3A_404 = arith.select %and3A_400, %broadcast_in_dim3A_403, %select_n3A_395 : vector<16xi1>, vector<16xi32>
    %ne3A_405 = arith.constant 6 : i32
    %ne3A_406 = vector.broadcast %ne3A_405 : i32 to vector<16xi32>
    %ne3A_407 = arith.cmpi ne, %select_n3A_346, %ne3A_406 : vector<16xi32>
    %gt3A_408 = arith.cmpf ogt, %get3A_304, %select_n3A_401 : vector<16xf32>
    %and3A_409 = arith.andi %ne3A_407, %gt3A_408 : vector<16xi1>
    %select_n3A_410 = arith.select %and3A_409, %get3A_304, %select_n3A_401 : vector<16xi1>, vector<16xf32>
    %jit3A_411 = arith.constant 6 : i32
    %broadcast_in_dim3A_412 = vector.broadcast %jit3A_411 : i32 to vector<16xi32>
    %select_n3A_413 = arith.select %and3A_409, %broadcast_in_dim3A_412, %select_n3A_404 : vector<16xi1>, vector<16xi32>
    %ne3A_414 = arith.constant 7 : i32
    %ne3A_415 = vector.broadcast %ne3A_414 : i32 to vector<16xi32>
    %ne3A_416 = arith.cmpi ne, %select_n3A_346, %ne3A_415 : vector<16xi32>
    %gt3A_417 = arith.cmpf ogt, %get3A_309, %select_n3A_410 : vector<16xf32>
    %and3A_418 = arith.andi %ne3A_416, %gt3A_417 : vector<16xi1>
    %select_n3A_419 = arith.select %and3A_418, %get3A_309, %select_n3A_410 : vector<16xi1>, vector<16xf32>
    %jit3A_420 = arith.constant 7 : i32
    %broadcast_in_dim3A_421 = vector.broadcast %jit3A_420 : i32 to vector<16xi32>
    %select_n3A_422 = arith.select %and3A_418, %broadcast_in_dim3A_421, %select_n3A_413 : vector<16xi1>, vector<16xi32>
    %sub3A_423 = arith.subf %select_n3A_419, %select_n3A_343 : vector<16xf32>
    %exp3A_424 = math.exp %sub3A_423 : vector<16xf32>
    %add3A_425 = arith.constant 1.000000e+00 : f32
    %add3A_426 = vector.broadcast %add3A_425 : f32 to vector<16xf32>
    %add3A_427 = arith.addf %add3A_426, %exp3A_424 : vector<16xf32>
    %div3A_428 = arith.constant 1.000000e+00 : f32
    %div3A_429 = vector.broadcast %div3A_428 : f32 to vector<16xf32>
    %div3A_430 = arith.divf %div3A_429, %add3A_427 : vector<16xf32>
    %broadcast_in_dim3A_431 = arith.constant 0.000000e+00 : f32
    %broadcast_in_dim3A_432 = vector.broadcast %broadcast_in_dim3A_431 : f32 to vector<16xf32>
    %broadcast_in_dim3A_433 = arith.constant 0.000000e+00 : f32
    %broadcast_in_dim3A_434 = vector.broadcast %broadcast_in_dim3A_433 : f32 to vector<16xf32>
    %get3A_435 = arith.constant 0 : i32
    %get3A_436 = arith.index_cast %get3A_435 : i32 to index
    %get3A_437 = arith.constant 16 : index
    %get3A_438 = tpu.vector_load %arg6[%get3A_436, %get3A_437] {strides = array<i32>} : memref<8x128xf32, #tpu.memory_space<vmem>>, vector<1x16xf32>,
    %get3A_439 = vector.shape_cast %get3A_438 : vector<1x16xf32> to vector<16xf32>
    %eq3A_440 = arith.constant 0 : i32
    %eq3A_441 = vector.broadcast %eq3A_440 : i32 to vector<16xi32>
    %eq3A_442 = arith.cmpi eq, %select_n3A_346, %eq3A_441 : vector<16xi32>
    %select_n3A_443 = arith.select %eq3A_442, %get3A_439, %broadcast_in_dim3A_432 : vector<16xi1>, vector<16xf32>
    %eq3A_444 = arith.constant 0 : i32
    %eq3A_445 = vector.broadcast %eq3A_444 : i32 to vector<16xi32>
    %eq3A_446 = arith.cmpi eq, %select_n3A_422, %eq3A_445 : vector<16xi32>
    %select_n3A_447 = arith.select %eq3A_446, %get3A_439, %broadcast_in_dim3A_434 : vector<16xi1>, vector<16xf32>
    %get3A_448 = arith.constant 1 : i32
    %get3A_449 = arith.index_cast %get3A_448 : i32 to index
    %get3A_450 = arith.constant 16 : index
    %get3A_451 = tpu.vector_load %arg6[%get3A_449, %get3A_450] {strides = array<i32>} : memref<8x128xf32, #tpu.memory_space<vmem>>, vector<1x16xf32>,
    %get3A_452 = vector.shape_cast %get3A_451 : vector<1x16xf32> to vector<16xf32>
    %eq3A_453 = arith.constant 1 : i32
    %eq3A_454 = vector.broadcast %eq3A_453 : i32 to vector<16xi32>
    %eq3A_455 = arith.cmpi eq, %select_n3A_346, %eq3A_454 : vector<16xi32>
    %select_n3A_456 = arith.select %eq3A_455, %get3A_452, %select_n3A_443 : vector<16xi1>, vector<16xf32>
    %eq3A_457 = arith.constant 1 : i32
    %eq3A_458 = vector.broadcast %eq3A_457 : i32 to vector<16xi32>
    %eq3A_459 = arith.cmpi eq, %select_n3A_422, %eq3A_458 : vector<16xi32>
    %select_n3A_460 = arith.select %eq3A_459, %get3A_452, %select_n3A_447 : vector<16xi1>, vector<16xf32>
    %get3A_461 = arith.constant 2 : i32
    %get3A_462 = arith.index_cast %get3A_461 : i32 to index
    %get3A_463 = arith.constant 16 : index
    %get3A_464 = tpu.vector_load %arg6[%get3A_462, %get3A_463] {strides = array<i32>} : memref<8x128xf32, #tpu.memory_space<vmem>>, vector<1x16xf32>,
    %get3A_465 = vector.shape_cast %get3A_464 : vector<1x16xf32> to vector<16xf32>
    %eq3A_466 = arith.constant 2 : i32
    %eq3A_467 = vector.broadcast %eq3A_466 : i32 to vector<16xi32>
    %eq3A_468 = arith.cmpi eq, %select_n3A_346, %eq3A_467 : vector<16xi32>
    %select_n3A_469 = arith.select %eq3A_468, %get3A_465, %select_n3A_456 : vector<16xi1>, vector<16xf32>
    %eq3A_470 = arith.constant 2 : i32
    %eq3A_471 = vector.broadcast %eq3A_470 : i32 to vector<16xi32>
    %eq3A_472 = arith.cmpi eq, %select_n3A_422, %eq3A_471 : vector<16xi32>
    %select_n3A_473 = arith.select %eq3A_472, %get3A_465, %select_n3A_460 : vector<16xi1>, vector<16xf32>
    %get3A_474 = arith.constant 3 : i32
    %get3A_475 = arith.index_cast %get3A_474 : i32 to index
    %get3A_476 = arith.constant 16 : index
    %get3A_477 = tpu.vector_load %arg6[%get3A_475, %get3A_476] {strides = array<i32>} : memref<8x128xf32, #tpu.memory_space<vmem>>, vector<1x16xf32>,
    %get3A_478 = vector.shape_cast %get3A_477 : vector<1x16xf32> to vector<16xf32>
    %eq3A_479 = arith.constant 3 : i32
    %eq3A_480 = vector.broadcast %eq3A_479 : i32 to vector<16xi32>
    %eq3A_481 = arith.cmpi eq, %select_n3A_346, %eq3A_480 : vector<16xi32>
    %select_n3A_482 = arith.select %eq3A_481, %get3A_478, %select_n3A_469 : vector<16xi1>, vector<16xf32>
    %eq3A_483 = arith.constant 3 : i32
    %eq3A_484 = vector.broadcast %eq3A_483 : i32 to vector<16xi32>
    %eq3A_485 = arith.cmpi eq, %select_n3A_422, %eq3A_484 : vector<16xi32>
    %select_n3A_486 = arith.select %eq3A_485, %get3A_478, %select_n3A_473 : vector<16xi1>, vector<16xf32>
    %get3A_487 = arith.constant 4 : i32
    %get3A_488 = arith.index_cast %get3A_487 : i32 to index
    %get3A_489 = arith.constant 16 : index
    %get3A_490 = tpu.vector_load %arg6[%get3A_488, %get3A_489] {strides = array<i32>} : memref<8x128xf32, #tpu.memory_space<vmem>>, vector<1x16xf32>,
    %get3A_491 = vector.shape_cast %get3A_490 : vector<1x16xf32> to vector<16xf32>
    %eq3A_492 = arith.constant 4 : i32
    %eq3A_493 = vector.broadcast %eq3A_492 : i32 to vector<16xi32>
    %eq3A_494 = arith.cmpi eq, %select_n3A_346, %eq3A_493 : vector<16xi32>
    %select_n3A_495 = arith.select %eq3A_494, %get3A_491, %select_n3A_482 : vector<16xi1>, vector<16xf32>
    %eq3A_496 = arith.constant 4 : i32
    %eq3A_497 = vector.broadcast %eq3A_496 : i32 to vector<16xi32>
    %eq3A_498 = arith.cmpi eq, %select_n3A_422, %eq3A_497 : vector<16xi32>
    %select_n3A_499 = arith.select %eq3A_498, %get3A_491, %select_n3A_486 : vector<16xi1>, vector<16xf32>
    %get3A_500 = arith.constant 5 : i32
    %get3A_501 = arith.index_cast %get3A_500 : i32 to index
    %get3A_502 = arith.constant 16 : index
    %get3A_503 = tpu.vector_load %arg6[%get3A_501, %get3A_502] {strides = array<i32>} : memref<8x128xf32, #tpu.memory_space<vmem>>, vector<1x16xf32>,
    %get3A_504 = vector.shape_cast %get3A_503 : vector<1x16xf32> to vector<16xf32>
    %eq3A_505 = arith.constant 5 : i32
    %eq3A_506 = vector.broadcast %eq3A_505 : i32 to vector<16xi32>
    %eq3A_507 = arith.cmpi eq, %select_n3A_346, %eq3A_506 : vector<16xi32>
    %select_n3A_508 = arith.select %eq3A_507, %get3A_504, %select_n3A_495 : vector<16xi1>, vector<16xf32>
    %eq3A_509 = arith.constant 5 : i32
    %eq3A_510 = vector.broadcast %eq3A_509 : i32 to vector<16xi32>
    %eq3A_511 = arith.cmpi eq, %select_n3A_422, %eq3A_510 : vector<16xi32>
    %select_n3A_512 = arith.select %eq3A_511, %get3A_504, %select_n3A_499 : vector<16xi1>, vector<16xf32>
    %get3A_513 = arith.constant 6 : i32
    %get3A_514 = arith.index_cast %get3A_513 : i32 to index
    %get3A_515 = arith.constant 16 : index
    %get3A_516 = tpu.vector_load %arg6[%get3A_514, %get3A_515] {strides = array<i32>} : memref<8x128xf32, #tpu.memory_space<vmem>>, vector<1x16xf32>,
    %get3A_517 = vector.shape_cast %get3A_516 : vector<1x16xf32> to vector<16xf32>
    %eq3A_518 = arith.constant 6 : i32
    %eq3A_519 = vector.broadcast %eq3A_518 : i32 to vector<16xi32>
    %eq3A_520 = arith.cmpi eq, %select_n3A_346, %eq3A_519 : vector<16xi32>
    %select_n3A_521 = arith.select %eq3A_520, %get3A_517, %select_n3A_508 : vector<16xi1>, vector<16xf32>
    %eq3A_522 = arith.constant 6 : i32
    %eq3A_523 = vector.broadcast %eq3A_522 : i32 to vector<16xi32>
    %eq3A_524 = arith.cmpi eq, %select_n3A_422, %eq3A_523 : vector<16xi32>
    %select_n3A_525 = arith.select %eq3A_524, %get3A_517, %select_n3A_512 : vector<16xi1>, vector<16xf32>
    %get3A_526 = arith.constant 7 : i32
    %get3A_527 = arith.index_cast %get3A_526 : i32 to index
    %get3A_528 = arith.constant 16 : index
    %get3A_529 = tpu.vector_load %arg6[%get3A_527, %get3A_528] {strides = array<i32>} : memref<8x128xf32, #tpu.memory_space<vmem>>, vector<1x16xf32>,
    %get3A_530 = vector.shape_cast %get3A_529 : vector<1x16xf32> to vector<16xf32>
    %eq3A_531 = arith.constant 7 : i32
    %eq3A_532 = vector.broadcast %eq3A_531 : i32 to vector<16xi32>
    %eq3A_533 = arith.cmpi eq, %select_n3A_346, %eq3A_532 : vector<16xi32>
    %select_n3A_534 = arith.select %eq3A_533, %get3A_530, %select_n3A_521 : vector<16xi1>, vector<16xf32>
    %eq3A_535 = arith.constant 7 : i32
    %eq3A_536 = vector.broadcast %eq3A_535 : i32 to vector<16xi32>
    %eq3A_537 = arith.cmpi eq, %select_n3A_422, %eq3A_536 : vector<16xi32>
    %select_n3A_538 = arith.select %eq3A_537, %get3A_530, %select_n3A_525 : vector<16xi1>, vector<16xf32>
    %mul3A_539 = arith.mulf %div3A_430, %select_n3A_534 : vector<16xf32>
    %sub3A_540 = arith.constant 1.000000e+00 : f32
    %sub3A_541 = vector.broadcast %sub3A_540 : f32 to vector<16xf32>
    %sub3A_542 = arith.subf %sub3A_541, %div3A_430 : vector<16xf32>
    %mul3A_543 = arith.mulf %sub3A_542, %select_n3A_538 : vector<16xf32>
    %add3A_544 = arith.addf %mul3A_539, %mul3A_543 : vector<16xf32>
    %swap3A_545 = arith.constant 16 : index
    %swap3A_546 = tpu.vector_load %arg7[%swap3A_545] {strides = array<i32>} : memref<128xf32, #tpu.memory_space<vmem>>, vector<16xf32>,
    %swap3A_547 = vector.shape_cast %swap3A_546 : vector<16xf32> to vector<16xf32>
    %swap3A_548 = vector.shape_cast %add3A_544 : vector<16xf32> to vector<16xf32>
    tpu.vector_store %arg7[%swap3A_545], %swap3A_548 {strides = array<i32>} : memref<128xf32, #tpu.memory_space<vmem>>, vector<16xf32>,
    %get3A_549 = arith.constant 0 : i32
    %get3A_550 = arith.index_cast %get3A_549 : i32 to index
    %get3A_551 = arith.constant 32 : index
    %get3A_552 = tpu.vector_load %arg5[%get3A_550, %get3A_551] {strides = array<i32>} : memref<8x128xf32, #tpu.memory_space<vmem>>, vector<1x16xf32>,
    %get3A_553 = vector.shape_cast %get3A_552 : vector<1x16xf32> to vector<16xf32>
    %get3A_554 = arith.constant 1 : i32
    %get3A_555 = arith.index_cast %get3A_554 : i32 to index
    %get3A_556 = arith.constant 32 : index
    %get3A_557 = tpu.vector_load %arg5[%get3A_555, %get3A_556] {strides = array<i32>} : memref<8x128xf32, #tpu.memory_space<vmem>>, vector<1x16xf32>,
    %get3A_558 = vector.shape_cast %get3A_557 : vector<1x16xf32> to vector<16xf32>
    %get3A_559 = arith.constant 2 : i32
    %get3A_560 = arith.index_cast %get3A_559 : i32 to index
    %get3A_561 = arith.constant 32 : index
    %get3A_562 = tpu.vector_load %arg5[%get3A_560, %get3A_561] {strides = array<i32>} : memref<8x128xf32, #tpu.memory_space<vmem>>, vector<1x16xf32>,
    %get3A_563 = vector.shape_cast %get3A_562 : vector<1x16xf32> to vector<16xf32>
    %get3A_564 = arith.constant 3 : i32
    %get3A_565 = arith.index_cast %get3A_564 : i32 to index
    %get3A_566 = arith.constant 32 : index
    %get3A_567 = tpu.vector_load %arg5[%get3A_565, %get3A_566] {strides = array<i32>} : memref<8x128xf32, #tpu.memory_space<vmem>>, vector<1x16xf32>,
    %get3A_568 = vector.shape_cast %get3A_567 : vector<1x16xf32> to vector<16xf32>
    %get3A_569 = arith.constant 4 : i32
    %get3A_570 = arith.index_cast %get3A_569 : i32 to index
    %get3A_571 = arith.constant 32 : index
    %get3A_572 = tpu.vector_load %arg5[%get3A_570, %get3A_571] {strides = array<i32>} : memref<8x128xf32, #tpu.memory_space<vmem>>, vector<1x16xf32>,
    %get3A_573 = vector.shape_cast %get3A_572 : vector<1x16xf32> to vector<16xf32>
    %get3A_574 = arith.constant 5 : i32
    %get3A_575 = arith.index_cast %get3A_574 : i32 to index
    %get3A_576 = arith.constant 32 : index
    %get3A_577 = tpu.vector_load %arg5[%get3A_575, %get3A_576] {strides = array<i32>} : memref<8x128xf32, #tpu.memory_space<vmem>>, vector<1x16xf32>,
    %get3A_578 = vector.shape_cast %get3A_577 : vector<1x16xf32> to vector<16xf32>
    %get3A_579 = arith.constant 6 : i32
    %get3A_580 = arith.index_cast %get3A_579 : i32 to index
    %get3A_581 = arith.constant 32 : index
    %get3A_582 = tpu.vector_load %arg5[%get3A_580, %get3A_581] {strides = array<i32>} : memref<8x128xf32, #tpu.memory_space<vmem>>, vector<1x16xf32>,
    %get3A_583 = vector.shape_cast %get3A_582 : vector<1x16xf32> to vector<16xf32>
    %get3A_584 = arith.constant 7 : i32
    %get3A_585 = arith.index_cast %get3A_584 : i32 to index
    %get3A_586 = arith.constant 32 : index
    %get3A_587 = tpu.vector_load %arg5[%get3A_585, %get3A_586] {strides = array<i32>} : memref<8x128xf32, #tpu.memory_space<vmem>>, vector<1x16xf32>,
    %get3A_588 = vector.shape_cast %get3A_587 : vector<1x16xf32> to vector<16xf32>
    %broadcast_in_dim3A_589 = arith.constant 0 : i32
    %broadcast_in_dim3A_590 = vector.broadcast %broadcast_in_dim3A_589 : i32 to vector<16xi32>
    %gt3A_591 = arith.cmpf ogt, %get3A_558, %get3A_553 : vector<16xf32>
    %select_n3A_592 = arith.select %gt3A_591, %get3A_558, %get3A_553 : vector<16xi1>, vector<16xf32>
    %jit3A_593 = arith.constant 1 : i32
    %broadcast_in_dim3A_594 = vector.broadcast %jit3A_593 : i32 to vector<16xi32>
    %select_n3A_595 = arith.select %gt3A_591, %broadcast_in_dim3A_594, %broadcast_in_dim3A_590 : vector<16xi1>, vector<16xi32>
    %gt3A_596 = arith.cmpf ogt, %get3A_563, %select_n3A_592 : vector<16xf32>
    %select_n3A_597 = arith.select %gt3A_596, %get3A_563, %select_n3A_592 : vector<16xi1>, vector<16xf32>
    %jit3A_598 = arith.constant 2 : i32
    %broadcast_in_dim3A_599 = vector.broadcast %jit3A_598 : i32 to vector<16xi32>
    %select_n3A_600 = arith.select %gt3A_596, %broadcast_in_dim3A_599, %select_n3A_595 : vector<16xi1>, vector<16xi32>
    %gt3A_601 = arith.cmpf ogt, %get3A_568, %select_n3A_597 : vector<16xf32>
    %select_n3A_602 = arith.select %gt3A_601, %get3A_568, %select_n3A_597 : vector<16xi1>, vector<16xf32>
    %jit3A_603 = arith.constant 3 : i32
    %broadcast_in_dim3A_604 = vector.broadcast %jit3A_603 : i32 to vector<16xi32>
    %select_n3A_605 = arith.select %gt3A_601, %broadcast_in_dim3A_604, %select_n3A_600 : vector<16xi1>, vector<16xi32>
    %gt3A_606 = arith.cmpf ogt, %get3A_573, %select_n3A_602 : vector<16xf32>
    %select_n3A_607 = arith.select %gt3A_606, %get3A_573, %select_n3A_602 : vector<16xi1>, vector<16xf32>
    %jit3A_608 = arith.constant 4 : i32
    %broadcast_in_dim3A_609 = vector.broadcast %jit3A_608 : i32 to vector<16xi32>
    %select_n3A_610 = arith.select %gt3A_606, %broadcast_in_dim3A_609, %select_n3A_605 : vector<16xi1>, vector<16xi32>
    %gt3A_611 = arith.cmpf ogt, %get3A_578, %select_n3A_607 : vector<16xf32>
    %select_n3A_612 = arith.select %gt3A_611, %get3A_578, %select_n3A_607 : vector<16xi1>, vector<16xf32>
    %jit3A_613 = arith.constant 5 : i32
    %broadcast_in_dim3A_614 = vector.broadcast %jit3A_613 : i32 to vector<16xi32>
    %select_n3A_615 = arith.select %gt3A_611, %broadcast_in_dim3A_614, %select_n3A_610 : vector<16xi1>, vector<16xi32>
    %gt3A_616 = arith.cmpf ogt, %get3A_583, %select_n3A_612 : vector<16xf32>
    %select_n3A_617 = arith.select %gt3A_616, %get3A_583, %select_n3A_612 : vector<16xi1>, vector<16xf32>
    %jit3A_618 = arith.constant 6 : i32
    %broadcast_in_dim3A_619 = vector.broadcast %jit3A_618 : i32 to vector<16xi32>
    %select_n3A_620 = arith.select %gt3A_616, %broadcast_in_dim3A_619, %select_n3A_615 : vector<16xi1>, vector<16xi32>
    %gt3A_621 = arith.cmpf ogt, %get3A_588, %select_n3A_617 : vector<16xf32>
    %select_n3A_622 = arith.select %gt3A_621, %get3A_588, %select_n3A_617 : vector<16xi1>, vector<16xf32>
    %jit3A_623 = arith.constant 7 : i32
    %broadcast_in_dim3A_624 = vector.broadcast %jit3A_623 : i32 to vector<16xi32>
    %select_n3A_625 = arith.select %gt3A_621, %broadcast_in_dim3A_624, %select_n3A_620 : vector<16xi1>, vector<16xi32>
    %broadcast_in_dim3A_626 = arith.constant 0xFF800000 : f32
    %broadcast_in_dim3A_627 = vector.broadcast %broadcast_in_dim3A_626 : f32 to vector<16xf32>
    %broadcast_in_dim3A_628 = arith.constant 0 : i32
    %broadcast_in_dim3A_629 = vector.broadcast %broadcast_in_dim3A_628 : i32 to vector<16xi32>
    %ne3A_630 = arith.constant 0 : i32
    %ne3A_631 = vector.broadcast %ne3A_630 : i32 to vector<16xi32>
    %ne3A_632 = arith.cmpi ne, %select_n3A_625, %ne3A_631 : vector<16xi32>
    %gt3A_633 = arith.cmpf ogt, %get3A_553, %broadcast_in_dim3A_627 : vector<16xf32>
    %and3A_634 = arith.andi %ne3A_632, %gt3A_633 : vector<16xi1>
    %select_n3A_635 = arith.select %and3A_634, %get3A_553, %broadcast_in_dim3A_627 : vector<16xi1>, vector<16xf32>
    %jit3A_636 = arith.constant 0 : i32
    %broadcast_in_dim3A_637 = vector.broadcast %jit3A_636 : i32 to vector<16xi32>
    %select_n3A_638 = arith.select %and3A_634, %broadcast_in_dim3A_637, %broadcast_in_dim3A_629 : vector<16xi1>, vector<16xi32>
    %ne3A_639 = arith.constant 1 : i32
    %ne3A_640 = vector.broadcast %ne3A_639 : i32 to vector<16xi32>
    %ne3A_641 = arith.cmpi ne, %select_n3A_625, %ne3A_640 : vector<16xi32>
    %gt3A_642 = arith.cmpf ogt, %get3A_558, %select_n3A_635 : vector<16xf32>
    %and3A_643 = arith.andi %ne3A_641, %gt3A_642 : vector<16xi1>
    %select_n3A_644 = arith.select %and3A_643, %get3A_558, %select_n3A_635 : vector<16xi1>, vector<16xf32>
    %jit3A_645 = arith.constant 1 : i32
    %broadcast_in_dim3A_646 = vector.broadcast %jit3A_645 : i32 to vector<16xi32>
    %select_n3A_647 = arith.select %and3A_643, %broadcast_in_dim3A_646, %select_n3A_638 : vector<16xi1>, vector<16xi32>
    %ne3A_648 = arith.constant 2 : i32
    %ne3A_649 = vector.broadcast %ne3A_648 : i32 to vector<16xi32>
    %ne3A_650 = arith.cmpi ne, %select_n3A_625, %ne3A_649 : vector<16xi32>
    %gt3A_651 = arith.cmpf ogt, %get3A_563, %select_n3A_644 : vector<16xf32>
    %and3A_652 = arith.andi %ne3A_650, %gt3A_651 : vector<16xi1>
    %select_n3A_653 = arith.select %and3A_652, %get3A_563, %select_n3A_644 : vector<16xi1>, vector<16xf32>
    %jit3A_654 = arith.constant 2 : i32
    %broadcast_in_dim3A_655 = vector.broadcast %jit3A_654 : i32 to vector<16xi32>
    %select_n3A_656 = arith.select %and3A_652, %broadcast_in_dim3A_655, %select_n3A_647 : vector<16xi1>, vector<16xi32>
    %ne3A_657 = arith.constant 3 : i32
    %ne3A_658 = vector.broadcast %ne3A_657 : i32 to vector<16xi32>
    %ne3A_659 = arith.cmpi ne, %select_n3A_625, %ne3A_658 : vector<16xi32>
    %gt3A_660 = arith.cmpf ogt, %get3A_568, %select_n3A_653 : vector<16xf32>
    %and3A_661 = arith.andi %ne3A_659, %gt3A_660 : vector<16xi1>
    %select_n3A_662 = arith.select %and3A_661, %get3A_568, %select_n3A_653 : vector<16xi1>, vector<16xf32>
    %jit3A_663 = arith.constant 3 : i32
    %broadcast_in_dim3A_664 = vector.broadcast %jit3A_663 : i32 to vector<16xi32>
    %select_n3A_665 = arith.select %and3A_661, %broadcast_in_dim3A_664, %select_n3A_656 : vector<16xi1>, vector<16xi32>
    %ne3A_666 = arith.constant 4 : i32
    %ne3A_667 = vector.broadcast %ne3A_666 : i32 to vector<16xi32>
    %ne3A_668 = arith.cmpi ne, %select_n3A_625, %ne3A_667 : vector<16xi32>
    %gt3A_669 = arith.cmpf ogt, %get3A_573, %select_n3A_662 : vector<16xf32>
    %and3A_670 = arith.andi %ne3A_668, %gt3A_669 : vector<16xi1>
    %select_n3A_671 = arith.select %and3A_670, %get3A_573, %select_n3A_662 : vector<16xi1>, vector<16xf32>
    %jit3A_672 = arith.constant 4 : i32
    %broadcast_in_dim3A_673 = vector.broadcast %jit3A_672 : i32 to vector<16xi32>
    %select_n3A_674 = arith.select %and3A_670, %broadcast_in_dim3A_673, %select_n3A_665 : vector<16xi1>, vector<16xi32>
    %ne3A_675 = arith.constant 5 : i32
    %ne3A_676 = vector.broadcast %ne3A_675 : i32 to vector<16xi32>
    %ne3A_677 = arith.cmpi ne, %select_n3A_625, %ne3A_676 : vector<16xi32>
    %gt3A_678 = arith.cmpf ogt, %get3A_578, %select_n3A_671 : vector<16xf32>
    %and3A_679 = arith.andi %ne3A_677, %gt3A_678 : vector<16xi1>
    %select_n3A_680 = arith.select %and3A_679, %get3A_578, %select_n3A_671 : vector<16xi1>, vector<16xf32>
    %jit3A_681 = arith.constant 5 : i32
    %broadcast_in_dim3A_682 = vector.broadcast %jit3A_681 : i32 to vector<16xi32>
    %select_n3A_683 = arith.select %and3A_679, %broadcast_in_dim3A_682, %select_n3A_674 : vector<16xi1>, vector<16xi32>
    %ne3A_684 = arith.constant 6 : i32
    %ne3A_685 = vector.broadcast %ne3A_684 : i32 to vector<16xi32>
    %ne3A_686 = arith.cmpi ne, %select_n3A_625, %ne3A_685 : vector<16xi32>
    %gt3A_687 = arith.cmpf ogt, %get3A_583, %select_n3A_680 : vector<16xf32>
    %and3A_688 = arith.andi %ne3A_686, %gt3A_687 : vector<16xi1>
    %select_n3A_689 = arith.select %and3A_688, %get3A_583, %select_n3A_680 : vector<16xi1>, vector<16xf32>
    %jit3A_690 = arith.constant 6 : i32
    %broadcast_in_dim3A_691 = vector.broadcast %jit3A_690 : i32 to vector<16xi32>
    %select_n3A_692 = arith.select %and3A_688, %broadcast_in_dim3A_691, %select_n3A_683 : vector<16xi1>, vector<16xi32>
    %ne3A_693 = arith.constant 7 : i32
    %ne3A_694 = vector.broadcast %ne3A_693 : i32 to vector<16xi32>
    %ne3A_695 = arith.cmpi ne, %select_n3A_625, %ne3A_694 : vector<16xi32>
    %gt3A_696 = arith.cmpf ogt, %get3A_588, %select_n3A_689 : vector<16xf32>
    %and3A_697 = arith.andi %ne3A_695, %gt3A_696 : vector<16xi1>
    %select_n3A_698 = arith.select %and3A_697, %get3A_588, %select_n3A_689 : vector<16xi1>, vector<16xf32>
    %jit3A_699 = arith.constant 7 : i32
    %broadcast_in_dim3A_700 = vector.broadcast %jit3A_699 : i32 to vector<16xi32>
    %select_n3A_701 = arith.select %and3A_697, %broadcast_in_dim3A_700, %select_n3A_692 : vector<16xi1>, vector<16xi32>
    %sub3A_702 = arith.subf %select_n3A_698, %select_n3A_622 : vector<16xf32>
    %exp3A_703 = math.exp %sub3A_702 : vector<16xf32>
    %add3A_704 = arith.constant 1.000000e+00 : f32
    %add3A_705 = vector.broadcast %add3A_704 : f32 to vector<16xf32>
    %add3A_706 = arith.addf %add3A_705, %exp3A_703 : vector<16xf32>
    %div3A_707 = arith.constant 1.000000e+00 : f32
    %div3A_708 = vector.broadcast %div3A_707 : f32 to vector<16xf32>
    %div3A_709 = arith.divf %div3A_708, %add3A_706 : vector<16xf32>
    %broadcast_in_dim3A_710 = arith.constant 0.000000e+00 : f32
    %broadcast_in_dim3A_711 = vector.broadcast %broadcast_in_dim3A_710 : f32 to vector<16xf32>
    %broadcast_in_dim3A_712 = arith.constant 0.000000e+00 : f32
    %broadcast_in_dim3A_713 = vector.broadcast %broadcast_in_dim3A_712 : f32 to vector<16xf32>
    %get3A_714 = arith.constant 0 : i32
    %get3A_715 = arith.index_cast %get3A_714 : i32 to index
    %get3A_716 = arith.constant 32 : index
    %get3A_717 = tpu.vector_load %arg6[%get3A_715, %get3A_716] {strides = array<i32>} : memref<8x128xf32, #tpu.memory_space<vmem>>, vector<1x16xf32>,
    %get3A_718 = vector.shape_cast %get3A_717 : vector<1x16xf32> to vector<16xf32>
    %eq3A_719 = arith.constant 0 : i32
    %eq3A_720 = vector.broadcast %eq3A_719 : i32 to vector<16xi32>
    %eq3A_721 = arith.cmpi eq, %select_n3A_625, %eq3A_720 : vector<16xi32>
    %select_n3A_722 = arith.select %eq3A_721, %get3A_718, %broadcast_in_dim3A_711 : vector<16xi1>, vector<16xf32>
    %eq3A_723 = arith.constant 0 : i32
    %eq3A_724 = vector.broadcast %eq3A_723 : i32 to vector<16xi32>
    %eq3A_725 = arith.cmpi eq, %select_n3A_701, %eq3A_724 : vector<16xi32>
    %select_n3A_726 = arith.select %eq3A_725, %get3A_718, %broadcast_in_dim3A_713 : vector<16xi1>, vector<16xf32>
    %get3A_727 = arith.constant 1 : i32
    %get3A_728 = arith.index_cast %get3A_727 : i32 to index
    %get3A_729 = arith.constant 32 : index
    %get3A_730 = tpu.vector_load %arg6[%get3A_728, %get3A_729] {strides = array<i32>} : memref<8x128xf32, #tpu.memory_space<vmem>>, vector<1x16xf32>,
    %get3A_731 = vector.shape_cast %get3A_730 : vector<1x16xf32> to vector<16xf32>
    %eq3A_732 = arith.constant 1 : i32
    %eq3A_733 = vector.broadcast %eq3A_732 : i32 to vector<16xi32>
    %eq3A_734 = arith.cmpi eq, %select_n3A_625, %eq3A_733 : vector<16xi32>
    %select_n3A_735 = arith.select %eq3A_734, %get3A_731, %select_n3A_722 : vector<16xi1>, vector<16xf32>
    %eq3A_736 = arith.constant 1 : i32
    %eq3A_737 = vector.broadcast %eq3A_736 : i32 to vector<16xi32>
    %eq3A_738 = arith.cmpi eq, %select_n3A_701, %eq3A_737 : vector<16xi32>
    %select_n3A_739 = arith.select %eq3A_738, %get3A_731, %select_n3A_726 : vector<16xi1>, vector<16xf32>
    %get3A_740 = arith.constant 2 : i32
    %get3A_741 = arith.index_cast %get3A_740 : i32 to index
    %get3A_742 = arith.constant 32 : index
    %get3A_743 = tpu.vector_load %arg6[%get3A_741, %get3A_742] {strides = array<i32>} : memref<8x128xf32, #tpu.memory_space<vmem>>, vector<1x16xf32>,
    %get3A_744 = vector.shape_cast %get3A_743 : vector<1x16xf32> to vector<16xf32>
    %eq3A_745 = arith.constant 2 : i32
    %eq3A_746 = vector.broadcast %eq3A_745 : i32 to vector<16xi32>
    %eq3A_747 = arith.cmpi eq, %select_n3A_625, %eq3A_746 : vector<16xi32>
    %select_n3A_748 = arith.select %eq3A_747, %get3A_744, %select_n3A_735 : vector<16xi1>, vector<16xf32>
    %eq3A_749 = arith.constant 2 : i32
    %eq3A_750 = vector.broadcast %eq3A_749 : i32 to vector<16xi32>
    %eq3A_751 = arith.cmpi eq, %select_n3A_701, %eq3A_750 : vector<16xi32>
    %select_n3A_752 = arith.select %eq3A_751, %get3A_744, %select_n3A_739 : vector<16xi1>, vector<16xf32>
    %get3A_753 = arith.constant 3 : i32
    %get3A_754 = arith.index_cast %get3A_753 : i32 to index
    %get3A_755 = arith.constant 32 : index
    %get3A_756 = tpu.vector_load %arg6[%get3A_754, %get3A_755] {strides = array<i32>} : memref<8x128xf32, #tpu.memory_space<vmem>>, vector<1x16xf32>,
    %get3A_757 = vector.shape_cast %get3A_756 : vector<1x16xf32> to vector<16xf32>
    %eq3A_758 = arith.constant 3 : i32
    %eq3A_759 = vector.broadcast %eq3A_758 : i32 to vector<16xi32>
    %eq3A_760 = arith.cmpi eq, %select_n3A_625, %eq3A_759 : vector<16xi32>
    %select_n3A_761 = arith.select %eq3A_760, %get3A_757, %select_n3A_748 : vector<16xi1>, vector<16xf32>
    %eq3A_762 = arith.constant 3 : i32
    %eq3A_763 = vector.broadcast %eq3A_762 : i32 to vector<16xi32>
    %eq3A_764 = arith.cmpi eq, %select_n3A_701, %eq3A_763 : vector<16xi32>
    %select_n3A_765 = arith.select %eq3A_764, %get3A_757, %select_n3A_752 : vector<16xi1>, vector<16xf32>
    %get3A_766 = arith.constant 4 : i32
    %get3A_767 = arith.index_cast %get3A_766 : i32 to index
    %get3A_768 = arith.constant 32 : index
    %get3A_769 = tpu.vector_load %arg6[%get3A_767, %get3A_768] {strides = array<i32>} : memref<8x128xf32, #tpu.memory_space<vmem>>, vector<1x16xf32>,
    %get3A_770 = vector.shape_cast %get3A_769 : vector<1x16xf32> to vector<16xf32>
    %eq3A_771 = arith.constant 4 : i32
    %eq3A_772 = vector.broadcast %eq3A_771 : i32 to vector<16xi32>
    %eq3A_773 = arith.cmpi eq, %select_n3A_625, %eq3A_772 : vector<16xi32>
    %select_n3A_774 = arith.select %eq3A_773, %get3A_770, %select_n3A_761 : vector<16xi1>, vector<16xf32>
    %eq3A_775 = arith.constant 4 : i32
    %eq3A_776 = vector.broadcast %eq3A_775 : i32 to vector<16xi32>
    %eq3A_777 = arith.cmpi eq, %select_n3A_701, %eq3A_776 : vector<16xi32>
    %select_n3A_778 = arith.select %eq3A_777, %get3A_770, %select_n3A_765 : vector<16xi1>, vector<16xf32>
    %get3A_779 = arith.constant 5 : i32
    %get3A_780 = arith.index_cast %get3A_779 : i32 to index
    %get3A_781 = arith.constant 32 : index
    %get3A_782 = tpu.vector_load %arg6[%get3A_780, %get3A_781] {strides = array<i32>} : memref<8x128xf32, #tpu.memory_space<vmem>>, vector<1x16xf32>,
    %get3A_783 = vector.shape_cast %get3A_782 : vector<1x16xf32> to vector<16xf32>
    %eq3A_784 = arith.constant 5 : i32
    %eq3A_785 = vector.broadcast %eq3A_784 : i32 to vector<16xi32>
    %eq3A_786 = arith.cmpi eq, %select_n3A_625, %eq3A_785 : vector<16xi32>
    %select_n3A_787 = arith.select %eq3A_786, %get3A_783, %select_n3A_774 : vector<16xi1>, vector<16xf32>
    %eq3A_788 = arith.constant 5 : i32
    %eq3A_789 = vector.broadcast %eq3A_788 : i32 to vector<16xi32>
    %eq3A_790 = arith.cmpi eq, %select_n3A_701, %eq3A_789 : vector<16xi32>
    %select_n3A_791 = arith.select %eq3A_790, %get3A_783, %select_n3A_778 : vector<16xi1>, vector<16xf32>
    %get3A_792 = arith.constant 6 : i32
    %get3A_793 = arith.index_cast %get3A_792 : i32 to index
    %get3A_794 = arith.constant 32 : index
    %get3A_795 = tpu.vector_load %arg6[%get3A_793, %get3A_794] {strides = array<i32>} : memref<8x128xf32, #tpu.memory_space<vmem>>, vector<1x16xf32>,
    %get3A_796 = vector.shape_cast %get3A_795 : vector<1x16xf32> to vector<16xf32>
    %eq3A_797 = arith.constant 6 : i32
    %eq3A_798 = vector.broadcast %eq3A_797 : i32 to vector<16xi32>
    %eq3A_799 = arith.cmpi eq, %select_n3A_625, %eq3A_798 : vector<16xi32>
    %select_n3A_800 = arith.select %eq3A_799, %get3A_796, %select_n3A_787 : vector<16xi1>, vector<16xf32>
    %eq3A_801 = arith.constant 6 : i32
    %eq3A_802 = vector.broadcast %eq3A_801 : i32 to vector<16xi32>
    %eq3A_803 = arith.cmpi eq, %select_n3A_701, %eq3A_802 : vector<16xi32>
    %select_n3A_804 = arith.select %eq3A_803, %get3A_796, %select_n3A_791 : vector<16xi1>, vector<16xf32>
    %get3A_805 = arith.constant 7 : i32
    %get3A_806 = arith.index_cast %get3A_805 : i32 to index
    %get3A_807 = arith.constant 32 : index
    %get3A_808 = tpu.vector_load %arg6[%get3A_806, %get3A_807] {strides = array<i32>} : memref<8x128xf32, #tpu.memory_space<vmem>>, vector<1x16xf32>,
    %get3A_809 = vector.shape_cast %get3A_808 : vector<1x16xf32> to vector<16xf32>
    %eq3A_810 = arith.constant 7 : i32
    %eq3A_811 = vector.broadcast %eq3A_810 : i32 to vector<16xi32>
    %eq3A_812 = arith.cmpi eq, %select_n3A_625, %eq3A_811 : vector<16xi32>
    %select_n3A_813 = arith.select %eq3A_812, %get3A_809, %select_n3A_800 : vector<16xi1>, vector<16xf32>
    %eq3A_814 = arith.constant 7 : i32
    %eq3A_815 = vector.broadcast %eq3A_814 : i32 to vector<16xi32>
    %eq3A_816 = arith.cmpi eq, %select_n3A_701, %eq3A_815 : vector<16xi32>
    %select_n3A_817 = arith.select %eq3A_816, %get3A_809, %select_n3A_804 : vector<16xi1>, vector<16xf32>
    %mul3A_818 = arith.mulf %div3A_709, %select_n3A_813 : vector<16xf32>
    %sub3A_819 = arith.constant 1.000000e+00 : f32
    %sub3A_820 = vector.broadcast %sub3A_819 : f32 to vector<16xf32>
    %sub3A_821 = arith.subf %sub3A_820, %div3A_709 : vector<16xf32>
    %mul3A_822 = arith.mulf %sub3A_821, %select_n3A_817 : vector<16xf32>
    %add3A_823 = arith.addf %mul3A_818, %mul3A_822 : vector<16xf32>
    %swap3A_824 = arith.constant 32 : index
    %swap3A_825 = tpu.vector_load %arg7[%swap3A_824] {strides = array<i32>} : memref<128xf32, #tpu.memory_space<vmem>>, vector<16xf32>,
    %swap3A_826 = vector.shape_cast %swap3A_825 : vector<16xf32> to vector<16xf32>
    %swap3A_827 = vector.shape_cast %add3A_823 : vector<16xf32> to vector<16xf32>
    tpu.vector_store %arg7[%swap3A_824], %swap3A_827 {strides = array<i32>} : memref<128xf32, #tpu.memory_space<vmem>>, vector<16xf32>,
    %get3A_828 = arith.constant 0 : i32
    %get3A_829 = arith.index_cast %get3A_828 : i32 to index
    %get3A_830 = arith.constant 48 : index
    %get3A_831 = tpu.vector_load %arg5[%get3A_829, %get3A_830] {strides = array<i32>} : memref<8x128xf32, #tpu.memory_space<vmem>>, vector<1x16xf32>,
    %get3A_832 = vector.shape_cast %get3A_831 : vector<1x16xf32> to vector<16xf32>
    %get3A_833 = arith.constant 1 : i32
    %get3A_834 = arith.index_cast %get3A_833 : i32 to index
    %get3A_835 = arith.constant 48 : index
    %get3A_836 = tpu.vector_load %arg5[%get3A_834, %get3A_835] {strides = array<i32>} : memref<8x128xf32, #tpu.memory_space<vmem>>, vector<1x16xf32>,
    %get3A_837 = vector.shape_cast %get3A_836 : vector<1x16xf32> to vector<16xf32>
    %get3A_838 = arith.constant 2 : i32
    %get3A_839 = arith.index_cast %get3A_838 : i32 to index
    %get3A_840 = arith.constant 48 : index
    %get3A_841 = tpu.vector_load %arg5[%get3A_839, %get3A_840] {strides = array<i32>} : memref<8x128xf32, #tpu.memory_space<vmem>>, vector<1x16xf32>,
    %get3A_842 = vector.shape_cast %get3A_841 : vector<1x16xf32> to vector<16xf32>
    %get3A_843 = arith.constant 3 : i32
    %get3A_844 = arith.index_cast %get3A_843 : i32 to index
    %get3A_845 = arith.constant 48 : index
    %get3A_846 = tpu.vector_load %arg5[%get3A_844, %get3A_845] {strides = array<i32>} : memref<8x128xf32, #tpu.memory_space<vmem>>, vector<1x16xf32>,
    %get3A_847 = vector.shape_cast %get3A_846 : vector<1x16xf32> to vector<16xf32>
    %get3A_848 = arith.constant 4 : i32
    %get3A_849 = arith.index_cast %get3A_848 : i32 to index
    %get3A_850 = arith.constant 48 : index
    %get3A_851 = tpu.vector_load %arg5[%get3A_849, %get3A_850] {strides = array<i32>} : memref<8x128xf32, #tpu.memory_space<vmem>>, vector<1x16xf32>,
    %get3A_852 = vector.shape_cast %get3A_851 : vector<1x16xf32> to vector<16xf32>
    %get3A_853 = arith.constant 5 : i32
    %get3A_854 = arith.index_cast %get3A_853 : i32 to index
    %get3A_855 = arith.constant 48 : index
    %get3A_856 = tpu.vector_load %arg5[%get3A_854, %get3A_855] {strides = array<i32>} : memref<8x128xf32, #tpu.memory_space<vmem>>, vector<1x16xf32>,
    %get3A_857 = vector.shape_cast %get3A_856 : vector<1x16xf32> to vector<16xf32>
    %get3A_858 = arith.constant 6 : i32
    %get3A_859 = arith.index_cast %get3A_858 : i32 to index
    %get3A_860 = arith.constant 48 : index
    %get3A_861 = tpu.vector_load %arg5[%get3A_859, %get3A_860] {strides = array<i32>} : memref<8x128xf32, #tpu.memory_space<vmem>>, vector<1x16xf32>,
    %get3A_862 = vector.shape_cast %get3A_861 : vector<1x16xf32> to vector<16xf32>
    %get3A_863 = arith.constant 7 : i32
    %get3A_864 = arith.index_cast %get3A_863 : i32 to index
    %get3A_865 = arith.constant 48 : index
    %get3A_866 = tpu.vector_load %arg5[%get3A_864, %get3A_865] {strides = array<i32>} : memref<8x128xf32, #tpu.memory_space<vmem>>, vector<1x16xf32>,
    %get3A_867 = vector.shape_cast %get3A_866 : vector<1x16xf32> to vector<16xf32>
    %broadcast_in_dim3A_868 = arith.constant 0 : i32
    %broadcast_in_dim3A_869 = vector.broadcast %broadcast_in_dim3A_868 : i32 to vector<16xi32>
    %gt3A_870 = arith.cmpf ogt, %get3A_837, %get3A_832 : vector<16xf32>
    %select_n3A_871 = arith.select %gt3A_870, %get3A_837, %get3A_832 : vector<16xi1>, vector<16xf32>
    %jit3A_872 = arith.constant 1 : i32
    %broadcast_in_dim3A_873 = vector.broadcast %jit3A_872 : i32 to vector<16xi32>
    %select_n3A_874 = arith.select %gt3A_870, %broadcast_in_dim3A_873, %broadcast_in_dim3A_869 : vector<16xi1>, vector<16xi32>
    %gt3A_875 = arith.cmpf ogt, %get3A_842, %select_n3A_871 : vector<16xf32>
    %select_n3A_876 = arith.select %gt3A_875, %get3A_842, %select_n3A_871 : vector<16xi1>, vector<16xf32>
    %jit3A_877 = arith.constant 2 : i32
    %broadcast_in_dim3A_878 = vector.broadcast %jit3A_877 : i32 to vector<16xi32>
    %select_n3A_879 = arith.select %gt3A_875, %broadcast_in_dim3A_878, %select_n3A_874 : vector<16xi1>, vector<16xi32>
    %gt3A_880 = arith.cmpf ogt, %get3A_847, %select_n3A_876 : vector<16xf32>
    %select_n3A_881 = arith.select %gt3A_880, %get3A_847, %select_n3A_876 : vector<16xi1>, vector<16xf32>
    %jit3A_882 = arith.constant 3 : i32
    %broadcast_in_dim3A_883 = vector.broadcast %jit3A_882 : i32 to vector<16xi32>
    %select_n3A_884 = arith.select %gt3A_880, %broadcast_in_dim3A_883, %select_n3A_879 : vector<16xi1>, vector<16xi32>
    %gt3A_885 = arith.cmpf ogt, %get3A_852, %select_n3A_881 : vector<16xf32>
    %select_n3A_886 = arith.select %gt3A_885, %get3A_852, %select_n3A_881 : vector<16xi1>, vector<16xf32>
    %jit3A_887 = arith.constant 4 : i32
    %broadcast_in_dim3A_888 = vector.broadcast %jit3A_887 : i32 to vector<16xi32>
    %select_n3A_889 = arith.select %gt3A_885, %broadcast_in_dim3A_888, %select_n3A_884 : vector<16xi1>, vector<16xi32>
    %gt3A_890 = arith.cmpf ogt, %get3A_857, %select_n3A_886 : vector<16xf32>
    %select_n3A_891 = arith.select %gt3A_890, %get3A_857, %select_n3A_886 : vector<16xi1>, vector<16xf32>
    %jit3A_892 = arith.constant 5 : i32
    %broadcast_in_dim3A_893 = vector.broadcast %jit3A_892 : i32 to vector<16xi32>
    %select_n3A_894 = arith.select %gt3A_890, %broadcast_in_dim3A_893, %select_n3A_889 : vector<16xi1>, vector<16xi32>
    %gt3A_895 = arith.cmpf ogt, %get3A_862, %select_n3A_891 : vector<16xf32>
    %select_n3A_896 = arith.select %gt3A_895, %get3A_862, %select_n3A_891 : vector<16xi1>, vector<16xf32>
    %jit3A_897 = arith.constant 6 : i32
    %broadcast_in_dim3A_898 = vector.broadcast %jit3A_897 : i32 to vector<16xi32>
    %select_n3A_899 = arith.select %gt3A_895, %broadcast_in_dim3A_898, %select_n3A_894 : vector<16xi1>, vector<16xi32>
    %gt3A_900 = arith.cmpf ogt, %get3A_867, %select_n3A_896 : vector<16xf32>
    %select_n3A_901 = arith.select %gt3A_900, %get3A_867, %select_n3A_896 : vector<16xi1>, vector<16xf32>
    %jit3A_902 = arith.constant 7 : i32
    %broadcast_in_dim3A_903 = vector.broadcast %jit3A_902 : i32 to vector<16xi32>
    %select_n3A_904 = arith.select %gt3A_900, %broadcast_in_dim3A_903, %select_n3A_899 : vector<16xi1>, vector<16xi32>
    %broadcast_in_dim3A_905 = arith.constant 0xFF800000 : f32
    %broadcast_in_dim3A_906 = vector.broadcast %broadcast_in_dim3A_905 : f32 to vector<16xf32>
    %broadcast_in_dim3A_907 = arith.constant 0 : i32
    %broadcast_in_dim3A_908 = vector.broadcast %broadcast_in_dim3A_907 : i32 to vector<16xi32>
    %ne3A_909 = arith.constant 0 : i32
    %ne3A_910 = vector.broadcast %ne3A_909 : i32 to vector<16xi32>
    %ne3A_911 = arith.cmpi ne, %select_n3A_904, %ne3A_910 : vector<16xi32>
    %gt3A_912 = arith.cmpf ogt, %get3A_832, %broadcast_in_dim3A_906 : vector<16xf32>
    %and3A_913 = arith.andi %ne3A_911, %gt3A_912 : vector<16xi1>
    %select_n3A_914 = arith.select %and3A_913, %get3A_832, %broadcast_in_dim3A_906 : vector<16xi1>, vector<16xf32>
    %jit3A_915 = arith.constant 0 : i32
    %broadcast_in_dim3A_916 = vector.broadcast %jit3A_915 : i32 to vector<16xi32>
    %select_n3A_917 = arith.select %and3A_913, %broadcast_in_dim3A_916, %broadcast_in_dim3A_908 : vector<16xi1>, vector<16xi32>
    %ne3A_918 = arith.constant 1 : i32
    %ne3A_919 = vector.broadcast %ne3A_918 : i32 to vector<16xi32>
    %ne3A_920 = arith.cmpi ne, %select_n3A_904, %ne3A_919 : vector<16xi32>
    %gt3A_921 = arith.cmpf ogt, %get3A_837, %select_n3A_914 : vector<16xf32>
    %and3A_922 = arith.andi %ne3A_920, %gt3A_921 : vector<16xi1>
    %select_n3A_923 = arith.select %and3A_922, %get3A_837, %select_n3A_914 : vector<16xi1>, vector<16xf32>
    %jit3A_924 = arith.constant 1 : i32
    %broadcast_in_dim3A_925 = vector.broadcast %jit3A_924 : i32 to vector<16xi32>
    %select_n3A_926 = arith.select %and3A_922, %broadcast_in_dim3A_925, %select_n3A_917 : vector<16xi1>, vector<16xi32>
    %ne3A_927 = arith.constant 2 : i32
    %ne3A_928 = vector.broadcast %ne3A_927 : i32 to vector<16xi32>
    %ne3A_929 = arith.cmpi ne, %select_n3A_904, %ne3A_928 : vector<16xi32>
    %gt3A_930 = arith.cmpf ogt, %get3A_842, %select_n3A_923 : vector<16xf32>
    %and3A_931 = arith.andi %ne3A_929, %gt3A_930 : vector<16xi1>
    %select_n3A_932 = arith.select %and3A_931, %get3A_842, %select_n3A_923 : vector<16xi1>, vector<16xf32>
    %jit3A_933 = arith.constant 2 : i32
    %broadcast_in_dim3A_934 = vector.broadcast %jit3A_933 : i32 to vector<16xi32>
    %select_n3A_935 = arith.select %and3A_931, %broadcast_in_dim3A_934, %select_n3A_926 : vector<16xi1>, vector<16xi32>
    %ne3A_936 = arith.constant 3 : i32
    %ne3A_937 = vector.broadcast %ne3A_936 : i32 to vector<16xi32>
    %ne3A_938 = arith.cmpi ne, %select_n3A_904, %ne3A_937 : vector<16xi32>
    %gt3A_939 = arith.cmpf ogt, %get3A_847, %select_n3A_932 : vector<16xf32>
    %and3A_940 = arith.andi %ne3A_938, %gt3A_939 : vector<16xi1>
    %select_n3A_941 = arith.select %and3A_940, %get3A_847, %select_n3A_932 : vector<16xi1>, vector<16xf32>
    %jit3A_942 = arith.constant 3 : i32
    %broadcast_in_dim3A_943 = vector.broadcast %jit3A_942 : i32 to vector<16xi32>
    %select_n3A_944 = arith.select %and3A_940, %broadcast_in_dim3A_943, %select_n3A_935 : vector<16xi1>, vector<16xi32>
    %ne3A_945 = arith.constant 4 : i32
    %ne3A_946 = vector.broadcast %ne3A_945 : i32 to vector<16xi32>
    %ne3A_947 = arith.cmpi ne, %select_n3A_904, %ne3A_946 : vector<16xi32>
    %gt3A_948 = arith.cmpf ogt, %get3A_852, %select_n3A_941 : vector<16xf32>
    %and3A_949 = arith.andi %ne3A_947, %gt3A_948 : vector<16xi1>
    %select_n3A_950 = arith.select %and3A_949, %get3A_852, %select_n3A_941 : vector<16xi1>, vector<16xf32>
    %jit3A_951 = arith.constant 4 : i32
    %broadcast_in_dim3A_952 = vector.broadcast %jit3A_951 : i32 to vector<16xi32>
    %select_n3A_953 = arith.select %and3A_949, %broadcast_in_dim3A_952, %select_n3A_944 : vector<16xi1>, vector<16xi32>
    %ne3A_954 = arith.constant 5 : i32
    %ne3A_955 = vector.broadcast %ne3A_954 : i32 to vector<16xi32>
    %ne3A_956 = arith.cmpi ne, %select_n3A_904, %ne3A_955 : vector<16xi32>
    %gt3A_957 = arith.cmpf ogt, %get3A_857, %select_n3A_950 : vector<16xf32>
    %and3A_958 = arith.andi %ne3A_956, %gt3A_957 : vector<16xi1>
    %select_n3A_959 = arith.select %and3A_958, %get3A_857, %select_n3A_950 : vector<16xi1>, vector<16xf32>
    %jit3A_960 = arith.constant 5 : i32
    %broadcast_in_dim3A_961 = vector.broadcast %jit3A_960 : i32 to vector<16xi32>
    %select_n3A_962 = arith.select %and3A_958, %broadcast_in_dim3A_961, %select_n3A_953 : vector<16xi1>, vector<16xi32>
    %ne3A_963 = arith.constant 6 : i32
    %ne3A_964 = vector.broadcast %ne3A_963 : i32 to vector<16xi32>
    %ne3A_965 = arith.cmpi ne, %select_n3A_904, %ne3A_964 : vector<16xi32>
    %gt3A_966 = arith.cmpf ogt, %get3A_862, %select_n3A_959 : vector<16xf32>
    %and3A_967 = arith.andi %ne3A_965, %gt3A_966 : vector<16xi1>
    %select_n3A_968 = arith.select %and3A_967, %get3A_862, %select_n3A_959 : vector<16xi1>, vector<16xf32>
    %jit3A_969 = arith.constant 6 : i32
    %broadcast_in_dim3A_970 = vector.broadcast %jit3A_969 : i32 to vector<16xi32>
    %select_n3A_971 = arith.select %and3A_967, %broadcast_in_dim3A_970, %select_n3A_962 : vector<16xi1>, vector<16xi32>
    %ne3A_972 = arith.constant 7 : i32
    %ne3A_973 = vector.broadcast %ne3A_972 : i32 to vector<16xi32>
    %ne3A_974 = arith.cmpi ne, %select_n3A_904, %ne3A_973 : vector<16xi32>
    %gt3A_975 = arith.cmpf ogt, %get3A_867, %select_n3A_968 : vector<16xf32>
    %and3A_976 = arith.andi %ne3A_974, %gt3A_975 : vector<16xi1>
    %select_n3A_977 = arith.select %and3A_976, %get3A_867, %select_n3A_968 : vector<16xi1>, vector<16xf32>
    %jit3A_978 = arith.constant 7 : i32
    %broadcast_in_dim3A_979 = vector.broadcast %jit3A_978 : i32 to vector<16xi32>
    %select_n3A_980 = arith.select %and3A_976, %broadcast_in_dim3A_979, %select_n3A_971 : vector<16xi1>, vector<16xi32>
    %sub3A_981 = arith.subf %select_n3A_977, %select_n3A_901 : vector<16xf32>
    %exp3A_982 = math.exp %sub3A_981 : vector<16xf32>
    %add3A_983 = arith.constant 1.000000e+00 : f32
    %add3A_984 = vector.broadcast %add3A_983 : f32 to vector<16xf32>
    %add3A_985 = arith.addf %add3A_984, %exp3A_982 : vector<16xf32>
    %div3A_986 = arith.constant 1.000000e+00 : f32
    %div3A_987 = vector.broadcast %div3A_986 : f32 to vector<16xf32>
    %div3A_988 = arith.divf %div3A_987, %add3A_985 : vector<16xf32>
    %broadcast_in_dim3A_989 = arith.constant 0.000000e+00 : f32
    %broadcast_in_dim3A_990 = vector.broadcast %broadcast_in_dim3A_989 : f32 to vector<16xf32>
    %broadcast_in_dim3A_991 = arith.constant 0.000000e+00 : f32
    %broadcast_in_dim3A_992 = vector.broadcast %broadcast_in_dim3A_991 : f32 to vector<16xf32>
    %get3A_993 = arith.constant 0 : i32
    %get3A_994 = arith.index_cast %get3A_993 : i32 to index
    %get3A_995 = arith.constant 48 : index
    %get3A_996 = tpu.vector_load %arg6[%get3A_994, %get3A_995] {strides = array<i32>} : memref<8x128xf32, #tpu.memory_space<vmem>>, vector<1x16xf32>,
    %get3A_997 = vector.shape_cast %get3A_996 : vector<1x16xf32> to vector<16xf32>
    %eq3A_998 = arith.constant 0 : i32
    %eq3A_999 = vector.broadcast %eq3A_998 : i32 to vector<16xi32>
    %eq3A_1000 = arith.cmpi eq, %select_n3A_904, %eq3A_999 : vector<16xi32>
    %select_n3A_1001 = arith.select %eq3A_1000, %get3A_997, %broadcast_in_dim3A_990 : vector<16xi1>, vector<16xf32>
    %eq3A_1002 = arith.constant 0 : i32
    %eq3A_1003 = vector.broadcast %eq3A_1002 : i32 to vector<16xi32>
    %eq3A_1004 = arith.cmpi eq, %select_n3A_980, %eq3A_1003 : vector<16xi32>
    %select_n3A_1005 = arith.select %eq3A_1004, %get3A_997, %broadcast_in_dim3A_992 : vector<16xi1>, vector<16xf32>
    %get3A_1006 = arith.constant 1 : i32
    %get3A_1007 = arith.index_cast %get3A_1006 : i32 to index
    %get3A_1008 = arith.constant 48 : index
    %get3A_1009 = tpu.vector_load %arg6[%get3A_1007, %get3A_1008] {strides = array<i32>} : memref<8x128xf32, #tpu.memory_space<vmem>>, vector<1x16xf32>,
    %get3A_1010 = vector.shape_cast %get3A_1009 : vector<1x16xf32> to vector<16xf32>
    %eq3A_1011 = arith.constant 1 : i32
    %eq3A_1012 = vector.broadcast %eq3A_1011 : i32 to vector<16xi32>
    %eq3A_1013 = arith.cmpi eq, %select_n3A_904, %eq3A_1012 : vector<16xi32>
    %select_n3A_1014 = arith.select %eq3A_1013, %get3A_1010, %select_n3A_1001 : vector<16xi1>, vector<16xf32>
    %eq3A_1015 = arith.constant 1 : i32
    %eq3A_1016 = vector.broadcast %eq3A_1015 : i32 to vector<16xi32>
    %eq3A_1017 = arith.cmpi eq, %select_n3A_980, %eq3A_1016 : vector<16xi32>
    %select_n3A_1018 = arith.select %eq3A_1017, %get3A_1010, %select_n3A_1005 : vector<16xi1>, vector<16xf32>
    %get3A_1019 = arith.constant 2 : i32
    %get3A_1020 = arith.index_cast %get3A_1019 : i32 to index
    %get3A_1021 = arith.constant 48 : index
    %get3A_1022 = tpu.vector_load %arg6[%get3A_1020, %get3A_1021] {strides = array<i32>} : memref<8x128xf32, #tpu.memory_space<vmem>>, vector<1x16xf32>,
    %get3A_1023 = vector.shape_cast %get3A_1022 : vector<1x16xf32> to vector<16xf32>
    %eq3A_1024 = arith.constant 2 : i32
    %eq3A_1025 = vector.broadcast %eq3A_1024 : i32 to vector<16xi32>
    %eq3A_1026 = arith.cmpi eq, %select_n3A_904, %eq3A_1025 : vector<16xi32>
    %select_n3A_1027 = arith.select %eq3A_1026, %get3A_1023, %select_n3A_1014 : vector<16xi1>, vector<16xf32>
    %eq3A_1028 = arith.constant 2 : i32
    %eq3A_1029 = vector.broadcast %eq3A_1028 : i32 to vector<16xi32>
    %eq3A_1030 = arith.cmpi eq, %select_n3A_980, %eq3A_1029 : vector<16xi32>
    %select_n3A_1031 = arith.select %eq3A_1030, %get3A_1023, %select_n3A_1018 : vector<16xi1>, vector<16xf32>
    %get3A_1032 = arith.constant 3 : i32
    %get3A_1033 = arith.index_cast %get3A_1032 : i32 to index
    %get3A_1034 = arith.constant 48 : index
    %get3A_1035 = tpu.vector_load %arg6[%get3A_1033, %get3A_1034] {strides = array<i32>} : memref<8x128xf32, #tpu.memory_space<vmem>>, vector<1x16xf32>,
    %get3A_1036 = vector.shape_cast %get3A_1035 : vector<1x16xf32> to vector<16xf32>
    %eq3A_1037 = arith.constant 3 : i32
    %eq3A_1038 = vector.broadcast %eq3A_1037 : i32 to vector<16xi32>
    %eq3A_1039 = arith.cmpi eq, %select_n3A_904, %eq3A_1038 : vector<16xi32>
    %select_n3A_1040 = arith.select %eq3A_1039, %get3A_1036, %select_n3A_1027 : vector<16xi1>, vector<16xf32>
    %eq3A_1041 = arith.constant 3 : i32
    %eq3A_1042 = vector.broadcast %eq3A_1041 : i32 to vector<16xi32>
    %eq3A_1043 = arith.cmpi eq, %select_n3A_980, %eq3A_1042 : vector<16xi32>
    %select_n3A_1044 = arith.select %eq3A_1043, %get3A_1036, %select_n3A_1031 : vector<16xi1>, vector<16xf32>
    %get3A_1045 = arith.constant 4 : i32
    %get3A_1046 = arith.index_cast %get3A_1045 : i32 to index
    %get3A_1047 = arith.constant 48 : index
    %get3A_1048 = tpu.vector_load %arg6[%get3A_1046, %get3A_1047] {strides = array<i32>} : memref<8x128xf32, #tpu.memory_space<vmem>>, vector<1x16xf32>,
    %get3A_1049 = vector.shape_cast %get3A_1048 : vector<1x16xf32> to vector<16xf32>
    %eq3A_1050 = arith.constant 4 : i32
    %eq3A_1051 = vector.broadcast %eq3A_1050 : i32 to vector<16xi32>
    %eq3A_1052 = arith.cmpi eq, %select_n3A_904, %eq3A_1051 : vector<16xi32>
    %select_n3A_1053 = arith.select %eq3A_1052, %get3A_1049, %select_n3A_1040 : vector<16xi1>, vector<16xf32>
    %eq3A_1054 = arith.constant 4 : i32
    %eq3A_1055 = vector.broadcast %eq3A_1054 : i32 to vector<16xi32>
    %eq3A_1056 = arith.cmpi eq, %select_n3A_980, %eq3A_1055 : vector<16xi32>
    %select_n3A_1057 = arith.select %eq3A_1056, %get3A_1049, %select_n3A_1044 : vector<16xi1>, vector<16xf32>
    %get3A_1058 = arith.constant 5 : i32
    %get3A_1059 = arith.index_cast %get3A_1058 : i32 to index
    %get3A_1060 = arith.constant 48 : index
    %get3A_1061 = tpu.vector_load %arg6[%get3A_1059, %get3A_1060] {strides = array<i32>} : memref<8x128xf32, #tpu.memory_space<vmem>>, vector<1x16xf32>,
    %get3A_1062 = vector.shape_cast %get3A_1061 : vector<1x16xf32> to vector<16xf32>
    %eq3A_1063 = arith.constant 5 : i32
    %eq3A_1064 = vector.broadcast %eq3A_1063 : i32 to vector<16xi32>
    %eq3A_1065 = arith.cmpi eq, %select_n3A_904, %eq3A_1064 : vector<16xi32>
    %select_n3A_1066 = arith.select %eq3A_1065, %get3A_1062, %select_n3A_1053 : vector<16xi1>, vector<16xf32>
    %eq3A_1067 = arith.constant 5 : i32
    %eq3A_1068 = vector.broadcast %eq3A_1067 : i32 to vector<16xi32>
    %eq3A_1069 = arith.cmpi eq, %select_n3A_980, %eq3A_1068 : vector<16xi32>
    %select_n3A_1070 = arith.select %eq3A_1069, %get3A_1062, %select_n3A_1057 : vector<16xi1>, vector<16xf32>
    %get3A_1071 = arith.constant 6 : i32
    %get3A_1072 = arith.index_cast %get3A_1071 : i32 to index
    %get3A_1073 = arith.constant 48 : index
    %get3A_1074 = tpu.vector_load %arg6[%get3A_1072, %get3A_1073] {strides = array<i32>} : memref<8x128xf32, #tpu.memory_space<vmem>>, vector<1x16xf32>,
    %get3A_1075 = vector.shape_cast %get3A_1074 : vector<1x16xf32> to vector<16xf32>
    %eq3A_1076 = arith.constant 6 : i32
    %eq3A_1077 = vector.broadcast %eq3A_1076 : i32 to vector<16xi32>
    %eq3A_1078 = arith.cmpi eq, %select_n3A_904, %eq3A_1077 : vector<16xi32>
    %select_n3A_1079 = arith.select %eq3A_1078, %get3A_1075, %select_n3A_1066 : vector<16xi1>, vector<16xf32>
    %eq3A_1080 = arith.constant 6 : i32
    %eq3A_1081 = vector.broadcast %eq3A_1080 : i32 to vector<16xi32>
    %eq3A_1082 = arith.cmpi eq, %select_n3A_980, %eq3A_1081 : vector<16xi32>
    %select_n3A_1083 = arith.select %eq3A_1082, %get3A_1075, %select_n3A_1070 : vector<16xi1>, vector<16xf32>
    %get3A_1084 = arith.constant 7 : i32
    %get3A_1085 = arith.index_cast %get3A_1084 : i32 to index
    %get3A_1086 = arith.constant 48 : index
    %get3A_1087 = tpu.vector_load %arg6[%get3A_1085, %get3A_1086] {strides = array<i32>} : memref<8x128xf32, #tpu.memory_space<vmem>>, vector<1x16xf32>,
    %get3A_1088 = vector.shape_cast %get3A_1087 : vector<1x16xf32> to vector<16xf32>
    %eq3A_1089 = arith.constant 7 : i32
    %eq3A_1090 = vector.broadcast %eq3A_1089 : i32 to vector<16xi32>
    %eq3A_1091 = arith.cmpi eq, %select_n3A_904, %eq3A_1090 : vector<16xi32>
    %select_n3A_1092 = arith.select %eq3A_1091, %get3A_1088, %select_n3A_1079 : vector<16xi1>, vector<16xf32>
    %eq3A_1093 = arith.constant 7 : i32
    %eq3A_1094 = vector.broadcast %eq3A_1093 : i32 to vector<16xi32>
    %eq3A_1095 = arith.cmpi eq, %select_n3A_980, %eq3A_1094 : vector<16xi32>
    %select_n3A_1096 = arith.select %eq3A_1095, %get3A_1088, %select_n3A_1083 : vector<16xi1>, vector<16xf32>
    %mul3A_1097 = arith.mulf %div3A_988, %select_n3A_1092 : vector<16xf32>
    %sub3A_1098 = arith.constant 1.000000e+00 : f32
    %sub3A_1099 = vector.broadcast %sub3A_1098 : f32 to vector<16xf32>
    %sub3A_1100 = arith.subf %sub3A_1099, %div3A_988 : vector<16xf32>
    %mul3A_1101 = arith.mulf %sub3A_1100, %select_n3A_1096 : vector<16xf32>
    %add3A_1102 = arith.addf %mul3A_1097, %mul3A_1101 : vector<16xf32>
    %swap3A_1103 = arith.constant 48 : index
    %swap3A_1104 = tpu.vector_load %arg7[%swap3A_1103] {strides = array<i32>} : memref<128xf32, #tpu.memory_space<vmem>>, vector<16xf32>,
    %swap3A_1105 = vector.shape_cast %swap3A_1104 : vector<16xf32> to vector<16xf32>
    %swap3A_1106 = vector.shape_cast %add3A_1102 : vector<16xf32> to vector<16xf32>
    tpu.vector_store %arg7[%swap3A_1103], %swap3A_1106 {strides = array<i32>} : memref<128xf32, #tpu.memory_space<vmem>>, vector<16xf32>,
    %get3A_1107 = arith.constant 0 : i32
    %get3A_1108 = arith.index_cast %get3A_1107 : i32 to index
    %get3A_1109 = arith.constant 64 : index
    %get3A_1110 = tpu.vector_load %arg5[%get3A_1108, %get3A_1109] {strides = array<i32>} : memref<8x128xf32, #tpu.memory_space<vmem>>, vector<1x16xf32>,
    %get3A_1111 = vector.shape_cast %get3A_1110 : vector<1x16xf32> to vector<16xf32>
    %get3A_1112 = arith.constant 1 : i32
    %get3A_1113 = arith.index_cast %get3A_1112 : i32 to index
    %get3A_1114 = arith.constant 64 : index
    %get3A_1115 = tpu.vector_load %arg5[%get3A_1113, %get3A_1114] {strides = array<i32>} : memref<8x128xf32, #tpu.memory_space<vmem>>, vector<1x16xf32>,
    %get3A_1116 = vector.shape_cast %get3A_1115 : vector<1x16xf32> to vector<16xf32>
    %get3A_1117 = arith.constant 2 : i32
    %get3A_1118 = arith.index_cast %get3A_1117 : i32 to index
    %get3A_1119 = arith.constant 64 : index
    %get3A_1120 = tpu.vector_load %arg5[%get3A_1118, %get3A_1119] {strides = array<i32>} : memref<8x128xf32, #tpu.memory_space<vmem>>, vector<1x16xf32>,
    %get3A_1121 = vector.shape_cast %get3A_1120 : vector<1x16xf32> to vector<16xf32>
    %get3A_1122 = arith.constant 3 : i32
    %get3A_1123 = arith.index_cast %get3A_1122 : i32 to index
    %get3A_1124 = arith.constant 64 : index
    %get3A_1125 = tpu.vector_load %arg5[%get3A_1123, %get3A_1124] {strides = array<i32>} : memref<8x128xf32, #tpu.memory_space<vmem>>, vector<1x16xf32>,
    %get3A_1126 = vector.shape_cast %get3A_1125 : vector<1x16xf32> to vector<16xf32>
    %get3A_1127 = arith.constant 4 : i32
    %get3A_1128 = arith.index_cast %get3A_1127 : i32 to index
    %get3A_1129 = arith.constant 64 : index
    %get3A_1130 = tpu.vector_load %arg5[%get3A_1128, %get3A_1129] {strides = array<i32>} : memref<8x128xf32, #tpu.memory_space<vmem>>, vector<1x16xf32>,
    %get3A_1131 = vector.shape_cast %get3A_1130 : vector<1x16xf32> to vector<16xf32>
    %get3A_1132 = arith.constant 5 : i32
    %get3A_1133 = arith.index_cast %get3A_1132 : i32 to index
    %get3A_1134 = arith.constant 64 : index
    %get3A_1135 = tpu.vector_load %arg5[%get3A_1133, %get3A_1134] {strides = array<i32>} : memref<8x128xf32, #tpu.memory_space<vmem>>, vector<1x16xf32>,
    %get3A_1136 = vector.shape_cast %get3A_1135 : vector<1x16xf32> to vector<16xf32>
    %get3A_1137 = arith.constant 6 : i32
    %get3A_1138 = arith.index_cast %get3A_1137 : i32 to index
    %get3A_1139 = arith.constant 64 : index
    %get3A_1140 = tpu.vector_load %arg5[%get3A_1138, %get3A_1139] {strides = array<i32>} : memref<8x128xf32, #tpu.memory_space<vmem>>, vector<1x16xf32>,
    %get3A_1141 = vector.shape_cast %get3A_1140 : vector<1x16xf32> to vector<16xf32>
    %get3A_1142 = arith.constant 7 : i32
    %get3A_1143 = arith.index_cast %get3A_1142 : i32 to index
    %get3A_1144 = arith.constant 64 : index
    %get3A_1145 = tpu.vector_load %arg5[%get3A_1143, %get3A_1144] {strides = array<i32>} : memref<8x128xf32, #tpu.memory_space<vmem>>, vector<1x16xf32>,
    %get3A_1146 = vector.shape_cast %get3A_1145 : vector<1x16xf32> to vector<16xf32>
    %broadcast_in_dim3A_1147 = arith.constant 0 : i32
    %broadcast_in_dim3A_1148 = vector.broadcast %broadcast_in_dim3A_1147 : i32 to vector<16xi32>
    %gt3A_1149 = arith.cmpf ogt, %get3A_1116, %get3A_1111 : vector<16xf32>
    %select_n3A_1150 = arith.select %gt3A_1149, %get3A_1116, %get3A_1111 : vector<16xi1>, vector<16xf32>
    %jit3A_1151 = arith.constant 1 : i32
    %broadcast_in_dim3A_1152 = vector.broadcast %jit3A_1151 : i32 to vector<16xi32>
    %select_n3A_1153 = arith.select %gt3A_1149, %broadcast_in_dim3A_1152, %broadcast_in_dim3A_1148 : vector<16xi1>, vector<16xi32>
    %gt3A_1154 = arith.cmpf ogt, %get3A_1121, %select_n3A_1150 : vector<16xf32>
    %select_n3A_1155 = arith.select %gt3A_1154, %get3A_1121, %select_n3A_1150 : vector<16xi1>, vector<16xf32>
    %jit3A_1156 = arith.constant 2 : i32
    %broadcast_in_dim3A_1157 = vector.broadcast %jit3A_1156 : i32 to vector<16xi32>
    %select_n3A_1158 = arith.select %gt3A_1154, %broadcast_in_dim3A_1157, %select_n3A_1153 : vector<16xi1>, vector<16xi32>
    %gt3A_1159 = arith.cmpf ogt, %get3A_1126, %select_n3A_1155 : vector<16xf32>
    %select_n3A_1160 = arith.select %gt3A_1159, %get3A_1126, %select_n3A_1155 : vector<16xi1>, vector<16xf32>
    %jit3A_1161 = arith.constant 3 : i32
    %broadcast_in_dim3A_1162 = vector.broadcast %jit3A_1161 : i32 to vector<16xi32>
    %select_n3A_1163 = arith.select %gt3A_1159, %broadcast_in_dim3A_1162, %select_n3A_1158 : vector<16xi1>, vector<16xi32>
    %gt3A_1164 = arith.cmpf ogt, %get3A_1131, %select_n3A_1160 : vector<16xf32>
    %select_n3A_1165 = arith.select %gt3A_1164, %get3A_1131, %select_n3A_1160 : vector<16xi1>, vector<16xf32>
    %jit3A_1166 = arith.constant 4 : i32
    %broadcast_in_dim3A_1167 = vector.broadcast %jit3A_1166 : i32 to vector<16xi32>
    %select_n3A_1168 = arith.select %gt3A_1164, %broadcast_in_dim3A_1167, %select_n3A_1163 : vector<16xi1>, vector<16xi32>
    %gt3A_1169 = arith.cmpf ogt, %get3A_1136, %select_n3A_1165 : vector<16xf32>
    %select_n3A_1170 = arith.select %gt3A_1169, %get3A_1136, %select_n3A_1165 : vector<16xi1>, vector<16xf32>
    %jit3A_1171 = arith.constant 5 : i32
    %broadcast_in_dim3A_1172 = vector.broadcast %jit3A_1171 : i32 to vector<16xi32>
    %select_n3A_1173 = arith.select %gt3A_1169, %broadcast_in_dim3A_1172, %select_n3A_1168 : vector<16xi1>, vector<16xi32>
    %gt3A_1174 = arith.cmpf ogt, %get3A_1141, %select_n3A_1170 : vector<16xf32>
    %select_n3A_1175 = arith.select %gt3A_1174, %get3A_1141, %select_n3A_1170 : vector<16xi1>, vector<16xf32>
    %jit3A_1176 = arith.constant 6 : i32
    %broadcast_in_dim3A_1177 = vector.broadcast %jit3A_1176 : i32 to vector<16xi32>
    %select_n3A_1178 = arith.select %gt3A_1174, %broadcast_in_dim3A_1177, %select_n3A_1173 : vector<16xi1>, vector<16xi32>
    %gt3A_1179 = arith.cmpf ogt, %get3A_1146, %select_n3A_1175 : vector<16xf32>
    %select_n3A_1180 = arith.select %gt3A_1179, %get3A_1146, %select_n3A_1175 : vector<16xi1>, vector<16xf32>
    %jit3A_1181 = arith.constant 7 : i32
    %broadcast_in_dim3A_1182 = vector.broadcast %jit3A_1181 : i32 to vector<16xi32>
    %select_n3A_1183 = arith.select %gt3A_1179, %broadcast_in_dim3A_1182, %select_n3A_1178 : vector<16xi1>, vector<16xi32>
    %broadcast_in_dim3A_1184 = arith.constant 0xFF800000 : f32
    %broadcast_in_dim3A_1185 = vector.broadcast %broadcast_in_dim3A_1184 : f32 to vector<16xf32>
    %broadcast_in_dim3A_1186 = arith.constant 0 : i32
    %broadcast_in_dim3A_1187 = vector.broadcast %broadcast_in_dim3A_1186 : i32 to vector<16xi32>
    %ne3A_1188 = arith.constant 0 : i32
    %ne3A_1189 = vector.broadcast %ne3A_1188 : i32 to vector<16xi32>
    %ne3A_1190 = arith.cmpi ne, %select_n3A_1183, %ne3A_1189 : vector<16xi32>
    %gt3A_1191 = arith.cmpf ogt, %get3A_1111, %broadcast_in_dim3A_1185 : vector<16xf32>
    %and3A_1192 = arith.andi %ne3A_1190, %gt3A_1191 : vector<16xi1>
    %select_n3A_1193 = arith.select %and3A_1192, %get3A_1111, %broadcast_in_dim3A_1185 : vector<16xi1>, vector<16xf32>
    %jit3A_1194 = arith.constant 0 : i32
    %broadcast_in_dim3A_1195 = vector.broadcast %jit3A_1194 : i32 to vector<16xi32>
    %select_n3A_1196 = arith.select %and3A_1192, %broadcast_in_dim3A_1195, %broadcast_in_dim3A_1187 : vector<16xi1>, vector<16xi32>
    %ne3A_1197 = arith.constant 1 : i32
    %ne3A_1198 = vector.broadcast %ne3A_1197 : i32 to vector<16xi32>
    %ne3A_1199 = arith.cmpi ne, %select_n3A_1183, %ne3A_1198 : vector<16xi32>
    %gt3A_1200 = arith.cmpf ogt, %get3A_1116, %select_n3A_1193 : vector<16xf32>
    %and3A_1201 = arith.andi %ne3A_1199, %gt3A_1200 : vector<16xi1>
    %select_n3A_1202 = arith.select %and3A_1201, %get3A_1116, %select_n3A_1193 : vector<16xi1>, vector<16xf32>
    %jit3A_1203 = arith.constant 1 : i32
    %broadcast_in_dim3A_1204 = vector.broadcast %jit3A_1203 : i32 to vector<16xi32>
    %select_n3A_1205 = arith.select %and3A_1201, %broadcast_in_dim3A_1204, %select_n3A_1196 : vector<16xi1>, vector<16xi32>
    %ne3A_1206 = arith.constant 2 : i32
    %ne3A_1207 = vector.broadcast %ne3A_1206 : i32 to vector<16xi32>
    %ne3A_1208 = arith.cmpi ne, %select_n3A_1183, %ne3A_1207 : vector<16xi32>
    %gt3A_1209 = arith.cmpf ogt, %get3A_1121, %select_n3A_1202 : vector<16xf32>
    %and3A_1210 = arith.andi %ne3A_1208, %gt3A_1209 : vector<16xi1>
    %select_n3A_1211 = arith.select %and3A_1210, %get3A_1121, %select_n3A_1202 : vector<16xi1>, vector<16xf32>
    %jit3A_1212 = arith.constant 2 : i32
    %broadcast_in_dim3A_1213 = vector.broadcast %jit3A_1212 : i32 to vector<16xi32>
    %select_n3A_1214 = arith.select %and3A_1210, %broadcast_in_dim3A_1213, %select_n3A_1205 : vector<16xi1>, vector<16xi32>
    %ne3A_1215 = arith.constant 3 : i32
    %ne3A_1216 = vector.broadcast %ne3A_1215 : i32 to vector<16xi32>
    %ne3A_1217 = arith.cmpi ne, %select_n3A_1183, %ne3A_1216 : vector<16xi32>
    %gt3A_1218 = arith.cmpf ogt, %get3A_1126, %select_n3A_1211 : vector<16xf32>
    %and3A_1219 = arith.andi %ne3A_1217, %gt3A_1218 : vector<16xi1>
    %select_n3A_1220 = arith.select %and3A_1219, %get3A_1126, %select_n3A_1211 : vector<16xi1>, vector<16xf32>
    %jit3A_1221 = arith.constant 3 : i32
    %broadcast_in_dim3A_1222 = vector.broadcast %jit3A_1221 : i32 to vector<16xi32>
    %select_n3A_1223 = arith.select %and3A_1219, %broadcast_in_dim3A_1222, %select_n3A_1214 : vector<16xi1>, vector<16xi32>
    %ne3A_1224 = arith.constant 4 : i32
    %ne3A_1225 = vector.broadcast %ne3A_1224 : i32 to vector<16xi32>
    %ne3A_1226 = arith.cmpi ne, %select_n3A_1183, %ne3A_1225 : vector<16xi32>
    %gt3A_1227 = arith.cmpf ogt, %get3A_1131, %select_n3A_1220 : vector<16xf32>
    %and3A_1228 = arith.andi %ne3A_1226, %gt3A_1227 : vector<16xi1>
    %select_n3A_1229 = arith.select %and3A_1228, %get3A_1131, %select_n3A_1220 : vector<16xi1>, vector<16xf32>
    %jit3A_1230 = arith.constant 4 : i32
    %broadcast_in_dim3A_1231 = vector.broadcast %jit3A_1230 : i32 to vector<16xi32>
    %select_n3A_1232 = arith.select %and3A_1228, %broadcast_in_dim3A_1231, %select_n3A_1223 : vector<16xi1>, vector<16xi32>
    %ne3A_1233 = arith.constant 5 : i32
    %ne3A_1234 = vector.broadcast %ne3A_1233 : i32 to vector<16xi32>
    %ne3A_1235 = arith.cmpi ne, %select_n3A_1183, %ne3A_1234 : vector<16xi32>
    %gt3A_1236 = arith.cmpf ogt, %get3A_1136, %select_n3A_1229 : vector<16xf32>
    %and3A_1237 = arith.andi %ne3A_1235, %gt3A_1236 : vector<16xi1>
    %select_n3A_1238 = arith.select %and3A_1237, %get3A_1136, %select_n3A_1229 : vector<16xi1>, vector<16xf32>
    %jit3A_1239 = arith.constant 5 : i32
    %broadcast_in_dim3A_1240 = vector.broadcast %jit3A_1239 : i32 to vector<16xi32>
    %select_n3A_1241 = arith.select %and3A_1237, %broadcast_in_dim3A_1240, %select_n3A_1232 : vector<16xi1>, vector<16xi32>
    %ne3A_1242 = arith.constant 6 : i32
    %ne3A_1243 = vector.broadcast %ne3A_1242 : i32 to vector<16xi32>
    %ne3A_1244 = arith.cmpi ne, %select_n3A_1183, %ne3A_1243 : vector<16xi32>
    %gt3A_1245 = arith.cmpf ogt, %get3A_1141, %select_n3A_1238 : vector<16xf32>
    %and3A_1246 = arith.andi %ne3A_1244, %gt3A_1245 : vector<16xi1>
    %select_n3A_1247 = arith.select %and3A_1246, %get3A_1141, %select_n3A_1238 : vector<16xi1>, vector<16xf32>
    %jit3A_1248 = arith.constant 6 : i32
    %broadcast_in_dim3A_1249 = vector.broadcast %jit3A_1248 : i32 to vector<16xi32>
    %select_n3A_1250 = arith.select %and3A_1246, %broadcast_in_dim3A_1249, %select_n3A_1241 : vector<16xi1>, vector<16xi32>
    %ne3A_1251 = arith.constant 7 : i32
    %ne3A_1252 = vector.broadcast %ne3A_1251 : i32 to vector<16xi32>
    %ne3A_1253 = arith.cmpi ne, %select_n3A_1183, %ne3A_1252 : vector<16xi32>
    %gt3A_1254 = arith.cmpf ogt, %get3A_1146, %select_n3A_1247 : vector<16xf32>
    %and3A_1255 = arith.andi %ne3A_1253, %gt3A_1254 : vector<16xi1>
    %select_n3A_1256 = arith.select %and3A_1255, %get3A_1146, %select_n3A_1247 : vector<16xi1>, vector<16xf32>
    %jit3A_1257 = arith.constant 7 : i32
    %broadcast_in_dim3A_1258 = vector.broadcast %jit3A_1257 : i32 to vector<16xi32>
    %select_n3A_1259 = arith.select %and3A_1255, %broadcast_in_dim3A_1258, %select_n3A_1250 : vector<16xi1>, vector<16xi32>
    %sub3A_1260 = arith.subf %select_n3A_1256, %select_n3A_1180 : vector<16xf32>
    %exp3A_1261 = math.exp %sub3A_1260 : vector<16xf32>
    %add3A_1262 = arith.constant 1.000000e+00 : f32
    %add3A_1263 = vector.broadcast %add3A_1262 : f32 to vector<16xf32>
    %add3A_1264 = arith.addf %add3A_1263, %exp3A_1261 : vector<16xf32>
    %div3A_1265 = arith.constant 1.000000e+00 : f32
    %div3A_1266 = vector.broadcast %div3A_1265 : f32 to vector<16xf32>
    %div3A_1267 = arith.divf %div3A_1266, %add3A_1264 : vector<16xf32>
    %broadcast_in_dim3A_1268 = arith.constant 0.000000e+00 : f32
    %broadcast_in_dim3A_1269 = vector.broadcast %broadcast_in_dim3A_1268 : f32 to vector<16xf32>
    %broadcast_in_dim3A_1270 = arith.constant 0.000000e+00 : f32
    %broadcast_in_dim3A_1271 = vector.broadcast %broadcast_in_dim3A_1270 : f32 to vector<16xf32>
    %get3A_1272 = arith.constant 0 : i32
    %get3A_1273 = arith.index_cast %get3A_1272 : i32 to index
    %get3A_1274 = arith.constant 64 : index
    %get3A_1275 = tpu.vector_load %arg6[%get3A_1273, %get3A_1274] {strides = array<i32>} : memref<8x128xf32, #tpu.memory_space<vmem>>, vector<1x16xf32>,
    %get3A_1276 = vector.shape_cast %get3A_1275 : vector<1x16xf32> to vector<16xf32>
    %eq3A_1277 = arith.constant 0 : i32
    %eq3A_1278 = vector.broadcast %eq3A_1277 : i32 to vector<16xi32>
    %eq3A_1279 = arith.cmpi eq, %select_n3A_1183, %eq3A_1278 : vector<16xi32>
    %select_n3A_1280 = arith.select %eq3A_1279, %get3A_1276, %broadcast_in_dim3A_1269 : vector<16xi1>, vector<16xf32>
    %eq3A_1281 = arith.constant 0 : i32
    %eq3A_1282 = vector.broadcast %eq3A_1281 : i32 to vector<16xi32>
    %eq3A_1283 = arith.cmpi eq, %select_n3A_1259, %eq3A_1282 : vector<16xi32>
    %select_n3A_1284 = arith.select %eq3A_1283, %get3A_1276, %broadcast_in_dim3A_1271 : vector<16xi1>, vector<16xf32>
    %get3A_1285 = arith.constant 1 : i32
    %get3A_1286 = arith.index_cast %get3A_1285 : i32 to index
    %get3A_1287 = arith.constant 64 : index
    %get3A_1288 = tpu.vector_load %arg6[%get3A_1286, %get3A_1287] {strides = array<i32>} : memref<8x128xf32, #tpu.memory_space<vmem>>, vector<1x16xf32>,
    %get3A_1289 = vector.shape_cast %get3A_1288 : vector<1x16xf32> to vector<16xf32>
    %eq3A_1290 = arith.constant 1 : i32
    %eq3A_1291 = vector.broadcast %eq3A_1290 : i32 to vector<16xi32>
    %eq3A_1292 = arith.cmpi eq, %select_n3A_1183, %eq3A_1291 : vector<16xi32>
    %select_n3A_1293 = arith.select %eq3A_1292, %get3A_1289, %select_n3A_1280 : vector<16xi1>, vector<16xf32>
    %eq3A_1294 = arith.constant 1 : i32
    %eq3A_1295 = vector.broadcast %eq3A_1294 : i32 to vector<16xi32>
    %eq3A_1296 = arith.cmpi eq, %select_n3A_1259, %eq3A_1295 : vector<16xi32>
    %select_n3A_1297 = arith.select %eq3A_1296, %get3A_1289, %select_n3A_1284 : vector<16xi1>, vector<16xf32>
    %get3A_1298 = arith.constant 2 : i32
    %get3A_1299 = arith.index_cast %get3A_1298 : i32 to index
    %get3A_1300 = arith.constant 64 : index
    %get3A_1301 = tpu.vector_load %arg6[%get3A_1299, %get3A_1300] {strides = array<i32>} : memref<8x128xf32, #tpu.memory_space<vmem>>, vector<1x16xf32>,
    %get3A_1302 = vector.shape_cast %get3A_1301 : vector<1x16xf32> to vector<16xf32>
    %eq3A_1303 = arith.constant 2 : i32
    %eq3A_1304 = vector.broadcast %eq3A_1303 : i32 to vector<16xi32>
    %eq3A_1305 = arith.cmpi eq, %select_n3A_1183, %eq3A_1304 : vector<16xi32>
    %select_n3A_1306 = arith.select %eq3A_1305, %get3A_1302, %select_n3A_1293 : vector<16xi1>, vector<16xf32>
    %eq3A_1307 = arith.constant 2 : i32
    %eq3A_1308 = vector.broadcast %eq3A_1307 : i32 to vector<16xi32>
    %eq3A_1309 = arith.cmpi eq, %select_n3A_1259, %eq3A_1308 : vector<16xi32>
    %select_n3A_1310 = arith.select %eq3A_1309, %get3A_1302, %select_n3A_1297 : vector<16xi1>, vector<16xf32>
    %get3A_1311 = arith.constant 3 : i32
    %get3A_1312 = arith.index_cast %get3A_1311 : i32 to index
    %get3A_1313 = arith.constant 64 : index
    %get3A_1314 = tpu.vector_load %arg6[%get3A_1312, %get3A_1313] {strides = array<i32>} : memref<8x128xf32, #tpu.memory_space<vmem>>, vector<1x16xf32>,
    %get3A_1315 = vector.shape_cast %get3A_1314 : vector<1x16xf32> to vector<16xf32>
    %eq3A_1316 = arith.constant 3 : i32
    %eq3A_1317 = vector.broadcast %eq3A_1316 : i32 to vector<16xi32>
    %eq3A_1318 = arith.cmpi eq, %select_n3A_1183, %eq3A_1317 : vector<16xi32>
    %select_n3A_1319 = arith.select %eq3A_1318, %get3A_1315, %select_n3A_1306 : vector<16xi1>, vector<16xf32>
    %eq3A_1320 = arith.constant 3 : i32
    %eq3A_1321 = vector.broadcast %eq3A_1320 : i32 to vector<16xi32>
    %eq3A_1322 = arith.cmpi eq, %select_n3A_1259, %eq3A_1321 : vector<16xi32>
    %select_n3A_1323 = arith.select %eq3A_1322, %get3A_1315, %select_n3A_1310 : vector<16xi1>, vector<16xf32>
    %get3A_1324 = arith.constant 4 : i32
    %get3A_1325 = arith.index_cast %get3A_1324 : i32 to index
    %get3A_1326 = arith.constant 64 : index
    %get3A_1327 = tpu.vector_load %arg6[%get3A_1325, %get3A_1326] {strides = array<i32>} : memref<8x128xf32, #tpu.memory_space<vmem>>, vector<1x16xf32>,
    %get3A_1328 = vector.shape_cast %get3A_1327 : vector<1x16xf32> to vector<16xf32>
    %eq3A_1329 = arith.constant 4 : i32
    %eq3A_1330 = vector.broadcast %eq3A_1329 : i32 to vector<16xi32>
    %eq3A_1331 = arith.cmpi eq, %select_n3A_1183, %eq3A_1330 : vector<16xi32>
    %select_n3A_1332 = arith.select %eq3A_1331, %get3A_1328, %select_n3A_1319 : vector<16xi1>, vector<16xf32>
    %eq3A_1333 = arith.constant 4 : i32
    %eq3A_1334 = vector.broadcast %eq3A_1333 : i32 to vector<16xi32>
    %eq3A_1335 = arith.cmpi eq, %select_n3A_1259, %eq3A_1334 : vector<16xi32>
    %select_n3A_1336 = arith.select %eq3A_1335, %get3A_1328, %select_n3A_1323 : vector<16xi1>, vector<16xf32>
    %get3A_1337 = arith.constant 5 : i32
    %get3A_1338 = arith.index_cast %get3A_1337 : i32 to index
    %get3A_1339 = arith.constant 64 : index
    %get3A_1340 = tpu.vector_load %arg6[%get3A_1338, %get3A_1339] {strides = array<i32>} : memref<8x128xf32, #tpu.memory_space<vmem>>, vector<1x16xf32>,
    %get3A_1341 = vector.shape_cast %get3A_1340 : vector<1x16xf32> to vector<16xf32>
    %eq3A_1342 = arith.constant 5 : i32
    %eq3A_1343 = vector.broadcast %eq3A_1342 : i32 to vector<16xi32>
    %eq3A_1344 = arith.cmpi eq, %select_n3A_1183, %eq3A_1343 : vector<16xi32>
    %select_n3A_1345 = arith.select %eq3A_1344, %get3A_1341, %select_n3A_1332 : vector<16xi1>, vector<16xf32>
    %eq3A_1346 = arith.constant 5 : i32
    %eq3A_1347 = vector.broadcast %eq3A_1346 : i32 to vector<16xi32>
    %eq3A_1348 = arith.cmpi eq, %select_n3A_1259, %eq3A_1347 : vector<16xi32>
    %select_n3A_1349 = arith.select %eq3A_1348, %get3A_1341, %select_n3A_1336 : vector<16xi1>, vector<16xf32>
    %get3A_1350 = arith.constant 6 : i32
    %get3A_1351 = arith.index_cast %get3A_1350 : i32 to index
    %get3A_1352 = arith.constant 64 : index
    %get3A_1353 = tpu.vector_load %arg6[%get3A_1351, %get3A_1352] {strides = array<i32>} : memref<8x128xf32, #tpu.memory_space<vmem>>, vector<1x16xf32>,
    %get3A_1354 = vector.shape_cast %get3A_1353 : vector<1x16xf32> to vector<16xf32>
    %eq3A_1355 = arith.constant 6 : i32
    %eq3A_1356 = vector.broadcast %eq3A_1355 : i32 to vector<16xi32>
    %eq3A_1357 = arith.cmpi eq, %select_n3A_1183, %eq3A_1356 : vector<16xi32>
    %select_n3A_1358 = arith.select %eq3A_1357, %get3A_1354, %select_n3A_1345 : vector<16xi1>, vector<16xf32>
    %eq3A_1359 = arith.constant 6 : i32
    %eq3A_1360 = vector.broadcast %eq3A_1359 : i32 to vector<16xi32>
    %eq3A_1361 = arith.cmpi eq, %select_n3A_1259, %eq3A_1360 : vector<16xi32>
    %select_n3A_1362 = arith.select %eq3A_1361, %get3A_1354, %select_n3A_1349 : vector<16xi1>, vector<16xf32>
    %get3A_1363 = arith.constant 7 : i32
    %get3A_1364 = arith.index_cast %get3A_1363 : i32 to index
    %get3A_1365 = arith.constant 64 : index
    %get3A_1366 = tpu.vector_load %arg6[%get3A_1364, %get3A_1365] {strides = array<i32>} : memref<8x128xf32, #tpu.memory_space<vmem>>, vector<1x16xf32>,
    %get3A_1367 = vector.shape_cast %get3A_1366 : vector<1x16xf32> to vector<16xf32>
    %eq3A_1368 = arith.constant 7 : i32
    %eq3A_1369 = vector.broadcast %eq3A_1368 : i32 to vector<16xi32>
    %eq3A_1370 = arith.cmpi eq, %select_n3A_1183, %eq3A_1369 : vector<16xi32>
    %select_n3A_1371 = arith.select %eq3A_1370, %get3A_1367, %select_n3A_1358 : vector<16xi1>, vector<16xf32>
    %eq3A_1372 = arith.constant 7 : i32
    %eq3A_1373 = vector.broadcast %eq3A_1372 : i32 to vector<16xi32>
    %eq3A_1374 = arith.cmpi eq, %select_n3A_1259, %eq3A_1373 : vector<16xi32>
    %select_n3A_1375 = arith.select %eq3A_1374, %get3A_1367, %select_n3A_1362 : vector<16xi1>, vector<16xf32>
    %mul3A_1376 = arith.mulf %div3A_1267, %select_n3A_1371 : vector<16xf32>
    %sub3A_1377 = arith.constant 1.000000e+00 : f32
    %sub3A_1378 = vector.broadcast %sub3A_1377 : f32 to vector<16xf32>
    %sub3A_1379 = arith.subf %sub3A_1378, %div3A_1267 : vector<16xf32>
    %mul3A_1380 = arith.mulf %sub3A_1379, %select_n3A_1375 : vector<16xf32>
    %add3A_1381 = arith.addf %mul3A_1376, %mul3A_1380 : vector<16xf32>
    %swap3A_1382 = arith.constant 64 : index
    %swap3A_1383 = tpu.vector_load %arg7[%swap3A_1382] {strides = array<i32>} : memref<128xf32, #tpu.memory_space<vmem>>, vector<16xf32>,
    %swap3A_1384 = vector.shape_cast %swap3A_1383 : vector<16xf32> to vector<16xf32>
    %swap3A_1385 = vector.shape_cast %add3A_1381 : vector<16xf32> to vector<16xf32>
    tpu.vector_store %arg7[%swap3A_1382], %swap3A_1385 {strides = array<i32>} : memref<128xf32, #tpu.memory_space<vmem>>, vector<16xf32>,
    %get3A_1386 = arith.constant 0 : i32
    %get3A_1387 = arith.index_cast %get3A_1386 : i32 to index
    %get3A_1388 = arith.constant 80 : index
    %get3A_1389 = tpu.vector_load %arg5[%get3A_1387, %get3A_1388] {strides = array<i32>} : memref<8x128xf32, #tpu.memory_space<vmem>>, vector<1x16xf32>,
    %get3A_1390 = vector.shape_cast %get3A_1389 : vector<1x16xf32> to vector<16xf32>
    %get3A_1391 = arith.constant 1 : i32
    %get3A_1392 = arith.index_cast %get3A_1391 : i32 to index
    %get3A_1393 = arith.constant 80 : index
    %get3A_1394 = tpu.vector_load %arg5[%get3A_1392, %get3A_1393] {strides = array<i32>} : memref<8x128xf32, #tpu.memory_space<vmem>>, vector<1x16xf32>,
    %get3A_1395 = vector.shape_cast %get3A_1394 : vector<1x16xf32> to vector<16xf32>
    %get3A_1396 = arith.constant 2 : i32
    %get3A_1397 = arith.index_cast %get3A_1396 : i32 to index
    %get3A_1398 = arith.constant 80 : index
    %get3A_1399 = tpu.vector_load %arg5[%get3A_1397, %get3A_1398] {strides = array<i32>} : memref<8x128xf32, #tpu.memory_space<vmem>>, vector<1x16xf32>,
    %get3A_1400 = vector.shape_cast %get3A_1399 : vector<1x16xf32> to vector<16xf32>
    %get3A_1401 = arith.constant 3 : i32
    %get3A_1402 = arith.index_cast %get3A_1401 : i32 to index
    %get3A_1403 = arith.constant 80 : index
    %get3A_1404 = tpu.vector_load %arg5[%get3A_1402, %get3A_1403] {strides = array<i32>} : memref<8x128xf32, #tpu.memory_space<vmem>>, vector<1x16xf32>,
    %get3A_1405 = vector.shape_cast %get3A_1404 : vector<1x16xf32> to vector<16xf32>
    %get3A_1406 = arith.constant 4 : i32
    %get3A_1407 = arith.index_cast %get3A_1406 : i32 to index
    %get3A_1408 = arith.constant 80 : index
    %get3A_1409 = tpu.vector_load %arg5[%get3A_1407, %get3A_1408] {strides = array<i32>} : memref<8x128xf32, #tpu.memory_space<vmem>>, vector<1x16xf32>,
    %get3A_1410 = vector.shape_cast %get3A_1409 : vector<1x16xf32> to vector<16xf32>
    %get3A_1411 = arith.constant 5 : i32
    %get3A_1412 = arith.index_cast %get3A_1411 : i32 to index
    %get3A_1413 = arith.constant 80 : index
    %get3A_1414 = tpu.vector_load %arg5[%get3A_1412, %get3A_1413] {strides = array<i32>} : memref<8x128xf32, #tpu.memory_space<vmem>>, vector<1x16xf32>,
    %get3A_1415 = vector.shape_cast %get3A_1414 : vector<1x16xf32> to vector<16xf32>
    %get3A_1416 = arith.constant 6 : i32
    %get3A_1417 = arith.index_cast %get3A_1416 : i32 to index
    %get3A_1418 = arith.constant 80 : index
    %get3A_1419 = tpu.vector_load %arg5[%get3A_1417, %get3A_1418] {strides = array<i32>} : memref<8x128xf32, #tpu.memory_space<vmem>>, vector<1x16xf32>,
    %get3A_1420 = vector.shape_cast %get3A_1419 : vector<1x16xf32> to vector<16xf32>
    %get3A_1421 = arith.constant 7 : i32
    %get3A_1422 = arith.index_cast %get3A_1421 : i32 to index
    %get3A_1423 = arith.constant 80 : index
    %get3A_1424 = tpu.vector_load %arg5[%get3A_1422, %get3A_1423] {strides = array<i32>} : memref<8x128xf32, #tpu.memory_space<vmem>>, vector<1x16xf32>,
    %get3A_1425 = vector.shape_cast %get3A_1424 : vector<1x16xf32> to vector<16xf32>
    %broadcast_in_dim3A_1426 = arith.constant 0 : i32
    %broadcast_in_dim3A_1427 = vector.broadcast %broadcast_in_dim3A_1426 : i32 to vector<16xi32>
    %gt3A_1428 = arith.cmpf ogt, %get3A_1395, %get3A_1390 : vector<16xf32>
    %select_n3A_1429 = arith.select %gt3A_1428, %get3A_1395, %get3A_1390 : vector<16xi1>, vector<16xf32>
    %jit3A_1430 = arith.constant 1 : i32
    %broadcast_in_dim3A_1431 = vector.broadcast %jit3A_1430 : i32 to vector<16xi32>
    %select_n3A_1432 = arith.select %gt3A_1428, %broadcast_in_dim3A_1431, %broadcast_in_dim3A_1427 : vector<16xi1>, vector<16xi32>
    %gt3A_1433 = arith.cmpf ogt, %get3A_1400, %select_n3A_1429 : vector<16xf32>
    %select_n3A_1434 = arith.select %gt3A_1433, %get3A_1400, %select_n3A_1429 : vector<16xi1>, vector<16xf32>
    %jit3A_1435 = arith.constant 2 : i32
    %broadcast_in_dim3A_1436 = vector.broadcast %jit3A_1435 : i32 to vector<16xi32>
    %select_n3A_1437 = arith.select %gt3A_1433, %broadcast_in_dim3A_1436, %select_n3A_1432 : vector<16xi1>, vector<16xi32>
    %gt3A_1438 = arith.cmpf ogt, %get3A_1405, %select_n3A_1434 : vector<16xf32>
    %select_n3A_1439 = arith.select %gt3A_1438, %get3A_1405, %select_n3A_1434 : vector<16xi1>, vector<16xf32>
    %jit3A_1440 = arith.constant 3 : i32
    %broadcast_in_dim3A_1441 = vector.broadcast %jit3A_1440 : i32 to vector<16xi32>
    %select_n3A_1442 = arith.select %gt3A_1438, %broadcast_in_dim3A_1441, %select_n3A_1437 : vector<16xi1>, vector<16xi32>
    %gt3A_1443 = arith.cmpf ogt, %get3A_1410, %select_n3A_1439 : vector<16xf32>
    %select_n3A_1444 = arith.select %gt3A_1443, %get3A_1410, %select_n3A_1439 : vector<16xi1>, vector<16xf32>
    %jit3A_1445 = arith.constant 4 : i32
    %broadcast_in_dim3A_1446 = vector.broadcast %jit3A_1445 : i32 to vector<16xi32>
    %select_n3A_1447 = arith.select %gt3A_1443, %broadcast_in_dim3A_1446, %select_n3A_1442 : vector<16xi1>, vector<16xi32>
    %gt3A_1448 = arith.cmpf ogt, %get3A_1415, %select_n3A_1444 : vector<16xf32>
    %select_n3A_1449 = arith.select %gt3A_1448, %get3A_1415, %select_n3A_1444 : vector<16xi1>, vector<16xf32>
    %jit3A_1450 = arith.constant 5 : i32
    %broadcast_in_dim3A_1451 = vector.broadcast %jit3A_1450 : i32 to vector<16xi32>
    %select_n3A_1452 = arith.select %gt3A_1448, %broadcast_in_dim3A_1451, %select_n3A_1447 : vector<16xi1>, vector<16xi32>
    %gt3A_1453 = arith.cmpf ogt, %get3A_1420, %select_n3A_1449 : vector<16xf32>
    %select_n3A_1454 = arith.select %gt3A_1453, %get3A_1420, %select_n3A_1449 : vector<16xi1>, vector<16xf32>
    %jit3A_1455 = arith.constant 6 : i32
    %broadcast_in_dim3A_1456 = vector.broadcast %jit3A_1455 : i32 to vector<16xi32>
    %select_n3A_1457 = arith.select %gt3A_1453, %broadcast_in_dim3A_1456, %select_n3A_1452 : vector<16xi1>, vector<16xi32>
    %gt3A_1458 = arith.cmpf ogt, %get3A_1425, %select_n3A_1454 : vector<16xf32>
    %select_n3A_1459 = arith.select %gt3A_1458, %get3A_1425, %select_n3A_1454 : vector<16xi1>, vector<16xf32>
    %jit3A_1460 = arith.constant 7 : i32
    %broadcast_in_dim3A_1461 = vector.broadcast %jit3A_1460 : i32 to vector<16xi32>
    %select_n3A_1462 = arith.select %gt3A_1458, %broadcast_in_dim3A_1461, %select_n3A_1457 : vector<16xi1>, vector<16xi32>
    %broadcast_in_dim3A_1463 = arith.constant 0xFF800000 : f32
    %broadcast_in_dim3A_1464 = vector.broadcast %broadcast_in_dim3A_1463 : f32 to vector<16xf32>
    %broadcast_in_dim3A_1465 = arith.constant 0 : i32
    %broadcast_in_dim3A_1466 = vector.broadcast %broadcast_in_dim3A_1465 : i32 to vector<16xi32>
    %ne3A_1467 = arith.constant 0 : i32
    %ne3A_1468 = vector.broadcast %ne3A_1467 : i32 to vector<16xi32>
    %ne3A_1469 = arith.cmpi ne, %select_n3A_1462, %ne3A_1468 : vector<16xi32>
    %gt3A_1470 = arith.cmpf ogt, %get3A_1390, %broadcast_in_dim3A_1464 : vector<16xf32>
    %and3A_1471 = arith.andi %ne3A_1469, %gt3A_1470 : vector<16xi1>
    %select_n3A_1472 = arith.select %and3A_1471, %get3A_1390, %broadcast_in_dim3A_1464 : vector<16xi1>, vector<16xf32>
    %jit3A_1473 = arith.constant 0 : i32
    %broadcast_in_dim3A_1474 = vector.broadcast %jit3A_1473 : i32 to vector<16xi32>
    %select_n3A_1475 = arith.select %and3A_1471, %broadcast_in_dim3A_1474, %broadcast_in_dim3A_1466 : vector<16xi1>, vector<16xi32>
    %ne3A_1476 = arith.constant 1 : i32
    %ne3A_1477 = vector.broadcast %ne3A_1476 : i32 to vector<16xi32>
    %ne3A_1478 = arith.cmpi ne, %select_n3A_1462, %ne3A_1477 : vector<16xi32>
    %gt3A_1479 = arith.cmpf ogt, %get3A_1395, %select_n3A_1472 : vector<16xf32>
    %and3A_1480 = arith.andi %ne3A_1478, %gt3A_1479 : vector<16xi1>
    %select_n3A_1481 = arith.select %and3A_1480, %get3A_1395, %select_n3A_1472 : vector<16xi1>, vector<16xf32>
    %jit3A_1482 = arith.constant 1 : i32
    %broadcast_in_dim3A_1483 = vector.broadcast %jit3A_1482 : i32 to vector<16xi32>
    %select_n3A_1484 = arith.select %and3A_1480, %broadcast_in_dim3A_1483, %select_n3A_1475 : vector<16xi1>, vector<16xi32>
    %ne3A_1485 = arith.constant 2 : i32
    %ne3A_1486 = vector.broadcast %ne3A_1485 : i32 to vector<16xi32>
    %ne3A_1487 = arith.cmpi ne, %select_n3A_1462, %ne3A_1486 : vector<16xi32>
    %gt3A_1488 = arith.cmpf ogt, %get3A_1400, %select_n3A_1481 : vector<16xf32>
    %and3A_1489 = arith.andi %ne3A_1487, %gt3A_1488 : vector<16xi1>
    %select_n3A_1490 = arith.select %and3A_1489, %get3A_1400, %select_n3A_1481 : vector<16xi1>, vector<16xf32>
    %jit3A_1491 = arith.constant 2 : i32
    %broadcast_in_dim3A_1492 = vector.broadcast %jit3A_1491 : i32 to vector<16xi32>
    %select_n3A_1493 = arith.select %and3A_1489, %broadcast_in_dim3A_1492, %select_n3A_1484 : vector<16xi1>, vector<16xi32>
    %ne3A_1494 = arith.constant 3 : i32
    %ne3A_1495 = vector.broadcast %ne3A_1494 : i32 to vector<16xi32>
    %ne3A_1496 = arith.cmpi ne, %select_n3A_1462, %ne3A_1495 : vector<16xi32>
    %gt3A_1497 = arith.cmpf ogt, %get3A_1405, %select_n3A_1490 : vector<16xf32>
    %and3A_1498 = arith.andi %ne3A_1496, %gt3A_1497 : vector<16xi1>
    %select_n3A_1499 = arith.select %and3A_1498, %get3A_1405, %select_n3A_1490 : vector<16xi1>, vector<16xf32>
    %jit3A_1500 = arith.constant 3 : i32
    %broadcast_in_dim3A_1501 = vector.broadcast %jit3A_1500 : i32 to vector<16xi32>
    %select_n3A_1502 = arith.select %and3A_1498, %broadcast_in_dim3A_1501, %select_n3A_1493 : vector<16xi1>, vector<16xi32>
    %ne3A_1503 = arith.constant 4 : i32
    %ne3A_1504 = vector.broadcast %ne3A_1503 : i32 to vector<16xi32>
    %ne3A_1505 = arith.cmpi ne, %select_n3A_1462, %ne3A_1504 : vector<16xi32>
    %gt3A_1506 = arith.cmpf ogt, %get3A_1410, %select_n3A_1499 : vector<16xf32>
    %and3A_1507 = arith.andi %ne3A_1505, %gt3A_1506 : vector<16xi1>
    %select_n3A_1508 = arith.select %and3A_1507, %get3A_1410, %select_n3A_1499 : vector<16xi1>, vector<16xf32>
    %jit3A_1509 = arith.constant 4 : i32
    %broadcast_in_dim3A_1510 = vector.broadcast %jit3A_1509 : i32 to vector<16xi32>
    %select_n3A_1511 = arith.select %and3A_1507, %broadcast_in_dim3A_1510, %select_n3A_1502 : vector<16xi1>, vector<16xi32>
    %ne3A_1512 = arith.constant 5 : i32
    %ne3A_1513 = vector.broadcast %ne3A_1512 : i32 to vector<16xi32>
    %ne3A_1514 = arith.cmpi ne, %select_n3A_1462, %ne3A_1513 : vector<16xi32>
    %gt3A_1515 = arith.cmpf ogt, %get3A_1415, %select_n3A_1508 : vector<16xf32>
    %and3A_1516 = arith.andi %ne3A_1514, %gt3A_1515 : vector<16xi1>
    %select_n3A_1517 = arith.select %and3A_1516, %get3A_1415, %select_n3A_1508 : vector<16xi1>, vector<16xf32>
    %jit3A_1518 = arith.constant 5 : i32
    %broadcast_in_dim3A_1519 = vector.broadcast %jit3A_1518 : i32 to vector<16xi32>
    %select_n3A_1520 = arith.select %and3A_1516, %broadcast_in_dim3A_1519, %select_n3A_1511 : vector<16xi1>, vector<16xi32>
    %ne3A_1521 = arith.constant 6 : i32
    %ne3A_1522 = vector.broadcast %ne3A_1521 : i32 to vector<16xi32>
    %ne3A_1523 = arith.cmpi ne, %select_n3A_1462, %ne3A_1522 : vector<16xi32>
    %gt3A_1524 = arith.cmpf ogt, %get3A_1420, %select_n3A_1517 : vector<16xf32>
    %and3A_1525 = arith.andi %ne3A_1523, %gt3A_1524 : vector<16xi1>
    %select_n3A_1526 = arith.select %and3A_1525, %get3A_1420, %select_n3A_1517 : vector<16xi1>, vector<16xf32>
    %jit3A_1527 = arith.constant 6 : i32
    %broadcast_in_dim3A_1528 = vector.broadcast %jit3A_1527 : i32 to vector<16xi32>
    %select_n3A_1529 = arith.select %and3A_1525, %broadcast_in_dim3A_1528, %select_n3A_1520 : vector<16xi1>, vector<16xi32>
    %ne3A_1530 = arith.constant 7 : i32
    %ne3A_1531 = vector.broadcast %ne3A_1530 : i32 to vector<16xi32>
    %ne3A_1532 = arith.cmpi ne, %select_n3A_1462, %ne3A_1531 : vector<16xi32>
    %gt3A_1533 = arith.cmpf ogt, %get3A_1425, %select_n3A_1526 : vector<16xf32>
    %and3A_1534 = arith.andi %ne3A_1532, %gt3A_1533 : vector<16xi1>
    %select_n3A_1535 = arith.select %and3A_1534, %get3A_1425, %select_n3A_1526 : vector<16xi1>, vector<16xf32>
    %jit3A_1536 = arith.constant 7 : i32
    %broadcast_in_dim3A_1537 = vector.broadcast %jit3A_1536 : i32 to vector<16xi32>
    %select_n3A_1538 = arith.select %and3A_1534, %broadcast_in_dim3A_1537, %select_n3A_1529 : vector<16xi1>, vector<16xi32>
    %sub3A_1539 = arith.subf %select_n3A_1535, %select_n3A_1459 : vector<16xf32>
    %exp3A_1540 = math.exp %sub3A_1539 : vector<16xf32>
    %add3A_1541 = arith.constant 1.000000e+00 : f32
    %add3A_1542 = vector.broadcast %add3A_1541 : f32 to vector<16xf32>
    %add3A_1543 = arith.addf %add3A_1542, %exp3A_1540 : vector<16xf32>
    %div3A_1544 = arith.constant 1.000000e+00 : f32
    %div3A_1545 = vector.broadcast %div3A_1544 : f32 to vector<16xf32>
    %div3A_1546 = arith.divf %div3A_1545, %add3A_1543 : vector<16xf32>
    %broadcast_in_dim3A_1547 = arith.constant 0.000000e+00 : f32
    %broadcast_in_dim3A_1548 = vector.broadcast %broadcast_in_dim3A_1547 : f32 to vector<16xf32>
    %broadcast_in_dim3A_1549 = arith.constant 0.000000e+00 : f32
    %broadcast_in_dim3A_1550 = vector.broadcast %broadcast_in_dim3A_1549 : f32 to vector<16xf32>
    %get3A_1551 = arith.constant 0 : i32
    %get3A_1552 = arith.index_cast %get3A_1551 : i32 to index
    %get3A_1553 = arith.constant 80 : index
    %get3A_1554 = tpu.vector_load %arg6[%get3A_1552, %get3A_1553] {strides = array<i32>} : memref<8x128xf32, #tpu.memory_space<vmem>>, vector<1x16xf32>,
    %get3A_1555 = vector.shape_cast %get3A_1554 : vector<1x16xf32> to vector<16xf32>
    %eq3A_1556 = arith.constant 0 : i32
    %eq3A_1557 = vector.broadcast %eq3A_1556 : i32 to vector<16xi32>
    %eq3A_1558 = arith.cmpi eq, %select_n3A_1462, %eq3A_1557 : vector<16xi32>
    %select_n3A_1559 = arith.select %eq3A_1558, %get3A_1555, %broadcast_in_dim3A_1548 : vector<16xi1>, vector<16xf32>
    %eq3A_1560 = arith.constant 0 : i32
    %eq3A_1561 = vector.broadcast %eq3A_1560 : i32 to vector<16xi32>
    %eq3A_1562 = arith.cmpi eq, %select_n3A_1538, %eq3A_1561 : vector<16xi32>
    %select_n3A_1563 = arith.select %eq3A_1562, %get3A_1555, %broadcast_in_dim3A_1550 : vector<16xi1>, vector<16xf32>
    %get3A_1564 = arith.constant 1 : i32
    %get3A_1565 = arith.index_cast %get3A_1564 : i32 to index
    %get3A_1566 = arith.constant 80 : index
    %get3A_1567 = tpu.vector_load %arg6[%get3A_1565, %get3A_1566] {strides = array<i32>} : memref<8x128xf32, #tpu.memory_space<vmem>>, vector<1x16xf32>,
    %get3A_1568 = vector.shape_cast %get3A_1567 : vector<1x16xf32> to vector<16xf32>
    %eq3A_1569 = arith.constant 1 : i32
    %eq3A_1570 = vector.broadcast %eq3A_1569 : i32 to vector<16xi32>
    %eq3A_1571 = arith.cmpi eq, %select_n3A_1462, %eq3A_1570 : vector<16xi32>
    %select_n3A_1572 = arith.select %eq3A_1571, %get3A_1568, %select_n3A_1559 : vector<16xi1>, vector<16xf32>
    %eq3A_1573 = arith.constant 1 : i32
    %eq3A_1574 = vector.broadcast %eq3A_1573 : i32 to vector<16xi32>
    %eq3A_1575 = arith.cmpi eq, %select_n3A_1538, %eq3A_1574 : vector<16xi32>
    %select_n3A_1576 = arith.select %eq3A_1575, %get3A_1568, %select_n3A_1563 : vector<16xi1>, vector<16xf32>
    %get3A_1577 = arith.constant 2 : i32
    %get3A_1578 = arith.index_cast %get3A_1577 : i32 to index
    %get3A_1579 = arith.constant 80 : index
    %get3A_1580 = tpu.vector_load %arg6[%get3A_1578, %get3A_1579] {strides = array<i32>} : memref<8x128xf32, #tpu.memory_space<vmem>>, vector<1x16xf32>,
    %get3A_1581 = vector.shape_cast %get3A_1580 : vector<1x16xf32> to vector<16xf32>
    %eq3A_1582 = arith.constant 2 : i32
    %eq3A_1583 = vector.broadcast %eq3A_1582 : i32 to vector<16xi32>
    %eq3A_1584 = arith.cmpi eq, %select_n3A_1462, %eq3A_1583 : vector<16xi32>
    %select_n3A_1585 = arith.select %eq3A_1584, %get3A_1581, %select_n3A_1572 : vector<16xi1>, vector<16xf32>
    %eq3A_1586 = arith.constant 2 : i32
    %eq3A_1587 = vector.broadcast %eq3A_1586 : i32 to vector<16xi32>
    %eq3A_1588 = arith.cmpi eq, %select_n3A_1538, %eq3A_1587 : vector<16xi32>
    %select_n3A_1589 = arith.select %eq3A_1588, %get3A_1581, %select_n3A_1576 : vector<16xi1>, vector<16xf32>
    %get3A_1590 = arith.constant 3 : i32
    %get3A_1591 = arith.index_cast %get3A_1590 : i32 to index
    %get3A_1592 = arith.constant 80 : index
    %get3A_1593 = tpu.vector_load %arg6[%get3A_1591, %get3A_1592] {strides = array<i32>} : memref<8x128xf32, #tpu.memory_space<vmem>>, vector<1x16xf32>,
    %get3A_1594 = vector.shape_cast %get3A_1593 : vector<1x16xf32> to vector<16xf32>
    %eq3A_1595 = arith.constant 3 : i32
    %eq3A_1596 = vector.broadcast %eq3A_1595 : i32 to vector<16xi32>
    %eq3A_1597 = arith.cmpi eq, %select_n3A_1462, %eq3A_1596 : vector<16xi32>
    %select_n3A_1598 = arith.select %eq3A_1597, %get3A_1594, %select_n3A_1585 : vector<16xi1>, vector<16xf32>
    %eq3A_1599 = arith.constant 3 : i32
    %eq3A_1600 = vector.broadcast %eq3A_1599 : i32 to vector<16xi32>
    %eq3A_1601 = arith.cmpi eq, %select_n3A_1538, %eq3A_1600 : vector<16xi32>
    %select_n3A_1602 = arith.select %eq3A_1601, %get3A_1594, %select_n3A_1589 : vector<16xi1>, vector<16xf32>
    %get3A_1603 = arith.constant 4 : i32
    %get3A_1604 = arith.index_cast %get3A_1603 : i32 to index
    %get3A_1605 = arith.constant 80 : index
    %get3A_1606 = tpu.vector_load %arg6[%get3A_1604, %get3A_1605] {strides = array<i32>} : memref<8x128xf32, #tpu.memory_space<vmem>>, vector<1x16xf32>,
    %get3A_1607 = vector.shape_cast %get3A_1606 : vector<1x16xf32> to vector<16xf32>
    %eq3A_1608 = arith.constant 4 : i32
    %eq3A_1609 = vector.broadcast %eq3A_1608 : i32 to vector<16xi32>
    %eq3A_1610 = arith.cmpi eq, %select_n3A_1462, %eq3A_1609 : vector<16xi32>
    %select_n3A_1611 = arith.select %eq3A_1610, %get3A_1607, %select_n3A_1598 : vector<16xi1>, vector<16xf32>
    %eq3A_1612 = arith.constant 4 : i32
    %eq3A_1613 = vector.broadcast %eq3A_1612 : i32 to vector<16xi32>
    %eq3A_1614 = arith.cmpi eq, %select_n3A_1538, %eq3A_1613 : vector<16xi32>
    %select_n3A_1615 = arith.select %eq3A_1614, %get3A_1607, %select_n3A_1602 : vector<16xi1>, vector<16xf32>
    %get3A_1616 = arith.constant 5 : i32
    %get3A_1617 = arith.index_cast %get3A_1616 : i32 to index
    %get3A_1618 = arith.constant 80 : index
    %get3A_1619 = tpu.vector_load %arg6[%get3A_1617, %get3A_1618] {strides = array<i32>} : memref<8x128xf32, #tpu.memory_space<vmem>>, vector<1x16xf32>,
    %get3A_1620 = vector.shape_cast %get3A_1619 : vector<1x16xf32> to vector<16xf32>
    %eq3A_1621 = arith.constant 5 : i32
    %eq3A_1622 = vector.broadcast %eq3A_1621 : i32 to vector<16xi32>
    %eq3A_1623 = arith.cmpi eq, %select_n3A_1462, %eq3A_1622 : vector<16xi32>
    %select_n3A_1624 = arith.select %eq3A_1623, %get3A_1620, %select_n3A_1611 : vector<16xi1>, vector<16xf32>
    %eq3A_1625 = arith.constant 5 : i32
    %eq3A_1626 = vector.broadcast %eq3A_1625 : i32 to vector<16xi32>
    %eq3A_1627 = arith.cmpi eq, %select_n3A_1538, %eq3A_1626 : vector<16xi32>
    %select_n3A_1628 = arith.select %eq3A_1627, %get3A_1620, %select_n3A_1615 : vector<16xi1>, vector<16xf32>
    %get3A_1629 = arith.constant 6 : i32
    %get3A_1630 = arith.index_cast %get3A_1629 : i32 to index
    %get3A_1631 = arith.constant 80 : index
    %get3A_1632 = tpu.vector_load %arg6[%get3A_1630, %get3A_1631] {strides = array<i32>} : memref<8x128xf32, #tpu.memory_space<vmem>>, vector<1x16xf32>,
    %get3A_1633 = vector.shape_cast %get3A_1632 : vector<1x16xf32> to vector<16xf32>
    %eq3A_1634 = arith.constant 6 : i32
    %eq3A_1635 = vector.broadcast %eq3A_1634 : i32 to vector<16xi32>
    %eq3A_1636 = arith.cmpi eq, %select_n3A_1462, %eq3A_1635 : vector<16xi32>
    %select_n3A_1637 = arith.select %eq3A_1636, %get3A_1633, %select_n3A_1624 : vector<16xi1>, vector<16xf32>
    %eq3A_1638 = arith.constant 6 : i32
    %eq3A_1639 = vector.broadcast %eq3A_1638 : i32 to vector<16xi32>
    %eq3A_1640 = arith.cmpi eq, %select_n3A_1538, %eq3A_1639 : vector<16xi32>
    %select_n3A_1641 = arith.select %eq3A_1640, %get3A_1633, %select_n3A_1628 : vector<16xi1>, vector<16xf32>
    %get3A_1642 = arith.constant 7 : i32
    %get3A_1643 = arith.index_cast %get3A_1642 : i32 to index
    %get3A_1644 = arith.constant 80 : index
    %get3A_1645 = tpu.vector_load %arg6[%get3A_1643, %get3A_1644] {strides = array<i32>} : memref<8x128xf32, #tpu.memory_space<vmem>>, vector<1x16xf32>,
    %get3A_1646 = vector.shape_cast %get3A_1645 : vector<1x16xf32> to vector<16xf32>
    %eq3A_1647 = arith.constant 7 : i32
    %eq3A_1648 = vector.broadcast %eq3A_1647 : i32 to vector<16xi32>
    %eq3A_1649 = arith.cmpi eq, %select_n3A_1462, %eq3A_1648 : vector<16xi32>
    %select_n3A_1650 = arith.select %eq3A_1649, %get3A_1646, %select_n3A_1637 : vector<16xi1>, vector<16xf32>
    %eq3A_1651 = arith.constant 7 : i32
    %eq3A_1652 = vector.broadcast %eq3A_1651 : i32 to vector<16xi32>
    %eq3A_1653 = arith.cmpi eq, %select_n3A_1538, %eq3A_1652 : vector<16xi32>
    %select_n3A_1654 = arith.select %eq3A_1653, %get3A_1646, %select_n3A_1641 : vector<16xi1>, vector<16xf32>
    %mul3A_1655 = arith.mulf %div3A_1546, %select_n3A_1650 : vector<16xf32>
    %sub3A_1656 = arith.constant 1.000000e+00 : f32
    %sub3A_1657 = vector.broadcast %sub3A_1656 : f32 to vector<16xf32>
    %sub3A_1658 = arith.subf %sub3A_1657, %div3A_1546 : vector<16xf32>
    %mul3A_1659 = arith.mulf %sub3A_1658, %select_n3A_1654 : vector<16xf32>
    %add3A_1660 = arith.addf %mul3A_1655, %mul3A_1659 : vector<16xf32>
    %swap3A_1661 = arith.constant 80 : index
    %swap3A_1662 = tpu.vector_load %arg7[%swap3A_1661] {strides = array<i32>} : memref<128xf32, #tpu.memory_space<vmem>>, vector<16xf32>,
    %swap3A_1663 = vector.shape_cast %swap3A_1662 : vector<16xf32> to vector<16xf32>
    %swap3A_1664 = vector.shape_cast %add3A_1660 : vector<16xf32> to vector<16xf32>
    tpu.vector_store %arg7[%swap3A_1661], %swap3A_1664 {strides = array<i32>} : memref<128xf32, #tpu.memory_space<vmem>>, vector<16xf32>,
    %get3A_1665 = arith.constant 0 : i32
    %get3A_1666 = arith.index_cast %get3A_1665 : i32 to index
    %get3A_1667 = arith.constant 96 : index
    %get3A_1668 = tpu.vector_load %arg5[%get3A_1666, %get3A_1667] {strides = array<i32>} : memref<8x128xf32, #tpu.memory_space<vmem>>, vector<1x16xf32>,
    %get3A_1669 = vector.shape_cast %get3A_1668 : vector<1x16xf32> to vector<16xf32>
    %get3A_1670 = arith.constant 1 : i32
    %get3A_1671 = arith.index_cast %get3A_1670 : i32 to index
    %get3A_1672 = arith.constant 96 : index
    %get3A_1673 = tpu.vector_load %arg5[%get3A_1671, %get3A_1672] {strides = array<i32>} : memref<8x128xf32, #tpu.memory_space<vmem>>, vector<1x16xf32>,
    %get3A_1674 = vector.shape_cast %get3A_1673 : vector<1x16xf32> to vector<16xf32>
    %get3A_1675 = arith.constant 2 : i32
    %get3A_1676 = arith.index_cast %get3A_1675 : i32 to index
    %get3A_1677 = arith.constant 96 : index
    %get3A_1678 = tpu.vector_load %arg5[%get3A_1676, %get3A_1677] {strides = array<i32>} : memref<8x128xf32, #tpu.memory_space<vmem>>, vector<1x16xf32>,
    %get3A_1679 = vector.shape_cast %get3A_1678 : vector<1x16xf32> to vector<16xf32>
    %get3A_1680 = arith.constant 3 : i32
    %get3A_1681 = arith.index_cast %get3A_1680 : i32 to index
    %get3A_1682 = arith.constant 96 : index
    %get3A_1683 = tpu.vector_load %arg5[%get3A_1681, %get3A_1682] {strides = array<i32>} : memref<8x128xf32, #tpu.memory_space<vmem>>, vector<1x16xf32>,
    %get3A_1684 = vector.shape_cast %get3A_1683 : vector<1x16xf32> to vector<16xf32>
    %get3A_1685 = arith.constant 4 : i32
    %get3A_1686 = arith.index_cast %get3A_1685 : i32 to index
    %get3A_1687 = arith.constant 96 : index
    %get3A_1688 = tpu.vector_load %arg5[%get3A_1686, %get3A_1687] {strides = array<i32>} : memref<8x128xf32, #tpu.memory_space<vmem>>, vector<1x16xf32>,
    %get3A_1689 = vector.shape_cast %get3A_1688 : vector<1x16xf32> to vector<16xf32>
    %get3A_1690 = arith.constant 5 : i32
    %get3A_1691 = arith.index_cast %get3A_1690 : i32 to index
    %get3A_1692 = arith.constant 96 : index
    %get3A_1693 = tpu.vector_load %arg5[%get3A_1691, %get3A_1692] {strides = array<i32>} : memref<8x128xf32, #tpu.memory_space<vmem>>, vector<1x16xf32>,
    %get3A_1694 = vector.shape_cast %get3A_1693 : vector<1x16xf32> to vector<16xf32>
    %get3A_1695 = arith.constant 6 : i32
    %get3A_1696 = arith.index_cast %get3A_1695 : i32 to index
    %get3A_1697 = arith.constant 96 : index
    %get3A_1698 = tpu.vector_load %arg5[%get3A_1696, %get3A_1697] {strides = array<i32>} : memref<8x128xf32, #tpu.memory_space<vmem>>, vector<1x16xf32>,
    %get3A_1699 = vector.shape_cast %get3A_1698 : vector<1x16xf32> to vector<16xf32>
    %get3A_1700 = arith.constant 7 : i32
    %get3A_1701 = arith.index_cast %get3A_1700 : i32 to index
    %get3A_1702 = arith.constant 96 : index
    %get3A_1703 = tpu.vector_load %arg5[%get3A_1701, %get3A_1702] {strides = array<i32>} : memref<8x128xf32, #tpu.memory_space<vmem>>, vector<1x16xf32>,
    %get3A_1704 = vector.shape_cast %get3A_1703 : vector<1x16xf32> to vector<16xf32>
    %broadcast_in_dim3A_1705 = arith.constant 0 : i32
    %broadcast_in_dim3A_1706 = vector.broadcast %broadcast_in_dim3A_1705 : i32 to vector<16xi32>
    %gt3A_1707 = arith.cmpf ogt, %get3A_1674, %get3A_1669 : vector<16xf32>
    %select_n3A_1708 = arith.select %gt3A_1707, %get3A_1674, %get3A_1669 : vector<16xi1>, vector<16xf32>
    %jit3A_1709 = arith.constant 1 : i32
    %broadcast_in_dim3A_1710 = vector.broadcast %jit3A_1709 : i32 to vector<16xi32>
    %select_n3A_1711 = arith.select %gt3A_1707, %broadcast_in_dim3A_1710, %broadcast_in_dim3A_1706 : vector<16xi1>, vector<16xi32>
    %gt3A_1712 = arith.cmpf ogt, %get3A_1679, %select_n3A_1708 : vector<16xf32>
    %select_n3A_1713 = arith.select %gt3A_1712, %get3A_1679, %select_n3A_1708 : vector<16xi1>, vector<16xf32>
    %jit3A_1714 = arith.constant 2 : i32
    %broadcast_in_dim3A_1715 = vector.broadcast %jit3A_1714 : i32 to vector<16xi32>
    %select_n3A_1716 = arith.select %gt3A_1712, %broadcast_in_dim3A_1715, %select_n3A_1711 : vector<16xi1>, vector<16xi32>
    %gt3A_1717 = arith.cmpf ogt, %get3A_1684, %select_n3A_1713 : vector<16xf32>
    %select_n3A_1718 = arith.select %gt3A_1717, %get3A_1684, %select_n3A_1713 : vector<16xi1>, vector<16xf32>
    %jit3A_1719 = arith.constant 3 : i32
    %broadcast_in_dim3A_1720 = vector.broadcast %jit3A_1719 : i32 to vector<16xi32>
    %select_n3A_1721 = arith.select %gt3A_1717, %broadcast_in_dim3A_1720, %select_n3A_1716 : vector<16xi1>, vector<16xi32>
    %gt3A_1722 = arith.cmpf ogt, %get3A_1689, %select_n3A_1718 : vector<16xf32>
    %select_n3A_1723 = arith.select %gt3A_1722, %get3A_1689, %select_n3A_1718 : vector<16xi1>, vector<16xf32>
    %jit3A_1724 = arith.constant 4 : i32
    %broadcast_in_dim3A_1725 = vector.broadcast %jit3A_1724 : i32 to vector<16xi32>
    %select_n3A_1726 = arith.select %gt3A_1722, %broadcast_in_dim3A_1725, %select_n3A_1721 : vector<16xi1>, vector<16xi32>
    %gt3A_1727 = arith.cmpf ogt, %get3A_1694, %select_n3A_1723 : vector<16xf32>
    %select_n3A_1728 = arith.select %gt3A_1727, %get3A_1694, %select_n3A_1723 : vector<16xi1>, vector<16xf32>
    %jit3A_1729 = arith.constant 5 : i32
    %broadcast_in_dim3A_1730 = vector.broadcast %jit3A_1729 : i32 to vector<16xi32>
    %select_n3A_1731 = arith.select %gt3A_1727, %broadcast_in_dim3A_1730, %select_n3A_1726 : vector<16xi1>, vector<16xi32>
    %gt3A_1732 = arith.cmpf ogt, %get3A_1699, %select_n3A_1728 : vector<16xf32>
    %select_n3A_1733 = arith.select %gt3A_1732, %get3A_1699, %select_n3A_1728 : vector<16xi1>, vector<16xf32>
    %jit3A_1734 = arith.constant 6 : i32
    %broadcast_in_dim3A_1735 = vector.broadcast %jit3A_1734 : i32 to vector<16xi32>
    %select_n3A_1736 = arith.select %gt3A_1732, %broadcast_in_dim3A_1735, %select_n3A_1731 : vector<16xi1>, vector<16xi32>
    %gt3A_1737 = arith.cmpf ogt, %get3A_1704, %select_n3A_1733 : vector<16xf32>
    %select_n3A_1738 = arith.select %gt3A_1737, %get3A_1704, %select_n3A_1733 : vector<16xi1>, vector<16xf32>
    %jit3A_1739 = arith.constant 7 : i32
    %broadcast_in_dim3A_1740 = vector.broadcast %jit3A_1739 : i32 to vector<16xi32>
    %select_n3A_1741 = arith.select %gt3A_1737, %broadcast_in_dim3A_1740, %select_n3A_1736 : vector<16xi1>, vector<16xi32>
    %broadcast_in_dim3A_1742 = arith.constant 0xFF800000 : f32
    %broadcast_in_dim3A_1743 = vector.broadcast %broadcast_in_dim3A_1742 : f32 to vector<16xf32>
    %broadcast_in_dim3A_1744 = arith.constant 0 : i32
    %broadcast_in_dim3A_1745 = vector.broadcast %broadcast_in_dim3A_1744 : i32 to vector<16xi32>
    %ne3A_1746 = arith.constant 0 : i32
    %ne3A_1747 = vector.broadcast %ne3A_1746 : i32 to vector<16xi32>
    %ne3A_1748 = arith.cmpi ne, %select_n3A_1741, %ne3A_1747 : vector<16xi32>
    %gt3A_1749 = arith.cmpf ogt, %get3A_1669, %broadcast_in_dim3A_1743 : vector<16xf32>
    %and3A_1750 = arith.andi %ne3A_1748, %gt3A_1749 : vector<16xi1>
    %select_n3A_1751 = arith.select %and3A_1750, %get3A_1669, %broadcast_in_dim3A_1743 : vector<16xi1>, vector<16xf32>
    %jit3A_1752 = arith.constant 0 : i32
    %broadcast_in_dim3A_1753 = vector.broadcast %jit3A_1752 : i32 to vector<16xi32>
    %select_n3A_1754 = arith.select %and3A_1750, %broadcast_in_dim3A_1753, %broadcast_in_dim3A_1745 : vector<16xi1>, vector<16xi32>
    %ne3A_1755 = arith.constant 1 : i32
    %ne3A_1756 = vector.broadcast %ne3A_1755 : i32 to vector<16xi32>
    %ne3A_1757 = arith.cmpi ne, %select_n3A_1741, %ne3A_1756 : vector<16xi32>
    %gt3A_1758 = arith.cmpf ogt, %get3A_1674, %select_n3A_1751 : vector<16xf32>
    %and3A_1759 = arith.andi %ne3A_1757, %gt3A_1758 : vector<16xi1>
    %select_n3A_1760 = arith.select %and3A_1759, %get3A_1674, %select_n3A_1751 : vector<16xi1>, vector<16xf32>
    %jit3A_1761 = arith.constant 1 : i32
    %broadcast_in_dim3A_1762 = vector.broadcast %jit3A_1761 : i32 to vector<16xi32>
    %select_n3A_1763 = arith.select %and3A_1759, %broadcast_in_dim3A_1762, %select_n3A_1754 : vector<16xi1>, vector<16xi32>
    %ne3A_1764 = arith.constant 2 : i32
    %ne3A_1765 = vector.broadcast %ne3A_1764 : i32 to vector<16xi32>
    %ne3A_1766 = arith.cmpi ne, %select_n3A_1741, %ne3A_1765 : vector<16xi32>
    %gt3A_1767 = arith.cmpf ogt, %get3A_1679, %select_n3A_1760 : vector<16xf32>
    %and3A_1768 = arith.andi %ne3A_1766, %gt3A_1767 : vector<16xi1>
    %select_n3A_1769 = arith.select %and3A_1768, %get3A_1679, %select_n3A_1760 : vector<16xi1>, vector<16xf32>
    %jit3A_1770 = arith.constant 2 : i32
    %broadcast_in_dim3A_1771 = vector.broadcast %jit3A_1770 : i32 to vector<16xi32>
    %select_n3A_1772 = arith.select %and3A_1768, %broadcast_in_dim3A_1771, %select_n3A_1763 : vector<16xi1>, vector<16xi32>
    %ne3A_1773 = arith.constant 3 : i32
    %ne3A_1774 = vector.broadcast %ne3A_1773 : i32 to vector<16xi32>
    %ne3A_1775 = arith.cmpi ne, %select_n3A_1741, %ne3A_1774 : vector<16xi32>
    %gt3A_1776 = arith.cmpf ogt, %get3A_1684, %select_n3A_1769 : vector<16xf32>
    %and3A_1777 = arith.andi %ne3A_1775, %gt3A_1776 : vector<16xi1>
    %select_n3A_1778 = arith.select %and3A_1777, %get3A_1684, %select_n3A_1769 : vector<16xi1>, vector<16xf32>
    %jit3A_1779 = arith.constant 3 : i32
    %broadcast_in_dim3A_1780 = vector.broadcast %jit3A_1779 : i32 to vector<16xi32>
    %select_n3A_1781 = arith.select %and3A_1777, %broadcast_in_dim3A_1780, %select_n3A_1772 : vector<16xi1>, vector<16xi32>
    %ne3A_1782 = arith.constant 4 : i32
    %ne3A_1783 = vector.broadcast %ne3A_1782 : i32 to vector<16xi32>
    %ne3A_1784 = arith.cmpi ne, %select_n3A_1741, %ne3A_1783 : vector<16xi32>
    %gt3A_1785 = arith.cmpf ogt, %get3A_1689, %select_n3A_1778 : vector<16xf32>
    %and3A_1786 = arith.andi %ne3A_1784, %gt3A_1785 : vector<16xi1>
    %select_n3A_1787 = arith.select %and3A_1786, %get3A_1689, %select_n3A_1778 : vector<16xi1>, vector<16xf32>
    %jit3A_1788 = arith.constant 4 : i32
    %broadcast_in_dim3A_1789 = vector.broadcast %jit3A_1788 : i32 to vector<16xi32>
    %select_n3A_1790 = arith.select %and3A_1786, %broadcast_in_dim3A_1789, %select_n3A_1781 : vector<16xi1>, vector<16xi32>
    %ne3A_1791 = arith.constant 5 : i32
    %ne3A_1792 = vector.broadcast %ne3A_1791 : i32 to vector<16xi32>
    %ne3A_1793 = arith.cmpi ne, %select_n3A_1741, %ne3A_1792 : vector<16xi32>
    %gt3A_1794 = arith.cmpf ogt, %get3A_1694, %select_n3A_1787 : vector<16xf32>
    %and3A_1795 = arith.andi %ne3A_1793, %gt3A_1794 : vector<16xi1>
    %select_n3A_1796 = arith.select %and3A_1795, %get3A_1694, %select_n3A_1787 : vector<16xi1>, vector<16xf32>
    %jit3A_1797 = arith.constant 5 : i32
    %broadcast_in_dim3A_1798 = vector.broadcast %jit3A_1797 : i32 to vector<16xi32>
    %select_n3A_1799 = arith.select %and3A_1795, %broadcast_in_dim3A_1798, %select_n3A_1790 : vector<16xi1>, vector<16xi32>
    %ne3A_1800 = arith.constant 6 : i32
    %ne3A_1801 = vector.broadcast %ne3A_1800 : i32 to vector<16xi32>
    %ne3A_1802 = arith.cmpi ne, %select_n3A_1741, %ne3A_1801 : vector<16xi32>
    %gt3A_1803 = arith.cmpf ogt, %get3A_1699, %select_n3A_1796 : vector<16xf32>
    %and3A_1804 = arith.andi %ne3A_1802, %gt3A_1803 : vector<16xi1>
    %select_n3A_1805 = arith.select %and3A_1804, %get3A_1699, %select_n3A_1796 : vector<16xi1>, vector<16xf32>
    %jit3A_1806 = arith.constant 6 : i32
    %broadcast_in_dim3A_1807 = vector.broadcast %jit3A_1806 : i32 to vector<16xi32>
    %select_n3A_1808 = arith.select %and3A_1804, %broadcast_in_dim3A_1807, %select_n3A_1799 : vector<16xi1>, vector<16xi32>
    %ne3A_1809 = arith.constant 7 : i32
    %ne3A_1810 = vector.broadcast %ne3A_1809 : i32 to vector<16xi32>
    %ne3A_1811 = arith.cmpi ne, %select_n3A_1741, %ne3A_1810 : vector<16xi32>
    %gt3A_1812 = arith.cmpf ogt, %get3A_1704, %select_n3A_1805 : vector<16xf32>
    %and3A_1813 = arith.andi %ne3A_1811, %gt3A_1812 : vector<16xi1>
    %select_n3A_1814 = arith.select %and3A_1813, %get3A_1704, %select_n3A_1805 : vector<16xi1>, vector<16xf32>
    %jit3A_1815 = arith.constant 7 : i32
    %broadcast_in_dim3A_1816 = vector.broadcast %jit3A_1815 : i32 to vector<16xi32>
    %select_n3A_1817 = arith.select %and3A_1813, %broadcast_in_dim3A_1816, %select_n3A_1808 : vector<16xi1>, vector<16xi32>
    %sub3A_1818 = arith.subf %select_n3A_1814, %select_n3A_1738 : vector<16xf32>
    %exp3A_1819 = math.exp %sub3A_1818 : vector<16xf32>
    %add3A_1820 = arith.constant 1.000000e+00 : f32
    %add3A_1821 = vector.broadcast %add3A_1820 : f32 to vector<16xf32>
    %add3A_1822 = arith.addf %add3A_1821, %exp3A_1819 : vector<16xf32>
    %div3A_1823 = arith.constant 1.000000e+00 : f32
    %div3A_1824 = vector.broadcast %div3A_1823 : f32 to vector<16xf32>
    %div3A_1825 = arith.divf %div3A_1824, %add3A_1822 : vector<16xf32>
    %broadcast_in_dim3A_1826 = arith.constant 0.000000e+00 : f32
    %broadcast_in_dim3A_1827 = vector.broadcast %broadcast_in_dim3A_1826 : f32 to vector<16xf32>
    %broadcast_in_dim3A_1828 = arith.constant 0.000000e+00 : f32
    %broadcast_in_dim3A_1829 = vector.broadcast %broadcast_in_dim3A_1828 : f32 to vector<16xf32>
    %get3A_1830 = arith.constant 0 : i32
    %get3A_1831 = arith.index_cast %get3A_1830 : i32 to index
    %get3A_1832 = arith.constant 96 : index
    %get3A_1833 = tpu.vector_load %arg6[%get3A_1831, %get3A_1832] {strides = array<i32>} : memref<8x128xf32, #tpu.memory_space<vmem>>, vector<1x16xf32>,
    %get3A_1834 = vector.shape_cast %get3A_1833 : vector<1x16xf32> to vector<16xf32>
    %eq3A_1835 = arith.constant 0 : i32
    %eq3A_1836 = vector.broadcast %eq3A_1835 : i32 to vector<16xi32>
    %eq3A_1837 = arith.cmpi eq, %select_n3A_1741, %eq3A_1836 : vector<16xi32>
    %select_n3A_1838 = arith.select %eq3A_1837, %get3A_1834, %broadcast_in_dim3A_1827 : vector<16xi1>, vector<16xf32>
    %eq3A_1839 = arith.constant 0 : i32
    %eq3A_1840 = vector.broadcast %eq3A_1839 : i32 to vector<16xi32>
    %eq3A_1841 = arith.cmpi eq, %select_n3A_1817, %eq3A_1840 : vector<16xi32>
    %select_n3A_1842 = arith.select %eq3A_1841, %get3A_1834, %broadcast_in_dim3A_1829 : vector<16xi1>, vector<16xf32>
    %get3A_1843 = arith.constant 1 : i32
    %get3A_1844 = arith.index_cast %get3A_1843 : i32 to index
    %get3A_1845 = arith.constant 96 : index
    %get3A_1846 = tpu.vector_load %arg6[%get3A_1844, %get3A_1845] {strides = array<i32>} : memref<8x128xf32, #tpu.memory_space<vmem>>, vector<1x16xf32>,
    %get3A_1847 = vector.shape_cast %get3A_1846 : vector<1x16xf32> to vector<16xf32>
    %eq3A_1848 = arith.constant 1 : i32
    %eq3A_1849 = vector.broadcast %eq3A_1848 : i32 to vector<16xi32>
    %eq3A_1850 = arith.cmpi eq, %select_n3A_1741, %eq3A_1849 : vector<16xi32>
    %select_n3A_1851 = arith.select %eq3A_1850, %get3A_1847, %select_n3A_1838 : vector<16xi1>, vector<16xf32>
    %eq3A_1852 = arith.constant 1 : i32
    %eq3A_1853 = vector.broadcast %eq3A_1852 : i32 to vector<16xi32>
    %eq3A_1854 = arith.cmpi eq, %select_n3A_1817, %eq3A_1853 : vector<16xi32>
    %select_n3A_1855 = arith.select %eq3A_1854, %get3A_1847, %select_n3A_1842 : vector<16xi1>, vector<16xf32>
    %get3A_1856 = arith.constant 2 : i32
    %get3A_1857 = arith.index_cast %get3A_1856 : i32 to index
    %get3A_1858 = arith.constant 96 : index
    %get3A_1859 = tpu.vector_load %arg6[%get3A_1857, %get3A_1858] {strides = array<i32>} : memref<8x128xf32, #tpu.memory_space<vmem>>, vector<1x16xf32>,
    %get3A_1860 = vector.shape_cast %get3A_1859 : vector<1x16xf32> to vector<16xf32>
    %eq3A_1861 = arith.constant 2 : i32
    %eq3A_1862 = vector.broadcast %eq3A_1861 : i32 to vector<16xi32>
    %eq3A_1863 = arith.cmpi eq, %select_n3A_1741, %eq3A_1862 : vector<16xi32>
    %select_n3A_1864 = arith.select %eq3A_1863, %get3A_1860, %select_n3A_1851 : vector<16xi1>, vector<16xf32>
    %eq3A_1865 = arith.constant 2 : i32
    %eq3A_1866 = vector.broadcast %eq3A_1865 : i32 to vector<16xi32>
    %eq3A_1867 = arith.cmpi eq, %select_n3A_1817, %eq3A_1866 : vector<16xi32>
    %select_n3A_1868 = arith.select %eq3A_1867, %get3A_1860, %select_n3A_1855 : vector<16xi1>, vector<16xf32>
    %get3A_1869 = arith.constant 3 : i32
    %get3A_1870 = arith.index_cast %get3A_1869 : i32 to index
    %get3A_1871 = arith.constant 96 : index
    %get3A_1872 = tpu.vector_load %arg6[%get3A_1870, %get3A_1871] {strides = array<i32>} : memref<8x128xf32, #tpu.memory_space<vmem>>, vector<1x16xf32>,
    %get3A_1873 = vector.shape_cast %get3A_1872 : vector<1x16xf32> to vector<16xf32>
    %eq3A_1874 = arith.constant 3 : i32
    %eq3A_1875 = vector.broadcast %eq3A_1874 : i32 to vector<16xi32>
    %eq3A_1876 = arith.cmpi eq, %select_n3A_1741, %eq3A_1875 : vector<16xi32>
    %select_n3A_1877 = arith.select %eq3A_1876, %get3A_1873, %select_n3A_1864 : vector<16xi1>, vector<16xf32>
    %eq3A_1878 = arith.constant 3 : i32
    %eq3A_1879 = vector.broadcast %eq3A_1878 : i32 to vector<16xi32>
    %eq3A_1880 = arith.cmpi eq, %select_n3A_1817, %eq3A_1879 : vector<16xi32>
    %select_n3A_1881 = arith.select %eq3A_1880, %get3A_1873, %select_n3A_1868 : vector<16xi1>, vector<16xf32>
    %get3A_1882 = arith.constant 4 : i32
    %get3A_1883 = arith.index_cast %get3A_1882 : i32 to index
    %get3A_1884 = arith.constant 96 : index
    %get3A_1885 = tpu.vector_load %arg6[%get3A_1883, %get3A_1884] {strides = array<i32>} : memref<8x128xf32, #tpu.memory_space<vmem>>, vector<1x16xf32>,
    %get3A_1886 = vector.shape_cast %get3A_1885 : vector<1x16xf32> to vector<16xf32>
    %eq3A_1887 = arith.constant 4 : i32
    %eq3A_1888 = vector.broadcast %eq3A_1887 : i32 to vector<16xi32>
    %eq3A_1889 = arith.cmpi eq, %select_n3A_1741, %eq3A_1888 : vector<16xi32>
    %select_n3A_1890 = arith.select %eq3A_1889, %get3A_1886, %select_n3A_1877 : vector<16xi1>, vector<16xf32>
    %eq3A_1891 = arith.constant 4 : i32
    %eq3A_1892 = vector.broadcast %eq3A_1891 : i32 to vector<16xi32>
    %eq3A_1893 = arith.cmpi eq, %select_n3A_1817, %eq3A_1892 : vector<16xi32>
    %select_n3A_1894 = arith.select %eq3A_1893, %get3A_1886, %select_n3A_1881 : vector<16xi1>, vector<16xf32>
    %get3A_1895 = arith.constant 5 : i32
    %get3A_1896 = arith.index_cast %get3A_1895 : i32 to index
    %get3A_1897 = arith.constant 96 : index
    %get3A_1898 = tpu.vector_load %arg6[%get3A_1896, %get3A_1897] {strides = array<i32>} : memref<8x128xf32, #tpu.memory_space<vmem>>, vector<1x16xf32>,
    %get3A_1899 = vector.shape_cast %get3A_1898 : vector<1x16xf32> to vector<16xf32>
    %eq3A_1900 = arith.constant 5 : i32
    %eq3A_1901 = vector.broadcast %eq3A_1900 : i32 to vector<16xi32>
    %eq3A_1902 = arith.cmpi eq, %select_n3A_1741, %eq3A_1901 : vector<16xi32>
    %select_n3A_1903 = arith.select %eq3A_1902, %get3A_1899, %select_n3A_1890 : vector<16xi1>, vector<16xf32>
    %eq3A_1904 = arith.constant 5 : i32
    %eq3A_1905 = vector.broadcast %eq3A_1904 : i32 to vector<16xi32>
    %eq3A_1906 = arith.cmpi eq, %select_n3A_1817, %eq3A_1905 : vector<16xi32>
    %select_n3A_1907 = arith.select %eq3A_1906, %get3A_1899, %select_n3A_1894 : vector<16xi1>, vector<16xf32>
    %get3A_1908 = arith.constant 6 : i32
    %get3A_1909 = arith.index_cast %get3A_1908 : i32 to index
    %get3A_1910 = arith.constant 96 : index
    %get3A_1911 = tpu.vector_load %arg6[%get3A_1909, %get3A_1910] {strides = array<i32>} : memref<8x128xf32, #tpu.memory_space<vmem>>, vector<1x16xf32>,
    %get3A_1912 = vector.shape_cast %get3A_1911 : vector<1x16xf32> to vector<16xf32>
    %eq3A_1913 = arith.constant 6 : i32
    %eq3A_1914 = vector.broadcast %eq3A_1913 : i32 to vector<16xi32>
    %eq3A_1915 = arith.cmpi eq, %select_n3A_1741, %eq3A_1914 : vector<16xi32>
    %select_n3A_1916 = arith.select %eq3A_1915, %get3A_1912, %select_n3A_1903 : vector<16xi1>, vector<16xf32>
    %eq3A_1917 = arith.constant 6 : i32
    %eq3A_1918 = vector.broadcast %eq3A_1917 : i32 to vector<16xi32>
    %eq3A_1919 = arith.cmpi eq, %select_n3A_1817, %eq3A_1918 : vector<16xi32>
    %select_n3A_1920 = arith.select %eq3A_1919, %get3A_1912, %select_n3A_1907 : vector<16xi1>, vector<16xf32>
    %get3A_1921 = arith.constant 7 : i32
    %get3A_1922 = arith.index_cast %get3A_1921 : i32 to index
    %get3A_1923 = arith.constant 96 : index
    %get3A_1924 = tpu.vector_load %arg6[%get3A_1922, %get3A_1923] {strides = array<i32>} : memref<8x128xf32, #tpu.memory_space<vmem>>, vector<1x16xf32>,
    %get3A_1925 = vector.shape_cast %get3A_1924 : vector<1x16xf32> to vector<16xf32>
    %eq3A_1926 = arith.constant 7 : i32
    %eq3A_1927 = vector.broadcast %eq3A_1926 : i32 to vector<16xi32>
    %eq3A_1928 = arith.cmpi eq, %select_n3A_1741, %eq3A_1927 : vector<16xi32>
    %select_n3A_1929 = arith.select %eq3A_1928, %get3A_1925, %select_n3A_1916 : vector<16xi1>, vector<16xf32>
    %eq3A_1930 = arith.constant 7 : i32
    %eq3A_1931 = vector.broadcast %eq3A_1930 : i32 to vector<16xi32>
    %eq3A_1932 = arith.cmpi eq, %select_n3A_1817, %eq3A_1931 : vector<16xi32>
    %select_n3A_1933 = arith.select %eq3A_1932, %get3A_1925, %select_n3A_1920 : vector<16xi1>, vector<16xf32>
    %mul3A_1934 = arith.mulf %div3A_1825, %select_n3A_1929 : vector<16xf32>
    %sub3A_1935 = arith.constant 1.000000e+00 : f32
    %sub3A_1936 = vector.broadcast %sub3A_1935 : f32 to vector<16xf32>
    %sub3A_1937 = arith.subf %sub3A_1936, %div3A_1825 : vector<16xf32>
    %mul3A_1938 = arith.mulf %sub3A_1937, %select_n3A_1933 : vector<16xf32>
    %add3A_1939 = arith.addf %mul3A_1934, %mul3A_1938 : vector<16xf32>
    %swap3A_1940 = arith.constant 96 : index
    %swap3A_1941 = tpu.vector_load %arg7[%swap3A_1940] {strides = array<i32>} : memref<128xf32, #tpu.memory_space<vmem>>, vector<16xf32>,
    %swap3A_1942 = vector.shape_cast %swap3A_1941 : vector<16xf32> to vector<16xf32>
    %swap3A_1943 = vector.shape_cast %add3A_1939 : vector<16xf32> to vector<16xf32>
    tpu.vector_store %arg7[%swap3A_1940], %swap3A_1943 {strides = array<i32>} : memref<128xf32, #tpu.memory_space<vmem>>, vector<16xf32>,
    %get3A_1944 = arith.constant 0 : i32
    %get3A_1945 = arith.index_cast %get3A_1944 : i32 to index
    %get3A_1946 = arith.constant 112 : index
    %get3A_1947 = tpu.vector_load %arg5[%get3A_1945, %get3A_1946] {strides = array<i32>} : memref<8x128xf32, #tpu.memory_space<vmem>>, vector<1x16xf32>,
    %get3A_1948 = vector.shape_cast %get3A_1947 : vector<1x16xf32> to vector<16xf32>
    %get3A_1949 = arith.constant 1 : i32
    %get3A_1950 = arith.index_cast %get3A_1949 : i32 to index
    %get3A_1951 = arith.constant 112 : index
    %get3A_1952 = tpu.vector_load %arg5[%get3A_1950, %get3A_1951] {strides = array<i32>} : memref<8x128xf32, #tpu.memory_space<vmem>>, vector<1x16xf32>,
    %get3A_1953 = vector.shape_cast %get3A_1952 : vector<1x16xf32> to vector<16xf32>
    %get3A_1954 = arith.constant 2 : i32
    %get3A_1955 = arith.index_cast %get3A_1954 : i32 to index
    %get3A_1956 = arith.constant 112 : index
    %get3A_1957 = tpu.vector_load %arg5[%get3A_1955, %get3A_1956] {strides = array<i32>} : memref<8x128xf32, #tpu.memory_space<vmem>>, vector<1x16xf32>,
    %get3A_1958 = vector.shape_cast %get3A_1957 : vector<1x16xf32> to vector<16xf32>
    %get3A_1959 = arith.constant 3 : i32
    %get3A_1960 = arith.index_cast %get3A_1959 : i32 to index
    %get3A_1961 = arith.constant 112 : index
    %get3A_1962 = tpu.vector_load %arg5[%get3A_1960, %get3A_1961] {strides = array<i32>} : memref<8x128xf32, #tpu.memory_space<vmem>>, vector<1x16xf32>,
    %get3A_1963 = vector.shape_cast %get3A_1962 : vector<1x16xf32> to vector<16xf32>
    %get3A_1964 = arith.constant 4 : i32
    %get3A_1965 = arith.index_cast %get3A_1964 : i32 to index
    %get3A_1966 = arith.constant 112 : index
    %get3A_1967 = tpu.vector_load %arg5[%get3A_1965, %get3A_1966] {strides = array<i32>} : memref<8x128xf32, #tpu.memory_space<vmem>>, vector<1x16xf32>,
    %get3A_1968 = vector.shape_cast %get3A_1967 : vector<1x16xf32> to vector<16xf32>
    %get3A_1969 = arith.constant 5 : i32
    %get3A_1970 = arith.index_cast %get3A_1969 : i32 to index
    %get3A_1971 = arith.constant 112 : index
    %get3A_1972 = tpu.vector_load %arg5[%get3A_1970, %get3A_1971] {strides = array<i32>} : memref<8x128xf32, #tpu.memory_space<vmem>>, vector<1x16xf32>,
    %get3A_1973 = vector.shape_cast %get3A_1972 : vector<1x16xf32> to vector<16xf32>
    %get3A_1974 = arith.constant 6 : i32
    %get3A_1975 = arith.index_cast %get3A_1974 : i32 to index
    %get3A_1976 = arith.constant 112 : index
    %get3A_1977 = tpu.vector_load %arg5[%get3A_1975, %get3A_1976] {strides = array<i32>} : memref<8x128xf32, #tpu.memory_space<vmem>>, vector<1x16xf32>,
    %get3A_1978 = vector.shape_cast %get3A_1977 : vector<1x16xf32> to vector<16xf32>
    %get3A_1979 = arith.constant 7 : i32
    %get3A_1980 = arith.index_cast %get3A_1979 : i32 to index
    %get3A_1981 = arith.constant 112 : index
    %get3A_1982 = tpu.vector_load %arg5[%get3A_1980, %get3A_1981] {strides = array<i32>} : memref<8x128xf32, #tpu.memory_space<vmem>>, vector<1x16xf32>,
    %get3A_1983 = vector.shape_cast %get3A_1982 : vector<1x16xf32> to vector<16xf32>
    %broadcast_in_dim3A_1984 = arith.constant 0 : i32
    %broadcast_in_dim3A_1985 = vector.broadcast %broadcast_in_dim3A_1984 : i32 to vector<16xi32>
    %gt3A_1986 = arith.cmpf ogt, %get3A_1953, %get3A_1948 : vector<16xf32>
    %select_n3A_1987 = arith.select %gt3A_1986, %get3A_1953, %get3A_1948 : vector<16xi1>, vector<16xf32>
    %jit3A_1988 = arith.constant 1 : i32
    %broadcast_in_dim3A_1989 = vector.broadcast %jit3A_1988 : i32 to vector<16xi32>
    %select_n3A_1990 = arith.select %gt3A_1986, %broadcast_in_dim3A_1989, %broadcast_in_dim3A_1985 : vector<16xi1>, vector<16xi32>
    %gt3A_1991 = arith.cmpf ogt, %get3A_1958, %select_n3A_1987 : vector<16xf32>
    %select_n3A_1992 = arith.select %gt3A_1991, %get3A_1958, %select_n3A_1987 : vector<16xi1>, vector<16xf32>
    %jit3A_1993 = arith.constant 2 : i32
    %broadcast_in_dim3A_1994 = vector.broadcast %jit3A_1993 : i32 to vector<16xi32>
    %select_n3A_1995 = arith.select %gt3A_1991, %broadcast_in_dim3A_1994, %select_n3A_1990 : vector<16xi1>, vector<16xi32>
    %gt3A_1996 = arith.cmpf ogt, %get3A_1963, %select_n3A_1992 : vector<16xf32>
    %select_n3A_1997 = arith.select %gt3A_1996, %get3A_1963, %select_n3A_1992 : vector<16xi1>, vector<16xf32>
    %jit3A_1998 = arith.constant 3 : i32
    %broadcast_in_dim3A_1999 = vector.broadcast %jit3A_1998 : i32 to vector<16xi32>
    %select_n3A_2000 = arith.select %gt3A_1996, %broadcast_in_dim3A_1999, %select_n3A_1995 : vector<16xi1>, vector<16xi32>
    %gt3A_2001 = arith.cmpf ogt, %get3A_1968, %select_n3A_1997 : vector<16xf32>
    %select_n3A_2002 = arith.select %gt3A_2001, %get3A_1968, %select_n3A_1997 : vector<16xi1>, vector<16xf32>
    %jit3A_2003 = arith.constant 4 : i32
    %broadcast_in_dim3A_2004 = vector.broadcast %jit3A_2003 : i32 to vector<16xi32>
    %select_n3A_2005 = arith.select %gt3A_2001, %broadcast_in_dim3A_2004, %select_n3A_2000 : vector<16xi1>, vector<16xi32>
    %gt3A_2006 = arith.cmpf ogt, %get3A_1973, %select_n3A_2002 : vector<16xf32>
    %select_n3A_2007 = arith.select %gt3A_2006, %get3A_1973, %select_n3A_2002 : vector<16xi1>, vector<16xf32>
    %jit3A_2008 = arith.constant 5 : i32
    %broadcast_in_dim3A_2009 = vector.broadcast %jit3A_2008 : i32 to vector<16xi32>
    %select_n3A_2010 = arith.select %gt3A_2006, %broadcast_in_dim3A_2009, %select_n3A_2005 : vector<16xi1>, vector<16xi32>
    %gt3A_2011 = arith.cmpf ogt, %get3A_1978, %select_n3A_2007 : vector<16xf32>
    %select_n3A_2012 = arith.select %gt3A_2011, %get3A_1978, %select_n3A_2007 : vector<16xi1>, vector<16xf32>
    %jit3A_2013 = arith.constant 6 : i32
    %broadcast_in_dim3A_2014 = vector.broadcast %jit3A_2013 : i32 to vector<16xi32>
    %select_n3A_2015 = arith.select %gt3A_2011, %broadcast_in_dim3A_2014, %select_n3A_2010 : vector<16xi1>, vector<16xi32>
    %gt3A_2016 = arith.cmpf ogt, %get3A_1983, %select_n3A_2012 : vector<16xf32>
    %select_n3A_2017 = arith.select %gt3A_2016, %get3A_1983, %select_n3A_2012 : vector<16xi1>, vector<16xf32>
    %jit3A_2018 = arith.constant 7 : i32
    %broadcast_in_dim3A_2019 = vector.broadcast %jit3A_2018 : i32 to vector<16xi32>
    %select_n3A_2020 = arith.select %gt3A_2016, %broadcast_in_dim3A_2019, %select_n3A_2015 : vector<16xi1>, vector<16xi32>
    %broadcast_in_dim3A_2021 = arith.constant 0xFF800000 : f32
    %broadcast_in_dim3A_2022 = vector.broadcast %broadcast_in_dim3A_2021 : f32 to vector<16xf32>
    %broadcast_in_dim3A_2023 = arith.constant 0 : i32
    %broadcast_in_dim3A_2024 = vector.broadcast %broadcast_in_dim3A_2023 : i32 to vector<16xi32>
    %ne3A_2025 = arith.constant 0 : i32
    %ne3A_2026 = vector.broadcast %ne3A_2025 : i32 to vector<16xi32>
    %ne3A_2027 = arith.cmpi ne, %select_n3A_2020, %ne3A_2026 : vector<16xi32>
    %gt3A_2028 = arith.cmpf ogt, %get3A_1948, %broadcast_in_dim3A_2022 : vector<16xf32>
    %and3A_2029 = arith.andi %ne3A_2027, %gt3A_2028 : vector<16xi1>
    %select_n3A_2030 = arith.select %and3A_2029, %get3A_1948, %broadcast_in_dim3A_2022 : vector<16xi1>, vector<16xf32>
    %jit3A_2031 = arith.constant 0 : i32
    %broadcast_in_dim3A_2032 = vector.broadcast %jit3A_2031 : i32 to vector<16xi32>
    %select_n3A_2033 = arith.select %and3A_2029, %broadcast_in_dim3A_2032, %broadcast_in_dim3A_2024 : vector<16xi1>, vector<16xi32>
    %ne3A_2034 = arith.constant 1 : i32
    %ne3A_2035 = vector.broadcast %ne3A_2034 : i32 to vector<16xi32>
    %ne3A_2036 = arith.cmpi ne, %select_n3A_2020, %ne3A_2035 : vector<16xi32>
    %gt3A_2037 = arith.cmpf ogt, %get3A_1953, %select_n3A_2030 : vector<16xf32>
    %and3A_2038 = arith.andi %ne3A_2036, %gt3A_2037 : vector<16xi1>
    %select_n3A_2039 = arith.select %and3A_2038, %get3A_1953, %select_n3A_2030 : vector<16xi1>, vector<16xf32>
    %jit3A_2040 = arith.constant 1 : i32
    %broadcast_in_dim3A_2041 = vector.broadcast %jit3A_2040 : i32 to vector<16xi32>
    %select_n3A_2042 = arith.select %and3A_2038, %broadcast_in_dim3A_2041, %select_n3A_2033 : vector<16xi1>, vector<16xi32>
    %ne3A_2043 = arith.constant 2 : i32
    %ne3A_2044 = vector.broadcast %ne3A_2043 : i32 to vector<16xi32>
    %ne3A_2045 = arith.cmpi ne, %select_n3A_2020, %ne3A_2044 : vector<16xi32>
    %gt3A_2046 = arith.cmpf ogt, %get3A_1958, %select_n3A_2039 : vector<16xf32>
    %and3A_2047 = arith.andi %ne3A_2045, %gt3A_2046 : vector<16xi1>
    %select_n3A_2048 = arith.select %and3A_2047, %get3A_1958, %select_n3A_2039 : vector<16xi1>, vector<16xf32>
    %jit3A_2049 = arith.constant 2 : i32
    %broadcast_in_dim3A_2050 = vector.broadcast %jit3A_2049 : i32 to vector<16xi32>
    %select_n3A_2051 = arith.select %and3A_2047, %broadcast_in_dim3A_2050, %select_n3A_2042 : vector<16xi1>, vector<16xi32>
    %ne3A_2052 = arith.constant 3 : i32
    %ne3A_2053 = vector.broadcast %ne3A_2052 : i32 to vector<16xi32>
    %ne3A_2054 = arith.cmpi ne, %select_n3A_2020, %ne3A_2053 : vector<16xi32>
    %gt3A_2055 = arith.cmpf ogt, %get3A_1963, %select_n3A_2048 : vector<16xf32>
    %and3A_2056 = arith.andi %ne3A_2054, %gt3A_2055 : vector<16xi1>
    %select_n3A_2057 = arith.select %and3A_2056, %get3A_1963, %select_n3A_2048 : vector<16xi1>, vector<16xf32>
    %jit3A_2058 = arith.constant 3 : i32
    %broadcast_in_dim3A_2059 = vector.broadcast %jit3A_2058 : i32 to vector<16xi32>
    %select_n3A_2060 = arith.select %and3A_2056, %broadcast_in_dim3A_2059, %select_n3A_2051 : vector<16xi1>, vector<16xi32>
    %ne3A_2061 = arith.constant 4 : i32
    %ne3A_2062 = vector.broadcast %ne3A_2061 : i32 to vector<16xi32>
    %ne3A_2063 = arith.cmpi ne, %select_n3A_2020, %ne3A_2062 : vector<16xi32>
    %gt3A_2064 = arith.cmpf ogt, %get3A_1968, %select_n3A_2057 : vector<16xf32>
    %and3A_2065 = arith.andi %ne3A_2063, %gt3A_2064 : vector<16xi1>
    %select_n3A_2066 = arith.select %and3A_2065, %get3A_1968, %select_n3A_2057 : vector<16xi1>, vector<16xf32>
    %jit3A_2067 = arith.constant 4 : i32
    %broadcast_in_dim3A_2068 = vector.broadcast %jit3A_2067 : i32 to vector<16xi32>
    %select_n3A_2069 = arith.select %and3A_2065, %broadcast_in_dim3A_2068, %select_n3A_2060 : vector<16xi1>, vector<16xi32>
    %ne3A_2070 = arith.constant 5 : i32
    %ne3A_2071 = vector.broadcast %ne3A_2070 : i32 to vector<16xi32>
    %ne3A_2072 = arith.cmpi ne, %select_n3A_2020, %ne3A_2071 : vector<16xi32>
    %gt3A_2073 = arith.cmpf ogt, %get3A_1973, %select_n3A_2066 : vector<16xf32>
    %and3A_2074 = arith.andi %ne3A_2072, %gt3A_2073 : vector<16xi1>
    %select_n3A_2075 = arith.select %and3A_2074, %get3A_1973, %select_n3A_2066 : vector<16xi1>, vector<16xf32>
    %jit3A_2076 = arith.constant 5 : i32
    %broadcast_in_dim3A_2077 = vector.broadcast %jit3A_2076 : i32 to vector<16xi32>
    %select_n3A_2078 = arith.select %and3A_2074, %broadcast_in_dim3A_2077, %select_n3A_2069 : vector<16xi1>, vector<16xi32>
    %ne3A_2079 = arith.constant 6 : i32
    %ne3A_2080 = vector.broadcast %ne3A_2079 : i32 to vector<16xi32>
    %ne3A_2081 = arith.cmpi ne, %select_n3A_2020, %ne3A_2080 : vector<16xi32>
    %gt3A_2082 = arith.cmpf ogt, %get3A_1978, %select_n3A_2075 : vector<16xf32>
    %and3A_2083 = arith.andi %ne3A_2081, %gt3A_2082 : vector<16xi1>
    %select_n3A_2084 = arith.select %and3A_2083, %get3A_1978, %select_n3A_2075 : vector<16xi1>, vector<16xf32>
    %jit3A_2085 = arith.constant 6 : i32
    %broadcast_in_dim3A_2086 = vector.broadcast %jit3A_2085 : i32 to vector<16xi32>
    %select_n3A_2087 = arith.select %and3A_2083, %broadcast_in_dim3A_2086, %select_n3A_2078 : vector<16xi1>, vector<16xi32>
    %ne3A_2088 = arith.constant 7 : i32
    %ne3A_2089 = vector.broadcast %ne3A_2088 : i32 to vector<16xi32>
    %ne3A_2090 = arith.cmpi ne, %select_n3A_2020, %ne3A_2089 : vector<16xi32>
    %gt3A_2091 = arith.cmpf ogt, %get3A_1983, %select_n3A_2084 : vector<16xf32>
    %and3A_2092 = arith.andi %ne3A_2090, %gt3A_2091 : vector<16xi1>
    %select_n3A_2093 = arith.select %and3A_2092, %get3A_1983, %select_n3A_2084 : vector<16xi1>, vector<16xf32>
    %jit3A_2094 = arith.constant 7 : i32
    %broadcast_in_dim3A_2095 = vector.broadcast %jit3A_2094 : i32 to vector<16xi32>
    %select_n3A_2096 = arith.select %and3A_2092, %broadcast_in_dim3A_2095, %select_n3A_2087 : vector<16xi1>, vector<16xi32>
    %sub3A_2097 = arith.subf %select_n3A_2093, %select_n3A_2017 : vector<16xf32>
    %exp3A_2098 = math.exp %sub3A_2097 : vector<16xf32>
    %add3A_2099 = arith.constant 1.000000e+00 : f32
    %add3A_2100 = vector.broadcast %add3A_2099 : f32 to vector<16xf32>
    %add3A_2101 = arith.addf %add3A_2100, %exp3A_2098 : vector<16xf32>
    %div3A_2102 = arith.constant 1.000000e+00 : f32
    %div3A_2103 = vector.broadcast %div3A_2102 : f32 to vector<16xf32>
    %div3A_2104 = arith.divf %div3A_2103, %add3A_2101 : vector<16xf32>
    %broadcast_in_dim3A_2105 = arith.constant 0.000000e+00 : f32
    %broadcast_in_dim3A_2106 = vector.broadcast %broadcast_in_dim3A_2105 : f32 to vector<16xf32>
    %broadcast_in_dim3A_2107 = arith.constant 0.000000e+00 : f32
    %broadcast_in_dim3A_2108 = vector.broadcast %broadcast_in_dim3A_2107 : f32 to vector<16xf32>
    %get3A_2109 = arith.constant 0 : i32
    %get3A_2110 = arith.index_cast %get3A_2109 : i32 to index
    %get3A_2111 = arith.constant 112 : index
    %get3A_2112 = tpu.vector_load %arg6[%get3A_2110, %get3A_2111] {strides = array<i32>} : memref<8x128xf32, #tpu.memory_space<vmem>>, vector<1x16xf32>,
    %get3A_2113 = vector.shape_cast %get3A_2112 : vector<1x16xf32> to vector<16xf32>
    %eq3A_2114 = arith.constant 0 : i32
    %eq3A_2115 = vector.broadcast %eq3A_2114 : i32 to vector<16xi32>
    %eq3A_2116 = arith.cmpi eq, %select_n3A_2020, %eq3A_2115 : vector<16xi32>
    %select_n3A_2117 = arith.select %eq3A_2116, %get3A_2113, %broadcast_in_dim3A_2106 : vector<16xi1>, vector<16xf32>
    %eq3A_2118 = arith.constant 0 : i32
    %eq3A_2119 = vector.broadcast %eq3A_2118 : i32 to vector<16xi32>
    %eq3A_2120 = arith.cmpi eq, %select_n3A_2096, %eq3A_2119 : vector<16xi32>
    %select_n3A_2121 = arith.select %eq3A_2120, %get3A_2113, %broadcast_in_dim3A_2108 : vector<16xi1>, vector<16xf32>
    %get3A_2122 = arith.constant 1 : i32
    %get3A_2123 = arith.index_cast %get3A_2122 : i32 to index
    %get3A_2124 = arith.constant 112 : index
    %get3A_2125 = tpu.vector_load %arg6[%get3A_2123, %get3A_2124] {strides = array<i32>} : memref<8x128xf32, #tpu.memory_space<vmem>>, vector<1x16xf32>,
    %get3A_2126 = vector.shape_cast %get3A_2125 : vector<1x16xf32> to vector<16xf32>
    %eq3A_2127 = arith.constant 1 : i32
    %eq3A_2128 = vector.broadcast %eq3A_2127 : i32 to vector<16xi32>
    %eq3A_2129 = arith.cmpi eq, %select_n3A_2020, %eq3A_2128 : vector<16xi32>
    %select_n3A_2130 = arith.select %eq3A_2129, %get3A_2126, %select_n3A_2117 : vector<16xi1>, vector<16xf32>
    %eq3A_2131 = arith.constant 1 : i32
    %eq3A_2132 = vector.broadcast %eq3A_2131 : i32 to vector<16xi32>
    %eq3A_2133 = arith.cmpi eq, %select_n3A_2096, %eq3A_2132 : vector<16xi32>
    %select_n3A_2134 = arith.select %eq3A_2133, %get3A_2126, %select_n3A_2121 : vector<16xi1>, vector<16xf32>
    %get3A_2135 = arith.constant 2 : i32
    %get3A_2136 = arith.index_cast %get3A_2135 : i32 to index
    %get3A_2137 = arith.constant 112 : index
    %get3A_2138 = tpu.vector_load %arg6[%get3A_2136, %get3A_2137] {strides = array<i32>} : memref<8x128xf32, #tpu.memory_space<vmem>>, vector<1x16xf32>,
    %get3A_2139 = vector.shape_cast %get3A_2138 : vector<1x16xf32> to vector<16xf32>
    %eq3A_2140 = arith.constant 2 : i32
    %eq3A_2141 = vector.broadcast %eq3A_2140 : i32 to vector<16xi32>
    %eq3A_2142 = arith.cmpi eq, %select_n3A_2020, %eq3A_2141 : vector<16xi32>
    %select_n3A_2143 = arith.select %eq3A_2142, %get3A_2139, %select_n3A_2130 : vector<16xi1>, vector<16xf32>
    %eq3A_2144 = arith.constant 2 : i32
    %eq3A_2145 = vector.broadcast %eq3A_2144 : i32 to vector<16xi32>
    %eq3A_2146 = arith.cmpi eq, %select_n3A_2096, %eq3A_2145 : vector<16xi32>
    %select_n3A_2147 = arith.select %eq3A_2146, %get3A_2139, %select_n3A_2134 : vector<16xi1>, vector<16xf32>
    %get3A_2148 = arith.constant 3 : i32
    %get3A_2149 = arith.index_cast %get3A_2148 : i32 to index
    %get3A_2150 = arith.constant 112 : index
    %get3A_2151 = tpu.vector_load %arg6[%get3A_2149, %get3A_2150] {strides = array<i32>} : memref<8x128xf32, #tpu.memory_space<vmem>>, vector<1x16xf32>,
    %get3A_2152 = vector.shape_cast %get3A_2151 : vector<1x16xf32> to vector<16xf32>
    %eq3A_2153 = arith.constant 3 : i32
    %eq3A_2154 = vector.broadcast %eq3A_2153 : i32 to vector<16xi32>
    %eq3A_2155 = arith.cmpi eq, %select_n3A_2020, %eq3A_2154 : vector<16xi32>
    %select_n3A_2156 = arith.select %eq3A_2155, %get3A_2152, %select_n3A_2143 : vector<16xi1>, vector<16xf32>
    %eq3A_2157 = arith.constant 3 : i32
    %eq3A_2158 = vector.broadcast %eq3A_2157 : i32 to vector<16xi32>
    %eq3A_2159 = arith.cmpi eq, %select_n3A_2096, %eq3A_2158 : vector<16xi32>
    %select_n3A_2160 = arith.select %eq3A_2159, %get3A_2152, %select_n3A_2147 : vector<16xi1>, vector<16xf32>
    %get3A_2161 = arith.constant 4 : i32
    %get3A_2162 = arith.index_cast %get3A_2161 : i32 to index
    %get3A_2163 = arith.constant 112 : index
    %get3A_2164 = tpu.vector_load %arg6[%get3A_2162, %get3A_2163] {strides = array<i32>} : memref<8x128xf32, #tpu.memory_space<vmem>>, vector<1x16xf32>,
    %get3A_2165 = vector.shape_cast %get3A_2164 : vector<1x16xf32> to vector<16xf32>
    %eq3A_2166 = arith.constant 4 : i32
    %eq3A_2167 = vector.broadcast %eq3A_2166 : i32 to vector<16xi32>
    %eq3A_2168 = arith.cmpi eq, %select_n3A_2020, %eq3A_2167 : vector<16xi32>
    %select_n3A_2169 = arith.select %eq3A_2168, %get3A_2165, %select_n3A_2156 : vector<16xi1>, vector<16xf32>
    %eq3A_2170 = arith.constant 4 : i32
    %eq3A_2171 = vector.broadcast %eq3A_2170 : i32 to vector<16xi32>
    %eq3A_2172 = arith.cmpi eq, %select_n3A_2096, %eq3A_2171 : vector<16xi32>
    %select_n3A_2173 = arith.select %eq3A_2172, %get3A_2165, %select_n3A_2160 : vector<16xi1>, vector<16xf32>
    %get3A_2174 = arith.constant 5 : i32
    %get3A_2175 = arith.index_cast %get3A_2174 : i32 to index
    %get3A_2176 = arith.constant 112 : index
    %get3A_2177 = tpu.vector_load %arg6[%get3A_2175, %get3A_2176] {strides = array<i32>} : memref<8x128xf32, #tpu.memory_space<vmem>>, vector<1x16xf32>,
    %get3A_2178 = vector.shape_cast %get3A_2177 : vector<1x16xf32> to vector<16xf32>
    %eq3A_2179 = arith.constant 5 : i32
    %eq3A_2180 = vector.broadcast %eq3A_2179 : i32 to vector<16xi32>
    %eq3A_2181 = arith.cmpi eq, %select_n3A_2020, %eq3A_2180 : vector<16xi32>
    %select_n3A_2182 = arith.select %eq3A_2181, %get3A_2178, %select_n3A_2169 : vector<16xi1>, vector<16xf32>
    %eq3A_2183 = arith.constant 5 : i32
    %eq3A_2184 = vector.broadcast %eq3A_2183 : i32 to vector<16xi32>
    %eq3A_2185 = arith.cmpi eq, %select_n3A_2096, %eq3A_2184 : vector<16xi32>
    %select_n3A_2186 = arith.select %eq3A_2185, %get3A_2178, %select_n3A_2173 : vector<16xi1>, vector<16xf32>
    %get3A_2187 = arith.constant 6 : i32
    %get3A_2188 = arith.index_cast %get3A_2187 : i32 to index
    %get3A_2189 = arith.constant 112 : index
    %get3A_2190 = tpu.vector_load %arg6[%get3A_2188, %get3A_2189] {strides = array<i32>} : memref<8x128xf32, #tpu.memory_space<vmem>>, vector<1x16xf32>,
    %get3A_2191 = vector.shape_cast %get3A_2190 : vector<1x16xf32> to vector<16xf32>
    %eq3A_2192 = arith.constant 6 : i32
    %eq3A_2193 = vector.broadcast %eq3A_2192 : i32 to vector<16xi32>
    %eq3A_2194 = arith.cmpi eq, %select_n3A_2020, %eq3A_2193 : vector<16xi32>
    %select_n3A_2195 = arith.select %eq3A_2194, %get3A_2191, %select_n3A_2182 : vector<16xi1>, vector<16xf32>
    %eq3A_2196 = arith.constant 6 : i32
    %eq3A_2197 = vector.broadcast %eq3A_2196 : i32 to vector<16xi32>
    %eq3A_2198 = arith.cmpi eq, %select_n3A_2096, %eq3A_2197 : vector<16xi32>
    %select_n3A_2199 = arith.select %eq3A_2198, %get3A_2191, %select_n3A_2186 : vector<16xi1>, vector<16xf32>
    %get3A_2200 = arith.constant 7 : i32
    %get3A_2201 = arith.index_cast %get3A_2200 : i32 to index
    %get3A_2202 = arith.constant 112 : index
    %get3A_2203 = tpu.vector_load %arg6[%get3A_2201, %get3A_2202] {strides = array<i32>} : memref<8x128xf32, #tpu.memory_space<vmem>>, vector<1x16xf32>,
    %get3A_2204 = vector.shape_cast %get3A_2203 : vector<1x16xf32> to vector<16xf32>
    %eq3A_2205 = arith.constant 7 : i32
    %eq3A_2206 = vector.broadcast %eq3A_2205 : i32 to vector<16xi32>
    %eq3A_2207 = arith.cmpi eq, %select_n3A_2020, %eq3A_2206 : vector<16xi32>
    %select_n3A_2208 = arith.select %eq3A_2207, %get3A_2204, %select_n3A_2195 : vector<16xi1>, vector<16xf32>
    %eq3A_2209 = arith.constant 7 : i32
    %eq3A_2210 = vector.broadcast %eq3A_2209 : i32 to vector<16xi32>
    %eq3A_2211 = arith.cmpi eq, %select_n3A_2096, %eq3A_2210 : vector<16xi32>
    %select_n3A_2212 = arith.select %eq3A_2211, %get3A_2204, %select_n3A_2199 : vector<16xi1>, vector<16xf32>
    %mul3A_2213 = arith.mulf %div3A_2104, %select_n3A_2208 : vector<16xf32>
    %sub3A_2214 = arith.constant 1.000000e+00 : f32
    %sub3A_2215 = vector.broadcast %sub3A_2214 : f32 to vector<16xf32>
    %sub3A_2216 = arith.subf %sub3A_2215, %div3A_2104 : vector<16xf32>
    %mul3A_2217 = arith.mulf %sub3A_2216, %select_n3A_2212 : vector<16xf32>
    %add3A_2218 = arith.addf %mul3A_2213, %mul3A_2217 : vector<16xf32>
    %swap3A_2219 = arith.constant 112 : index
    %swap3A_2220 = tpu.vector_load %arg7[%swap3A_2219] {strides = array<i32>} : memref<128xf32, #tpu.memory_space<vmem>>, vector<16xf32>,
    %swap3A_2221 = vector.shape_cast %swap3A_2220 : vector<16xf32> to vector<16xf32>
    %swap3A_2222 = vector.shape_cast %add3A_2218 : vector<16xf32> to vector<16xf32>
    tpu.vector_store %arg7[%swap3A_2219], %swap3A_2222 {strides = array<i32>} : memref<128xf32, #tpu.memory_space<vmem>>, vector<16xf32>,
    "tpu.region"() ({
      %run_scoped3A = tpu.sem_alloc : memref<!tpu.dma_semaphore, #tpu.memory_space<semaphore_mem>>
      %dma_start3A = tpu.memref_slice %arg4[%mul3A_2] : memref<4096xf32, #tpu.memory_space<hbm>> -> memref<128xf32, #tpu.memory_space<hbm>>
      %dma_start3A_2223 = tpu.memref_slice %arg4[%mul3A_2] : memref<4096xf32, #tpu.memory_space<hbm>> -> memref<128xf32, #tpu.memory_space<hbm>>
      tpu.enqueue_dma source(%arg7 : memref<128xf32, #tpu.memory_space<vmem>>) target(%dma_start3A_2223 : memref<128xf32, #tpu.memory_space<hbm>>) target_semaphore(%run_scoped3A : memref<!tpu.dma_semaphore, #tpu.memory_space<semaphore_mem>>)
      %dma_wait3A = tpu.memref_slice %arg4[%mul3A_2] : memref<4096xf32, #tpu.memory_space<hbm>> -> memref<128xf32, #tpu.memory_space<hbm>>
      %dma_wait3A_2224 = tpu.memref_slice %arg4[%mul3A_2] : memref<4096xf32, #tpu.memory_space<hbm>> -> memref<128xf32, #tpu.memory_space<hbm>>
      tpu.wait_dma2 semaphore(%run_scoped3A : memref<!tpu.dma_semaphore, #tpu.memory_space<semaphore_mem>>) src(%arg7 : memref<128xf32, #tpu.memory_space<vmem>>) dst(%dma_wait3A_2224 : memref<128xf32, #tpu.memory_space<hbm>>)
      tpu.yield
    }) : () -> ()
    return
  }
}

module attributes {stable_mosaic.version = 14 : i64} {
  func.func @_moe_block(%arg0: i32, %arg1: memref<512x2048xf32, #tpu.memory_space<vmem>>, %arg2: memref<2048x1024xbf16, #tpu.memory_space<vmem>>, %arg3: memref<1024x8xbf16, #tpu.memory_space<vmem>>, %arg4: memref<8x2048x1024xf32, #tpu.memory_space<any>>, %arg5: memref<8x1024xf32, #tpu.memory_space<vmem>>, %arg6: memref<8x512xf32, #tpu.memory_space<vmem>>, %arg7: memref<8x512xf32, #tpu.memory_space<vmem>>, %arg8: memref<8x2048x1024xbf16, #tpu.memory_space<vmem>>, %arg9: memref<2x1024x1024xf32, #tpu.memory_space<vmem>>, %arg10: memref<2x!tpu.dma_semaphore, #tpu.memory_space<semaphore_mem>>) attributes {dimension_semantics = [#tpu.dimension_semantics<arbitrary>], iteration_bounds = array<i64: 8>, scalar_prefetch = 0 : i64, scratch_operands = 3 : i64, tpu.core_type = #tpu.core_type<tc>, window_params = [{transform_indices = @transform_0, window_bounds = array<i64: 512, 2048>}, {pipeline_mode = #tpu.pipeline_mode<synchronous>, transform_indices = @transform_1, window_bounds = array<i64: 2048, 1024>}, {pipeline_mode = #tpu.pipeline_mode<synchronous>, transform_indices = @transform_2, window_bounds = array<i64: 1024, 8>}, {}, {pipeline_mode = #tpu.pipeline_mode<synchronous>, transform_indices = @transform_4, window_bounds = array<i64: 8, 1024>}, {transform_indices = @transform_5, window_bounds = array<i64: 8, 512>}, {transform_indices = @transform_6, window_bounds = array<i64: 8, 512>}]} {
    %eq3A = arith.constant 0 : i32
    %eq3A_0 = arith.cmpi eq, %arg0, %eq3A : i32
    %convert_element_type3A = arith.extui %eq3A_0 : i1 to i32
    %cond3A = arith.constant 0 : i32
    %cond3A_1 = arith.cmpi ne, %convert_element_type3A, %cond3A : i32
    scf.if %cond3A_1 {
      %dma_start3A = arith.constant 0 : i32
      %dma_start3A_180 = arith.constant 0 : i32
      %dma_start3A_181 = arith.constant 0 : i32
      %dma_start3A_182 = tpu.memref_slice %arg10[%dma_start3A_181] : memref<2x!tpu.dma_semaphore, #tpu.memory_space<semaphore_mem>> -> memref<1x!tpu.dma_semaphore, #tpu.memory_space<semaphore_mem>>
      %dma_start3A_183 = tpu.memref_squeeze %dma_start3A_182 : memref<1x!tpu.dma_semaphore, #tpu.memory_space<semaphore_mem>> -> memref<!tpu.dma_semaphore, #tpu.memory_space<semaphore_mem>>
      %dma_start3A_184 = arith.constant 0 : i32
      %dma_start3A_185 = arith.constant 0 : i32
      %dma_start3A_186 = tpu.memref_slice %arg9[%dma_start3A_180, %dma_start3A_184, %dma_start3A_185] : memref<2x1024x1024xf32, #tpu.memory_space<vmem>> -> memref<1x1024x1024xf32, #tpu.memory_space<vmem>>
      %dma_start3A_187 = tpu.memref_squeeze %dma_start3A_186 : memref<1x1024x1024xf32, #tpu.memory_space<vmem>> -> memref<1024x1024xf32, #tpu.memory_space<vmem>>
      %dma_start3A_188 = arith.constant 0 : i32
      %dma_start3A_189 = arith.constant 0 : i32
      %dma_start3A_190 = tpu.memref_slice %arg4[%dma_start3A, %dma_start3A_188, %dma_start3A_189] : memref<8x2048x1024xf32, #tpu.memory_space<any>> -> memref<1x1024x1024xf32, #tpu.memory_space<any>>
      %dma_start3A_191 = tpu.memref_squeeze %dma_start3A_190 : memref<1x1024x1024xf32, #tpu.memory_space<any>> -> memref<1024x1024xf32, #tpu.memory_space<any>>
      tpu.enqueue_dma source(%dma_start3A_191 : memref<1024x1024xf32, #tpu.memory_space<any>>) target(%dma_start3A_187 : memref<1024x1024xf32, #tpu.memory_space<vmem>>) target_semaphore(%dma_start3A_183 : memref<!tpu.dma_semaphore, #tpu.memory_space<semaphore_mem>>)
      %dma_start3A_192 = arith.constant 0 : i32
      %dma_start3A_193 = arith.constant 1 : i32
      %dma_start3A_194 = arith.constant 1 : i32
      %dma_start3A_195 = tpu.memref_slice %arg10[%dma_start3A_194] : memref<2x!tpu.dma_semaphore, #tpu.memory_space<semaphore_mem>> -> memref<1x!tpu.dma_semaphore, #tpu.memory_space<semaphore_mem>>
      %dma_start3A_196 = tpu.memref_squeeze %dma_start3A_195 : memref<1x!tpu.dma_semaphore, #tpu.memory_space<semaphore_mem>> -> memref<!tpu.dma_semaphore, #tpu.memory_space<semaphore_mem>>
      %dma_start3A_197 = arith.constant 0 : i32
      %dma_start3A_198 = arith.constant 0 : i32
      %dma_start3A_199 = tpu.memref_slice %arg9[%dma_start3A_193, %dma_start3A_197, %dma_start3A_198] : memref<2x1024x1024xf32, #tpu.memory_space<vmem>> -> memref<1x1024x1024xf32, #tpu.memory_space<vmem>>
      %dma_start3A_200 = tpu.memref_squeeze %dma_start3A_199 : memref<1x1024x1024xf32, #tpu.memory_space<vmem>> -> memref<1024x1024xf32, #tpu.memory_space<vmem>>
      %dma_start3A_201 = arith.constant 1024 : i32
      %dma_start3A_202 = arith.constant 0 : i32
      %dma_start3A_203 = tpu.memref_slice %arg4[%dma_start3A_192, %dma_start3A_201, %dma_start3A_202] : memref<8x2048x1024xf32, #tpu.memory_space<any>> -> memref<1x1024x1024xf32, #tpu.memory_space<any>>
      %dma_start3A_204 = tpu.memref_squeeze %dma_start3A_203 : memref<1x1024x1024xf32, #tpu.memory_space<any>> -> memref<1024x1024xf32, #tpu.memory_space<any>>
      tpu.enqueue_dma source(%dma_start3A_204 : memref<1024x1024xf32, #tpu.memory_space<any>>) target(%dma_start3A_200 : memref<1024x1024xf32, #tpu.memory_space<vmem>>) target_semaphore(%dma_start3A_196 : memref<!tpu.dma_semaphore, #tpu.memory_space<semaphore_mem>>)
      %dma_wait3A = arith.constant 0 : i32
      %dma_wait3A_205 = arith.constant 0 : i32
      %dma_wait3A_206 = arith.constant 0 : i32
      %dma_wait3A_207 = tpu.memref_slice %arg10[%dma_wait3A_206] : memref<2x!tpu.dma_semaphore, #tpu.memory_space<semaphore_mem>> -> memref<1x!tpu.dma_semaphore, #tpu.memory_space<semaphore_mem>>
      %dma_wait3A_208 = tpu.memref_squeeze %dma_wait3A_207 : memref<1x!tpu.dma_semaphore, #tpu.memory_space<semaphore_mem>> -> memref<!tpu.dma_semaphore, #tpu.memory_space<semaphore_mem>>
      %dma_wait3A_209 = arith.constant 0 : i32
      %dma_wait3A_210 = arith.constant 0 : i32
      %dma_wait3A_211 = tpu.memref_slice %arg9[%dma_wait3A_205, %dma_wait3A_209, %dma_wait3A_210] : memref<2x1024x1024xf32, #tpu.memory_space<vmem>> -> memref<1x1024x1024xf32, #tpu.memory_space<vmem>>
      %dma_wait3A_212 = tpu.memref_squeeze %dma_wait3A_211 : memref<1x1024x1024xf32, #tpu.memory_space<vmem>> -> memref<1024x1024xf32, #tpu.memory_space<vmem>>
      %dma_wait3A_213 = arith.constant 0 : i32
      %dma_wait3A_214 = arith.constant 0 : i32
      %dma_wait3A_215 = tpu.memref_slice %arg4[%dma_wait3A, %dma_wait3A_213, %dma_wait3A_214] : memref<8x2048x1024xf32, #tpu.memory_space<any>> -> memref<1x1024x1024xf32, #tpu.memory_space<any>>
      %dma_wait3A_216 = tpu.memref_squeeze %dma_wait3A_215 : memref<1x1024x1024xf32, #tpu.memory_space<any>> -> memref<1024x1024xf32, #tpu.memory_space<any>>
      tpu.wait_dma2 semaphore(%dma_wait3A_208 : memref<!tpu.dma_semaphore, #tpu.memory_space<semaphore_mem>>) src(%dma_wait3A_216 : memref<1024x1024xf32, #tpu.memory_space<any>>) dst(%dma_wait3A_212 : memref<1024x1024xf32, #tpu.memory_space<vmem>>)
      %get3A_217 = arith.constant 0 : index
      %get3A_218 = arith.constant 0 : index
      %get3A_219 = arith.constant 0 : index
      %get3A_220 = vector.load %arg9[%get3A_217, %get3A_218, %get3A_219] : memref<2x1024x1024xf32, #tpu.memory_space<vmem>>, vector<1x1024x1024xf32>
      %get3A_221 = vector.shape_cast %get3A_220 : vector<1x1024x1024xf32> to vector<1024x1024xf32>
      %convert_element_type3A_222 = arith.truncf %get3A_221 : vector<1024x1024xf32> to vector<1024x1024xbf16>
      %swap3A_223 = arith.constant 0 : index
      %swap3A_224 = arith.constant 0 : index
      %swap3A_225 = arith.constant 0 : index
      %swap3A_226 = vector.load %arg8[%swap3A_223, %swap3A_224, %swap3A_225] : memref<8x2048x1024xbf16, #tpu.memory_space<vmem>>, vector<1x1024x1024xbf16>
      %swap3A_227 = vector.shape_cast %swap3A_226 : vector<1x1024x1024xbf16> to vector<1024x1024xbf16>
      %swap3A_228 = vector.shape_cast %convert_element_type3A_222 : vector<1024x1024xbf16> to vector<1x1024x1024xbf16>
      tpu.vector_store %arg8[%swap3A_223, %swap3A_224, %swap3A_225], %swap3A_228 {strides = array<i32>} : memref<8x2048x1024xbf16, #tpu.memory_space<vmem>>, vector<1x1024x1024xbf16>,
      %dma_start3A_229 = arith.constant 1 : i32
      %dma_start3A_230 = arith.constant 0 : i32
      %dma_start3A_231 = arith.constant 0 : i32
      %dma_start3A_232 = tpu.memref_slice %arg10[%dma_start3A_231] : memref<2x!tpu.dma_semaphore, #tpu.memory_space<semaphore_mem>> -> memref<1x!tpu.dma_semaphore, #tpu.memory_space<semaphore_mem>>
      %dma_start3A_233 = tpu.memref_squeeze %dma_start3A_232 : memref<1x!tpu.dma_semaphore, #tpu.memory_space<semaphore_mem>> -> memref<!tpu.dma_semaphore, #tpu.memory_space<semaphore_mem>>
      %dma_start3A_234 = arith.constant 0 : i32
      %dma_start3A_235 = arith.constant 0 : i32
      %dma_start3A_236 = tpu.memref_slice %arg9[%dma_start3A_230, %dma_start3A_234, %dma_start3A_235] : memref<2x1024x1024xf32, #tpu.memory_space<vmem>> -> memref<1x1024x1024xf32, #tpu.memory_space<vmem>>
      %dma_start3A_237 = tpu.memref_squeeze %dma_start3A_236 : memref<1x1024x1024xf32, #tpu.memory_space<vmem>> -> memref<1024x1024xf32, #tpu.memory_space<vmem>>
      %dma_start3A_238 = arith.constant 0 : i32
      %dma_start3A_239 = arith.constant 0 : i32
      %dma_start3A_240 = tpu.memref_slice %arg4[%dma_start3A_229, %dma_start3A_238, %dma_start3A_239] : memref<8x2048x1024xf32, #tpu.memory_space<any>> -> memref<1x1024x1024xf32, #tpu.memory_space<any>>
      %dma_start3A_241 = tpu.memref_squeeze %dma_start3A_240 : memref<1x1024x1024xf32, #tpu.memory_space<any>> -> memref<1024x1024xf32, #tpu.memory_space<any>>
      tpu.enqueue_dma source(%dma_start3A_241 : memref<1024x1024xf32, #tpu.memory_space<any>>) target(%dma_start3A_237 : memref<1024x1024xf32, #tpu.memory_space<vmem>>) target_semaphore(%dma_start3A_233 : memref<!tpu.dma_semaphore, #tpu.memory_space<semaphore_mem>>)
      %dma_wait3A_242 = arith.constant 0 : i32
      %dma_wait3A_243 = arith.constant 1 : i32
      %dma_wait3A_244 = arith.constant 1 : i32
      %dma_wait3A_245 = tpu.memref_slice %arg10[%dma_wait3A_244] : memref<2x!tpu.dma_semaphore, #tpu.memory_space<semaphore_mem>> -> memref<1x!tpu.dma_semaphore, #tpu.memory_space<semaphore_mem>>
      %dma_wait3A_246 = tpu.memref_squeeze %dma_wait3A_245 : memref<1x!tpu.dma_semaphore, #tpu.memory_space<semaphore_mem>> -> memref<!tpu.dma_semaphore, #tpu.memory_space<semaphore_mem>>
      %dma_wait3A_247 = arith.constant 0 : i32
      %dma_wait3A_248 = arith.constant 0 : i32
      %dma_wait3A_249 = tpu.memref_slice %arg9[%dma_wait3A_243, %dma_wait3A_247, %dma_wait3A_248] : memref<2x1024x1024xf32, #tpu.memory_space<vmem>> -> memref<1x1024x1024xf32, #tpu.memory_space<vmem>>
      %dma_wait3A_250 = tpu.memref_squeeze %dma_wait3A_249 : memref<1x1024x1024xf32, #tpu.memory_space<vmem>> -> memref<1024x1024xf32, #tpu.memory_space<vmem>>
      %dma_wait3A_251 = arith.constant 1024 : i32
      %dma_wait3A_252 = arith.constant 0 : i32
      %dma_wait3A_253 = tpu.memref_slice %arg4[%dma_wait3A_242, %dma_wait3A_251, %dma_wait3A_252] : memref<8x2048x1024xf32, #tpu.memory_space<any>> -> memref<1x1024x1024xf32, #tpu.memory_space<any>>
      %dma_wait3A_254 = tpu.memref_squeeze %dma_wait3A_253 : memref<1x1024x1024xf32, #tpu.memory_space<any>> -> memref<1024x1024xf32, #tpu.memory_space<any>>
      tpu.wait_dma2 semaphore(%dma_wait3A_246 : memref<!tpu.dma_semaphore, #tpu.memory_space<semaphore_mem>>) src(%dma_wait3A_254 : memref<1024x1024xf32, #tpu.memory_space<any>>) dst(%dma_wait3A_250 : memref<1024x1024xf32, #tpu.memory_space<vmem>>)
      %get3A_255 = arith.constant 1 : index
      %get3A_256 = arith.constant 0 : index
      %get3A_257 = arith.constant 0 : index
      %get3A_258 = vector.load %arg9[%get3A_255, %get3A_256, %get3A_257] : memref<2x1024x1024xf32, #tpu.memory_space<vmem>>, vector<1x1024x1024xf32>
      %get3A_259 = vector.shape_cast %get3A_258 : vector<1x1024x1024xf32> to vector<1024x1024xf32>
      %convert_element_type3A_260 = arith.truncf %get3A_259 : vector<1024x1024xf32> to vector<1024x1024xbf16>
      %swap3A_261 = arith.constant 0 : index
      %swap3A_262 = arith.constant 1024 : index
      %swap3A_263 = arith.constant 0 : index
      %swap3A_264 = vector.load %arg8[%swap3A_261, %swap3A_262, %swap3A_263] : memref<8x2048x1024xbf16, #tpu.memory_space<vmem>>, vector<1x1024x1024xbf16>
      %swap3A_265 = vector.shape_cast %swap3A_264 : vector<1x1024x1024xbf16> to vector<1024x1024xbf16>
      %swap3A_266 = vector.shape_cast %convert_element_type3A_260 : vector<1024x1024xbf16> to vector<1x1024x1024xbf16>
      tpu.vector_store %arg8[%swap3A_261, %swap3A_262, %swap3A_263], %swap3A_266 {strides = array<i32>} : memref<8x2048x1024xbf16, #tpu.memory_space<vmem>>, vector<1x1024x1024xbf16>,
      %dma_start3A_267 = arith.constant 1 : i32
      %dma_start3A_268 = arith.constant 1 : i32
      %dma_start3A_269 = arith.constant 1 : i32
      %dma_start3A_270 = tpu.memref_slice %arg10[%dma_start3A_269] : memref<2x!tpu.dma_semaphore, #tpu.memory_space<semaphore_mem>> -> memref<1x!tpu.dma_semaphore, #tpu.memory_space<semaphore_mem>>
      %dma_start3A_271 = tpu.memref_squeeze %dma_start3A_270 : memref<1x!tpu.dma_semaphore, #tpu.memory_space<semaphore_mem>> -> memref<!tpu.dma_semaphore, #tpu.memory_space<semaphore_mem>>
      %dma_start3A_272 = arith.constant 0 : i32
      %dma_start3A_273 = arith.constant 0 : i32
      %dma_start3A_274 = tpu.memref_slice %arg9[%dma_start3A_268, %dma_start3A_272, %dma_start3A_273] : memref<2x1024x1024xf32, #tpu.memory_space<vmem>> -> memref<1x1024x1024xf32, #tpu.memory_space<vmem>>
      %dma_start3A_275 = tpu.memref_squeeze %dma_start3A_274 : memref<1x1024x1024xf32, #tpu.memory_space<vmem>> -> memref<1024x1024xf32, #tpu.memory_space<vmem>>
      %dma_start3A_276 = arith.constant 1024 : i32
      %dma_start3A_277 = arith.constant 0 : i32
      %dma_start3A_278 = tpu.memref_slice %arg4[%dma_start3A_267, %dma_start3A_276, %dma_start3A_277] : memref<8x2048x1024xf32, #tpu.memory_space<any>> -> memref<1x1024x1024xf32, #tpu.memory_space<any>>
      %dma_start3A_279 = tpu.memref_squeeze %dma_start3A_278 : memref<1x1024x1024xf32, #tpu.memory_space<any>> -> memref<1024x1024xf32, #tpu.memory_space<any>>
      tpu.enqueue_dma source(%dma_start3A_279 : memref<1024x1024xf32, #tpu.memory_space<any>>) target(%dma_start3A_275 : memref<1024x1024xf32, #tpu.memory_space<vmem>>) target_semaphore(%dma_start3A_271 : memref<!tpu.dma_semaphore, #tpu.memory_space<semaphore_mem>>)
      %dma_wait3A_280 = arith.constant 1 : i32
      %dma_wait3A_281 = arith.constant 0 : i32
      %dma_wait3A_282 = arith.constant 0 : i32
      %dma_wait3A_283 = tpu.memref_slice %arg10[%dma_wait3A_282] : memref<2x!tpu.dma_semaphore, #tpu.memory_space<semaphore_mem>> -> memref<1x!tpu.dma_semaphore, #tpu.memory_space<semaphore_mem>>
      %dma_wait3A_284 = tpu.memref_squeeze %dma_wait3A_283 : memref<1x!tpu.dma_semaphore, #tpu.memory_space<semaphore_mem>> -> memref<!tpu.dma_semaphore, #tpu.memory_space<semaphore_mem>>
      %dma_wait3A_285 = arith.constant 0 : i32
      %dma_wait3A_286 = arith.constant 0 : i32
      %dma_wait3A_287 = tpu.memref_slice %arg9[%dma_wait3A_281, %dma_wait3A_285, %dma_wait3A_286] : memref<2x1024x1024xf32, #tpu.memory_space<vmem>> -> memref<1x1024x1024xf32, #tpu.memory_space<vmem>>
      %dma_wait3A_288 = tpu.memref_squeeze %dma_wait3A_287 : memref<1x1024x1024xf32, #tpu.memory_space<vmem>> -> memref<1024x1024xf32, #tpu.memory_space<vmem>>
      %dma_wait3A_289 = arith.constant 0 : i32
      %dma_wait3A_290 = arith.constant 0 : i32
      %dma_wait3A_291 = tpu.memref_slice %arg4[%dma_wait3A_280, %dma_wait3A_289, %dma_wait3A_290] : memref<8x2048x1024xf32, #tpu.memory_space<any>> -> memref<1x1024x1024xf32, #tpu.memory_space<any>>
      %dma_wait3A_292 = tpu.memref_squeeze %dma_wait3A_291 : memref<1x1024x1024xf32, #tpu.memory_space<any>> -> memref<1024x1024xf32, #tpu.memory_space<any>>
      tpu.wait_dma2 semaphore(%dma_wait3A_284 : memref<!tpu.dma_semaphore, #tpu.memory_space<semaphore_mem>>) src(%dma_wait3A_292 : memref<1024x1024xf32, #tpu.memory_space<any>>) dst(%dma_wait3A_288 : memref<1024x1024xf32, #tpu.memory_space<vmem>>)
      %get3A_293 = arith.constant 0 : index
      %get3A_294 = arith.constant 0 : index
      %get3A_295 = arith.constant 0 : index
      %get3A_296 = vector.load %arg9[%get3A_293, %get3A_294, %get3A_295] : memref<2x1024x1024xf32, #tpu.memory_space<vmem>>, vector<1x1024x1024xf32>
      %get3A_297 = vector.shape_cast %get3A_296 : vector<1x1024x1024xf32> to vector<1024x1024xf32>
      %convert_element_type3A_298 = arith.truncf %get3A_297 : vector<1024x1024xf32> to vector<1024x1024xbf16>
      %swap3A_299 = arith.constant 1 : index
      %swap3A_300 = arith.constant 0 : index
      %swap3A_301 = arith.constant 0 : index
      %swap3A_302 = vector.load %arg8[%swap3A_299, %swap3A_300, %swap3A_301] : memref<8x2048x1024xbf16, #tpu.memory_space<vmem>>, vector<1x1024x1024xbf16>
      %swap3A_303 = vector.shape_cast %swap3A_302 : vector<1x1024x1024xbf16> to vector<1024x1024xbf16>
      %swap3A_304 = vector.shape_cast %convert_element_type3A_298 : vector<1024x1024xbf16> to vector<1x1024x1024xbf16>
      tpu.vector_store %arg8[%swap3A_299, %swap3A_300, %swap3A_301], %swap3A_304 {strides = array<i32>} : memref<8x2048x1024xbf16, #tpu.memory_space<vmem>>, vector<1x1024x1024xbf16>,
      %dma_start3A_305 = arith.constant 2 : i32
      %dma_start3A_306 = arith.constant 0 : i32
      %dma_start3A_307 = arith.constant 0 : i32
      %dma_start3A_308 = tpu.memref_slice %arg10[%dma_start3A_307] : memref<2x!tpu.dma_semaphore, #tpu.memory_space<semaphore_mem>> -> memref<1x!tpu.dma_semaphore, #tpu.memory_space<semaphore_mem>>
      %dma_start3A_309 = tpu.memref_squeeze %dma_start3A_308 : memref<1x!tpu.dma_semaphore, #tpu.memory_space<semaphore_mem>> -> memref<!tpu.dma_semaphore, #tpu.memory_space<semaphore_mem>>
      %dma_start3A_310 = arith.constant 0 : i32
      %dma_start3A_311 = arith.constant 0 : i32
      %dma_start3A_312 = tpu.memref_slice %arg9[%dma_start3A_306, %dma_start3A_310, %dma_start3A_311] : memref<2x1024x1024xf32, #tpu.memory_space<vmem>> -> memref<1x1024x1024xf32, #tpu.memory_space<vmem>>
      %dma_start3A_313 = tpu.memref_squeeze %dma_start3A_312 : memref<1x1024x1024xf32, #tpu.memory_space<vmem>> -> memref<1024x1024xf32, #tpu.memory_space<vmem>>
      %dma_start3A_314 = arith.constant 0 : i32
      %dma_start3A_315 = arith.constant 0 : i32
      %dma_start3A_316 = tpu.memref_slice %arg4[%dma_start3A_305, %dma_start3A_314, %dma_start3A_315] : memref<8x2048x1024xf32, #tpu.memory_space<any>> -> memref<1x1024x1024xf32, #tpu.memory_space<any>>
      %dma_start3A_317 = tpu.memref_squeeze %dma_start3A_316 : memref<1x1024x1024xf32, #tpu.memory_space<any>> -> memref<1024x1024xf32, #tpu.memory_space<any>>
      tpu.enqueue_dma source(%dma_start3A_317 : memref<1024x1024xf32, #tpu.memory_space<any>>) target(%dma_start3A_313 : memref<1024x1024xf32, #tpu.memory_space<vmem>>) target_semaphore(%dma_start3A_309 : memref<!tpu.dma_semaphore, #tpu.memory_space<semaphore_mem>>)
      %dma_wait3A_318 = arith.constant 1 : i32
      %dma_wait3A_319 = arith.constant 1 : i32
      %dma_wait3A_320 = arith.constant 1 : i32
      %dma_wait3A_321 = tpu.memref_slice %arg10[%dma_wait3A_320] : memref<2x!tpu.dma_semaphore, #tpu.memory_space<semaphore_mem>> -> memref<1x!tpu.dma_semaphore, #tpu.memory_space<semaphore_mem>>
      %dma_wait3A_322 = tpu.memref_squeeze %dma_wait3A_321 : memref<1x!tpu.dma_semaphore, #tpu.memory_space<semaphore_mem>> -> memref<!tpu.dma_semaphore, #tpu.memory_space<semaphore_mem>>
      %dma_wait3A_323 = arith.constant 0 : i32
      %dma_wait3A_324 = arith.constant 0 : i32
      %dma_wait3A_325 = tpu.memref_slice %arg9[%dma_wait3A_319, %dma_wait3A_323, %dma_wait3A_324] : memref<2x1024x1024xf32, #tpu.memory_space<vmem>> -> memref<1x1024x1024xf32, #tpu.memory_space<vmem>>
      %dma_wait3A_326 = tpu.memref_squeeze %dma_wait3A_325 : memref<1x1024x1024xf32, #tpu.memory_space<vmem>> -> memref<1024x1024xf32, #tpu.memory_space<vmem>>
      %dma_wait3A_327 = arith.constant 1024 : i32
      %dma_wait3A_328 = arith.constant 0 : i32
      %dma_wait3A_329 = tpu.memref_slice %arg4[%dma_wait3A_318, %dma_wait3A_327, %dma_wait3A_328] : memref<8x2048x1024xf32, #tpu.memory_space<any>> -> memref<1x1024x1024xf32, #tpu.memory_space<any>>
      %dma_wait3A_330 = tpu.memref_squeeze %dma_wait3A_329 : memref<1x1024x1024xf32, #tpu.memory_space<any>> -> memref<1024x1024xf32, #tpu.memory_space<any>>
      tpu.wait_dma2 semaphore(%dma_wait3A_322 : memref<!tpu.dma_semaphore, #tpu.memory_space<semaphore_mem>>) src(%dma_wait3A_330 : memref<1024x1024xf32, #tpu.memory_space<any>>) dst(%dma_wait3A_326 : memref<1024x1024xf32, #tpu.memory_space<vmem>>)
      %get3A_331 = arith.constant 1 : index
      %get3A_332 = arith.constant 0 : index
      %get3A_333 = arith.constant 0 : index
      %get3A_334 = vector.load %arg9[%get3A_331, %get3A_332, %get3A_333] : memref<2x1024x1024xf32, #tpu.memory_space<vmem>>, vector<1x1024x1024xf32>
      %get3A_335 = vector.shape_cast %get3A_334 : vector<1x1024x1024xf32> to vector<1024x1024xf32>
      %convert_element_type3A_336 = arith.truncf %get3A_335 : vector<1024x1024xf32> to vector<1024x1024xbf16>
      %swap3A_337 = arith.constant 1 : index
      %swap3A_338 = arith.constant 1024 : index
      %swap3A_339 = arith.constant 0 : index
      %swap3A_340 = vector.load %arg8[%swap3A_337, %swap3A_338, %swap3A_339] : memref<8x2048x1024xbf16, #tpu.memory_space<vmem>>, vector<1x1024x1024xbf16>
      %swap3A_341 = vector.shape_cast %swap3A_340 : vector<1x1024x1024xbf16> to vector<1024x1024xbf16>
      %swap3A_342 = vector.shape_cast %convert_element_type3A_336 : vector<1024x1024xbf16> to vector<1x1024x1024xbf16>
      tpu.vector_store %arg8[%swap3A_337, %swap3A_338, %swap3A_339], %swap3A_342 {strides = array<i32>} : memref<8x2048x1024xbf16, #tpu.memory_space<vmem>>, vector<1x1024x1024xbf16>,
      %dma_start3A_343 = arith.constant 2 : i32
      %dma_start3A_344 = arith.constant 1 : i32
      %dma_start3A_345 = arith.constant 1 : i32
      %dma_start3A_346 = tpu.memref_slice %arg10[%dma_start3A_345] : memref<2x!tpu.dma_semaphore, #tpu.memory_space<semaphore_mem>> -> memref<1x!tpu.dma_semaphore, #tpu.memory_space<semaphore_mem>>
      %dma_start3A_347 = tpu.memref_squeeze %dma_start3A_346 : memref<1x!tpu.dma_semaphore, #tpu.memory_space<semaphore_mem>> -> memref<!tpu.dma_semaphore, #tpu.memory_space<semaphore_mem>>
      %dma_start3A_348 = arith.constant 0 : i32
      %dma_start3A_349 = arith.constant 0 : i32
      %dma_start3A_350 = tpu.memref_slice %arg9[%dma_start3A_344, %dma_start3A_348, %dma_start3A_349] : memref<2x1024x1024xf32, #tpu.memory_space<vmem>> -> memref<1x1024x1024xf32, #tpu.memory_space<vmem>>
      %dma_start3A_351 = tpu.memref_squeeze %dma_start3A_350 : memref<1x1024x1024xf32, #tpu.memory_space<vmem>> -> memref<1024x1024xf32, #tpu.memory_space<vmem>>
      %dma_start3A_352 = arith.constant 1024 : i32
      %dma_start3A_353 = arith.constant 0 : i32
      %dma_start3A_354 = tpu.memref_slice %arg4[%dma_start3A_343, %dma_start3A_352, %dma_start3A_353] : memref<8x2048x1024xf32, #tpu.memory_space<any>> -> memref<1x1024x1024xf32, #tpu.memory_space<any>>
      %dma_start3A_355 = tpu.memref_squeeze %dma_start3A_354 : memref<1x1024x1024xf32, #tpu.memory_space<any>> -> memref<1024x1024xf32, #tpu.memory_space<any>>
      tpu.enqueue_dma source(%dma_start3A_355 : memref<1024x1024xf32, #tpu.memory_space<any>>) target(%dma_start3A_351 : memref<1024x1024xf32, #tpu.memory_space<vmem>>) target_semaphore(%dma_start3A_347 : memref<!tpu.dma_semaphore, #tpu.memory_space<semaphore_mem>>)
      %dma_wait3A_356 = arith.constant 2 : i32
      %dma_wait3A_357 = arith.constant 0 : i32
      %dma_wait3A_358 = arith.constant 0 : i32
      %dma_wait3A_359 = tpu.memref_slice %arg10[%dma_wait3A_358] : memref<2x!tpu.dma_semaphore, #tpu.memory_space<semaphore_mem>> -> memref<1x!tpu.dma_semaphore, #tpu.memory_space<semaphore_mem>>
      %dma_wait3A_360 = tpu.memref_squeeze %dma_wait3A_359 : memref<1x!tpu.dma_semaphore, #tpu.memory_space<semaphore_mem>> -> memref<!tpu.dma_semaphore, #tpu.memory_space<semaphore_mem>>
      %dma_wait3A_361 = arith.constant 0 : i32
      %dma_wait3A_362 = arith.constant 0 : i32
      %dma_wait3A_363 = tpu.memref_slice %arg9[%dma_wait3A_357, %dma_wait3A_361, %dma_wait3A_362] : memref<2x1024x1024xf32, #tpu.memory_space<vmem>> -> memref<1x1024x1024xf32, #tpu.memory_space<vmem>>
      %dma_wait3A_364 = tpu.memref_squeeze %dma_wait3A_363 : memref<1x1024x1024xf32, #tpu.memory_space<vmem>> -> memref<1024x1024xf32, #tpu.memory_space<vmem>>
      %dma_wait3A_365 = arith.constant 0 : i32
      %dma_wait3A_366 = arith.constant 0 : i32
      %dma_wait3A_367 = tpu.memref_slice %arg4[%dma_wait3A_356, %dma_wait3A_365, %dma_wait3A_366] : memref<8x2048x1024xf32, #tpu.memory_space<any>> -> memref<1x1024x1024xf32, #tpu.memory_space<any>>
      %dma_wait3A_368 = tpu.memref_squeeze %dma_wait3A_367 : memref<1x1024x1024xf32, #tpu.memory_space<any>> -> memref<1024x1024xf32, #tpu.memory_space<any>>
      tpu.wait_dma2 semaphore(%dma_wait3A_360 : memref<!tpu.dma_semaphore, #tpu.memory_space<semaphore_mem>>) src(%dma_wait3A_368 : memref<1024x1024xf32, #tpu.memory_space<any>>) dst(%dma_wait3A_364 : memref<1024x1024xf32, #tpu.memory_space<vmem>>)
      %get3A_369 = arith.constant 0 : index
      %get3A_370 = arith.constant 0 : index
      %get3A_371 = arith.constant 0 : index
      %get3A_372 = vector.load %arg9[%get3A_369, %get3A_370, %get3A_371] : memref<2x1024x1024xf32, #tpu.memory_space<vmem>>, vector<1x1024x1024xf32>
      %get3A_373 = vector.shape_cast %get3A_372 : vector<1x1024x1024xf32> to vector<1024x1024xf32>
      %convert_element_type3A_374 = arith.truncf %get3A_373 : vector<1024x1024xf32> to vector<1024x1024xbf16>
      %swap3A_375 = arith.constant 2 : index
      %swap3A_376 = arith.constant 0 : index
      %swap3A_377 = arith.constant 0 : index
      %swap3A_378 = vector.load %arg8[%swap3A_375, %swap3A_376, %swap3A_377] : memref<8x2048x1024xbf16, #tpu.memory_space<vmem>>, vector<1x1024x1024xbf16>
      %swap3A_379 = vector.shape_cast %swap3A_378 : vector<1x1024x1024xbf16> to vector<1024x1024xbf16>
      %swap3A_380 = vector.shape_cast %convert_element_type3A_374 : vector<1024x1024xbf16> to vector<1x1024x1024xbf16>
      tpu.vector_store %arg8[%swap3A_375, %swap3A_376, %swap3A_377], %swap3A_380 {strides = array<i32>} : memref<8x2048x1024xbf16, #tpu.memory_space<vmem>>, vector<1x1024x1024xbf16>,
      %dma_start3A_381 = arith.constant 3 : i32
      %dma_start3A_382 = arith.constant 0 : i32
      %dma_start3A_383 = arith.constant 0 : i32
      %dma_start3A_384 = tpu.memref_slice %arg10[%dma_start3A_383] : memref<2x!tpu.dma_semaphore, #tpu.memory_space<semaphore_mem>> -> memref<1x!tpu.dma_semaphore, #tpu.memory_space<semaphore_mem>>
      %dma_start3A_385 = tpu.memref_squeeze %dma_start3A_384 : memref<1x!tpu.dma_semaphore, #tpu.memory_space<semaphore_mem>> -> memref<!tpu.dma_semaphore, #tpu.memory_space<semaphore_mem>>
      %dma_start3A_386 = arith.constant 0 : i32
      %dma_start3A_387 = arith.constant 0 : i32
      %dma_start3A_388 = tpu.memref_slice %arg9[%dma_start3A_382, %dma_start3A_386, %dma_start3A_387] : memref<2x1024x1024xf32, #tpu.memory_space<vmem>> -> memref<1x1024x1024xf32, #tpu.memory_space<vmem>>
      %dma_start3A_389 = tpu.memref_squeeze %dma_start3A_388 : memref<1x1024x1024xf32, #tpu.memory_space<vmem>> -> memref<1024x1024xf32, #tpu.memory_space<vmem>>
      %dma_start3A_390 = arith.constant 0 : i32
      %dma_start3A_391 = arith.constant 0 : i32
      %dma_start3A_392 = tpu.memref_slice %arg4[%dma_start3A_381, %dma_start3A_390, %dma_start3A_391] : memref<8x2048x1024xf32, #tpu.memory_space<any>> -> memref<1x1024x1024xf32, #tpu.memory_space<any>>
      %dma_start3A_393 = tpu.memref_squeeze %dma_start3A_392 : memref<1x1024x1024xf32, #tpu.memory_space<any>> -> memref<1024x1024xf32, #tpu.memory_space<any>>
      tpu.enqueue_dma source(%dma_start3A_393 : memref<1024x1024xf32, #tpu.memory_space<any>>) target(%dma_start3A_389 : memref<1024x1024xf32, #tpu.memory_space<vmem>>) target_semaphore(%dma_start3A_385 : memref<!tpu.dma_semaphore, #tpu.memory_space<semaphore_mem>>)
      %dma_wait3A_394 = arith.constant 2 : i32
      %dma_wait3A_395 = arith.constant 1 : i32
      %dma_wait3A_396 = arith.constant 1 : i32
      %dma_wait3A_397 = tpu.memref_slice %arg10[%dma_wait3A_396] : memref<2x!tpu.dma_semaphore, #tpu.memory_space<semaphore_mem>> -> memref<1x!tpu.dma_semaphore, #tpu.memory_space<semaphore_mem>>
      %dma_wait3A_398 = tpu.memref_squeeze %dma_wait3A_397 : memref<1x!tpu.dma_semaphore, #tpu.memory_space<semaphore_mem>> -> memref<!tpu.dma_semaphore, #tpu.memory_space<semaphore_mem>>
      %dma_wait3A_399 = arith.constant 0 : i32
      %dma_wait3A_400 = arith.constant 0 : i32
      %dma_wait3A_401 = tpu.memref_slice %arg9[%dma_wait3A_395, %dma_wait3A_399, %dma_wait3A_400] : memref<2x1024x1024xf32, #tpu.memory_space<vmem>> -> memref<1x1024x1024xf32, #tpu.memory_space<vmem>>
      %dma_wait3A_402 = tpu.memref_squeeze %dma_wait3A_401 : memref<1x1024x1024xf32, #tpu.memory_space<vmem>> -> memref<1024x1024xf32, #tpu.memory_space<vmem>>
      %dma_wait3A_403 = arith.constant 1024 : i32
      %dma_wait3A_404 = arith.constant 0 : i32
      %dma_wait3A_405 = tpu.memref_slice %arg4[%dma_wait3A_394, %dma_wait3A_403, %dma_wait3A_404] : memref<8x2048x1024xf32, #tpu.memory_space<any>> -> memref<1x1024x1024xf32, #tpu.memory_space<any>>
      %dma_wait3A_406 = tpu.memref_squeeze %dma_wait3A_405 : memref<1x1024x1024xf32, #tpu.memory_space<any>> -> memref<1024x1024xf32, #tpu.memory_space<any>>
      tpu.wait_dma2 semaphore(%dma_wait3A_398 : memref<!tpu.dma_semaphore, #tpu.memory_space<semaphore_mem>>) src(%dma_wait3A_406 : memref<1024x1024xf32, #tpu.memory_space<any>>) dst(%dma_wait3A_402 : memref<1024x1024xf32, #tpu.memory_space<vmem>>)
      %get3A_407 = arith.constant 1 : index
      %get3A_408 = arith.constant 0 : index
      %get3A_409 = arith.constant 0 : index
      %get3A_410 = vector.load %arg9[%get3A_407, %get3A_408, %get3A_409] : memref<2x1024x1024xf32, #tpu.memory_space<vmem>>, vector<1x1024x1024xf32>
      %get3A_411 = vector.shape_cast %get3A_410 : vector<1x1024x1024xf32> to vector<1024x1024xf32>
      %convert_element_type3A_412 = arith.truncf %get3A_411 : vector<1024x1024xf32> to vector<1024x1024xbf16>
      %swap3A_413 = arith.constant 2 : index
      %swap3A_414 = arith.constant 1024 : index
      %swap3A_415 = arith.constant 0 : index
      %swap3A_416 = vector.load %arg8[%swap3A_413, %swap3A_414, %swap3A_415] : memref<8x2048x1024xbf16, #tpu.memory_space<vmem>>, vector<1x1024x1024xbf16>
      %swap3A_417 = vector.shape_cast %swap3A_416 : vector<1x1024x1024xbf16> to vector<1024x1024xbf16>
      %swap3A_418 = vector.shape_cast %convert_element_type3A_412 : vector<1024x1024xbf16> to vector<1x1024x1024xbf16>
      tpu.vector_store %arg8[%swap3A_413, %swap3A_414, %swap3A_415], %swap3A_418 {strides = array<i32>} : memref<8x2048x1024xbf16, #tpu.memory_space<vmem>>, vector<1x1024x1024xbf16>,
      %dma_start3A_419 = arith.constant 3 : i32
      %dma_start3A_420 = arith.constant 1 : i32
      %dma_start3A_421 = arith.constant 1 : i32
      %dma_start3A_422 = tpu.memref_slice %arg10[%dma_start3A_421] : memref<2x!tpu.dma_semaphore, #tpu.memory_space<semaphore_mem>> -> memref<1x!tpu.dma_semaphore, #tpu.memory_space<semaphore_mem>>
      %dma_start3A_423 = tpu.memref_squeeze %dma_start3A_422 : memref<1x!tpu.dma_semaphore, #tpu.memory_space<semaphore_mem>> -> memref<!tpu.dma_semaphore, #tpu.memory_space<semaphore_mem>>
      %dma_start3A_424 = arith.constant 0 : i32
      %dma_start3A_425 = arith.constant 0 : i32
      %dma_start3A_426 = tpu.memref_slice %arg9[%dma_start3A_420, %dma_start3A_424, %dma_start3A_425] : memref<2x1024x1024xf32, #tpu.memory_space<vmem>> -> memref<1x1024x1024xf32, #tpu.memory_space<vmem>>
      %dma_start3A_427 = tpu.memref_squeeze %dma_start3A_426 : memref<1x1024x1024xf32, #tpu.memory_space<vmem>> -> memref<1024x1024xf32, #tpu.memory_space<vmem>>
      %dma_start3A_428 = arith.constant 1024 : i32
      %dma_start3A_429 = arith.constant 0 : i32
      %dma_start3A_430 = tpu.memref_slice %arg4[%dma_start3A_419, %dma_start3A_428, %dma_start3A_429] : memref<8x2048x1024xf32, #tpu.memory_space<any>> -> memref<1x1024x1024xf32, #tpu.memory_space<any>>
      %dma_start3A_431 = tpu.memref_squeeze %dma_start3A_430 : memref<1x1024x1024xf32, #tpu.memory_space<any>> -> memref<1024x1024xf32, #tpu.memory_space<any>>
      tpu.enqueue_dma source(%dma_start3A_431 : memref<1024x1024xf32, #tpu.memory_space<any>>) target(%dma_start3A_427 : memref<1024x1024xf32, #tpu.memory_space<vmem>>) target_semaphore(%dma_start3A_423 : memref<!tpu.dma_semaphore, #tpu.memory_space<semaphore_mem>>)
      %dma_wait3A_432 = arith.constant 3 : i32
      %dma_wait3A_433 = arith.constant 0 : i32
      %dma_wait3A_434 = arith.constant 0 : i32
      %dma_wait3A_435 = tpu.memref_slice %arg10[%dma_wait3A_434] : memref<2x!tpu.dma_semaphore, #tpu.memory_space<semaphore_mem>> -> memref<1x!tpu.dma_semaphore, #tpu.memory_space<semaphore_mem>>
      %dma_wait3A_436 = tpu.memref_squeeze %dma_wait3A_435 : memref<1x!tpu.dma_semaphore, #tpu.memory_space<semaphore_mem>> -> memref<!tpu.dma_semaphore, #tpu.memory_space<semaphore_mem>>
      %dma_wait3A_437 = arith.constant 0 : i32
      %dma_wait3A_438 = arith.constant 0 : i32
      %dma_wait3A_439 = tpu.memref_slice %arg9[%dma_wait3A_433, %dma_wait3A_437, %dma_wait3A_438] : memref<2x1024x1024xf32, #tpu.memory_space<vmem>> -> memref<1x1024x1024xf32, #tpu.memory_space<vmem>>
      %dma_wait3A_440 = tpu.memref_squeeze %dma_wait3A_439 : memref<1x1024x1024xf32, #tpu.memory_space<vmem>> -> memref<1024x1024xf32, #tpu.memory_space<vmem>>
      %dma_wait3A_441 = arith.constant 0 : i32
      %dma_wait3A_442 = arith.constant 0 : i32
      %dma_wait3A_443 = tpu.memref_slice %arg4[%dma_wait3A_432, %dma_wait3A_441, %dma_wait3A_442] : memref<8x2048x1024xf32, #tpu.memory_space<any>> -> memref<1x1024x1024xf32, #tpu.memory_space<any>>
      %dma_wait3A_444 = tpu.memref_squeeze %dma_wait3A_443 : memref<1x1024x1024xf32, #tpu.memory_space<any>> -> memref<1024x1024xf32, #tpu.memory_space<any>>
      tpu.wait_dma2 semaphore(%dma_wait3A_436 : memref<!tpu.dma_semaphore, #tpu.memory_space<semaphore_mem>>) src(%dma_wait3A_444 : memref<1024x1024xf32, #tpu.memory_space<any>>) dst(%dma_wait3A_440 : memref<1024x1024xf32, #tpu.memory_space<vmem>>)
      %get3A_445 = arith.constant 0 : index
      %get3A_446 = arith.constant 0 : index
      %get3A_447 = arith.constant 0 : index
      %get3A_448 = vector.load %arg9[%get3A_445, %get3A_446, %get3A_447] : memref<2x1024x1024xf32, #tpu.memory_space<vmem>>, vector<1x1024x1024xf32>
      %get3A_449 = vector.shape_cast %get3A_448 : vector<1x1024x1024xf32> to vector<1024x1024xf32>
      %convert_element_type3A_450 = arith.truncf %get3A_449 : vector<1024x1024xf32> to vector<1024x1024xbf16>
      %swap3A_451 = arith.constant 3 : index
      %swap3A_452 = arith.constant 0 : index
      %swap3A_453 = arith.constant 0 : index
      %swap3A_454 = vector.load %arg8[%swap3A_451, %swap3A_452, %swap3A_453] : memref<8x2048x1024xbf16, #tpu.memory_space<vmem>>, vector<1x1024x1024xbf16>
      %swap3A_455 = vector.shape_cast %swap3A_454 : vector<1x1024x1024xbf16> to vector<1024x1024xbf16>
      %swap3A_456 = vector.shape_cast %convert_element_type3A_450 : vector<1024x1024xbf16> to vector<1x1024x1024xbf16>
      tpu.vector_store %arg8[%swap3A_451, %swap3A_452, %swap3A_453], %swap3A_456 {strides = array<i32>} : memref<8x2048x1024xbf16, #tpu.memory_space<vmem>>, vector<1x1024x1024xbf16>,
      %dma_start3A_457 = arith.constant 4 : i32
      %dma_start3A_458 = arith.constant 0 : i32
      %dma_start3A_459 = arith.constant 0 : i32
      %dma_start3A_460 = tpu.memref_slice %arg10[%dma_start3A_459] : memref<2x!tpu.dma_semaphore, #tpu.memory_space<semaphore_mem>> -> memref<1x!tpu.dma_semaphore, #tpu.memory_space<semaphore_mem>>
      %dma_start3A_461 = tpu.memref_squeeze %dma_start3A_460 : memref<1x!tpu.dma_semaphore, #tpu.memory_space<semaphore_mem>> -> memref<!tpu.dma_semaphore, #tpu.memory_space<semaphore_mem>>
      %dma_start3A_462 = arith.constant 0 : i32
      %dma_start3A_463 = arith.constant 0 : i32
      %dma_start3A_464 = tpu.memref_slice %arg9[%dma_start3A_458, %dma_start3A_462, %dma_start3A_463] : memref<2x1024x1024xf32, #tpu.memory_space<vmem>> -> memref<1x1024x1024xf32, #tpu.memory_space<vmem>>
      %dma_start3A_465 = tpu.memref_squeeze %dma_start3A_464 : memref<1x1024x1024xf32, #tpu.memory_space<vmem>> -> memref<1024x1024xf32, #tpu.memory_space<vmem>>
      %dma_start3A_466 = arith.constant 0 : i32
      %dma_start3A_467 = arith.constant 0 : i32
      %dma_start3A_468 = tpu.memref_slice %arg4[%dma_start3A_457, %dma_start3A_466, %dma_start3A_467] : memref<8x2048x1024xf32, #tpu.memory_space<any>> -> memref<1x1024x1024xf32, #tpu.memory_space<any>>
      %dma_start3A_469 = tpu.memref_squeeze %dma_start3A_468 : memref<1x1024x1024xf32, #tpu.memory_space<any>> -> memref<1024x1024xf32, #tpu.memory_space<any>>
      tpu.enqueue_dma source(%dma_start3A_469 : memref<1024x1024xf32, #tpu.memory_space<any>>) target(%dma_start3A_465 : memref<1024x1024xf32, #tpu.memory_space<vmem>>) target_semaphore(%dma_start3A_461 : memref<!tpu.dma_semaphore, #tpu.memory_space<semaphore_mem>>)
      %dma_wait3A_470 = arith.constant 3 : i32
      %dma_wait3A_471 = arith.constant 1 : i32
      %dma_wait3A_472 = arith.constant 1 : i32
      %dma_wait3A_473 = tpu.memref_slice %arg10[%dma_wait3A_472] : memref<2x!tpu.dma_semaphore, #tpu.memory_space<semaphore_mem>> -> memref<1x!tpu.dma_semaphore, #tpu.memory_space<semaphore_mem>>
      %dma_wait3A_474 = tpu.memref_squeeze %dma_wait3A_473 : memref<1x!tpu.dma_semaphore, #tpu.memory_space<semaphore_mem>> -> memref<!tpu.dma_semaphore, #tpu.memory_space<semaphore_mem>>
      %dma_wait3A_475 = arith.constant 0 : i32
      %dma_wait3A_476 = arith.constant 0 : i32
      %dma_wait3A_477 = tpu.memref_slice %arg9[%dma_wait3A_471, %dma_wait3A_475, %dma_wait3A_476] : memref<2x1024x1024xf32, #tpu.memory_space<vmem>> -> memref<1x1024x1024xf32, #tpu.memory_space<vmem>>
      %dma_wait3A_478 = tpu.memref_squeeze %dma_wait3A_477 : memref<1x1024x1024xf32, #tpu.memory_space<vmem>> -> memref<1024x1024xf32, #tpu.memory_space<vmem>>
      %dma_wait3A_479 = arith.constant 1024 : i32
      %dma_wait3A_480 = arith.constant 0 : i32
      %dma_wait3A_481 = tpu.memref_slice %arg4[%dma_wait3A_470, %dma_wait3A_479, %dma_wait3A_480] : memref<8x2048x1024xf32, #tpu.memory_space<any>> -> memref<1x1024x1024xf32, #tpu.memory_space<any>>
      %dma_wait3A_482 = tpu.memref_squeeze %dma_wait3A_481 : memref<1x1024x1024xf32, #tpu.memory_space<any>> -> memref<1024x1024xf32, #tpu.memory_space<any>>
      tpu.wait_dma2 semaphore(%dma_wait3A_474 : memref<!tpu.dma_semaphore, #tpu.memory_space<semaphore_mem>>) src(%dma_wait3A_482 : memref<1024x1024xf32, #tpu.memory_space<any>>) dst(%dma_wait3A_478 : memref<1024x1024xf32, #tpu.memory_space<vmem>>)
      %get3A_483 = arith.constant 1 : index
      %get3A_484 = arith.constant 0 : index
      %get3A_485 = arith.constant 0 : index
      %get3A_486 = vector.load %arg9[%get3A_483, %get3A_484, %get3A_485] : memref<2x1024x1024xf32, #tpu.memory_space<vmem>>, vector<1x1024x1024xf32>
      %get3A_487 = vector.shape_cast %get3A_486 : vector<1x1024x1024xf32> to vector<1024x1024xf32>
      %convert_element_type3A_488 = arith.truncf %get3A_487 : vector<1024x1024xf32> to vector<1024x1024xbf16>
      %swap3A_489 = arith.constant 3 : index
      %swap3A_490 = arith.constant 1024 : index
      %swap3A_491 = arith.constant 0 : index
      %swap3A_492 = vector.load %arg8[%swap3A_489, %swap3A_490, %swap3A_491] : memref<8x2048x1024xbf16, #tpu.memory_space<vmem>>, vector<1x1024x1024xbf16>
      %swap3A_493 = vector.shape_cast %swap3A_492 : vector<1x1024x1024xbf16> to vector<1024x1024xbf16>
      %swap3A_494 = vector.shape_cast %convert_element_type3A_488 : vector<1024x1024xbf16> to vector<1x1024x1024xbf16>
      tpu.vector_store %arg8[%swap3A_489, %swap3A_490, %swap3A_491], %swap3A_494 {strides = array<i32>} : memref<8x2048x1024xbf16, #tpu.memory_space<vmem>>, vector<1x1024x1024xbf16>,
      %dma_start3A_495 = arith.constant 4 : i32
      %dma_start3A_496 = arith.constant 1 : i32
      %dma_start3A_497 = arith.constant 1 : i32
      %dma_start3A_498 = tpu.memref_slice %arg10[%dma_start3A_497] : memref<2x!tpu.dma_semaphore, #tpu.memory_space<semaphore_mem>> -> memref<1x!tpu.dma_semaphore, #tpu.memory_space<semaphore_mem>>
      %dma_start3A_499 = tpu.memref_squeeze %dma_start3A_498 : memref<1x!tpu.dma_semaphore, #tpu.memory_space<semaphore_mem>> -> memref<!tpu.dma_semaphore, #tpu.memory_space<semaphore_mem>>
      %dma_start3A_500 = arith.constant 0 : i32
      %dma_start3A_501 = arith.constant 0 : i32
      %dma_start3A_502 = tpu.memref_slice %arg9[%dma_start3A_496, %dma_start3A_500, %dma_start3A_501] : memref<2x1024x1024xf32, #tpu.memory_space<vmem>> -> memref<1x1024x1024xf32, #tpu.memory_space<vmem>>
      %dma_start3A_503 = tpu.memref_squeeze %dma_start3A_502 : memref<1x1024x1024xf32, #tpu.memory_space<vmem>> -> memref<1024x1024xf32, #tpu.memory_space<vmem>>
      %dma_start3A_504 = arith.constant 1024 : i32
      %dma_start3A_505 = arith.constant 0 : i32
      %dma_start3A_506 = tpu.memref_slice %arg4[%dma_start3A_495, %dma_start3A_504, %dma_start3A_505] : memref<8x2048x1024xf32, #tpu.memory_space<any>> -> memref<1x1024x1024xf32, #tpu.memory_space<any>>
      %dma_start3A_507 = tpu.memref_squeeze %dma_start3A_506 : memref<1x1024x1024xf32, #tpu.memory_space<any>> -> memref<1024x1024xf32, #tpu.memory_space<any>>
      tpu.enqueue_dma source(%dma_start3A_507 : memref<1024x1024xf32, #tpu.memory_space<any>>) target(%dma_start3A_503 : memref<1024x1024xf32, #tpu.memory_space<vmem>>) target_semaphore(%dma_start3A_499 : memref<!tpu.dma_semaphore, #tpu.memory_space<semaphore_mem>>)
      %dma_wait3A_508 = arith.constant 4 : i32
      %dma_wait3A_509 = arith.constant 0 : i32
      %dma_wait3A_510 = arith.constant 0 : i32
      %dma_wait3A_511 = tpu.memref_slice %arg10[%dma_wait3A_510] : memref<2x!tpu.dma_semaphore, #tpu.memory_space<semaphore_mem>> -> memref<1x!tpu.dma_semaphore, #tpu.memory_space<semaphore_mem>>
      %dma_wait3A_512 = tpu.memref_squeeze %dma_wait3A_511 : memref<1x!tpu.dma_semaphore, #tpu.memory_space<semaphore_mem>> -> memref<!tpu.dma_semaphore, #tpu.memory_space<semaphore_mem>>
      %dma_wait3A_513 = arith.constant 0 : i32
      %dma_wait3A_514 = arith.constant 0 : i32
      %dma_wait3A_515 = tpu.memref_slice %arg9[%dma_wait3A_509, %dma_wait3A_513, %dma_wait3A_514] : memref<2x1024x1024xf32, #tpu.memory_space<vmem>> -> memref<1x1024x1024xf32, #tpu.memory_space<vmem>>
      %dma_wait3A_516 = tpu.memref_squeeze %dma_wait3A_515 : memref<1x1024x1024xf32, #tpu.memory_space<vmem>> -> memref<1024x1024xf32, #tpu.memory_space<vmem>>
      %dma_wait3A_517 = arith.constant 0 : i32
      %dma_wait3A_518 = arith.constant 0 : i32
      %dma_wait3A_519 = tpu.memref_slice %arg4[%dma_wait3A_508, %dma_wait3A_517, %dma_wait3A_518] : memref<8x2048x1024xf32, #tpu.memory_space<any>> -> memref<1x1024x1024xf32, #tpu.memory_space<any>>
      %dma_wait3A_520 = tpu.memref_squeeze %dma_wait3A_519 : memref<1x1024x1024xf32, #tpu.memory_space<any>> -> memref<1024x1024xf32, #tpu.memory_space<any>>
      tpu.wait_dma2 semaphore(%dma_wait3A_512 : memref<!tpu.dma_semaphore, #tpu.memory_space<semaphore_mem>>) src(%dma_wait3A_520 : memref<1024x1024xf32, #tpu.memory_space<any>>) dst(%dma_wait3A_516 : memref<1024x1024xf32, #tpu.memory_space<vmem>>)
      %get3A_521 = arith.constant 0 : index
      %get3A_522 = arith.constant 0 : index
      %get3A_523 = arith.constant 0 : index
      %get3A_524 = vector.load %arg9[%get3A_521, %get3A_522, %get3A_523] : memref<2x1024x1024xf32, #tpu.memory_space<vmem>>, vector<1x1024x1024xf32>
      %get3A_525 = vector.shape_cast %get3A_524 : vector<1x1024x1024xf32> to vector<1024x1024xf32>
      %convert_element_type3A_526 = arith.truncf %get3A_525 : vector<1024x1024xf32> to vector<1024x1024xbf16>
      %swap3A_527 = arith.constant 4 : index
      %swap3A_528 = arith.constant 0 : index
      %swap3A_529 = arith.constant 0 : index
      %swap3A_530 = vector.load %arg8[%swap3A_527, %swap3A_528, %swap3A_529] : memref<8x2048x1024xbf16, #tpu.memory_space<vmem>>, vector<1x1024x1024xbf16>
      %swap3A_531 = vector.shape_cast %swap3A_530 : vector<1x1024x1024xbf16> to vector<1024x1024xbf16>
      %swap3A_532 = vector.shape_cast %convert_element_type3A_526 : vector<1024x1024xbf16> to vector<1x1024x1024xbf16>
      tpu.vector_store %arg8[%swap3A_527, %swap3A_528, %swap3A_529], %swap3A_532 {strides = array<i32>} : memref<8x2048x1024xbf16, #tpu.memory_space<vmem>>, vector<1x1024x1024xbf16>,
      %dma_start3A_533 = arith.constant 5 : i32
      %dma_start3A_534 = arith.constant 0 : i32
      %dma_start3A_535 = arith.constant 0 : i32
      %dma_start3A_536 = tpu.memref_slice %arg10[%dma_start3A_535] : memref<2x!tpu.dma_semaphore, #tpu.memory_space<semaphore_mem>> -> memref<1x!tpu.dma_semaphore, #tpu.memory_space<semaphore_mem>>
      %dma_start3A_537 = tpu.memref_squeeze %dma_start3A_536 : memref<1x!tpu.dma_semaphore, #tpu.memory_space<semaphore_mem>> -> memref<!tpu.dma_semaphore, #tpu.memory_space<semaphore_mem>>
      %dma_start3A_538 = arith.constant 0 : i32
      %dma_start3A_539 = arith.constant 0 : i32
      %dma_start3A_540 = tpu.memref_slice %arg9[%dma_start3A_534, %dma_start3A_538, %dma_start3A_539] : memref<2x1024x1024xf32, #tpu.memory_space<vmem>> -> memref<1x1024x1024xf32, #tpu.memory_space<vmem>>
      %dma_start3A_541 = tpu.memref_squeeze %dma_start3A_540 : memref<1x1024x1024xf32, #tpu.memory_space<vmem>> -> memref<1024x1024xf32, #tpu.memory_space<vmem>>
      %dma_start3A_542 = arith.constant 0 : i32
      %dma_start3A_543 = arith.constant 0 : i32
      %dma_start3A_544 = tpu.memref_slice %arg4[%dma_start3A_533, %dma_start3A_542, %dma_start3A_543] : memref<8x2048x1024xf32, #tpu.memory_space<any>> -> memref<1x1024x1024xf32, #tpu.memory_space<any>>
      %dma_start3A_545 = tpu.memref_squeeze %dma_start3A_544 : memref<1x1024x1024xf32, #tpu.memory_space<any>> -> memref<1024x1024xf32, #tpu.memory_space<any>>
      tpu.enqueue_dma source(%dma_start3A_545 : memref<1024x1024xf32, #tpu.memory_space<any>>) target(%dma_start3A_541 : memref<1024x1024xf32, #tpu.memory_space<vmem>>) target_semaphore(%dma_start3A_537 : memref<!tpu.dma_semaphore, #tpu.memory_space<semaphore_mem>>)
      %dma_wait3A_546 = arith.constant 4 : i32
      %dma_wait3A_547 = arith.constant 1 : i32
      %dma_wait3A_548 = arith.constant 1 : i32
      %dma_wait3A_549 = tpu.memref_slice %arg10[%dma_wait3A_548] : memref<2x!tpu.dma_semaphore, #tpu.memory_space<semaphore_mem>> -> memref<1x!tpu.dma_semaphore, #tpu.memory_space<semaphore_mem>>
      %dma_wait3A_550 = tpu.memref_squeeze %dma_wait3A_549 : memref<1x!tpu.dma_semaphore, #tpu.memory_space<semaphore_mem>> -> memref<!tpu.dma_semaphore, #tpu.memory_space<semaphore_mem>>
      %dma_wait3A_551 = arith.constant 0 : i32
      %dma_wait3A_552 = arith.constant 0 : i32
      %dma_wait3A_553 = tpu.memref_slice %arg9[%dma_wait3A_547, %dma_wait3A_551, %dma_wait3A_552] : memref<2x1024x1024xf32, #tpu.memory_space<vmem>> -> memref<1x1024x1024xf32, #tpu.memory_space<vmem>>
      %dma_wait3A_554 = tpu.memref_squeeze %dma_wait3A_553 : memref<1x1024x1024xf32, #tpu.memory_space<vmem>> -> memref<1024x1024xf32, #tpu.memory_space<vmem>>
      %dma_wait3A_555 = arith.constant 1024 : i32
      %dma_wait3A_556 = arith.constant 0 : i32
      %dma_wait3A_557 = tpu.memref_slice %arg4[%dma_wait3A_546, %dma_wait3A_555, %dma_wait3A_556] : memref<8x2048x1024xf32, #tpu.memory_space<any>> -> memref<1x1024x1024xf32, #tpu.memory_space<any>>
      %dma_wait3A_558 = tpu.memref_squeeze %dma_wait3A_557 : memref<1x1024x1024xf32, #tpu.memory_space<any>> -> memref<1024x1024xf32, #tpu.memory_space<any>>
      tpu.wait_dma2 semaphore(%dma_wait3A_550 : memref<!tpu.dma_semaphore, #tpu.memory_space<semaphore_mem>>) src(%dma_wait3A_558 : memref<1024x1024xf32, #tpu.memory_space<any>>) dst(%dma_wait3A_554 : memref<1024x1024xf32, #tpu.memory_space<vmem>>)
      %get3A_559 = arith.constant 1 : index
      %get3A_560 = arith.constant 0 : index
      %get3A_561 = arith.constant 0 : index
      %get3A_562 = vector.load %arg9[%get3A_559, %get3A_560, %get3A_561] : memref<2x1024x1024xf32, #tpu.memory_space<vmem>>, vector<1x1024x1024xf32>
      %get3A_563 = vector.shape_cast %get3A_562 : vector<1x1024x1024xf32> to vector<1024x1024xf32>
      %convert_element_type3A_564 = arith.truncf %get3A_563 : vector<1024x1024xf32> to vector<1024x1024xbf16>
      %swap3A_565 = arith.constant 4 : index
      %swap3A_566 = arith.constant 1024 : index
      %swap3A_567 = arith.constant 0 : index
      %swap3A_568 = vector.load %arg8[%swap3A_565, %swap3A_566, %swap3A_567] : memref<8x2048x1024xbf16, #tpu.memory_space<vmem>>, vector<1x1024x1024xbf16>
      %swap3A_569 = vector.shape_cast %swap3A_568 : vector<1x1024x1024xbf16> to vector<1024x1024xbf16>
      %swap3A_570 = vector.shape_cast %convert_element_type3A_564 : vector<1024x1024xbf16> to vector<1x1024x1024xbf16>
      tpu.vector_store %arg8[%swap3A_565, %swap3A_566, %swap3A_567], %swap3A_570 {strides = array<i32>} : memref<8x2048x1024xbf16, #tpu.memory_space<vmem>>, vector<1x1024x1024xbf16>,
      %dma_start3A_571 = arith.constant 5 : i32
      %dma_start3A_572 = arith.constant 1 : i32
      %dma_start3A_573 = arith.constant 1 : i32
      %dma_start3A_574 = tpu.memref_slice %arg10[%dma_start3A_573] : memref<2x!tpu.dma_semaphore, #tpu.memory_space<semaphore_mem>> -> memref<1x!tpu.dma_semaphore, #tpu.memory_space<semaphore_mem>>
      %dma_start3A_575 = tpu.memref_squeeze %dma_start3A_574 : memref<1x!tpu.dma_semaphore, #tpu.memory_space<semaphore_mem>> -> memref<!tpu.dma_semaphore, #tpu.memory_space<semaphore_mem>>
      %dma_start3A_576 = arith.constant 0 : i32
      %dma_start3A_577 = arith.constant 0 : i32
      %dma_start3A_578 = tpu.memref_slice %arg9[%dma_start3A_572, %dma_start3A_576, %dma_start3A_577] : memref<2x1024x1024xf32, #tpu.memory_space<vmem>> -> memref<1x1024x1024xf32, #tpu.memory_space<vmem>>
      %dma_start3A_579 = tpu.memref_squeeze %dma_start3A_578 : memref<1x1024x1024xf32, #tpu.memory_space<vmem>> -> memref<1024x1024xf32, #tpu.memory_space<vmem>>
      %dma_start3A_580 = arith.constant 1024 : i32
      %dma_start3A_581 = arith.constant 0 : i32
      %dma_start3A_582 = tpu.memref_slice %arg4[%dma_start3A_571, %dma_start3A_580, %dma_start3A_581] : memref<8x2048x1024xf32, #tpu.memory_space<any>> -> memref<1x1024x1024xf32, #tpu.memory_space<any>>
      %dma_start3A_583 = tpu.memref_squeeze %dma_start3A_582 : memref<1x1024x1024xf32, #tpu.memory_space<any>> -> memref<1024x1024xf32, #tpu.memory_space<any>>
      tpu.enqueue_dma source(%dma_start3A_583 : memref<1024x1024xf32, #tpu.memory_space<any>>) target(%dma_start3A_579 : memref<1024x1024xf32, #tpu.memory_space<vmem>>) target_semaphore(%dma_start3A_575 : memref<!tpu.dma_semaphore, #tpu.memory_space<semaphore_mem>>)
      %dma_wait3A_584 = arith.constant 5 : i32
      %dma_wait3A_585 = arith.constant 0 : i32
      %dma_wait3A_586 = arith.constant 0 : i32
      %dma_wait3A_587 = tpu.memref_slice %arg10[%dma_wait3A_586] : memref<2x!tpu.dma_semaphore, #tpu.memory_space<semaphore_mem>> -> memref<1x!tpu.dma_semaphore, #tpu.memory_space<semaphore_mem>>
      %dma_wait3A_588 = tpu.memref_squeeze %dma_wait3A_587 : memref<1x!tpu.dma_semaphore, #tpu.memory_space<semaphore_mem>> -> memref<!tpu.dma_semaphore, #tpu.memory_space<semaphore_mem>>
      %dma_wait3A_589 = arith.constant 0 : i32
      %dma_wait3A_590 = arith.constant 0 : i32
      %dma_wait3A_591 = tpu.memref_slice %arg9[%dma_wait3A_585, %dma_wait3A_589, %dma_wait3A_590] : memref<2x1024x1024xf32, #tpu.memory_space<vmem>> -> memref<1x1024x1024xf32, #tpu.memory_space<vmem>>
      %dma_wait3A_592 = tpu.memref_squeeze %dma_wait3A_591 : memref<1x1024x1024xf32, #tpu.memory_space<vmem>> -> memref<1024x1024xf32, #tpu.memory_space<vmem>>
      %dma_wait3A_593 = arith.constant 0 : i32
      %dma_wait3A_594 = arith.constant 0 : i32
      %dma_wait3A_595 = tpu.memref_slice %arg4[%dma_wait3A_584, %dma_wait3A_593, %dma_wait3A_594] : memref<8x2048x1024xf32, #tpu.memory_space<any>> -> memref<1x1024x1024xf32, #tpu.memory_space<any>>
      %dma_wait3A_596 = tpu.memref_squeeze %dma_wait3A_595 : memref<1x1024x1024xf32, #tpu.memory_space<any>> -> memref<1024x1024xf32, #tpu.memory_space<any>>
      tpu.wait_dma2 semaphore(%dma_wait3A_588 : memref<!tpu.dma_semaphore, #tpu.memory_space<semaphore_mem>>) src(%dma_wait3A_596 : memref<1024x1024xf32, #tpu.memory_space<any>>) dst(%dma_wait3A_592 : memref<1024x1024xf32, #tpu.memory_space<vmem>>)
      %get3A_597 = arith.constant 0 : index
      %get3A_598 = arith.constant 0 : index
      %get3A_599 = arith.constant 0 : index
      %get3A_600 = vector.load %arg9[%get3A_597, %get3A_598, %get3A_599] : memref<2x1024x1024xf32, #tpu.memory_space<vmem>>, vector<1x1024x1024xf32>
      %get3A_601 = vector.shape_cast %get3A_600 : vector<1x1024x1024xf32> to vector<1024x1024xf32>
      %convert_element_type3A_602 = arith.truncf %get3A_601 : vector<1024x1024xf32> to vector<1024x1024xbf16>
      %swap3A_603 = arith.constant 5 : index
      %swap3A_604 = arith.constant 0 : index
      %swap3A_605 = arith.constant 0 : index
      %swap3A_606 = vector.load %arg8[%swap3A_603, %swap3A_604, %swap3A_605] : memref<8x2048x1024xbf16, #tpu.memory_space<vmem>>, vector<1x1024x1024xbf16>
      %swap3A_607 = vector.shape_cast %swap3A_606 : vector<1x1024x1024xbf16> to vector<1024x1024xbf16>
      %swap3A_608 = vector.shape_cast %convert_element_type3A_602 : vector<1024x1024xbf16> to vector<1x1024x1024xbf16>
      tpu.vector_store %arg8[%swap3A_603, %swap3A_604, %swap3A_605], %swap3A_608 {strides = array<i32>} : memref<8x2048x1024xbf16, #tpu.memory_space<vmem>>, vector<1x1024x1024xbf16>,
      %dma_start3A_609 = arith.constant 6 : i32
      %dma_start3A_610 = arith.constant 0 : i32
      %dma_start3A_611 = arith.constant 0 : i32
      %dma_start3A_612 = tpu.memref_slice %arg10[%dma_start3A_611] : memref<2x!tpu.dma_semaphore, #tpu.memory_space<semaphore_mem>> -> memref<1x!tpu.dma_semaphore, #tpu.memory_space<semaphore_mem>>
      %dma_start3A_613 = tpu.memref_squeeze %dma_start3A_612 : memref<1x!tpu.dma_semaphore, #tpu.memory_space<semaphore_mem>> -> memref<!tpu.dma_semaphore, #tpu.memory_space<semaphore_mem>>
      %dma_start3A_614 = arith.constant 0 : i32
      %dma_start3A_615 = arith.constant 0 : i32
      %dma_start3A_616 = tpu.memref_slice %arg9[%dma_start3A_610, %dma_start3A_614, %dma_start3A_615] : memref<2x1024x1024xf32, #tpu.memory_space<vmem>> -> memref<1x1024x1024xf32, #tpu.memory_space<vmem>>
      %dma_start3A_617 = tpu.memref_squeeze %dma_start3A_616 : memref<1x1024x1024xf32, #tpu.memory_space<vmem>> -> memref<1024x1024xf32, #tpu.memory_space<vmem>>
      %dma_start3A_618 = arith.constant 0 : i32
      %dma_start3A_619 = arith.constant 0 : i32
      %dma_start3A_620 = tpu.memref_slice %arg4[%dma_start3A_609, %dma_start3A_618, %dma_start3A_619] : memref<8x2048x1024xf32, #tpu.memory_space<any>> -> memref<1x1024x1024xf32, #tpu.memory_space<any>>
      %dma_start3A_621 = tpu.memref_squeeze %dma_start3A_620 : memref<1x1024x1024xf32, #tpu.memory_space<any>> -> memref<1024x1024xf32, #tpu.memory_space<any>>
      tpu.enqueue_dma source(%dma_start3A_621 : memref<1024x1024xf32, #tpu.memory_space<any>>) target(%dma_start3A_617 : memref<1024x1024xf32, #tpu.memory_space<vmem>>) target_semaphore(%dma_start3A_613 : memref<!tpu.dma_semaphore, #tpu.memory_space<semaphore_mem>>)
      %dma_wait3A_622 = arith.constant 5 : i32
      %dma_wait3A_623 = arith.constant 1 : i32
      %dma_wait3A_624 = arith.constant 1 : i32
      %dma_wait3A_625 = tpu.memref_slice %arg10[%dma_wait3A_624] : memref<2x!tpu.dma_semaphore, #tpu.memory_space<semaphore_mem>> -> memref<1x!tpu.dma_semaphore, #tpu.memory_space<semaphore_mem>>
      %dma_wait3A_626 = tpu.memref_squeeze %dma_wait3A_625 : memref<1x!tpu.dma_semaphore, #tpu.memory_space<semaphore_mem>> -> memref<!tpu.dma_semaphore, #tpu.memory_space<semaphore_mem>>
      %dma_wait3A_627 = arith.constant 0 : i32
      %dma_wait3A_628 = arith.constant 0 : i32
      %dma_wait3A_629 = tpu.memref_slice %arg9[%dma_wait3A_623, %dma_wait3A_627, %dma_wait3A_628] : memref<2x1024x1024xf32, #tpu.memory_space<vmem>> -> memref<1x1024x1024xf32, #tpu.memory_space<vmem>>
      %dma_wait3A_630 = tpu.memref_squeeze %dma_wait3A_629 : memref<1x1024x1024xf32, #tpu.memory_space<vmem>> -> memref<1024x1024xf32, #tpu.memory_space<vmem>>
      %dma_wait3A_631 = arith.constant 1024 : i32
      %dma_wait3A_632 = arith.constant 0 : i32
      %dma_wait3A_633 = tpu.memref_slice %arg4[%dma_wait3A_622, %dma_wait3A_631, %dma_wait3A_632] : memref<8x2048x1024xf32, #tpu.memory_space<any>> -> memref<1x1024x1024xf32, #tpu.memory_space<any>>
      %dma_wait3A_634 = tpu.memref_squeeze %dma_wait3A_633 : memref<1x1024x1024xf32, #tpu.memory_space<any>> -> memref<1024x1024xf32, #tpu.memory_space<any>>
      tpu.wait_dma2 semaphore(%dma_wait3A_626 : memref<!tpu.dma_semaphore, #tpu.memory_space<semaphore_mem>>) src(%dma_wait3A_634 : memref<1024x1024xf32, #tpu.memory_space<any>>) dst(%dma_wait3A_630 : memref<1024x1024xf32, #tpu.memory_space<vmem>>)
      %get3A_635 = arith.constant 1 : index
      %get3A_636 = arith.constant 0 : index
      %get3A_637 = arith.constant 0 : index
      %get3A_638 = vector.load %arg9[%get3A_635, %get3A_636, %get3A_637] : memref<2x1024x1024xf32, #tpu.memory_space<vmem>>, vector<1x1024x1024xf32>
      %get3A_639 = vector.shape_cast %get3A_638 : vector<1x1024x1024xf32> to vector<1024x1024xf32>
      %convert_element_type3A_640 = arith.truncf %get3A_639 : vector<1024x1024xf32> to vector<1024x1024xbf16>
      %swap3A_641 = arith.constant 5 : index
      %swap3A_642 = arith.constant 1024 : index
      %swap3A_643 = arith.constant 0 : index
      %swap3A_644 = vector.load %arg8[%swap3A_641, %swap3A_642, %swap3A_643] : memref<8x2048x1024xbf16, #tpu.memory_space<vmem>>, vector<1x1024x1024xbf16>
      %swap3A_645 = vector.shape_cast %swap3A_644 : vector<1x1024x1024xbf16> to vector<1024x1024xbf16>
      %swap3A_646 = vector.shape_cast %convert_element_type3A_640 : vector<1024x1024xbf16> to vector<1x1024x1024xbf16>
      tpu.vector_store %arg8[%swap3A_641, %swap3A_642, %swap3A_643], %swap3A_646 {strides = array<i32>} : memref<8x2048x1024xbf16, #tpu.memory_space<vmem>>, vector<1x1024x1024xbf16>,
      %dma_start3A_647 = arith.constant 6 : i32
      %dma_start3A_648 = arith.constant 1 : i32
      %dma_start3A_649 = arith.constant 1 : i32
      %dma_start3A_650 = tpu.memref_slice %arg10[%dma_start3A_649] : memref<2x!tpu.dma_semaphore, #tpu.memory_space<semaphore_mem>> -> memref<1x!tpu.dma_semaphore, #tpu.memory_space<semaphore_mem>>
      %dma_start3A_651 = tpu.memref_squeeze %dma_start3A_650 : memref<1x!tpu.dma_semaphore, #tpu.memory_space<semaphore_mem>> -> memref<!tpu.dma_semaphore, #tpu.memory_space<semaphore_mem>>
      %dma_start3A_652 = arith.constant 0 : i32
      %dma_start3A_653 = arith.constant 0 : i32
      %dma_start3A_654 = tpu.memref_slice %arg9[%dma_start3A_648, %dma_start3A_652, %dma_start3A_653] : memref<2x1024x1024xf32, #tpu.memory_space<vmem>> -> memref<1x1024x1024xf32, #tpu.memory_space<vmem>>
      %dma_start3A_655 = tpu.memref_squeeze %dma_start3A_654 : memref<1x1024x1024xf32, #tpu.memory_space<vmem>> -> memref<1024x1024xf32, #tpu.memory_space<vmem>>
      %dma_start3A_656 = arith.constant 1024 : i32
      %dma_start3A_657 = arith.constant 0 : i32
      %dma_start3A_658 = tpu.memref_slice %arg4[%dma_start3A_647, %dma_start3A_656, %dma_start3A_657] : memref<8x2048x1024xf32, #tpu.memory_space<any>> -> memref<1x1024x1024xf32, #tpu.memory_space<any>>
      %dma_start3A_659 = tpu.memref_squeeze %dma_start3A_658 : memref<1x1024x1024xf32, #tpu.memory_space<any>> -> memref<1024x1024xf32, #tpu.memory_space<any>>
      tpu.enqueue_dma source(%dma_start3A_659 : memref<1024x1024xf32, #tpu.memory_space<any>>) target(%dma_start3A_655 : memref<1024x1024xf32, #tpu.memory_space<vmem>>) target_semaphore(%dma_start3A_651 : memref<!tpu.dma_semaphore, #tpu.memory_space<semaphore_mem>>)
      %dma_wait3A_660 = arith.constant 6 : i32
      %dma_wait3A_661 = arith.constant 0 : i32
      %dma_wait3A_662 = arith.constant 0 : i32
      %dma_wait3A_663 = tpu.memref_slice %arg10[%dma_wait3A_662] : memref<2x!tpu.dma_semaphore, #tpu.memory_space<semaphore_mem>> -> memref<1x!tpu.dma_semaphore, #tpu.memory_space<semaphore_mem>>
      %dma_wait3A_664 = tpu.memref_squeeze %dma_wait3A_663 : memref<1x!tpu.dma_semaphore, #tpu.memory_space<semaphore_mem>> -> memref<!tpu.dma_semaphore, #tpu.memory_space<semaphore_mem>>
      %dma_wait3A_665 = arith.constant 0 : i32
      %dma_wait3A_666 = arith.constant 0 : i32
      %dma_wait3A_667 = tpu.memref_slice %arg9[%dma_wait3A_661, %dma_wait3A_665, %dma_wait3A_666] : memref<2x1024x1024xf32, #tpu.memory_space<vmem>> -> memref<1x1024x1024xf32, #tpu.memory_space<vmem>>
      %dma_wait3A_668 = tpu.memref_squeeze %dma_wait3A_667 : memref<1x1024x1024xf32, #tpu.memory_space<vmem>> -> memref<1024x1024xf32, #tpu.memory_space<vmem>>
      %dma_wait3A_669 = arith.constant 0 : i32
      %dma_wait3A_670 = arith.constant 0 : i32
      %dma_wait3A_671 = tpu.memref_slice %arg4[%dma_wait3A_660, %dma_wait3A_669, %dma_wait3A_670] : memref<8x2048x1024xf32, #tpu.memory_space<any>> -> memref<1x1024x1024xf32, #tpu.memory_space<any>>
      %dma_wait3A_672 = tpu.memref_squeeze %dma_wait3A_671 : memref<1x1024x1024xf32, #tpu.memory_space<any>> -> memref<1024x1024xf32, #tpu.memory_space<any>>
      tpu.wait_dma2 semaphore(%dma_wait3A_664 : memref<!tpu.dma_semaphore, #tpu.memory_space<semaphore_mem>>) src(%dma_wait3A_672 : memref<1024x1024xf32, #tpu.memory_space<any>>) dst(%dma_wait3A_668 : memref<1024x1024xf32, #tpu.memory_space<vmem>>)
      %get3A_673 = arith.constant 0 : index
      %get3A_674 = arith.constant 0 : index
      %get3A_675 = arith.constant 0 : index
      %get3A_676 = vector.load %arg9[%get3A_673, %get3A_674, %get3A_675] : memref<2x1024x1024xf32, #tpu.memory_space<vmem>>, vector<1x1024x1024xf32>
      %get3A_677 = vector.shape_cast %get3A_676 : vector<1x1024x1024xf32> to vector<1024x1024xf32>
      %convert_element_type3A_678 = arith.truncf %get3A_677 : vector<1024x1024xf32> to vector<1024x1024xbf16>
      %swap3A_679 = arith.constant 6 : index
      %swap3A_680 = arith.constant 0 : index
      %swap3A_681 = arith.constant 0 : index
      %swap3A_682 = vector.load %arg8[%swap3A_679, %swap3A_680, %swap3A_681] : memref<8x2048x1024xbf16, #tpu.memory_space<vmem>>, vector<1x1024x1024xbf16>
      %swap3A_683 = vector.shape_cast %swap3A_682 : vector<1x1024x1024xbf16> to vector<1024x1024xbf16>
      %swap3A_684 = vector.shape_cast %convert_element_type3A_678 : vector<1024x1024xbf16> to vector<1x1024x1024xbf16>
      tpu.vector_store %arg8[%swap3A_679, %swap3A_680, %swap3A_681], %swap3A_684 {strides = array<i32>} : memref<8x2048x1024xbf16, #tpu.memory_space<vmem>>, vector<1x1024x1024xbf16>,
      %dma_start3A_685 = arith.constant 7 : i32
      %dma_start3A_686 = arith.constant 0 : i32
      %dma_start3A_687 = arith.constant 0 : i32
      %dma_start3A_688 = tpu.memref_slice %arg10[%dma_start3A_687] : memref<2x!tpu.dma_semaphore, #tpu.memory_space<semaphore_mem>> -> memref<1x!tpu.dma_semaphore, #tpu.memory_space<semaphore_mem>>
      %dma_start3A_689 = tpu.memref_squeeze %dma_start3A_688 : memref<1x!tpu.dma_semaphore, #tpu.memory_space<semaphore_mem>> -> memref<!tpu.dma_semaphore, #tpu.memory_space<semaphore_mem>>
      %dma_start3A_690 = arith.constant 0 : i32
      %dma_start3A_691 = arith.constant 0 : i32
      %dma_start3A_692 = tpu.memref_slice %arg9[%dma_start3A_686, %dma_start3A_690, %dma_start3A_691] : memref<2x1024x1024xf32, #tpu.memory_space<vmem>> -> memref<1x1024x1024xf32, #tpu.memory_space<vmem>>
      %dma_start3A_693 = tpu.memref_squeeze %dma_start3A_692 : memref<1x1024x1024xf32, #tpu.memory_space<vmem>> -> memref<1024x1024xf32, #tpu.memory_space<vmem>>
      %dma_start3A_694 = arith.constant 0 : i32
      %dma_start3A_695 = arith.constant 0 : i32
      %dma_start3A_696 = tpu.memref_slice %arg4[%dma_start3A_685, %dma_start3A_694, %dma_start3A_695] : memref<8x2048x1024xf32, #tpu.memory_space<any>> -> memref<1x1024x1024xf32, #tpu.memory_space<any>>
      %dma_start3A_697 = tpu.memref_squeeze %dma_start3A_696 : memref<1x1024x1024xf32, #tpu.memory_space<any>> -> memref<1024x1024xf32, #tpu.memory_space<any>>
      tpu.enqueue_dma source(%dma_start3A_697 : memref<1024x1024xf32, #tpu.memory_space<any>>) target(%dma_start3A_693 : memref<1024x1024xf32, #tpu.memory_space<vmem>>) target_semaphore(%dma_start3A_689 : memref<!tpu.dma_semaphore, #tpu.memory_space<semaphore_mem>>)
      %dma_wait3A_698 = arith.constant 6 : i32
      %dma_wait3A_699 = arith.constant 1 : i32
      %dma_wait3A_700 = arith.constant 1 : i32
      %dma_wait3A_701 = tpu.memref_slice %arg10[%dma_wait3A_700] : memref<2x!tpu.dma_semaphore, #tpu.memory_space<semaphore_mem>> -> memref<1x!tpu.dma_semaphore, #tpu.memory_space<semaphore_mem>>
      %dma_wait3A_702 = tpu.memref_squeeze %dma_wait3A_701 : memref<1x!tpu.dma_semaphore, #tpu.memory_space<semaphore_mem>> -> memref<!tpu.dma_semaphore, #tpu.memory_space<semaphore_mem>>
      %dma_wait3A_703 = arith.constant 0 : i32
      %dma_wait3A_704 = arith.constant 0 : i32
      %dma_wait3A_705 = tpu.memref_slice %arg9[%dma_wait3A_699, %dma_wait3A_703, %dma_wait3A_704] : memref<2x1024x1024xf32, #tpu.memory_space<vmem>> -> memref<1x1024x1024xf32, #tpu.memory_space<vmem>>
      %dma_wait3A_706 = tpu.memref_squeeze %dma_wait3A_705 : memref<1x1024x1024xf32, #tpu.memory_space<vmem>> -> memref<1024x1024xf32, #tpu.memory_space<vmem>>
      %dma_wait3A_707 = arith.constant 1024 : i32
      %dma_wait3A_708 = arith.constant 0 : i32
      %dma_wait3A_709 = tpu.memref_slice %arg4[%dma_wait3A_698, %dma_wait3A_707, %dma_wait3A_708] : memref<8x2048x1024xf32, #tpu.memory_space<any>> -> memref<1x1024x1024xf32, #tpu.memory_space<any>>
      %dma_wait3A_710 = tpu.memref_squeeze %dma_wait3A_709 : memref<1x1024x1024xf32, #tpu.memory_space<any>> -> memref<1024x1024xf32, #tpu.memory_space<any>>
      tpu.wait_dma2 semaphore(%dma_wait3A_702 : memref<!tpu.dma_semaphore, #tpu.memory_space<semaphore_mem>>) src(%dma_wait3A_710 : memref<1024x1024xf32, #tpu.memory_space<any>>) dst(%dma_wait3A_706 : memref<1024x1024xf32, #tpu.memory_space<vmem>>)
      %get3A_711 = arith.constant 1 : index
      %get3A_712 = arith.constant 0 : index
      %get3A_713 = arith.constant 0 : index
      %get3A_714 = vector.load %arg9[%get3A_711, %get3A_712, %get3A_713] : memref<2x1024x1024xf32, #tpu.memory_space<vmem>>, vector<1x1024x1024xf32>
      %get3A_715 = vector.shape_cast %get3A_714 : vector<1x1024x1024xf32> to vector<1024x1024xf32>
      %convert_element_type3A_716 = arith.truncf %get3A_715 : vector<1024x1024xf32> to vector<1024x1024xbf16>
      %swap3A_717 = arith.constant 6 : index
      %swap3A_718 = arith.constant 1024 : index
      %swap3A_719 = arith.constant 0 : index
      %swap3A_720 = vector.load %arg8[%swap3A_717, %swap3A_718, %swap3A_719] : memref<8x2048x1024xbf16, #tpu.memory_space<vmem>>, vector<1x1024x1024xbf16>
      %swap3A_721 = vector.shape_cast %swap3A_720 : vector<1x1024x1024xbf16> to vector<1024x1024xbf16>
      %swap3A_722 = vector.shape_cast %convert_element_type3A_716 : vector<1024x1024xbf16> to vector<1x1024x1024xbf16>
      tpu.vector_store %arg8[%swap3A_717, %swap3A_718, %swap3A_719], %swap3A_722 {strides = array<i32>} : memref<8x2048x1024xbf16, #tpu.memory_space<vmem>>, vector<1x1024x1024xbf16>,
      %dma_start3A_723 = arith.constant 7 : i32
      %dma_start3A_724 = arith.constant 1 : i32
      %dma_start3A_725 = arith.constant 1 : i32
      %dma_start3A_726 = tpu.memref_slice %arg10[%dma_start3A_725] : memref<2x!tpu.dma_semaphore, #tpu.memory_space<semaphore_mem>> -> memref<1x!tpu.dma_semaphore, #tpu.memory_space<semaphore_mem>>
      %dma_start3A_727 = tpu.memref_squeeze %dma_start3A_726 : memref<1x!tpu.dma_semaphore, #tpu.memory_space<semaphore_mem>> -> memref<!tpu.dma_semaphore, #tpu.memory_space<semaphore_mem>>
      %dma_start3A_728 = arith.constant 0 : i32
      %dma_start3A_729 = arith.constant 0 : i32
      %dma_start3A_730 = tpu.memref_slice %arg9[%dma_start3A_724, %dma_start3A_728, %dma_start3A_729] : memref<2x1024x1024xf32, #tpu.memory_space<vmem>> -> memref<1x1024x1024xf32, #tpu.memory_space<vmem>>
      %dma_start3A_731 = tpu.memref_squeeze %dma_start3A_730 : memref<1x1024x1024xf32, #tpu.memory_space<vmem>> -> memref<1024x1024xf32, #tpu.memory_space<vmem>>
      %dma_start3A_732 = arith.constant 1024 : i32
      %dma_start3A_733 = arith.constant 0 : i32
      %dma_start3A_734 = tpu.memref_slice %arg4[%dma_start3A_723, %dma_start3A_732, %dma_start3A_733] : memref<8x2048x1024xf32, #tpu.memory_space<any>> -> memref<1x1024x1024xf32, #tpu.memory_space<any>>
      %dma_start3A_735 = tpu.memref_squeeze %dma_start3A_734 : memref<1x1024x1024xf32, #tpu.memory_space<any>> -> memref<1024x1024xf32, #tpu.memory_space<any>>
      tpu.enqueue_dma source(%dma_start3A_735 : memref<1024x1024xf32, #tpu.memory_space<any>>) target(%dma_start3A_731 : memref<1024x1024xf32, #tpu.memory_space<vmem>>) target_semaphore(%dma_start3A_727 : memref<!tpu.dma_semaphore, #tpu.memory_space<semaphore_mem>>)
      %dma_wait3A_736 = arith.constant 7 : i32
      %dma_wait3A_737 = arith.constant 0 : i32
      %dma_wait3A_738 = arith.constant 0 : i32
      %dma_wait3A_739 = tpu.memref_slice %arg10[%dma_wait3A_738] : memref<2x!tpu.dma_semaphore, #tpu.memory_space<semaphore_mem>> -> memref<1x!tpu.dma_semaphore, #tpu.memory_space<semaphore_mem>>
      %dma_wait3A_740 = tpu.memref_squeeze %dma_wait3A_739 : memref<1x!tpu.dma_semaphore, #tpu.memory_space<semaphore_mem>> -> memref<!tpu.dma_semaphore, #tpu.memory_space<semaphore_mem>>
      %dma_wait3A_741 = arith.constant 0 : i32
      %dma_wait3A_742 = arith.constant 0 : i32
      %dma_wait3A_743 = tpu.memref_slice %arg9[%dma_wait3A_737, %dma_wait3A_741, %dma_wait3A_742] : memref<2x1024x1024xf32, #tpu.memory_space<vmem>> -> memref<1x1024x1024xf32, #tpu.memory_space<vmem>>
      %dma_wait3A_744 = tpu.memref_squeeze %dma_wait3A_743 : memref<1x1024x1024xf32, #tpu.memory_space<vmem>> -> memref<1024x1024xf32, #tpu.memory_space<vmem>>
      %dma_wait3A_745 = arith.constant 0 : i32
      %dma_wait3A_746 = arith.constant 0 : i32
      %dma_wait3A_747 = tpu.memref_slice %arg4[%dma_wait3A_736, %dma_wait3A_745, %dma_wait3A_746] : memref<8x2048x1024xf32, #tpu.memory_space<any>> -> memref<1x1024x1024xf32, #tpu.memory_space<any>>
      %dma_wait3A_748 = tpu.memref_squeeze %dma_wait3A_747 : memref<1x1024x1024xf32, #tpu.memory_space<any>> -> memref<1024x1024xf32, #tpu.memory_space<any>>
      tpu.wait_dma2 semaphore(%dma_wait3A_740 : memref<!tpu.dma_semaphore, #tpu.memory_space<semaphore_mem>>) src(%dma_wait3A_748 : memref<1024x1024xf32, #tpu.memory_space<any>>) dst(%dma_wait3A_744 : memref<1024x1024xf32, #tpu.memory_space<vmem>>)
      %get3A_749 = arith.constant 0 : index
      %get3A_750 = arith.constant 0 : index
      %get3A_751 = arith.constant 0 : index
      %get3A_752 = vector.load %arg9[%get3A_749, %get3A_750, %get3A_751] : memref<2x1024x1024xf32, #tpu.memory_space<vmem>>, vector<1x1024x1024xf32>
      %get3A_753 = vector.shape_cast %get3A_752 : vector<1x1024x1024xf32> to vector<1024x1024xf32>
      %convert_element_type3A_754 = arith.truncf %get3A_753 : vector<1024x1024xf32> to vector<1024x1024xbf16>
      %swap3A_755 = arith.constant 7 : index
      %swap3A_756 = arith.constant 0 : index
      %swap3A_757 = arith.constant 0 : index
      %swap3A_758 = vector.load %arg8[%swap3A_755, %swap3A_756, %swap3A_757] : memref<8x2048x1024xbf16, #tpu.memory_space<vmem>>, vector<1x1024x1024xbf16>
      %swap3A_759 = vector.shape_cast %swap3A_758 : vector<1x1024x1024xbf16> to vector<1024x1024xbf16>
      %swap3A_760 = vector.shape_cast %convert_element_type3A_754 : vector<1024x1024xbf16> to vector<1x1024x1024xbf16>
      tpu.vector_store %arg8[%swap3A_755, %swap3A_756, %swap3A_757], %swap3A_760 {strides = array<i32>} : memref<8x2048x1024xbf16, #tpu.memory_space<vmem>>, vector<1x1024x1024xbf16>,
      %dma_wait3A_761 = arith.constant 7 : i32
      %dma_wait3A_762 = arith.constant 1 : i32
      %dma_wait3A_763 = arith.constant 1 : i32
      %dma_wait3A_764 = tpu.memref_slice %arg10[%dma_wait3A_763] : memref<2x!tpu.dma_semaphore, #tpu.memory_space<semaphore_mem>> -> memref<1x!tpu.dma_semaphore, #tpu.memory_space<semaphore_mem>>
      %dma_wait3A_765 = tpu.memref_squeeze %dma_wait3A_764 : memref<1x!tpu.dma_semaphore, #tpu.memory_space<semaphore_mem>> -> memref<!tpu.dma_semaphore, #tpu.memory_space<semaphore_mem>>
      %dma_wait3A_766 = arith.constant 0 : i32
      %dma_wait3A_767 = arith.constant 0 : i32
      %dma_wait3A_768 = tpu.memref_slice %arg9[%dma_wait3A_762, %dma_wait3A_766, %dma_wait3A_767] : memref<2x1024x1024xf32, #tpu.memory_space<vmem>> -> memref<1x1024x1024xf32, #tpu.memory_space<vmem>>
      %dma_wait3A_769 = tpu.memref_squeeze %dma_wait3A_768 : memref<1x1024x1024xf32, #tpu.memory_space<vmem>> -> memref<1024x1024xf32, #tpu.memory_space<vmem>>
      %dma_wait3A_770 = arith.constant 1024 : i32
      %dma_wait3A_771 = arith.constant 0 : i32
      %dma_wait3A_772 = tpu.memref_slice %arg4[%dma_wait3A_761, %dma_wait3A_770, %dma_wait3A_771] : memref<8x2048x1024xf32, #tpu.memory_space<any>> -> memref<1x1024x1024xf32, #tpu.memory_space<any>>
      %dma_wait3A_773 = tpu.memref_squeeze %dma_wait3A_772 : memref<1x1024x1024xf32, #tpu.memory_space<any>> -> memref<1024x1024xf32, #tpu.memory_space<any>>
      tpu.wait_dma2 semaphore(%dma_wait3A_765 : memref<!tpu.dma_semaphore, #tpu.memory_space<semaphore_mem>>) src(%dma_wait3A_773 : memref<1024x1024xf32, #tpu.memory_space<any>>) dst(%dma_wait3A_769 : memref<1024x1024xf32, #tpu.memory_space<vmem>>)
      %get3A_774 = arith.constant 1 : index
      %get3A_775 = arith.constant 0 : index
      %get3A_776 = arith.constant 0 : index
      %get3A_777 = vector.load %arg9[%get3A_774, %get3A_775, %get3A_776] : memref<2x1024x1024xf32, #tpu.memory_space<vmem>>, vector<1x1024x1024xf32>
      %get3A_778 = vector.shape_cast %get3A_777 : vector<1x1024x1024xf32> to vector<1024x1024xf32>
      %convert_element_type3A_779 = arith.truncf %get3A_778 : vector<1024x1024xf32> to vector<1024x1024xbf16>
      %swap3A_780 = arith.constant 7 : index
      %swap3A_781 = arith.constant 1024 : index
      %swap3A_782 = arith.constant 0 : index
      %swap3A_783 = vector.load %arg8[%swap3A_780, %swap3A_781, %swap3A_782] : memref<8x2048x1024xbf16, #tpu.memory_space<vmem>>, vector<1x1024x1024xbf16>
      %swap3A_784 = vector.shape_cast %swap3A_783 : vector<1x1024x1024xbf16> to vector<1024x1024xbf16>
      %swap3A_785 = vector.shape_cast %convert_element_type3A_779 : vector<1024x1024xbf16> to vector<1x1024x1024xbf16>
      tpu.vector_store %arg8[%swap3A_780, %swap3A_781, %swap3A_782], %swap3A_785 {strides = array<i32>} : memref<8x2048x1024xbf16, #tpu.memory_space<vmem>>, vector<1x1024x1024xbf16>,
    } else {
    }
    %get3A = arith.constant 0 : index
    %get3A_2 = arith.constant 0 : index
    %get3A_3 = vector.load %arg1[%get3A, %get3A_2] : memref<512x2048xf32, #tpu.memory_space<vmem>>, vector<512x2048xf32>
    %convert_element_type3A_4 = arith.truncf %get3A_3 : vector<512x2048xf32> to vector<512x2048xbf16>
    %get3A_5 = arith.constant 0 : index
    %get3A_6 = arith.constant 0 : index
    %get3A_7 = vector.load %arg2[%get3A_5, %get3A_6] : memref<2048x1024xbf16, #tpu.memory_space<vmem>>, vector<2048x1024xbf16>
    %dot_general3A = arith.constant dense<0.000000e+00> : vector<512x1024xf32>
    %dot_general3A_8 = tpu.matmul %convert_element_type3A_4, %get3A_7, %dot_general3A {dimension_numbers = #tpu.dot_dimension_numbers<[1], [0], [0], [1], [0, 0, 1, 1], [], []>, transpose_lhs_hint = false} : vector<512x2048xbf16>, vector<2048x1024xbf16>, vector<512x1024xf32> -> vector<512x1024xf32>
    %max3A = arith.constant 0.000000e+00 : f32
    %max3A_9 = vector.broadcast %max3A : f32 to vector<512x1024xf32>
    %max3A_10 = arith.maximumf %dot_general3A_8, %max3A_9 : vector<512x1024xf32>
    %convert_element_type3A_11 = arith.truncf %max3A_10 : vector<512x1024xf32> to vector<512x1024xbf16>
    %get3A_12 = arith.constant 0 : index
    %get3A_13 = arith.constant 0 : index
    %get3A_14 = vector.load %arg3[%get3A_12, %get3A_13] : memref<1024x8xbf16, #tpu.memory_space<vmem>>, vector<1024x8xbf16>
    %dot_general3A_15 = arith.constant dense<0.000000e+00> : vector<512x8xf32>
    %dot_general3A_16 = tpu.matmul %convert_element_type3A_11, %get3A_14, %dot_general3A_15 {dimension_numbers = #tpu.dot_dimension_numbers<[1], [0], [0], [1], [0, 0, 1, 1], [], []>, transpose_lhs_hint = false} : vector<512x1024xbf16>, vector<1024x8xbf16>, vector<512x8xf32> -> vector<512x8xf32>
    %transpose3A = tpu.transpose %dot_general3A_16, [1, 0] : vector<512x8xf32> -> vector<8x512xf32>
    %swap3A = arith.constant 0 : index
    %swap3A_17 = arith.constant 0 : index
    %swap3A_18 = vector.load %arg6[%swap3A, %swap3A_17] : memref<8x512xf32, #tpu.memory_space<vmem>>, vector<8x512xf32>
    tpu.vector_store %arg6[%swap3A, %swap3A_17], %transpose3A {strides = array<i32>} : memref<8x512xf32, #tpu.memory_space<vmem>>, vector<8x512xf32>,
    %get3A_19 = arith.constant 0 : index
    %get3A_20 = arith.constant 0 : index
    %get3A_21 = arith.constant 0 : index
    %get3A_22 = vector.load %arg8[%get3A_19, %get3A_20, %get3A_21] : memref<8x2048x1024xbf16, #tpu.memory_space<vmem>>, vector<1x2048x1024xbf16>
    %get3A_23 = vector.shape_cast %get3A_22 : vector<1x2048x1024xbf16> to vector<2048x1024xbf16>
    %dot_general3A_24 = arith.constant dense<0.000000e+00> : vector<512x1024xf32>
    %dot_general3A_25 = tpu.matmul %convert_element_type3A_4, %get3A_23, %dot_general3A_24 {dimension_numbers = #tpu.dot_dimension_numbers<[1], [0], [0], [1], [0, 0, 1, 1], [], []>, transpose_lhs_hint = false} : vector<512x2048xbf16>, vector<2048x1024xbf16>, vector<512x1024xf32> -> vector<512x1024xf32>
    %max3A_26 = arith.constant 0.000000e+00 : f32
    %max3A_27 = vector.broadcast %max3A_26 : f32 to vector<512x1024xf32>
    %max3A_28 = arith.maximumf %dot_general3A_25, %max3A_27 : vector<512x1024xf32>
    %get3A_29 = arith.constant 0 : index
    %get3A_30 = arith.constant 0 : index
    %get3A_31 = vector.load %arg5[%get3A_29, %get3A_30] : memref<8x1024xf32, #tpu.memory_space<vmem>>, vector<1x1024xf32>
    %get3A_32 = vector.shape_cast %get3A_31 : vector<1x1024xf32> to vector<1024xf32>
    %broadcast_in_dim3A = vector.shape_cast %get3A_32 : vector<1024xf32> to vector<1x1024xf32>
    %mul3A = vector.broadcast %broadcast_in_dim3A : vector<1x1024xf32> to vector<512x1024xf32>
    %mul3A_33 = arith.mulf %max3A_28, %mul3A : vector<512x1024xf32>
    %reduce_sum3A = arith.constant dense<0.000000e+00> : vector<512xf32>
    %reduce_sum3A_34 = vector.multi_reduction <add>, %mul3A_33, %reduce_sum3A [1] : vector<512x1024xf32> to vector<512xf32>
    %broadcast_in_dim3A_35 = vector.shape_cast %reduce_sum3A_34 : vector<512xf32> to vector<512x1xf32>
    %get3A_36 = arith.constant 1 : index
    %get3A_37 = arith.constant 0 : index
    %get3A_38 = arith.constant 0 : index
    %get3A_39 = vector.load %arg8[%get3A_36, %get3A_37, %get3A_38] : memref<8x2048x1024xbf16, #tpu.memory_space<vmem>>, vector<1x2048x1024xbf16>
    %get3A_40 = vector.shape_cast %get3A_39 : vector<1x2048x1024xbf16> to vector<2048x1024xbf16>
    %dot_general3A_41 = arith.constant dense<0.000000e+00> : vector<512x1024xf32>
    %dot_general3A_42 = tpu.matmul %convert_element_type3A_4, %get3A_40, %dot_general3A_41 {dimension_numbers = #tpu.dot_dimension_numbers<[1], [0], [0], [1], [0, 0, 1, 1], [], []>, transpose_lhs_hint = false} : vector<512x2048xbf16>, vector<2048x1024xbf16>, vector<512x1024xf32> -> vector<512x1024xf32>
    %max3A_43 = arith.constant 0.000000e+00 : f32
    %max3A_44 = vector.broadcast %max3A_43 : f32 to vector<512x1024xf32>
    %max3A_45 = arith.maximumf %dot_general3A_42, %max3A_44 : vector<512x1024xf32>
    %get3A_46 = arith.constant 1 : index
    %get3A_47 = arith.constant 0 : index
    %get3A_48 = vector.load %arg5[%get3A_46, %get3A_47] : memref<8x1024xf32, #tpu.memory_space<vmem>>, vector<1x1024xf32>
    %get3A_49 = vector.shape_cast %get3A_48 : vector<1x1024xf32> to vector<1024xf32>
    %broadcast_in_dim3A_50 = vector.shape_cast %get3A_49 : vector<1024xf32> to vector<1x1024xf32>
    %mul3A_51 = vector.broadcast %broadcast_in_dim3A_50 : vector<1x1024xf32> to vector<512x1024xf32>
    %mul3A_52 = arith.mulf %max3A_45, %mul3A_51 : vector<512x1024xf32>
    %reduce_sum3A_53 = arith.constant dense<0.000000e+00> : vector<512xf32>
    %reduce_sum3A_54 = vector.multi_reduction <add>, %mul3A_52, %reduce_sum3A_53 [1] : vector<512x1024xf32> to vector<512xf32>
    %broadcast_in_dim3A_55 = vector.shape_cast %reduce_sum3A_54 : vector<512xf32> to vector<512x1xf32>
    %get3A_56 = arith.constant 2 : index
    %get3A_57 = arith.constant 0 : index
    %get3A_58 = arith.constant 0 : index
    %get3A_59 = vector.load %arg8[%get3A_56, %get3A_57, %get3A_58] : memref<8x2048x1024xbf16, #tpu.memory_space<vmem>>, vector<1x2048x1024xbf16>
    %get3A_60 = vector.shape_cast %get3A_59 : vector<1x2048x1024xbf16> to vector<2048x1024xbf16>
    %dot_general3A_61 = arith.constant dense<0.000000e+00> : vector<512x1024xf32>
    %dot_general3A_62 = tpu.matmul %convert_element_type3A_4, %get3A_60, %dot_general3A_61 {dimension_numbers = #tpu.dot_dimension_numbers<[1], [0], [0], [1], [0, 0, 1, 1], [], []>, transpose_lhs_hint = false} : vector<512x2048xbf16>, vector<2048x1024xbf16>, vector<512x1024xf32> -> vector<512x1024xf32>
    %max3A_63 = arith.constant 0.000000e+00 : f32
    %max3A_64 = vector.broadcast %max3A_63 : f32 to vector<512x1024xf32>
    %max3A_65 = arith.maximumf %dot_general3A_62, %max3A_64 : vector<512x1024xf32>
    %get3A_66 = arith.constant 2 : index
    %get3A_67 = arith.constant 0 : index
    %get3A_68 = vector.load %arg5[%get3A_66, %get3A_67] : memref<8x1024xf32, #tpu.memory_space<vmem>>, vector<1x1024xf32>
    %get3A_69 = vector.shape_cast %get3A_68 : vector<1x1024xf32> to vector<1024xf32>
    %broadcast_in_dim3A_70 = vector.shape_cast %get3A_69 : vector<1024xf32> to vector<1x1024xf32>
    %mul3A_71 = vector.broadcast %broadcast_in_dim3A_70 : vector<1x1024xf32> to vector<512x1024xf32>
    %mul3A_72 = arith.mulf %max3A_65, %mul3A_71 : vector<512x1024xf32>
    %reduce_sum3A_73 = arith.constant dense<0.000000e+00> : vector<512xf32>
    %reduce_sum3A_74 = vector.multi_reduction <add>, %mul3A_72, %reduce_sum3A_73 [1] : vector<512x1024xf32> to vector<512xf32>
    %broadcast_in_dim3A_75 = vector.shape_cast %reduce_sum3A_74 : vector<512xf32> to vector<512x1xf32>
    %get3A_76 = arith.constant 3 : index
    %get3A_77 = arith.constant 0 : index
    %get3A_78 = arith.constant 0 : index
    %get3A_79 = vector.load %arg8[%get3A_76, %get3A_77, %get3A_78] : memref<8x2048x1024xbf16, #tpu.memory_space<vmem>>, vector<1x2048x1024xbf16>
    %get3A_80 = vector.shape_cast %get3A_79 : vector<1x2048x1024xbf16> to vector<2048x1024xbf16>
    %dot_general3A_81 = arith.constant dense<0.000000e+00> : vector<512x1024xf32>
    %dot_general3A_82 = tpu.matmul %convert_element_type3A_4, %get3A_80, %dot_general3A_81 {dimension_numbers = #tpu.dot_dimension_numbers<[1], [0], [0], [1], [0, 0, 1, 1], [], []>, transpose_lhs_hint = false} : vector<512x2048xbf16>, vector<2048x1024xbf16>, vector<512x1024xf32> -> vector<512x1024xf32>
    %max3A_83 = arith.constant 0.000000e+00 : f32
    %max3A_84 = vector.broadcast %max3A_83 : f32 to vector<512x1024xf32>
    %max3A_85 = arith.maximumf %dot_general3A_82, %max3A_84 : vector<512x1024xf32>
    %get3A_86 = arith.constant 3 : index
    %get3A_87 = arith.constant 0 : index
    %get3A_88 = vector.load %arg5[%get3A_86, %get3A_87] : memref<8x1024xf32, #tpu.memory_space<vmem>>, vector<1x1024xf32>
    %get3A_89 = vector.shape_cast %get3A_88 : vector<1x1024xf32> to vector<1024xf32>
    %broadcast_in_dim3A_90 = vector.shape_cast %get3A_89 : vector<1024xf32> to vector<1x1024xf32>
    %mul3A_91 = vector.broadcast %broadcast_in_dim3A_90 : vector<1x1024xf32> to vector<512x1024xf32>
    %mul3A_92 = arith.mulf %max3A_85, %mul3A_91 : vector<512x1024xf32>
    %reduce_sum3A_93 = arith.constant dense<0.000000e+00> : vector<512xf32>
    %reduce_sum3A_94 = vector.multi_reduction <add>, %mul3A_92, %reduce_sum3A_93 [1] : vector<512x1024xf32> to vector<512xf32>
    %broadcast_in_dim3A_95 = vector.shape_cast %reduce_sum3A_94 : vector<512xf32> to vector<512x1xf32>
    %get3A_96 = arith.constant 4 : index
    %get3A_97 = arith.constant 0 : index
    %get3A_98 = arith.constant 0 : index
    %get3A_99 = vector.load %arg8[%get3A_96, %get3A_97, %get3A_98] : memref<8x2048x1024xbf16, #tpu.memory_space<vmem>>, vector<1x2048x1024xbf16>
    %get3A_100 = vector.shape_cast %get3A_99 : vector<1x2048x1024xbf16> to vector<2048x1024xbf16>
    %dot_general3A_101 = arith.constant dense<0.000000e+00> : vector<512x1024xf32>
    %dot_general3A_102 = tpu.matmul %convert_element_type3A_4, %get3A_100, %dot_general3A_101 {dimension_numbers = #tpu.dot_dimension_numbers<[1], [0], [0], [1], [0, 0, 1, 1], [], []>, transpose_lhs_hint = false} : vector<512x2048xbf16>, vector<2048x1024xbf16>, vector<512x1024xf32> -> vector<512x1024xf32>
    %max3A_103 = arith.constant 0.000000e+00 : f32
    %max3A_104 = vector.broadcast %max3A_103 : f32 to vector<512x1024xf32>
    %max3A_105 = arith.maximumf %dot_general3A_102, %max3A_104 : vector<512x1024xf32>
    %get3A_106 = arith.constant 4 : index
    %get3A_107 = arith.constant 0 : index
    %get3A_108 = vector.load %arg5[%get3A_106, %get3A_107] : memref<8x1024xf32, #tpu.memory_space<vmem>>, vector<1x1024xf32>
    %get3A_109 = vector.shape_cast %get3A_108 : vector<1x1024xf32> to vector<1024xf32>
    %broadcast_in_dim3A_110 = vector.shape_cast %get3A_109 : vector<1024xf32> to vector<1x1024xf32>
    %mul3A_111 = vector.broadcast %broadcast_in_dim3A_110 : vector<1x1024xf32> to vector<512x1024xf32>
    %mul3A_112 = arith.mulf %max3A_105, %mul3A_111 : vector<512x1024xf32>
    %reduce_sum3A_113 = arith.constant dense<0.000000e+00> : vector<512xf32>
    %reduce_sum3A_114 = vector.multi_reduction <add>, %mul3A_112, %reduce_sum3A_113 [1] : vector<512x1024xf32> to vector<512xf32>
    %broadcast_in_dim3A_115 = vector.shape_cast %reduce_sum3A_114 : vector<512xf32> to vector<512x1xf32>
    %get3A_116 = arith.constant 5 : index
    %get3A_117 = arith.constant 0 : index
    %get3A_118 = arith.constant 0 : index
    %get3A_119 = vector.load %arg8[%get3A_116, %get3A_117, %get3A_118] : memref<8x2048x1024xbf16, #tpu.memory_space<vmem>>, vector<1x2048x1024xbf16>
    %get3A_120 = vector.shape_cast %get3A_119 : vector<1x2048x1024xbf16> to vector<2048x1024xbf16>
    %dot_general3A_121 = arith.constant dense<0.000000e+00> : vector<512x1024xf32>
    %dot_general3A_122 = tpu.matmul %convert_element_type3A_4, %get3A_120, %dot_general3A_121 {dimension_numbers = #tpu.dot_dimension_numbers<[1], [0], [0], [1], [0, 0, 1, 1], [], []>, transpose_lhs_hint = false} : vector<512x2048xbf16>, vector<2048x1024xbf16>, vector<512x1024xf32> -> vector<512x1024xf32>
    %max3A_123 = arith.constant 0.000000e+00 : f32
    %max3A_124 = vector.broadcast %max3A_123 : f32 to vector<512x1024xf32>
    %max3A_125 = arith.maximumf %dot_general3A_122, %max3A_124 : vector<512x1024xf32>
    %get3A_126 = arith.constant 5 : index
    %get3A_127 = arith.constant 0 : index
    %get3A_128 = vector.load %arg5[%get3A_126, %get3A_127] : memref<8x1024xf32, #tpu.memory_space<vmem>>, vector<1x1024xf32>
    %get3A_129 = vector.shape_cast %get3A_128 : vector<1x1024xf32> to vector<1024xf32>
    %broadcast_in_dim3A_130 = vector.shape_cast %get3A_129 : vector<1024xf32> to vector<1x1024xf32>
    %mul3A_131 = vector.broadcast %broadcast_in_dim3A_130 : vector<1x1024xf32> to vector<512x1024xf32>
    %mul3A_132 = arith.mulf %max3A_125, %mul3A_131 : vector<512x1024xf32>
    %reduce_sum3A_133 = arith.constant dense<0.000000e+00> : vector<512xf32>
    %reduce_sum3A_134 = vector.multi_reduction <add>, %mul3A_132, %reduce_sum3A_133 [1] : vector<512x1024xf32> to vector<512xf32>
    %broadcast_in_dim3A_135 = vector.shape_cast %reduce_sum3A_134 : vector<512xf32> to vector<512x1xf32>
    %get3A_136 = arith.constant 6 : index
    %get3A_137 = arith.constant 0 : index
    %get3A_138 = arith.constant 0 : index
    %get3A_139 = vector.load %arg8[%get3A_136, %get3A_137, %get3A_138] : memref<8x2048x1024xbf16, #tpu.memory_space<vmem>>, vector<1x2048x1024xbf16>
    %get3A_140 = vector.shape_cast %get3A_139 : vector<1x2048x1024xbf16> to vector<2048x1024xbf16>
    %dot_general3A_141 = arith.constant dense<0.000000e+00> : vector<512x1024xf32>
    %dot_general3A_142 = tpu.matmul %convert_element_type3A_4, %get3A_140, %dot_general3A_141 {dimension_numbers = #tpu.dot_dimension_numbers<[1], [0], [0], [1], [0, 0, 1, 1], [], []>, transpose_lhs_hint = false} : vector<512x2048xbf16>, vector<2048x1024xbf16>, vector<512x1024xf32> -> vector<512x1024xf32>
    %max3A_143 = arith.constant 0.000000e+00 : f32
    %max3A_144 = vector.broadcast %max3A_143 : f32 to vector<512x1024xf32>
    %max3A_145 = arith.maximumf %dot_general3A_142, %max3A_144 : vector<512x1024xf32>
    %get3A_146 = arith.constant 6 : index
    %get3A_147 = arith.constant 0 : index
    %get3A_148 = vector.load %arg5[%get3A_146, %get3A_147] : memref<8x1024xf32, #tpu.memory_space<vmem>>, vector<1x1024xf32>
    %get3A_149 = vector.shape_cast %get3A_148 : vector<1x1024xf32> to vector<1024xf32>
    %broadcast_in_dim3A_150 = vector.shape_cast %get3A_149 : vector<1024xf32> to vector<1x1024xf32>
    %mul3A_151 = vector.broadcast %broadcast_in_dim3A_150 : vector<1x1024xf32> to vector<512x1024xf32>
    %mul3A_152 = arith.mulf %max3A_145, %mul3A_151 : vector<512x1024xf32>
    %reduce_sum3A_153 = arith.constant dense<0.000000e+00> : vector<512xf32>
    %reduce_sum3A_154 = vector.multi_reduction <add>, %mul3A_152, %reduce_sum3A_153 [1] : vector<512x1024xf32> to vector<512xf32>
    %broadcast_in_dim3A_155 = vector.shape_cast %reduce_sum3A_154 : vector<512xf32> to vector<512x1xf32>
    %get3A_156 = arith.constant 7 : index
    %get3A_157 = arith.constant 0 : index
    %get3A_158 = arith.constant 0 : index
    %get3A_159 = vector.load %arg8[%get3A_156, %get3A_157, %get3A_158] : memref<8x2048x1024xbf16, #tpu.memory_space<vmem>>, vector<1x2048x1024xbf16>
    %get3A_160 = vector.shape_cast %get3A_159 : vector<1x2048x1024xbf16> to vector<2048x1024xbf16>
    %dot_general3A_161 = arith.constant dense<0.000000e+00> : vector<512x1024xf32>
    %dot_general3A_162 = tpu.matmul %convert_element_type3A_4, %get3A_160, %dot_general3A_161 {dimension_numbers = #tpu.dot_dimension_numbers<[1], [0], [0], [1], [0, 0, 1, 1], [], []>, transpose_lhs_hint = false} : vector<512x2048xbf16>, vector<2048x1024xbf16>, vector<512x1024xf32> -> vector<512x1024xf32>
    %max3A_163 = arith.constant 0.000000e+00 : f32
    %max3A_164 = vector.broadcast %max3A_163 : f32 to vector<512x1024xf32>
    %max3A_165 = arith.maximumf %dot_general3A_162, %max3A_164 : vector<512x1024xf32>
    %get3A_166 = arith.constant 7 : index
    %get3A_167 = arith.constant 0 : index
    %get3A_168 = vector.load %arg5[%get3A_166, %get3A_167] : memref<8x1024xf32, #tpu.memory_space<vmem>>, vector<1x1024xf32>
    %get3A_169 = vector.shape_cast %get3A_168 : vector<1x1024xf32> to vector<1024xf32>
    %broadcast_in_dim3A_170 = vector.shape_cast %get3A_169 : vector<1024xf32> to vector<1x1024xf32>
    %mul3A_171 = vector.broadcast %broadcast_in_dim3A_170 : vector<1x1024xf32> to vector<512x1024xf32>
    %mul3A_172 = arith.mulf %max3A_165, %mul3A_171 : vector<512x1024xf32>
    %reduce_sum3A_173 = arith.constant dense<0.000000e+00> : vector<512xf32>
    %reduce_sum3A_174 = vector.multi_reduction <add>, %mul3A_172, %reduce_sum3A_173 [1] : vector<512x1024xf32> to vector<512xf32>
    %broadcast_in_dim3A_175 = vector.shape_cast %reduce_sum3A_174 : vector<512xf32> to vector<512x1xf32>
    %concatenate3A = tpu.concatenate %broadcast_in_dim3A_35, %broadcast_in_dim3A_55, %broadcast_in_dim3A_75, %broadcast_in_dim3A_95, %broadcast_in_dim3A_115, %broadcast_in_dim3A_135, %broadcast_in_dim3A_155, %broadcast_in_dim3A_175 in 1 : vector<512x1xf32>, vector<512x1xf32>, vector<512x1xf32>, vector<512x1xf32>, vector<512x1xf32>, vector<512x1xf32>, vector<512x1xf32>, vector<512x1xf32> -> vector<512x8xf32>
    %transpose3A_176 = tpu.transpose %concatenate3A, [1, 0] : vector<512x8xf32> -> vector<8x512xf32>
    %swap3A_177 = arith.constant 0 : index
    %swap3A_178 = arith.constant 0 : index
    %swap3A_179 = vector.load %arg7[%swap3A_177, %swap3A_178] : memref<8x512xf32, #tpu.memory_space<vmem>>, vector<8x512xf32>
    tpu.vector_store %arg7[%swap3A_177, %swap3A_178], %transpose3A_176 {strides = array<i32>} : memref<8x512xf32, #tpu.memory_space<vmem>>, vector<8x512xf32>,
    return
  }
  func.func @transform_0(%arg0: i32) -> (i32, i32) {
    %c0_i32 = arith.constant 0 : i32
    %c0_i32_0 = arith.constant 0 : i32
    return %arg0, %c0_i32 : i32, i32
  }
  func.func @transform_1(%arg0: i32) -> (i32, i32) {
    %c0_i32 = arith.constant 0 : i32
    %c0_i32_0 = arith.constant 0 : i32
    %c0_i32_1 = arith.constant 0 : i32
    return %c0_i32, %c0_i32_0 : i32, i32
  }
  func.func @transform_2(%arg0: i32) -> (i32, i32) {
    %c0_i32 = arith.constant 0 : i32
    %c0_i32_0 = arith.constant 0 : i32
    %c0_i32_1 = arith.constant 0 : i32
    return %c0_i32, %c0_i32_0 : i32, i32
  }
  func.func @transform_4(%arg0: i32) -> (i32, i32) {
    %c0_i32 = arith.constant 0 : i32
    %c0_i32_0 = arith.constant 0 : i32
    %c0_i32_1 = arith.constant 0 : i32
    return %c0_i32, %c0_i32_0 : i32, i32
  }
  func.func @transform_5(%arg0: i32) -> (i32, i32) {
    %c0_i32 = arith.constant 0 : i32
    %c0_i32_0 = arith.constant 0 : i32
    return %c0_i32, %arg0 : i32, i32
  }
  func.func @transform_6(%arg0: i32) -> (i32, i32) {
    %c0_i32 = arith.constant 0 : i32
    %c0_i32_0 = arith.constant 0 : i32
    return %c0_i32, %arg0 : i32, i32
  }
}

</mosaic_0001>

<sc_bundles>
// kernel: kernel.4.cloned.1.call-start
scs
__scs_entry_jumppad:
0x0: {  	(pc) =	sbr.rel $0x88, $3  }
0x1: {  	(tag) =	ssettag $0x0;
	lr =	simm.s32 $0x1  }
0x2: {  	[smem:$0x3F9C] =	sst lr;
	_ =	strace $0xD0000000  }
0x3: {  	_ = 	snop  }
0x4: {  	_ = 	snop  }
0x5: {  	_ = 	snop  }
0x6: {  	_ = 	snop  }
0x7: {  	_ = 	snop  }
__scs_overlays_trampoline_lowered:
0x8: {  	[smem:$0x3FAB] =	sst s0  }
0x9: {  	[smem:$0x3FAC] =	sst s1  }
0xa: {  	[smem:$0x3FAD] =	sst s2  }
0xb: {  	[smem:$0x3FAE] =	sst s3  }
0xc: {  	[smem:$0x3FAF] =	sst s4  }
0xd: {  	[smem:$0x3FB0] =	sst s5  }
0xe: {  	[smem:$0x3FB1] =	sst s6  }
0xf: {  	[smem:$0x3FB2] =	sst s7  }
0x10: {  	[smem:$0x3FB3] =	sst s8  }
0x11: {  	[smem:$0x3FB4] =	sst s9;
	s0 =	simm.s32 @!p0 $0x0  }
0x12: {  	s1 =	sld [smem:$0x3F9A];
	s0 =	simm.s32 @p0 $0x1  }
0x13: {  	[smem:$0x3FB5] =	sst s0;
	s0 =	simm.s32 @!p1 $0x0  }
0x14: {  	s2 =	sld [smem:$0x3F99];
	s0 =	simm.s32 @p1 $0x1  }
0x15: {  	[smem:$0x3FB6] =	sst s0;
	s0 =	simm.s32 @!p2 $0x0  }
0x16: {  	s3 =	sld [smem:$0x3FDB];
	s0 =	simm.s32 @p2 $0x1  }
0x17: {  	s4 =	simm.s32 $0x1BF5;
	[smem:$0x3FB8] =	sst s0  }
0x18: {  	s0 =	sld [smem:$0x3F9B];
	_ =	swait.ge [sflag:s4], $0x0  }
0x19: {  	s7 =	sld [smem:$0x3F9C]  }
0x1a: {  	s8 =	sadd.s32 $0xFFFFE003, lr  }
0x1b: {  	s9 =	sadd.s32 $0xFFFFFEF7, lr;
	s5 =	simm.s32 $0xFFFFFFFF;
	p2 =	slt.u32 s8, $0xFFFFF086  }
0x1c: {  	p1 =	slt.u32 s9, $0xF7A;
	s5 =	simm.s32 @!p2 $0x0  }
0x1d: {  	s5 =	simm.s32 @p1 $0x1;
	p0 =	seq.s32 s7, s2  }
0x1e: {  	s7 =	smul.u32 @!p0 $0xF7A, s2;
	p2 =	seq.s32 @!p0 s5, $0x0  }
0x1f: {  	s9 =	smul.u32 $0xF7A, s1;
	s8 =	simm.s32 @!p0 $0x1BF5;
	p2 =	por !p2, p0  }
0x20: {  	[sflag:s8] =	ssyncset.s32 @!p0 $0xFFFFF086;
	s6 =	sadd.s32 @!p0 s3, s7;
	s7 =	simm.s32 @!p0 $0x108  }
0x21: {  	s3 =	sadd.s32 s3, s9;
	s6 =	sadd.s32 @!p0 $0x88, s6;
	s7 =	simm.s32 @p2 $0x1082  }
0x22: {  	[simem:s7], [sflag:s8] =	dma.local @!p0 [hbm:s6], $0xF7A  }
0x23: {  	s9 =	sor.u32 $0xD0000000, s2;
	s6 =	simm.s32 $0x108;
	_ =	swait.ge @!p0 [sflag:s8], $0x0  }
0x24: {  	s3 =	sadd.s32 $0x88, s3;
	s6 =	simm.s32 @!p1 $0x1082;
	[sflag:s4] =	ssyncset.s32 $0xFFFFF086  }
0x25: {  	[simem:s6], [sflag:s4] =	dma.local [hbm:s3], $0xF7A  }
0x26: {  	[smem:$0x3F9C] =	sst s1;
	(tag) =	ssettag s2;
	_ =	strace s9  }
0x27: {  	s1 =	sld [smem:$0x3FAC]  }
0x28: {  	s2 =	sld [smem:$0x3FAD]  }
0x29: {  	s4 =	sld [smem:$0x3FAF]  }
0x2a: {  	p0 =	seq.s32 s5, $0x0;
	s5 =	sld [smem:$0x3FB0]  }
0x2b: {  	s6 =	sld [smem:$0x3FB1]  }
0x2c: {  	s7 =	sld [smem:$0x3FB2]  }
0x2d: {  	s3 =	simm.s32 $0x108;
	s8 =	sld [smem:$0x3FB3]  }
0x2e: {  	s3 =	simm.s32 @!p0 $0x1082;
	s9 =	sld [smem:$0x3FB4]  }
0x2f: {  	lr =	sadd.s32 s0, s3;
	s0 =	sld [smem:$0x3FAB]  }
0x30: {  	s3 =	sld [smem:$0x3FAE]  }
0x31: {  	[smem:$0x3FB7] =	sst s10  }
0x32: {  	s10 =	sld [smem:$0x3FB5];
	_ =	sdelay $0x3  }
0x33: {  	p0 =	seq.s32 s10, $0x1;
	s10 =	sld [smem:$0x3FB7];
	_ =	sdelay $0x3  }
0x34: {  	[smem:$0x3FB7] =	sst s10  }
0x35: {  	s10 =	sld [smem:$0x3FB6];
	_ =	sdelay $0x3  }
0x36: {  	p1 =	seq.s32 s10, $0x1;
	s10 =	sld [smem:$0x3FB7];
	_ =	sdelay $0x3  }
0x37: {  	[smem:$0x3FB7] =	sst s10  }
0x38: {  	s10 =	sld [smem:$0x3FB8]  }
0x39: {  	_ = 	snop;
	(pc) =	sbr.ind lr, $3  }
0x3a: {  	_ = 	snop  }
0x3b: {  	_ = 	snop  }
0x3c: {  	p2 =	seq.s32 s10, $0x1;
	s10 =	sld [smem:$0x3FB7]  }
0x3d: {  	_ =	shalt  }
0x3e: {  	_ =	shalt  }
0x3f: {  	_ =	shalt  }
0x40: {  	_ =	shalt  }
0x41: {  	_ =	shalt  }
0x42: {  	_ =	shalt  }
0x43: {  	_ =	shalt  }
0x44: {  	_ =	shalt  }
0x45: {  	_ =	shalt  }
0x46: {  	_ =	shalt  }
0x47: {  	_ =	shalt  }
0x48: {  	_ =	shalt  }
0x49: {  	_ =	shalt  }
0x4a: {  	_ =	shalt  }
0x4b: {  	_ =	shalt  }
0x4c: {  	_ =	shalt  }
0x4d: {  	_ =	shalt  }
0x4e: {  	_ =	shalt  }
0x4f: {  	_ =	shalt  }
0x50: {  	_ =	shalt  }
0x51: {  	_ =	shalt  }
0x52: {  	_ =	shalt  }
0x53: {  	_ =	shalt  }
0x54: {  	_ =	shalt  }
0x55: {  	_ =	shalt  }
0x56: {  	_ =	shalt  }
0x57: {  	_ =	shalt  }
0x58: {  	_ =	shalt  }
0x59: {  	_ =	shalt  }
0x5a: {  	_ =	shalt  }
0x5b: {  	_ =	shalt  }
0x5c: {  	_ =	shalt  }
0x5d: {  	_ =	shalt  }
0x5e: {  	_ =	shalt  }
0x5f: {  	_ =	shalt  }
0x60: {  	_ =	shalt  }
0x61: {  	_ =	shalt  }
0x62: {  	_ =	shalt  }
0x63: {  	_ =	shalt  }
0x64: {  	_ =	shalt  }
0x65: {  	_ =	shalt  }
0x66: {  	_ =	shalt  }
0x67: {  	_ =	shalt  }
0x68: {  	_ =	shalt  }
0x69: {  	_ =	shalt  }
0x6a: {  	_ =	shalt  }
0x6b: {  	_ =	shalt  }
0x6c: {  	_ =	shalt  }
0x6d: {  	_ =	shalt  }
0x6e: {  	_ =	shalt  }
0x6f: {  	_ =	shalt  }
0x70: {  	_ =	shalt  }
0x71: {  	_ =	shalt  }
0x72: {  	_ =	shalt  }
0x73: {  	_ =	shalt  }
0x74: {  	_ =	shalt  }
0x75: {  	_ =	shalt  }
0x76: {  	_ =	shalt  }
0x77: {  	_ =	shalt  }
0x78: {  	_ =	shalt  }
0x79: {  	_ =	shalt  }
0x7a: {  	_ =	shalt  }
0x7b: {  	_ =	shalt  }
0x7c: {  	_ =	shalt  }
0x7d: {  	_ =	shalt  }
0x7e: {  	_ =	shalt  }
0x7f: {  	_ =	shalt  }
0x80: {  	_ =	shalt  }
0x81: {  	_ =	shalt  }
0x82: {  	_ =	shalt  }
0x83: {  	_ =	shalt  }
0x84: {  	_ =	shalt  }
0x85: {  	_ =	shalt  }
0x86: {  	_ =	shalt  }
0x87: {  	_ =	shalt  }
.Lfunc_end0:
.L_simem_size_0:
called_computation_lowered:
.L_overlay_start_0:
0x88: {  	s2 =	sld [smem:$0x3FD9]  }
0x89: {  	s3 =	sld [smem:$0x3FFE];
	_ =	sdelay $0x1  }
0x8a: {  	s1 =	srdreg.scid  }
0x8b: {  	s0 =	sand.u32 $0x1, s1  }
0x8c: {  	s17 =	sshll.u32 s0, $0xA;
	s2 =	sadd.s32 s3, s2  }
0x8d: {  	s2 =	sadd.s32 s2, s17  }
0x8e: {  	[smem:$0x3FC3] =	sst s2  }
0x8f: {  	_ = 	snop  }
0x90: {  	s2 =	sld [smem:$0x3FD0];
	(tm) =	ssettm $0x1  }
0x91: {  	s18 =	sld [smem:$0x3FFB];
	_ =	sdelay $0x3  }
0x92: {  	_ =	strace s18  }
0x93: {  	s3 =	sld [smem:$0x3FFC];
	_ =	sdelay $0x3  }
0x94: {  	_ =	strace s3  }
0x95: {  	s3 =	sld [smem:$0x3FFD];
	_ =	sdelay $0x3  }
0x96: {  	_ =	strace s3  }
0x97: {  	_ =	strace $0x8FFFFFFF  }
0x98: {  	s19 =	sld [smem:$0x3FDB];
	_ =	sdelay $0x1  }
0x99: {  	s4 =	simm.s32 $_scs_section_size  }
0x9a: {  	s5 =	simm.s32 $_size__tile_overlayer_lowered;
	s6 =	simm.s32 $_tile_overlayer_lowered  }
0x9b: {  	s22 =	simm.s32 $0x1BFF;
	s21 =	sshll.u32 s6, $0x1;
	s3 =	sadd.s32 s4, s19  }
0x9c: {  	s7 =	simm.s32 $0x0;
	s20 =	sshll.u32 s5, $0x1;
	s5 =	sadd.s32 s21, s3  }
0x9d: {  	[timem:s7], [sflag:s22] =	dma.local [hbm:s5], s20  }
0x9e: {  	_ =	swait.ge [sflag:s22], s20  }
0x9f: {  	s4 =	ssub.s32 $0x0, s20;
	[sflag:s22] =	ssyncset.done $0x0  }
0xa0: {  	[sflag:s22] =	ssyncadd.s32 s4;
	_ =	sdelay $0x1  }
0xa1: {  	s23 =	simm.s32 $0x1B8B  }
0xa2: {  	_ =	swait.ge [sflag:s23], $0x1  }
0xa3: {  	[sflag:s23] =	ssyncset.done $0x0  }
0xa4: {  	s25 =	simm.s32 $0x1B8E;
	s24 =	sld [smem:$0x3FFE];
	[sflag:s23] =	ssyncadd.s32 $0xFFFFFFFF  }
0xa5: {  	s26 =	simm.s32 $execute0_lowered;
	[smem:$0x3FD2] =	sst s25  }
0xa6: {  	s5 =	sshll.u32 s26, $0x1;
	_ =	strace $0x80000046;
	[dreg:$0x1] =	wrdreg $0xFFFFFFFF  }
0xa7: {  	s28 =	simm.s32 $_size_execute0_lowered;
	s3 =	sadd.s32 s3, s5;
	[dreg:$0x0] =	wrdreg $0x0  }
0xa8: {  	s5 =	sshll.u32 s28, $0x1;
	[dreg:$0x2] =	wrdreg s3  }
0xa9: {  	[dreg:$0x3] =	wrdreg s5  }
0xaa: {  	[dreg:$0x4] =	wrdreg $0xC0  }
0xab: {  	_ =	task [dreg:s7], $0x5FFFF  }
0xac: {  	[dreg:$0x1] =	wrdreg $0xFFFFFFFF  }
0xad: {  	[dreg:$0x0] =	wrdreg $0x60  }
0xae: {  	[dreg:$0x2] =	wrdreg s24  }
0xaf: {  	[dreg:$0x3] =	wrdreg s2  }
0xb0: {  	[dreg:$0x4] =	wrdreg $0x9  }
0xb1: {  	_ =	task.clear_ibuf [dreg:s7], $0x5FFFF;
	_ =	strace $0x90000046  }
0xb2: {  	s29 =	simm.s32 $0x9;
	_ =	strace $0x80000048  }
0xb3: {  	_ =	swait.ge [sflag:s29], $0x1  }
0xb4: {  	[sflag:s29] =	ssyncadd.s32 $0xFFFFFFFF  }
0xb5: {  	_ =	strace $0x90000048  }
0xb6: {  	_ =	sfence  }
0xb7: {  	s30 =	sld [smem:$0x0];
	_ =	sdelay $0x2  }
0xb8: {  	s31 =	sshll.u32 s1, $0xD;
	s1 =	sshrl.u32 s1, $0x2  }
0xb9: {  	s3 =	sand.u32 $0x4000, s31;
	s1 =	sadd.s32 s1, s30  }
0xba: {  	s0 =	sor.u32 s3, s0;
	s1 =	sshll.u32 s1, $0x11  }
0xbb: {  	s0 =	sor.u32 s1, s0  }
0xbc: {  	s0 =	sadd.s32 $0x8F2B, s0  }
0xbd: {  	[sflag:s0] =	ssyncadd.remote.s32 $0x1  }
0xbe: {  	_ =	sfence.sel $0xFFFF  }
0xbf: {  	[dreg:$0x0] =	wrdreg $0xFFFFFFFF;
	(pc) =	sbr.abs _section_cstart, $3  }
0xc0: {  	[dreg:$0x1] =	wrdreg $0xFFFFFFFF  }
0xc1: {  	_ =	task.clear_ibuf [dreg:s7], $0x2FFFF;
	_ =	strace $0x9FFFFFFF  }
0xc2: {  	(tm) =	ssettm $0x7FFFFFFF  }
0xc3: {  	_ =	shalt  }
tec
execute0_lowered:
.L_overlay_start_1:
0x0: {  	(tag) =	ssettag $0x1  }
0x1: {  	s3 =	rddreg [dreg:$0x0]  }
0x2: {  	s1 =	srdreg.scid;
	s0 =	stileid.u32  }
0x3: {  	s5 =	rddreg [dreg:$0x1];
	s2 =	simm.s32 $0x0;
	s9 =	simm.s32 $0x800  }
0x4: {  	s4 =	sand.u32 $0x1, s1;
	s6 =	sshll.u32 s0, $0x1;
	s1 =	rddreg [dreg:$0x2]  }
0x5: {  	[smem:$0x7FF] =	sst s2;
	s6 =	sor.u32 s4, s6;
	s4 =	ssub.s32 $0x2, s4  }
0x6: {  	_ =	strace $0x80000047;
	s7 =	sshll.u32 s6, $0x7;
	s31 =	sshrl.u32 s4, $0x1  }
0x7: {  	s6 =	sshll.u32 s6, $0x4;
	s7 =	sadd.s32 s7, s3;
	s8 =	ssub.s32 s4, s31  }
0x8: {  	s5 =	sadd.s32 s5, s6;
	s3 =	sadd.s32 $0x22A00, s7;
	s4 =	sadd.s32 $0x23A00, s7  }
0x9: {  	v0 =	vimm.s32 $0x0;
	s6 =	smax.u32 s8, $0x1;
	s7 =	simm.s32 $0x1;
	s8 =	simm.s32 $0x400  }
.LBB2_1:
0xa: {  	[tilespmem:s2], [sflag:$0x1] =	stream.linear.gather [hbm4b:s3+s2], $0x400, $0x38;
	[tilespmem:$0x880] =	vst v63  }
0xb: {  	_ =	swait.ge [sflag:s7], $0x400  }
0xc: {  	[sflag:s7] =	ssyncset.done $0x0  }
0xd: {  	[sflag:s7] =	ssyncadd.s32 $0xFFFFFC00  }
0xe: {  	[tilespmem:s8], [sflag:$0x1] =	stream.linear.gather [hbm4b:s4+s2], $0x400, $0x38;
	[tilespmem:$0x880] =	vst v63  }
0xf: {  	_ =	swait.ge [sflag:s7], $0x400  }
0x10: {  	[sflag:s7] =	ssyncset.done $0x0  }
0x11: {  	[sflag:s7] =	ssyncadd.s32 $0xFFFFFC00  }
0x12: {  	v2 =	vld [tilespmem:$0x0]  }
0x13: {  	v3 =	vld [tilespmem:$0x80];
	_ =	sdelay $0x1  }
0x14: {  	v4 =	vld [tilespmem:$0x100];
	_ =	sdelay $0x1  }
0x15: {  	v5 =	vld [tilespmem:$0x180]  }
0x16: {  	vm0 =	vgt.f32 v3, v2  }
0x17: {  	v6 =	vld [tilespmem:$0x200];
	v1 =	vsel vm0, v3, v2  }
0x18: {  	vm1 =	vgt.f32 v4, v1  }
0x19: {  	v7 =	vld [tilespmem:$0x280];
	v1 =	vsel vm1, v4, v1  }
0x1a: {  	vm2 =	vgt.f32 v5, v1  }
0x1b: {  	v8 =	vld [tilespmem:$0x300];
	v1 =	vsel vm2, v5, v1  }
0x1c: {  	vm3 =	vgt.f32 v6, v1  }
0x1d: {  	v9 =	vld [tilespmem:$0x380];
	v1 =	vsel vm3, v6, v1  }
0x1e: {  	v10 =	vsel vm0, $0x1, v0;
	vm4 =	vgt.f32 v7, v1  }
0x1f: {  	v10 =	vsel vm1, $0x2, v10;
	v1 =	vsel vm4, v7, v1  }
0x20: {  	v10 =	vsel vm2, $0x3, v10;
	vm0 =	vgt.f32 v8, v1  }
0x21: {  	v10 =	vsel vm3, $0x4, v10;
	v11 =	vsel vm0, v8, v1  }
0x22: {  	v1 =	vsel vm4, $0x5, v10;
	vm12 =	vgt.f32 v9, v11  }
0x23: {  	v1 =	vsel vm0, $0x6, v1;
	vm1 =	vmneg vm12  }
0x24: {  	vm13 =	vlt.f32 v2, $-Inf;
	vm14 =	vgt.f32 v2, $-Inf;
	v1 =	vnsel vm1, $0x7, v1  }
0x25: {  	vm2 =	vmor vm14, vm13;
	vm15 =	vne.s32 v1, $0x0  }
0x26: {  	v49 =	vld [tilespmem:$0x10];
	vm2 =	vmand vm2, vm15  }
0x27: {  	v12 =	vld [tilespmem:$0x90];
	v2 =	vnsel vm2, $0xFF800000, v2  }
0x28: {  	vm8 =	vne.s32 v1, $0x1;
	vm9 =	vgt.f32 v3, v2  }
0x29: {  	vm2 =	vmand vm8, vm9  }
0x2a: {  	v2 =	vsel vm2, v3, v2;
	v3 =	vld [tilespmem:$0x110]  }
0x2b: {  	v24 =	vimm.s32 $0x0  }
0x2c: {  	v13 =	vld [tilespmem:$0x190];
	vm12 =	vgt.f32 v12, v49;
	vm10 =	vne.s32 v1, $0x2;
	vm11 =	vgt.f32 v4, v2  }
0x2d: {  	v25 =	vimm.s32 $0x0;
	v50 =	vsel vm12, v12, v49;
	vm4 =	vmand vm10, vm11  }
0x2e: {  	v14 =	vld [tilespmem:$0x210];
	v11 =	vsel vm1, v11, v9;
	v17 =	vsel vm12, $0x1, v0;
	v2 =	vsel vm4, v4, v2  }
0x2f: {  	vm5 =	vne.s32 v1, $0x3;
	vm6 =	vgt.f32 v5, v2;
	vm13 =	vgt.f32 v3, v50  }
0x30: {  	v51 =	vld [tilespmem:$0x290];
	vm12 =	vlt.f32 v49, $-Inf;
	vm5 =	vmand vm5, vm6;
	v4 =	vsel vm13, v3, v50  }
0x31: {  	vm7 =	vne.s32 v1, $0x4;
	v2 =	vsel vm5, v5, v2;
	vm10 =	vgt.f32 v13, v4  }
0x32: {  	v15 =	vld [tilespmem:$0x310];
	vm15 =	vne.s32 v1, $0x5;
	vm8 =	vgt.f32 v6, v2;
	v4 =	vsel vm10, v13, v4  }
0x33: {  	v16 =	vsel vm2, $0x1, v0;
	vm8 =	vmand vm7, vm8;
	vm14 =	vgt.f32 v14, v4  }
0x34: {  	v52 =	vld [tilespmem:$0x390];
	vm2 =	vmand vm0, vm1;
	v2 =	vsel vm8, v6, v2;
	v4 =	vsel vm14, v14, v4  }
0x35: {  	v53 =	vsel vm13, $0x2, v17;
	vm9 =	vgt.f32 v7, v2;
	vm11 =	vgt.f32 v51, v4  }
0x36: {  	vm13 =	vgt.f32 v49, $-Inf;
	vm9 =	vmand vm15, vm9;
	v4 =	vsel vm11, v51, v4  }
0x37: {  	v2 =	vsel vm9, v7, v2;
	v7 =	vsel vm10, $0x3, v53;
	vm3 =	vgt.f32 v15, v4  }
0x38: {  	vm10 =	vgt.f32 v8, v2;
	v7 =	vsel vm14, $0x4, v7;
	v54 =	vsel vm3, v15, v4  }
0x39: {  	vm0 =	vmneg vm10;
	v55 =	vsel vm11, $0x5, v7;
	vm11 =	vgt.f32 v52, v54  }
0x3a: {  	vm7 =	vmor vm2, vm0;
	v4 =	vsel vm3, $0x6, v55;
	vm0 =	vmneg vm11  }
0x3b: {  	v56 =	vsel vm4, $0x2, v16;
	vm6 =	vmor vm13, vm12;
	v4 =	vnsel vm0, $0x7, v4  }
0x3c: {  	v7 =	vsel vm5, $0x3, v56;
	v2 =	vsel vm7, v2, v8;
	vm14 =	vne.s32 v4, $0x0  }
0x3d: {  	v7 =	vsel vm8, $0x4, v7;
	vm15 =	vgt.f32 v9, v2;
	vm10 =	vmand vm6, vm14  }
0x3e: {  	v55 =	vimm.s32 $0x0;
	vm6 =	vmand vm1, vm15;
	v57 =	vnsel vm10, $0xFF800000, v49  }
0x3f: {  	vm11 =	vne.s32 v4, $0x1;
	v2 =	vsel vm6, v9, v2;
	vm12 =	vgt.f32 v12, v57  }
0x40: {  	v7 =	vsel vm9, $0x5, v7;
	v2 =	vsub.f32 v2, v11;
	vm8 =	vmand vm11, vm12  }
0x41: {  	v58 =	vld [tilespmem:$0x400];
	v7 =	vnsel vm7, $0x6, v7;
	v30 =	vsel vm0, v54, v52;
	v8 =	vsel vm8, v12, v57  }
0x42: {  	vm13 =	vne.s32 v4, $0x2;
	v2 =	vmul.f32 $1.442695020e+00, v2;
	vm14 =	vgt.f32 v3, v8  }
0x43: {  	v59 =	vld [tilespmem:$0x480];
	vm4 =	vne.s32 v4, $0x4;
	vm5 =	vne.s32 v4, $0x5;
	vm9 =	vmand vm13, vm14  }
0x44: {  	vm15 =	veq.s32 v1, $0x0;
	(erf) = vpow2.f32 v2;
	v2 =	vsel vm9, v3, v8  }
0x45: {  	v7 =	vsel vm6, $0x7, v7;
	vm12 =	vne.s32 v4, $0x3;
	vm13 =	vgt.f32 v13, v2  }
0x46: {  	v60 =	vnsel vm15, $0x0, v58;
	vm14 =	veq.s32 v7, $0x0;
	v3 =	vld [tilespmem:$0x500];
	vm10 =	vmand vm12, vm13  }
0x47: {  	vm15 =	veq.s32 v1, $0x1;
	v9 =	vnsel vm14, $0x0, v58;
	v2 =	vsel vm10, v13, v2  }
0x48: {  	v61 =	vld [tilespmem:$0x580];
	v8 =	vsel vm15, v59, v60;
	vm14 =	veq.s32 v7, $0x3;
	vm11 =	vgt.f32 v14, v2  }
0x49: {  	v62 =	vld [tilespmem:$0x20];
	vm12 =	veq.s32 v7, $0x1;
	vm13 =	veq.s32 v1, $0x2;
	vm11 =	vmand vm4, vm11  }
0x4a: {  	v63 =	vld [tilespmem:$0xA0];
	v9 =	vsel vm12, v59, v9;
	vm4 =	veq.s32 v7, $0x2;
	v2 =	vsel vm11, v14, v2  }
0x4b: {  	v20 =	vld [tilespmem:$0x600];
	v8 =	vsel vm13, v3, v8;
	v3 =	vsel vm4, v3, v9;
	vm12 =	vgt.f32 v51, v2  }
0x4c: {  	v21 =	vld [tilespmem:$0x120];
	vm4 =	veq.s32 v1, $0x3;
	v14 =	vsel vm0, $0xFFFFFFFF, v24;
	vm13 =	vmand vm5, vm12  }
0x4d: {  	v22 =	vld [tilespmem:$0x1A0];
	v8 =	vsel vm4, v61, v8;
	v3 =	vsel vm14, v61, v3;
	v2 =	vsel vm13, v51, v2  }
0x4e: {  	v23 =	vld [tilespmem:$0x680];
	vm4 =	vmand vm3, vm0;
	vm5 =	veq.s32 v1, $0x4;
	vm12 =	vgt.f32 v15, v2  }
0x4f: {  	v26 =	vld [tilespmem:$0x220];
	[tilespmem:$0x1FFA0] =	vst v14;
	v14 =	vsel vm4, $0xFFFFFFFF, v25;
	v25 =	vimm.s32 $0x0;
	vm3 =	vmneg vm12  }
0x50: {  	v28 =	vld [tilespmem:$0x2A0];
	v8 =	vsel vm5, v20, v8;
	vm12 =	vgt.f32 v63, v62;
	vm5 =	vmor vm4, vm3  }
0x51: {  	v33 =	vld [tilespmem:$0x700];
	v27 =	vsel vm12, v63, v62;
	vm3 =	veq.s32 v7, $0x4;
	v34 =	vsel vm12, $0x1, v0  }
0x52: {  	v37 =	vld [tilespmem:$0x780];
	v2 =	vsel vm5, v2, v15;
	vm14 =	vgt.f32 v21, v27;
	v3 =	vsel vm3, v20, v3  }
0x53: {  	v19 =	vld [tilespmem:$0x30];
	v20 =	vimm.s32 $0x0;
	vm15 =	vgt.f32 v52, v2;
	v29 =	vsel vm14, v21, v27  }
0x54: {  	v48 =	vld [tilespmem:$0xB0];
	v16 =	vsel vm14, $0x2, v34;
	vm3 =	vmand vm0, vm15;
	vm15 =	vgt.f32 v22, v29  }
0x55: {  	v32 =	vpop (erf);
	vm0 =	veq.s32 v1, $0x5;
	v2 =	vsel vm3, v52, v2;
	v15 =	vsel vm15, v22, v29  }
0x56: {  	v31 =	vld [tilespmem:$0x320];
	v1 =	vsel vm0, v23, v8;
	v8 =	vadd.f32 $1.000000000e+00, v32;
	v35 =	vsel vm15, $0x3, v16  }
0x57: {  	v2 =	vsub.f32 v2, v30;
	vm4 =	vgt.f32 v26, v15;
	v1 =	vsel vm2, v33, v1  }
0x58: {  	v18 =	vld [tilespmem:$0x3A0];
	vm0 =	veq.s32 v7, $0x5;
	v15 =	vsel vm4, v26, v15;
	v1 =	vsel vm1, v1, v37  }
0x59: {  	vm1 =	vgt.f32 v48, v19;
	v2 =	vmul.f32 $1.442695020e+00, v2;
	vm14 =	vgt.f32 v28, v15  }
0x5a: {  	(erf) = vrcp.f32 v8;
	v54 =	vsel vm1, v48, v19;
	v15 =	vsel vm14, v28, v15  }
0x5b: {  	(erf) = vpow2.f32 v2;
	vm12 =	vgt.f32 v31, v15;
	v2 =	vsel vm0, v23, v3  }
0x5c: {  	v3 =	vsel vm4, $0x4, v35;
	vm4 =	vmor vm6, vm7;
	v36 =	vsel vm12, v31, v15  }
0x5d: {  	vm7 =	vlt.f32 v62, $-Inf;
	v3 =	vsel vm14, $0x5, v3;
	vm15 =	vgt.f32 v18, v36  }
0x5e: {  	vm14 =	vgt.f32 v62, $-Inf;
	v3 =	vsel vm12, $0x6, v3;
	vm0 =	vmneg vm15  }
0x5f: {  	v40 =	vld [tilespmem:$0x410];
	v38 =	vsel vm4, v2, v33;
	vm7 =	vmor vm14, vm7;
	v7 =	vnsel vm0, $0x7, v3  }
0x60: {  	v3 =	vsel vm8, $0x1, v0;
	v20 =	vsel vm0, $0xFFFFFFFF, v20;
	v8 =	vsel vm0, v36, v18  }
0x61: {  	vm8 =	veq.s32 v4, $0x5;
	vm2 =	vne.s32 v7, $0x0;
	v2 =	vsel vm9, $0x2, v3  }
0x62: {  	vm14 =	vne.s32 v7, $0x2;
	vm9 =	vmand vm7, vm2;
	v3 =	vsel vm10, $0x3, v2  }
0x63: {  	vm2 =	veq.s32 v4, $0x0;
	v12 =	vnsel vm9, $0xFF800000, v62;
	v39 =	vsel vm11, $0x4, v3  }
0x64: {  	v35 =	vld [tilespmem:$0x1FFA0];
	vm11 =	vne.s32 v7, $0x1;
	v3 =	vsel vm6, v37, v38;
	v44 =	vnsel vm2, $0x0, v40  }
0x65: {  	v2 =	vpop (erf);
	vm4 =	vgt.f32 v63, v12;
	v41 =	vsel vm13, $0x5, v39;
	vm13 =	vne.s32 v7, $0x3  }
0x66: {  	v42 =	vpop (erf);
	vm7 =	vmand vm11, vm4;
	v11 =	vnsel vm5, $0x6, v41;
	vm4 =	veq.s32 v4, $0x4  }
0x67: {  	v43 =	vld [tilespmem:$0x490];
	v1 =	vmul.f32 v2, v1;
	v15 =	vadd.f32 $1.000000000e+00, v42;
	v10 =	vsel vm7, v63, v12  }
0x68: {  	v45 =	vld [tilespmem:$0x510];
	v11 =	vsel vm3, $0x7, v11;
	v32 =	vsel vm7, $0x1, v0;
	vm15 =	vgt.f32 v21, v10  }
0x69: {  	vm7 =	vnez.u8 v35;
	vm11 =	veq.s32 v11, $0x0;
	vm10 =	vmand vm14, vm15  }
0x6a: {  	vm2 =	veq.s32 v11, $0x1;
	vm9 =	veq.s32 v11, $0x2;
	v9 =	vsel vm10, v21, v10  }
0x6b: {  	v47 =	vld [tilespmem:$0x590];
	(erf) = vrcp.f32 v15;
	v46 =	vnsel vm11, $0x0, v40;
	vm14 =	vgt.f32 v22, v9  }
0x6c: {  	v50 =	vld [tilespmem:$0x130];
	vm15 =	veq.s32 v4, $0x1;
	v10 =	vsel vm2, v43, v46;
	vm11 =	vmand vm13, vm14  }
0x6d: {  	v51 =	vld [tilespmem:$0x610];
	v15 =	vsel vm15, v43, v44;
	v10 =	vsel vm9, v45, v10;
	v5 =	vsel vm11, v22, v9  }
0x6e: {  	v58 =	vld [tilespmem:$0x690];
	vm13 =	veq.s32 v4, $0x2;
	vm14 =	vne.s32 v7, $0x4;
	vm15 =	vgt.f32 v26, v5  }
0x6f: {  	vm9 =	veq.s32 v11, $0x3;
	v49 =	vsel vm13, v45, v15;
	vm13 =	vmand vm14, vm15  }
0x70: {  	v52 =	vld [tilespmem:$0x1B0];
	v10 =	vsel vm9, v47, v10;
	vm14 =	veq.s32 v4, $0x3;
	v5 =	vsel vm13, v26, v5  }
0x71: {  	vm15 =	vne.s32 v7, $0x5;
	v12 =	vsel vm14, v47, v49;
	vm2 =	vgt.f32 v28, v5  }
0x72: {  	v53 =	vld [tilespmem:$0x230];
	v22 =	vsel vm1, $0x1, v0;
	v12 =	vsel vm4, v51, v12;
	vm14 =	vmand vm15, vm2  }
0x73: {  	vm15 =	vgt.f32 v50, v54;
	vm2 =	vmand vm12, vm0;
	v27 =	vsel vm8, v58, v12  }
0x74: {  	v56 =	vld [tilespmem:$0x2B0];
	[tilespmem:$0x1FFC0] =	vst v20;
	v5 =	vsel vm14, v28, v5;
	v20 =	vsel vm2, $0xFFFFFFFF, v55;
	v17 =	vsel vm15, v50, v54  }
0x75: {  	v22 =	vsel vm15, $0x2, v22;
	vm9 =	vgt.f32 v31, v5;
	vm4 =	vgt.f32 v52, v17  }
0x76: {  	vm6 =	vmneg vm9;
	v57 =	vsel vm4, v52, v17;
	v59 =	vsel vm4, $0x3, v22  }
0x77: {  	v21 =	vld [tilespmem:$0x330];
	vm9 =	vmor vm2, vm6;
	vm1 =	vgt.f32 v53, v57;
	vm2 =	veq.s32 v11, $0x4  }
0x78: {  	v5 =	vsel vm9, v5, v31;
	v6 =	vsel vm1, v53, v57;
	v60 =	vsel vm2, v51, v10  }
0x79: {  	v23 =	vld [tilespmem:$0x3B0];
	v61 =	vsel vm1, $0x4, v59;
	vm12 =	vgt.f32 v18, v5;
	vm4 =	vgt.f32 v56, v6  }
0x7a: {  	vm2 =	vgt.f32 v19, $-Inf;
	vm6 =	vmand vm0, vm12;
	v6 =	vsel vm4, v56, v6  }
0x7b: {  	[tilespmem:$0x1FF90] =	vst v14;
	v37 =	vld [tilespmem:$0x420];
	v10 =	vsel vm4, $0x5, v61;
	vm0 =	vlt.f32 v19, $-Inf;
	v5 =	vsel vm6, v18, v5  }
0x7c: {  	v31 =	vld [tilespmem:$0x1FF90];
	vm12 =	vgt.f32 v21, v6;
	vm4 =	vmor vm2, vm0;
	v5 =	vsub.f32 v5, v8  }
0x7d: {  	v63 =	vsel vm12, v21, v6;
	v28 =	vsel vm12, $0x6, v10;
	v8 =	vsel vm10, $0x2, v32  }
0x7e: {  	v62 =	vld [tilespmem:$0x710];
	vm15 =	vgt.f32 v23, v63;
	v34 =	vsel vm11, $0x3, v8;
	v5 =	vmul.f32 $1.442695020e+00, v5  }
0x7f: {  	vm1 =	vmneg vm15;
	vm15 =	veq.s32 v11, $0x5;
	v36 =	vsel vm13, $0x4, v34  }
0x80: {  	v40 =	vld [tilespmem:$0x4A0];
	vm13 =	veq.s32 v7, $0x0;
	v10 =	vnsel vm1, $0x7, v28;
	v30 =	vsel vm15, v58, v60  }
0x81: {  	vm15 =	vnez.u8 v31;
	v38 =	vsel vm14, $0x5, v36;
	v42 =	vnsel vm13, $0x0, v37  }
0x82: {  	v29 =	vld [tilespmem:$0x790];
	vm13 =	veq.s32 v7, $0x1;
	v25 =	vsel vm1, $0xFFFFFFFF, v25;
	v16 =	vsel vm1, v63, v23  }
0x83: {  	(erf) = vpow2.f32 v5;
	vm8 =	vne.s32 v10, $0x0;
	v6 =	vsel vm15, v62, v27  }
0x84: {  	vm15 =	vne.s32 v10, $0x1;
	v11 =	vnsel vm9, $0x6, v38;
	vm0 =	vmand vm4, vm8  }
0x85: {  	vm14 =	vne.s32 v10, $0x3;
	v18 =	vsel vm13, v40, v42;
	v33 =	vnsel vm0, $0xFF800000, v19  }
0x86: {  	vm9 =	vmor vm6, vm9;
	vm8 =	vmor vm3, vm5;
	vm2 =	vgt.f32 v48, v33  }
0x87: {  	v4 =	vsel vm7, v6, v29;
	v11 =	vsel vm6, $0x7, v11;
	vm10 =	vmand vm15, vm2  }
0x88: {  	v41 =	vld [tilespmem:$0x520];
	vm5 =	vmand vm12, vm1;
	v17 =	vsel vm8, v30, v62;
	v9 =	vsel vm10, v48, v33  }
0x89: {  	v44 =	vld [tilespmem:$0x40];
	vm8 =	vne.s32 v10, $0x2;
	vm7 =	veq.s32 v11, $0x0;
	vm11 =	vgt.f32 v50, v9  }
0x8a: {  	v45 =	vld [tilespmem:$0xC0];
	vm0 =	veq.s32 v11, $0x1;
	v6 =	vsel vm3, v29, v17;
	vm8 =	vmand vm8, vm11  }
0x8b: {  	v8 =	vnsel vm7, $0x0, v37;
	vm3 =	veq.s32 v11, $0x2;
	v9 =	vsel vm8, v50, v9  }
0x8c: {  	v43 =	vld [tilespmem:$0x5A0];
	vm7 =	veq.s32 v7, $0x3;
	vm2 =	veq.s32 v7, $0x2;
	vm15 =	vgt.f32 v52, v9  }
0x8d: {  	v8 =	vsel vm0, v40, v8;
	vm0 =	veq.s32 v7, $0x4;
	vm11 =	vmand vm14, vm15  }
0x8e: {  	v47 =	vld [tilespmem:$0x140];
	v46 =	vsel vm2, v41, v18;
	v8 =	vsel vm3, v41, v8;
	v9 =	vsel vm11, v52, v9  }
0x8f: {  	vm3 =	vgt.f32 v45, v44;
	vm14 =	vne.s32 v10, $0x4;
	vm15 =	vgt.f32 v53, v9  }
0x90: {  	vm2 =	veq.s32 v11, $0x3;
	v17 =	vsel vm10, $0x1, v0;
	v50 =	vld [tilespmem:$0x620];
	vm13 =	vmand vm14, vm15  }
0x91: {  	v5 =	vpop (erf);
	v48 =	vld [tilespmem:$0x1C0];
	v41 =	vimm.s32 $0x0;
	v49 =	vsel vm7, v43, v46;
	v9 =	vsel vm13, v53, v9  }
0x92: {  	v24 =	vsel vm3, v45, v44;
	v39 =	vpop (erf);
	vm14 =	vne.s32 v10, $0x5;
	vm15 =	vgt.f32 v56, v9  }
0x93: {  	vm12 =	vgt.f32 v47, v24;
	v12 =	vadd.f32 $1.000000000e+00, v39;
	vm14 =	vmand vm14, vm15  }
0x94: {  	v51 =	vld [tilespmem:$0x240];
	v8 =	vsel vm2, v43, v8;
	v24 =	vsel vm12, v47, v24;
	v9 =	vsel vm14, v56, v9  }
0x95: {  	v26 =	vld [tilespmem:$0x720];
	(erf) = vrcp.f32 v12;
	v53 =	vsel vm0, v50, v49;
	vm15 =	vgt.f32 v21, v9  }
0x96: {  	v52 =	vld [tilespmem:$0x2C0];
	v56 =	vsel vm3, $0x1, v0;
	vm7 =	vmneg vm15;
	vm15 =	vgt.f32 v48, v24  }
0x97: {  	v60 =	vld [tilespmem:$0x6A0];
	v58 =	vsel vm12, $0x2, v56;
	vm7 =	vmor vm5, vm7;
	v55 =	vsel vm15, v48, v24  }
0x98: {  	v54 =	vld [tilespmem:$0x340];
	v59 =	vsel vm15, $0x3, v58;
	vm15 =	veq.s32 v11, $0x4;
	v9 =	vsel vm7, v9, v21  }
0x99: {  	v57 =	vld [tilespmem:$0x3C0];
	vm3 =	vgt.f32 v51, v55;
	v8 =	vsel vm15, v50, v8;
	vm2 =	vgt.f32 v23, v9  }
0x9a: {  	v27 =	vld [tilespmem:$0x1FFC0];
	vm15 =	veq.s32 v11, $0x5;
	v13 =	vsel vm3, v51, v55;
	vm4 =	vmand vm1, vm2  }
0x9b: {  	v12 =	vsel vm3, $0x4, v59;
	vm0 =	vgt.f32 v52, v13;
	v9 =	vsel vm4, v23, v9  }
0x9c: {  	v63 =	vld [tilespmem:$0x7A0];
	v8 =	vsel vm15, v60, v8;
	v13 =	vsel vm0, v52, v13;
	v9 =	vsub.f32 v9, v16  }
0x9d: {  	v36 =	vld [tilespmem:$0x50];
	vm1 =	vlt.f32 v44, $-Inf;
	v21 =	vsel vm9, v8, v26;
	vm12 =	vgt.f32 v54, v13  }
0x9e: {  	[tilespmem:$0x1FFB0] =	vst v20;
	v37 =	vld [tilespmem:$0xD0];
	v12 =	vsel vm0, $0x5, v12;
	v61 =	vsel vm12, v54, v13;
	v9 =	vmul.f32 $1.442695020e+00, v9  }
0x9f: {  	vm9 =	vnez.u8 v27;
	v62 =	vsel vm12, $0x6, v12;
	v12 =	vld [tilespmem:$0x1FFB0];
	vm0 =	vgt.f32 v57, v61  }
0xa0: {  	vm3 =	vmneg vm0;
	vm0 =	vgt.f32 v44, $-Inf;
	(erf) = vpow2.f32 v9  }
0xa1: {  	vm2 =	vmor vm0, vm1;
	v13 =	vnsel vm3, $0x7, v62;
	vm1 =	veq.s32 v7, $0x5  }
0xa2: {  	v9 =	vsel vm6, v63, v21;
	vm12 =	vmand vm12, vm3;
	v24 =	vsel vm3, v61, v57  }
0xa3: {  	vm0 =	vne.s32 v13, $0x0;
	v7 =	vsel vm1, v60, v53;
	vm10 =	vne.s32 v13, $0x1  }
0xa4: {  	vm1 =	vgt.f32 v37, v36;
	vm0 =	vmand vm2, vm0;
	vm15 =	vnez.u8 v12  }
0xa5: {  	vm2 =	veq.s32 v10, $0x1;
	v43 =	vsel vm1, v37, v36;
	v16 =	vnsel vm0, $0xFF800000, v44  }
0xa6: {  	v29 =	vld [tilespmem:$0x430];
	v27 =	vsel vm1, $0x1, v0;
	v7 =	vsel vm15, v26, v7;
	vm15 =	vgt.f32 v45, v16  }
0xa7: {  	v31 =	vld [tilespmem:$0x4B0];
	v26 =	vsel vm8, $0x2, v17;
	v7 =	vsel vm9, v7, v63;
	vm10 =	vmand vm10, vm15  }
0xa8: {  	v28 =	vsel vm11, $0x3, v26;
	vm9 =	vne.s32 v13, $0x3;
	v11 =	vsel vm10, v45, v16  }
0xa9: {  	v12 =	vsel vm13, $0x4, v28;
	vm15 =	vne.s32 v13, $0x2;
	vm8 =	vgt.f32 v47, v11  }
0xaa: {  	vm13 =	veq.s32 v10, $0x0;
	v12 =	vsel vm14, $0x5, v12;
	vm6 =	vmand vm15, vm8  }
0xab: {  	v33 =	vnsel vm13, $0x0, v29;
	v12 =	vnsel vm7, $0x6, v12;
	v11 =	vsel vm6, v47, v11  }
0xac: {  	v32 =	vld [tilespmem:$0x530];
	v18 =	vsel vm2, v31, v33;
	v33 =	vimm.s32 $0x0;
	vm11 =	vgt.f32 v48, v11  }
0xad: {  	v8 =	vpop (erf);
	v12 =	vsel vm4, $0x7, v12;
	vm15 =	vne.s32 v13, $0x4;
	vm11 =	vmand vm9, vm11  }
0xae: {  	v34 =	vld [tilespmem:$0x5B0];
	v30 =	vpop (erf);
	vm14 =	veq.s32 v12, $0x0;
	vm8 =	veq.s32 v12, $0x1;
	v11 =	vsel vm11, v48, v11  }
0xaf: {  	v38 =	vld [tilespmem:$0x150];
	v14 =	vadd.f32 $1.000000000e+00, v30;
	v35 =	vnsel vm14, $0x0, v29;
	vm13 =	vgt.f32 v51, v11  }
0xb0: {  	v49 =	vld [tilespmem:$0x730];
	vm14 =	veq.s32 v10, $0x2;
	v15 =	vsel vm8, v31, v35;
	vm13 =	vmand vm15, vm13  }
0xb1: {  	v44 =	vld [tilespmem:$0x630];
	v18 =	vsel vm14, v32, v18;
	vm9 =	veq.s32 v12, $0x2;
	v11 =	vsel vm13, v51, v11  }
0xb2: {  	[tilespmem:$0x1FFD0] =	vst v25;
	v28 =	vld [tilespmem:$0x6B0];
	(erf) = vrcp.f32 v14;
	vm15 =	vne.s32 v13, $0x5;
	vm8 =	vgt.f32 v52, v11  }
0xb3: {  	v56 =	vld [tilespmem:$0x1FFD0];
	v14 =	vsel vm9, v32, v15;
	vm14 =	vmand vm15, vm8;
	vm8 =	veq.s32 v10, $0x3  }
0xb4: {  	vm15 =	veq.s32 v12, $0x3;
	v11 =	vsel vm14, v52, v11;
	v40 =	vsel vm8, v34, v18  }
0xb5: {  	v39 =	vld [tilespmem:$0x1D0];
	v14 =	vsel vm15, v34, v14;
	vm15 =	veq.s32 v10, $0x4;
	vm9 =	vgt.f32 v54, v11  }
0xb6: {  	v15 =	vsel vm15, v44, v40;
	vm15 =	veq.s32 v10, $0x5;
	vm0 =	vmneg vm9  }
0xb7: {  	v42 =	vld [tilespmem:$0x250];
	v18 =	vsel vm12, $0xFFFFFFFF, v41;
	v10 =	vsel vm15, v28, v15;
	vm9 =	vmor vm12, vm0  }
0xb8: {  	vm0 =	vgt.f32 v38, v43;
	v53 =	vsel vm5, v49, v10;
	vm5 =	vnez.u8 v56  }
0xb9: {  	v45 =	vld [tilespmem:$0x2D0];
	v11 =	vsel vm9, v11, v54;
	v20 =	vsel vm0, v38, v43;
	v47 =	vsel vm0, $0x2, v27  }
0xba: {  	v54 =	vsel vm10, $0x1, v0;
	vm10 =	vmor vm4, vm7;
	vm12 =	vgt.f32 v39, v20  }
0xbb: {  	v46 =	vld [tilespmem:$0x350];
	vm2 =	vgt.f32 v57, v11;
	v10 =	vsel vm6, $0x2, v54;
	v20 =	vsel vm12, v39, v20  }
0xbc: {  	v48 =	vld [tilespmem:$0x3D0];
	vm8 =	vmand vm3, vm2;
	v23 =	vsel vm12, $0x3, v47;
	vm0 =	vgt.f32 v42, v20  }
0xbd: {  	v52 =	vld [tilespmem:$0x7B0];
	vm2 =	veq.s32 v12, $0x4;
	v11 =	vsel vm8, v57, v11;
	v20 =	vsel vm0, v42, v20  }
0xbe: {  	v55 =	vsel vm11, $0x3, v10;
	v11 =	vsub.f32 v11, v24;
	vm1 =	vgt.f32 v45, v20  }
0xbf: {  	v14 =	vsel vm2, v44, v14;
	v23 =	vsel vm0, $0x4, v23;
	v20 =	vsel vm1, v45, v20  }
0xc0: {  	vm0 =	vgt.f32 v36, $-Inf;
	v11 =	vmul.f32 $1.442695020e+00, v11;
	vm12 =	vgt.f32 v46, v20  }
0xc1: {  	v50 =	vsel vm1, $0x5, v23;
	vm1 =	veq.s32 v12, $0x5;
	v20 =	vsel vm12, v46, v20  }
0xc2: {  	v23 =	vsel vm13, $0x4, v55;
	v12 =	vsel vm5, v53, v52;
	vm15 =	vgt.f32 v48, v20  }
0xc3: {  	(erf) = vpow2.f32 v11;
	v11 =	vsel vm12, $0x6, v50;
	vm2 =	vmneg vm15  }
0xc4: {  	v23 =	vsel vm14, $0x5, v23;
	vm15 =	vlt.f32 v36, $-Inf;
	v15 =	vnsel vm2, $0x7, v11  }
0xc5: {  	v60 =	vnsel vm9, $0x6, v23;
	vm0 =	vmor vm0, vm15;
	vm15 =	vne.s32 v15, $0x0  }
0xc6: {  	v51 =	vsel vm1, v28, v14;
	v14 =	vsel vm8, $0x7, v60;
	vm0 =	vmand vm0, vm15  }
0xc7: {  	v58 =	vld [tilespmem:$0x440];
	v11 =	vsel vm10, v51, v49;
	v21 =	vsel vm2, $0xFFFFFFFF, v33;
	v16 =	vnsel vm0, $0xFF800000, v36  }
0xc8: {  	v20 =	vsel vm2, v20, v48;
	vm11 =	vne.s32 v15, $0x1;
	vm15 =	vgt.f32 v37, v16  }
0xc9: {  	vm6 =	vne.s32 v15, $0x2;
	v11 =	vsel vm4, v52, v11;
	vm7 =	vmand vm11, vm15  }
0xca: {  	vm13 =	vne.s32 v15, $0x3;
	vm4 =	veq.s32 v14, $0x4;
	v16 =	vsel vm7, v37, v16  }
0xcb: {  	v61 =	vld [tilespmem:$0x4C0];
	vm11 =	veq.s32 v13, $0x0;
	vm15 =	veq.s32 v14, $0x0;
	vm10 =	vgt.f32 v38, v16  }
0xcc: {  	v62 =	vld [tilespmem:$0x540];
	v10 =	vpop (erf);
	v63 =	vnsel vm11, $0x0, v58;
	v28 =	vnsel vm15, $0x0, v58;
	vm1 =	vmand vm6, vm10  }
0xcd: {  	v30 =	vld [tilespmem:$0x5C0];
	v57 =	vpop (erf);
	vm11 =	vne.s32 v15, $0x4;
	vm15 =	veq.s32 v13, $0x2;
	v16 =	vsel vm1, v38, v16  }
0xce: {  	v36 =	vsel vm7, $0x1, v0;
	v59 =	vadd.f32 $1.000000000e+00, v57;
	vm14 =	vgt.f32 v39, v16  }
0xcf: {  	vm7 =	veq.s32 v15, $0x0;
	vm6 =	veq.s32 v13, $0x1;
	vm10 =	vmand vm13, vm14  }
0xd0: {  	(erf) = vrcp.f32 v59;
	v29 =	vsel vm6, v61, v63;
	v16 =	vsel vm10, v39, v16  }
0xd1: {  	vm6 =	veq.s32 v13, $0x3;
	v19 =	vsel vm15, v62, v29;
	v39 =	vld [tilespmem:$0x450];
	vm13 =	vgt.f32 v42, v16  }
0xd2: {  	v31 =	vld [tilespmem:$0x640];
	vm14 =	veq.s32 v14, $0x1;
	v19 =	vsel vm6, v30, v19;
	vm11 =	vmand vm11, vm13  }
0xd3: {  	vm6 =	vmand vm12, vm2;
	v23 =	vsel vm14, v61, v28;
	v16 =	vsel vm11, v42, v16  }
0xd4: {  	v32 =	vld [tilespmem:$0x6C0];
	vm14 =	vne.s32 v15, $0x5;
	vm13 =	veq.s32 v14, $0x2;
	vm15 =	vgt.f32 v45, v16  }
0xd5: {  	v35 =	vld [tilespmem:$0x7C0];
	vm12 =	veq.s32 v13, $0x5;
	v17 =	vsel vm13, v62, v23;
	vm13 =	vmand vm14, vm15  }
0xd6: {  	v34 =	vld [tilespmem:$0x740];
	[tilespmem:$0x1FFE0] =	vst v18;
	vm14 =	veq.s32 v14, $0x3;
	vm15 =	veq.s32 v13, $0x4;
	v49 =	vnsel vm7, $0x0, v39  }
0xd7: {  	v41 =	vld [tilespmem:$0x1FFE0];
	v16 =	vsel vm13, v45, v16;
	v17 =	vsel vm14, v30, v17;
	v19 =	vsel vm15, v31, v19  }
0xd8: {  	v37 =	vld [tilespmem:$0x60];
	vm15 =	veq.s32 v14, $0x5;
	v14 =	vsel vm1, $0x2, v36;
	vm14 =	vgt.f32 v46, v16  }
0xd9: {  	v38 =	vld [tilespmem:$0xE0];
	v17 =	vsel vm4, v31, v17;
	v19 =	vsel vm12, v32, v19;
	vm0 =	vmneg vm14  }
0xda: {  	v42 =	vld [tilespmem:$0x4D0];
	v14 =	vsel vm10, $0x3, v14;
	v17 =	vsel vm15, v32, v17;
	vm5 =	vmor vm6, vm0  }
0xdb: {  	v40 =	vld [tilespmem:$0x160];
	vm14 =	vmor vm8, vm9;
	v14 =	vsel vm11, $0x4, v14;
	v16 =	vsel vm5, v16, v46  }
0xdc: {  	v55 =	vld [tilespmem:$0xF0];
	vm15 =	vnez.u8 v41;
	vm9 =	veq.s32 v15, $0x1;
	vm12 =	vgt.f32 v48, v16  }
0xdd: {  	v31 =	vld [tilespmem:$0x70];
	v19 =	vsel vm15, v34, v19;
	v17 =	vsel vm14, v17, v34;
	vm4 =	vmand vm2, vm12  }
0xde: {  	v14 =	vsel vm13, $0x5, v14;
	vm0 =	vgt.f32 v38, v37;
	v16 =	vsel vm4, v48, v16  }
0xdf: {  	v44 =	vld [tilespmem:$0x1E0];
	v26 =	vsel vm9, v42, v49;
	vm15 =	veq.s32 v15, $0x3;
	v16 =	vsub.f32 v16, v20  }
0xe0: {  	v13 =	vsel vm3, v19, v35;
	v43 =	vnsel vm5, $0x6, v14;
	v14 =	vsel vm8, v35, v17  }
0xe1: {  	v47 =	vld [tilespmem:$0x260];
	v30 =	vsel vm0, $0x1, v0;
	v48 =	vsel vm0, v38, v37;
	v16 =	vmul.f32 $1.442695020e+00, v16  }
0xe2: {  	v46 =	vld [tilespmem:$0x550];
	vm12 =	veq.s32 v15, $0x2;
	vm7 =	vgt.f32 v55, v31;
	vm2 =	vgt.f32 v40, v48  }
0xe3: {  	v51 =	vld [tilespmem:$0x2E0];
	v45 =	vsel vm4, $0x7, v43;
	(erf) = vpow2.f32 v16;
	v16 =	vsel vm2, v40, v48  }
0xe4: {  	v50 =	vld [tilespmem:$0x5D0];
	v35 =	vsel vm7, v55, v31;
	vm8 =	veq.s32 v45, $0x0;
	vm11 =	vgt.f32 v44, v16  }
0xe5: {  	v52 =	vld [tilespmem:$0x360];
	vm10 =	veq.s32 v45, $0x1;
	vm13 =	veq.s32 v45, $0x2;
	v16 =	vsel vm11, v44, v16  }
0xe6: {  	v29 =	vld [tilespmem:$0x650];
	vm9 =	veq.s32 v45, $0x3;
	v23 =	vnsel vm8, $0x0, v39;
	vm14 =	vgt.f32 v47, v16  }
0xe7: {  	v53 =	vld [tilespmem:$0x3E0];
	v26 =	vsel vm12, v46, v26;
	v30 =	vsel vm2, $0x2, v30;
	v16 =	vsel vm14, v47, v16  }
0xe8: {  	vm12 =	veq.s32 v45, $0x4;
	v23 =	vsel vm10, v42, v23;
	vm8 =	vgt.f32 v51, v16  }
0xe9: {  	v26 =	vsel vm15, v50, v26;
	vm10 =	veq.s32 v15, $0x4;
	v16 =	vsel vm8, v51, v16  }
0xea: {  	v19 =	vsel vm13, v46, v23;
	v54 =	vsel vm11, $0x3, v30;
	vm3 =	vgt.f32 v52, v16  }
0xeb: {  	v33 =	vld [tilespmem:$0x6D0];
	v26 =	vsel vm10, v29, v26;
	v27 =	vsel vm14, $0x4, v54;
	v32 =	vsel vm3, v52, v16  }
0xec: {  	v57 =	vld [tilespmem:$0x170];
	vm13 =	vlt.f32 v37, $-Inf;
	v56 =	vsel vm8, $0x5, v27;
	vm11 =	vgt.f32 v53, v32  }
0xed: {  	v19 =	vsel vm9, v50, v19;
	v16 =	vsel vm3, $0x6, v56;
	vm2 =	vmneg vm11  }
0xee: {  	v34 =	vld [tilespmem:$0x1F0];
	v19 =	vsel vm12, v29, v19;
	vm14 =	vgt.f32 v37, $-Inf;
	v16 =	vnsel vm2, $0x7, v16  }
0xef: {  	vm12 =	veq.s32 v15, $0x5;
	vm0 =	vmor vm14, vm13;
	vm15 =	vne.s32 v16, $0x0  }
0xf0: {  	v58 =	vld [tilespmem:$0x270];
	vm5 =	vmor vm4, vm5;
	v26 =	vsel vm12, v33, v26;
	vm0 =	vmand vm0, vm15  }
0xf1: {  	vm8 =	veq.s32 v45, $0x5;
	v59 =	vnsel vm0, $0xFF800000, v37;
	vm0 =	vgt.f32 v57, v35  }
0xf2: {  	v60 =	vld [tilespmem:$0x2F0];
	v62 =	vsel vm8, v33, v19;
	v48 =	vsel vm2, v32, v53;
	v35 =	vsel vm0, v57, v35  }
0xf3: {  	vm13 =	vne.s32 v16, $0x1;
	vm14 =	vgt.f32 v38, v59;
	vm1 =	vgt.f32 v34, v35  }
0xf4: {  	v36 =	vld [tilespmem:$0x370];
	vm9 =	vne.s32 v16, $0x2;
	vm11 =	vmand vm13, vm14;
	v61 =	vsel vm1, v34, v35  }
0xf5: {  	vm15 =	vne.s32 v16, $0x3;
	v15 =	vsel vm11, v38, v59;
	vm14 =	vgt.f32 v58, v61  }
0xf6: {  	v63 =	vld [tilespmem:$0x3F0];
	v35 =	vsel vm7, $0x1, v0;
	vm10 =	vgt.f32 v40, v15;
	v17 =	vsel vm14, v58, v61  }
0xf7: {  	v19 =	vsel vm0, $0x2, v35;
	vm0 =	vlt.f32 v31, $-Inf;
	vm7 =	vgt.f32 v60, v17  }
0xf8: {  	vm12 =	vmand vm9, vm10;
	v19 =	vsel vm1, $0x3, v19;
	v17 =	vsel vm7, v60, v17  }
0xf9: {  	v15 =	vsel vm12, v40, v15;
	v19 =	vsel vm14, $0x4, v19;
	vm9 =	vgt.f32 v36, v17  }
0xfa: {  	v37 =	vld [tilespmem:$0x750];
	vm13 =	vgt.f32 v44, v15;
	v40 =	vsel vm7, $0x5, v19;
	v38 =	vsel vm9, v36, v17  }
0xfb: {  	vm7 =	vne.s32 v16, $0x4;
	vm13 =	vmand vm15, vm13;
	vm14 =	vgt.f32 v63, v38  }
0xfc: {  	v39 =	vsel vm13, v44, v15;
	v15 =	vsel vm9, $0x6, v40;
	vm1 =	vmneg vm14  }
0xfd: {  	vm15 =	vgt.f32 v31, $-Inf;
	vm14 =	vgt.f32 v47, v39;
	v15 =	vnsel vm1, $0x7, v15  }
0xfe: {  	vm0 =	vmor vm15, vm0;
	vm14 =	vmand vm7, vm14;
	vm8 =	vne.s32 v15, $0x0  }
0xff: {  	[tilespmem:$0x1FFF0] =	vst v21;
	v41 =	vsel vm6, v37, v26;
	v21 =	vsel vm14, v47, v39;
	vm0 =	vmand vm0, vm8  }
0x100: {  	v46 =	vld [tilespmem:$0x7D0];
	vm6 =	vne.s32 v16, $0x5;
	vm15 =	vgt.f32 v51, v21;
	v42 =	vnsel vm0, $0xFF800000, v31  }
0x101: {  	vm7 =	vne.s32 v15, $0x1;
	vm15 =	vmand vm6, vm15;
	vm8 =	vgt.f32 v55, v42  }
0x102: {  	v20 =	vsel vm5, v62, v37;
	v43 =	vsel vm15, v51, v21;
	vm6 =	vmand vm7, vm8  }
0x103: {  	vm8 =	vmand vm3, vm2;
	vm7 =	vgt.f32 v52, v43;
	v44 =	vsel vm6, v55, v42  }
0x104: {  	v17 =	vpop (erf);
	vm3 =	vne.s32 v15, $0x2;
	vm0 =	vmneg vm7;
	vm10 =	vgt.f32 v57, v44  }
0x105: {  	v19 =	vsel vm4, v46, v20;
	v45 =	vpop (erf);
	vm7 =	vmand vm3, vm10;
	vm10 =	vmor vm8, vm0  }
0x106: {  	v49 =	vld [tilespmem:$0x1FFF0];
	v25 =	vadd.f32 $1.000000000e+00, v45;
	v47 =	vsel vm11, $0x1, v0;
	v18 =	vsel vm10, v43, v52  }
0x107: {  	v24 =	vsel vm12, $0x2, v47;
	v21 =	vsel vm7, v57, v44;
	vm11 =	vgt.f32 v53, v18  }
0x108: {  	vm12 =	vne.s32 v15, $0x3;
	vm5 =	vmand vm2, vm11;
	vm11 =	vgt.f32 v34, v21  }
0x109: {  	v24 =	vsel vm13, $0x3, v24;
	vm13 =	vne.s32 v15, $0x4;
	vm11 =	vmand vm12, vm11  }
0x10a: {  	v24 =	vsel vm14, $0x4, v24;
	v23 =	vsel vm5, v53, v18;
	v21 =	vsel vm11, v34, v21  }
0x10b: {  	vm12 =	vnez.u8 v49;
	v23 =	vsub.f32 v23, v48;
	vm14 =	vgt.f32 v58, v21  }
0x10c: {  	v50 =	vld [tilespmem:$0x460];
	(erf) = vrcp.f32 v25;
	v18 =	vsel vm12, v41, v46;
	vm12 =	vmand vm13, vm14  }
0x10d: {  	v51 =	vsel vm15, $0x5, v24;
	v23 =	vmul.f32 $1.442695020e+00, v23;
	v21 =	vsel vm12, v58, v21  }
0x10e: {  	vm15 =	vne.s32 v15, $0x5;
	v20 =	vnsel vm10, $0x6, v51;
	v52 =	vld [tilespmem:$0x4E0];
	vm13 =	vgt.f32 v60, v21  }
0x10f: {  	v20 =	vsel vm5, $0x7, v20;
	(erf) = vpow2.f32 v23;
	vm13 =	vmand vm15, vm13  }
0x110: {  	vm4 =	veq.s32 v16, $0x0;
	v53 =	vld [tilespmem:$0x560];
	vm14 =	veq.s32 v20, $0x0;
	v21 =	vsel vm13, v60, v21  }
0x111: {  	v54 =	vnsel vm4, $0x0, v50;
	v55 =	vnsel vm14, $0x0, v50;
	vm14 =	vgt.f32 v36, v21  }
0x112: {  	vm0 =	vmand vm9, vm1;
	vm15 =	veq.s32 v16, $0x1;
	vm3 =	vmneg vm14  }
0x113: {  	vm4 =	veq.s32 v20, $0x2;
	v25 =	vsel vm15, v52, v54;
	vm3 =	vmor vm0, vm3  }
0x114: {  	vm15 =	veq.s32 v20, $0x1;
	vm14 =	veq.s32 v16, $0x2;
	v21 =	vsel vm3, v21, v36  }
0x115: {  	v22 =	vsel vm15, v52, v55;
	v57 =	vsel vm14, v53, v25;
	vm14 =	vgt.f32 v63, v21  }
0x116: {  	v4 =	vmul.f32 v5, v4;
	v22 =	vsel vm4, v53, v22;
	vm4 =	vmand vm1, vm14  }
0x117: {  	v37 =	vsub.f32 $1.000000000e+00, v5;
	v62 =	vsel vm1, v38, v63;
	v61 =	vpop (erf);
	v21 =	vsel vm4, v63, v21  }
0x118: {  	v56 =	vld [tilespmem:$0x5E0];
	v45 =	vmul.f32 v10, v12;
	v10 =	vsub.f32 $1.000000000e+00, v10;
	v31 =	vpop (erf);
	v21 =	vsub.f32 v21, v62  }
0x119: {  	v13 =	vmul.f32 v17, v13;
	v38 =	vmul.f32 v6, v37;
	v58 =	vld [tilespmem:$0x660];
	v26 =	vadd.f32 $1.000000000e+00, v31  }
0x11a: {  	v10 =	vmul.f32 v11, v10;
	v35 =	vsel vm6, $0x1, v0;
	v32 =	vmul.f32 $1.442695020e+00, v21  }
0x11b: {  	v42 =	vmul.f32 v8, v7;
	vm9 =	veq.s32 v16, $0x3;
	v60 =	vld [tilespmem:$0x6E0];
	(erf) = vrcp.f32 v26  }
0x11c: {  	vm10 =	vmor vm5, vm10;
	vm15 =	veq.s32 v20, $0x3;
	(erf) = vpow2.f32 v32  }
0x11d: {  	v41 =	vsub.f32 $1.000000000e+00, v8;
	v22 =	vsel vm15, v56, v22;
	vm15 =	veq.s32 v20, $0x4  }
0x11e: {  	v8 =	vadd.f32 v10, v45;
	v59 =	vsel vm9, v56, v57;
	v22 =	vsel vm15, v58, v22  }
0x11f: {  	vm15 =	veq.s32 v20, $0x5;
	v36 =	vsub.f32 $1.000000000e+00, v2;
	v56 =	vsub.f32 $1.000000000e+00, v17  }
0x120: {  	v44 =	vmul.f32 v9, v41;
	vm9 =	veq.s32 v15, $0x3;
	v20 =	vsel vm15, v60, v22;
	v63 =	vld [tilespmem:$0x760]  }
0x121: {  	v34 =	vld [tilespmem:$0x7E0];
	vm14 =	veq.s32 v16, $0x4;
	v2 =	vmul.f32 v3, v36;
	v11 =	vmul.f32 v14, v56  }
0x122: {  	v23 =	vsel vm14, v58, v59;
	vm14 =	veq.s32 v16, $0x5;
	v16 =	vsel vm7, $0x2, v35  }
0x123: {  	v39 =	vld [tilespmem:$0x470];
	vm7 =	veq.s32 v15, $0x2;
	v58 =	vsub.f32 $1.000000000e+00, v61;
	v33 =	vsel vm14, v60, v23  }
0x124: {  	v16 =	vsel vm11, $0x3, v16;
	v1 =	vadd.f32 v2, v1;
	v2 =	vadd.f32 v38, v4;
	v46 =	vpop (erf)  }
0x125: {  	vm14 =	veq.s32 v15, $0x0;
	v4 =	vadd.f32 v44, v42;
	v21 =	vsel vm8, v63, v33;
	v49 =	vpop (erf)  }
0x126: {  	v3 =	vsel vm12, $0x4, v16;
	v40 =	vsel vm2, v21, v34;
	v21 =	vadd.f32 $1.000000000e+00, v49  }
0x127: {  	v43 =	vld [tilespmem:$0x4F0];
	vm11 =	veq.s32 v15, $0x4;
	v11 =	vadd.f32 v11, v13;
	v3 =	vsel vm13, $0x5, v3  }
0x128: {  	v48 =	vld [tilespmem:$0x570];
	v50 =	vnsel vm14, $0x0, v39;
	v3 =	vnsel vm3, $0x6, v3;
	(erf) = vrcp.f32 v21  }
0x129: {  	v51 =	vld [tilespmem:$0x5F0];
	vm13 =	veq.s32 v15, $0x5;
	v20 =	vsel vm10, v20, v63;
	v3 =	vsel vm4, $0x7, v3  }
0x12a: {  	v53 =	vld [tilespmem:$0x670];
	v47 =	vsel vm5, v34, v20;
	vm15 =	veq.s32 v3, $0x0;
	vm5 =	veq.s32 v15, $0x1  }
0x12b: {  	v55 =	vld [tilespmem:$0x6F0];
	vm6 =	veq.s32 v3, $0x1;
	vm8 =	veq.s32 v3, $0x2;
	vm10 =	veq.s32 v3, $0x3  }
0x12c: {  	v57 =	vld [tilespmem:$0x770];
	vm12 =	veq.s32 v3, $0x4;
	v6 =	vnsel vm15, $0x0, v39;
	v52 =	vsel vm5, v43, v50  }
0x12d: {  	vm14 =	veq.s32 v3, $0x5;
	v5 =	vsel vm6, v43, v6;
	v54 =	vsel vm7, v48, v52  }
0x12e: {  	v59 =	vld [tilespmem:$0x7F0];
	v3 =	vmul.f32 v61, v18;
	v5 =	vsel vm8, v48, v5;
	v7 =	vsel vm9, v51, v54  }
0x12f: {  	vm15 =	vmor vm4, vm3;
	v5 =	vsel vm10, v51, v5;
	v7 =	vsel vm11, v53, v7  }
0x130: {  	v6 =	vmul.f32 v19, v58;
	v5 =	vsel vm12, v53, v5;
	v7 =	vsel vm13, v55, v7  }
0x131: {  	[tilespmem:$0x800] =	vst v1;
	v5 =	vsel vm14, v55, v5;
	v7 =	vsel vm0, v57, v7;
	v1 =	vsub.f32 $1.000000000e+00, v46;
	v60 =	vpop (erf)  }
0x132: {  	[tilespmem:$0x810] =	vst v2;
	v2 =	vsel vm15, v5, v57;
	v61 =	vmul.f32 v46, v40;
	v62 =	vsub.f32 $1.000000000e+00, v60  }
0x133: {  	[tilespmem:$0x830] =	vst v8;
	v63 =	vsel vm1, v7, v59;
	v2 =	vsel vm4, v59, v2;
	v1 =	vmul.f32 v47, v1  }
0x134: {  	[tilespmem:$0x820] =	vst v4;
	v3 =	vadd.f32 v6, v3;
	v4 =	vmul.f32 v60, v63;
	v2 =	vmul.f32 v2, v62  }
0x135: {  	[tilespmem:$0x840] =	vst v11;
	v1 =	vadd.f32 v1, v61  }
0x136: {  	[tilespmem:$0x850] =	vst v3;
	v2 =	vadd.f32 v2, v4  }
0x137: {  	p0 =	sne.s32 s6, $0x1;
	[tilespmem:$0x860] =	vst v1  }
.Ltmp0:
0x138: {  	[tilespmem:$0x870] =	vst v2;
	(pc) =	sbr.rel @p0 .LBB2_1-.Ltmp0, $4  }
0x139: {  	[hbm4b:s5+s2] =	stream.linear.scatter [tilespmem:s9], [sflag:$0x1], $0x80, $0x38;
	[tilespmem:$0x880] =	vst v63  }
0x13a: {  	_ =	swait.ge [sflag:s7], $0x80  }
0x13b: {  	[sflag:s7] =	ssyncset.done $0x0  }
0x13c: {  	s6 =	sadd.s32 $0xFFFFFFFF, s6;
	[sflag:s7] =	ssyncadd.s32 $0xFFFFFF80  }
0x13d: {  	_ =	sfence.sel $0x180000  }
0x13e: {  	[bflag:$0x0] =	sbarrier.arrive $0xFFFF  }
0x13f: {  	p0 =	sne.s32 s0, $0x0;
	_ =	strace $0x90000047  }
0x140: {  	s0 =	sadd.s32 @!p0 $0x100000, s1;
	[bflag:$0x2] =	sbarrier.arrive $0xFFFF  }
0x141: {  	[sflag:s0] =	ssyncadd.tile.s32 @!p0 $0x1;
	_ =	shalt  }
.Lfunc_end2:
_tile_overlayer_lowered:
.L_overlay_start_2:
0x142: {  	(tag) =	ssettag $0x2  }
0x143: {  	s0 =	rddreg [dreg:$0x0];
	s2 =	stileid.u32  }
0x144: {  	s1 =	rddreg [dreg:$0x1];
	p0 =	sne.s32 s2, $0x0  }
0x145: {  	s3 =	rddreg [dreg:$0x2];
	[bflag:$0x3] =	sbarrier.arrive $0xFFFF;
	s2 =	simm.s32 @!p0 $0x1C01  }
0x146: {  	[timem:s3], [sflag:s2] =	dma.local @!p0 [hbm:s0], s1  }
0x147: {  	s0 =	simm.s32 @!p0 $0x1  }
0x148: {  	_ =	swait.ge @!p0 [sflag:s0], s1  }
0x149: {  	s1 =	ssub.s32 @!p0 $0x0, s1;
	[sflag:s0] =	ssyncset.done @!p0 $0x0  }
0x14a: {  	[sflag:s0] =	ssyncadd.s32 @!p0 s1  }
0x14b: {  	[bflag:$0x3] =	sbarrier.arrive $0xFFFF  }
0x14c: {  	_ =	shalt  }

</sc_bundles>
